<compile_context>
chip_gen: v7x
topology: tpu7x:2x2x1
jax: 0.10.2.dev20260603
libtpu: 0.0.44.dev20260713+nightly
codegen_flags: <defaults>
</compile_context>

<pallas_src>
import functools

import jax
import jax.numpy as jnp
from jax import lax
from jax.experimental import pallas as pl
from jax.experimental.pallas import tpu as pltpu
from jax.experimental.pallas import tpu_sc as plsc

IN_F = 2048
OUT_F = 4096
NCB = 16
NCODES = 256
DSUB = IN_F // NCB
NCL = 32
EPS = 1e-5

NTOK = 2048
RB = 256
SC_F = 512
TC_F = OUT_F - SC_F
CB = 512

NW = 32
TB = 16
TPW = NTOK // NW
NBLK = TPW // TB
GRP = SC_F // 16


def _pqa_body(x_ref, cb_ref, ln_ref, cent_ref, clcol_ref, bias_ref,
              pt_ref, mask_ref, mbias_ref, dots_ref):
    c = pl.program_id(0)
    x = x_ref[...]
    cb = cb_ref[0]
    p = jax.lax.dot_general(x, cb.astype(jnp.bfloat16), (((1,), (1,)), ((), ())),
                            preferred_element_type=jnp.float32)
    pt_ref[...] = p

    cents = cent_ref[0]
    iota = jax.lax.broadcasted_iota(jnp.int32, (NCL, NCODES), 1)
    oh = (cents[0][:, None] == iota).astype(jnp.bfloat16)
    d = jax.lax.dot_general(p.astype(jnp.bfloat16), oh, (((1,), (1,)), ((), ())),
                            preferred_element_type=jnp.float32)

    @pl.when(c == 0)
    def _():
        dots_ref[...] = jnp.zeros_like(dots_ref)
    dots_ref[...] += d

    @pl.when(c == pl.num_programs(0) - 1)
    def _fin():
        dt = dots_ref[...]
        mean = jnp.mean(dt, axis=1, keepdims=True)
        var = jnp.mean((dt - mean) ** 2, axis=1, keepdims=True)
        s = (dt - mean) * jax.lax.rsqrt(var + EPS) * ln_ref[...]
        rowmax = jnp.max(s, axis=1, keepdims=True)
        iota1 = jax.lax.broadcasted_iota(jnp.int32, (NTOK, NCL), 1)
        am = jnp.min(jnp.where(s >= rowmax, iota1, NCL), axis=1, keepdims=True)
        hit = (am == iota1).astype(jnp.float32)
        sel = jnp.max(hit, axis=0, keepdims=True)
        clc = clcol_ref[...]
        eq = (clc == jax.lax.broadcasted_iota(jnp.int32, (NCL, OUT_F), 0)
              ).astype(jnp.float32)
        m = jnp.max(eq * sel.reshape(NCL, 1), axis=0, keepdims=True)
        mask_ref[...] = m
        mbias_ref[...] = m * bias_ref[...]


def _sc_body(pt_hbm, addr_hbm, mb_hbm, mk_hbm, out_hbm,
             p_v, addr_v, mb_v, mk_v, o_v):
    wid = lax.axis_index("s") * 2 + lax.axis_index("c")
    pltpu.sync_copy(addr_hbm, addr_v)
    pltpu.sync_copy(mb_hbm, mb_v)
    pltpu.sync_copy(mk_hbm, mk_v)

    def blk(b, _):
        t0 = wid * TPW + b * TB
        pltpu.sync_copy(pt_hbm.at[pl.ds(t0, TB), :], p_v)

        @plsc.parallel_loop(0, GRP, unroll=2)
        def grp(g):
            a = [addr_v[cc, pl.ds(g * 16, 16)] for cc in range(NCB)]
            mb = mb_v[pl.ds(g * 16, 16)]
            mk = mk_v[pl.ds(g * 16, 16)]
            for t in range(TB):
                row = jnp.full((16,), t, jnp.int32)
                vs = [plsc.load_gather(p_v, [row, a[cc]]) for cc in range(NCB)]
                while len(vs) > 1:
                    nxt = [vs[i] + vs[i + 1] for i in range(0, len(vs) - 1, 2)]
                    if len(vs) % 2:
                        nxt.append(vs[-1])
                    vs = nxt
                o_v[t, pl.ds(g * 16, 16)] = vs[0] * mk + mb
        pltpu.sync_copy(o_v, out_hbm.at[pl.ds(t0, TB), :])
        return 0

    lax.fori_loop(0, NBLK, blk, 0)


def _main_body(codes_ref, x_ref, mbias_ref, mask_ref, cb_ref, out_ref, w_ref):
    r = pl.program_id(0)

    @pl.when(r == 0)
    def _build_w():
        cb = cb_ref[...]
        iota = jax.lax.broadcasted_iota(jnp.int32, (CB, NCODES), 1)
        for j in range(TC_F // CB):
            codes = codes_ref[:, j * CB:(j + 1) * CB]
            for k in range(NCB):
                oh = (codes[k][:, None] == iota).astype(jnp.bfloat16)
                w_ref[j * CB:(j + 1) * CB, k * DSUB:(k + 1) * DSUB] = jnp.dot(
                    oh, cb[k], preferred_element_type=jnp.float32).astype(jnp.bfloat16)

    x = x_ref[...]
    w = w_ref[...]
    y = jax.lax.dot_general(x, w, (((1,), (1,)), ((), ())),
                            preferred_element_type=jnp.float32)
    out_ref[...] = y * mask_ref[...] + mbias_ref[...]


def kernel(x, codebooks, bias, ln_weight, centroids, codes, indices):
    shape = x.shape
    xin = x.reshape(-1, shape[-1])
    n = xin.shape[0]
    ncl, csz = indices.shape
    xbf = xin.astype(jnp.bfloat16)
    cluster_of_col = jnp.zeros((OUT_F,), jnp.int32).at[indices.reshape(-1)].set(
        jnp.repeat(jnp.arange(ncl, dtype=jnp.int32), csz))
    clc2d = cluster_of_col.reshape(1, OUT_F)
    ln2d = ln_weight.reshape(1, NCL)
    bias2d = bias.reshape(1, OUT_F)
    addrs = (codes.astype(jnp.int32)
             + jnp.arange(NCB, dtype=jnp.int32)[:, None] * NCODES)

    pt, mask, mbias = pl.pallas_call(
        _pqa_body,
        grid=(NCB,),
        in_specs=[
            pl.BlockSpec((NTOK, DSUB), lambda c: (0, c)),
            pl.BlockSpec((1, NCODES, DSUB), lambda c: (c, 0, 0)),
            pl.BlockSpec((1, NCL), lambda c: (0, 0)),
            pl.BlockSpec((1, 1, NCL), lambda c: (c, 0, 0)),
            pl.BlockSpec((1, OUT_F), lambda c: (0, 0)),
            pl.BlockSpec((1, OUT_F), lambda c: (0, 0)),
        ],
        out_specs=[
            pl.BlockSpec((NTOK, NCODES), lambda c: (0, c)),
            pl.BlockSpec((1, OUT_F), lambda c: (0, 0)),
            pl.BlockSpec((1, OUT_F), lambda c: (0, 0)),
        ],
        out_shape=[
            jax.ShapeDtypeStruct((NTOK, NCB * NCODES), jnp.float32),
            jax.ShapeDtypeStruct((1, OUT_F), jnp.float32),
            jax.ShapeDtypeStruct((1, OUT_F), jnp.float32),
        ],
        scratch_shapes=[pltpu.VMEM((NTOK, NCL), jnp.float32)],
    )(xbf, codebooks, ln2d, centroids.reshape(NCB, 1, NCL), clc2d, bias2d)

    mesh = plsc.VectorSubcoreMesh(core_axis_name="c", subcore_axis_name="s")
    sc = functools.partial(
        pl.kernel,
        mesh=mesh,
        compiler_params=pltpu.CompilerParams(needs_layout_passes=False),
        out_type=jax.ShapeDtypeStruct((NTOK, SC_F), jnp.float32),
        scratch_types=[
            pltpu.VMEM((TB, NCB * NCODES), jnp.float32),
            pltpu.VMEM((NCB, SC_F), jnp.int32),
            pltpu.VMEM((SC_F,), jnp.float32),
            pltpu.VMEM((SC_F,), jnp.float32),
            pltpu.VMEM((TB, SC_F), jnp.float32),
        ],
    )(_sc_body)
    y_sc = sc(pt, addrs[:, TC_F:], mbias[0, TC_F:], mask[0, TC_F:])

    y_tc = pl.pallas_call(
        _main_body,
        grid=(n // RB,),
        in_specs=[
            pl.BlockSpec((NCB, TC_F), lambda r: (0, 0)),
            pl.BlockSpec((RB, IN_F), lambda r: (r, 0)),
            pl.BlockSpec((1, TC_F), lambda r: (0, 0)),
            pl.BlockSpec((1, TC_F), lambda r: (0, 0)),
            pl.BlockSpec((NCB, NCODES, DSUB), lambda r: (0, 0, 0)),
        ],
        out_specs=pl.BlockSpec((RB, TC_F), lambda r: (r, 0)),
        out_shape=jax.ShapeDtypeStruct((n, TC_F), jnp.float32),
        scratch_shapes=[pltpu.VMEM((TC_F, IN_F), jnp.bfloat16)],
    )(codes[:, :TC_F], xbf, mbias[:, :TC_F], mask[:, :TC_F], codebooks)

    y = jnp.concatenate([y_tc, y_sc], axis=1)
    return y.reshape(*shape[:-1], OUT_F)

# --- scband reference (transcript-rebuilt; emitter-appended) ---
"""Pipeline reference for scband-hkrpqlinear-17523466567937 (READ-ONLY COPY).

The authoritative reference and input builder live on the scoring server;
editing this copy changes nothing except your own understanding.
"""

import jax, jax.numpy as jnp
import numpy as np

IN_FEATURES = 2048
OUT_FEATURES = 4096
NUM_CODEBOOKS = 16
N_CLUSTERS = 32
D_SUB = IN_FEATURES // NUM_CODEBOOKS
CLUSTER_SIZE = OUT_FEATURES // N_CLUSTERS
SIGMA = 10.0


def setup_inputs(seed: int = 0) -> dict:
    key = jax.random.key(seed)
    ks = jax.random.split(key, 4)
    x = jax.random.normal(ks[0], (1, 2048, IN_FEATURES), dtype=jnp.float32)
    codebooks = jax.random.normal(ks[1], (NUM_CODEBOOKS, 256, D_SUB), dtype=jnp.float32) * 0.025
    bound = 1.0 / np.sqrt(IN_FEATURES)
    bias = jax.random.uniform(ks[2], (OUT_FEATURES,), minval=-bound, maxval=bound, dtype=jnp.float32)
    rng = np.random.default_rng(0)
    centroids_oc = rng.integers(0, 256, (N_CLUSTERS, NUM_CODEBOOKS))
    codes_oc = np.repeat(centroids_oc, CLUSTER_SIZE, axis=0)
    n_pert = max(1, round(0.25 * NUM_CODEBOOKS))
    sel = rng.integers(0, NUM_CODEBOOKS, (OUT_FEATURES, n_pert))
    rep = rng.integers(0, 256, (OUT_FEATURES, n_pert))
    np.put_along_axis(codes_oc, sel, rep, axis=1)
    centroids = jnp.asarray(centroids_oc.T, dtype=jnp.int32)  # (C, n_clusters)
    codes = jnp.asarray(codes_oc.T, dtype=jnp.int32)          # (C, out_features)
    indices = jnp.arange(OUT_FEATURES, dtype=jnp.int32).reshape(N_CLUSTERS, CLUSTER_SIZE)
    ln_weight = jnp.ones((N_CLUSTERS,), dtype=jnp.float32) * SIGMA
    return {"x": x, "codebooks": codebooks, "bias": bias, "ln_weight": ln_weight,
            "centroids": centroids, "codes": codes, "indices": indices}


def _expand(codebooks, cds):
    # cds: (C, M) int codes; codebooks: (C, 256, d_sub) -> weight (M, C*d_sub)
    C = codebooks.shape[0]
    g = codebooks[jnp.arange(C)[:, None], cds]  # (C, M, d_sub)
    return jnp.transpose(g, (1, 0, 2)).reshape(cds.shape[1], -1)


def reference(x, codebooks, bias, ln_weight, centroids, codes, indices):
    shape = x.shape
    xin = x.reshape(-1, shape[-1])
    n = xin.shape[0]
    # key_search (method='max')
    centW = _expand(codebooks, centroids)           # (n_clusters, in_features)
    dots = xin @ centW.T                            # (n, n_clusters)
    mean = jnp.mean(dots, axis=-1, keepdims=True)
    var = jnp.var(dots, axis=-1, keepdims=True)
    dots = (dots - mean) / jnp.sqrt(var + 1e-5) * ln_weight
    dots = jax.nn.softmax(dots, axis=-1)
    n_clusters = centW.shape[0]
    argm = jnp.argmax(dots, axis=-1)
    selected = jnp.zeros((n_clusters,), dtype=bool).at[argm].set(True)
    out_features = codes.shape[1]
    mask_full = jnp.zeros((out_features,), dtype=bool).at[indices.reshape(-1)].set(
        jnp.broadcast_to(selected[:, None], indices.shape).reshape(-1))
    # subset linear computed at full width; unselected columns zeroed exactly,
    # matching the original padded scatter (each column is an independent dot product)
    W = _expand(codebooks, codes)                   # (out_features, in_features)
    y = xin @ W.T + bias                            # (n, out_features)
    out = jnp.where(mask_full[None, :], y, jnp.zeros((), dtype=y.dtype))
    return out.reshape(*shape[:-1], -1)

if __name__ == "__main__":
    import jax
    _d = setup_inputs()
    print(jax.jit(kernel)(*tuple(_d.values())))

</pallas_src>

<mosaic_0001>
#map = affine_map<(d0, d1) -> (0, 0)>
#map1 = affine_map<(d0, d1) -> (0)>
module attributes {stable_mosaic.version = 14 : i64} {
  func.func @_sc_body(%arg0: i32, %arg1: i32, %arg2: memref<2048x4096xf32, #tpu.memory_space<hbm>>, %arg3: memref<16x512xi32, #tpu.memory_space<hbm>>, %arg4: memref<512xf32, #tpu.memory_space<hbm>>, %arg5: memref<512xf32, #tpu.memory_space<hbm>>, %arg6: memref<2048x512xf32, #tpu.memory_space<hbm>>, %arg7: memref<16x4096xf32, #tpu.memory_space<vmem>>, %arg8: memref<16x512xi32, #tpu.memory_space<vmem>>, %arg9: memref<512xf32, #tpu.memory_space<vmem>>, %arg10: memref<512xf32, #tpu.memory_space<vmem>>, %arg11: memref<16x512xf32, #tpu.memory_space<vmem>>) attributes {dimension_semantics = [#tpu.dimension_semantics<core_parallel>, #tpu.dimension_semantics<subcore_parallel>], iteration_bounds = array<i64: 2, 16>, scalar_prefetch = 0 : i64, scratch_operands = 5 : i64, tpu.core_type = #tpu.core_type<sc_vector_subcore>, window_params = [{transform_indices = #map}, {transform_indices = #map}, {transform_indices = #map1}, {transform_indices = #map1}, {transform_indices = #map}]} {
    %mul3A = arith.constant 2 : i32
    %mul3A_0 = arith.muli %arg1, %mul3A : i32
    %add3A = arith.addi %mul3A_0, %arg0 : i32
    "tpu.region"() ({
      %run_scoped3A = tpu.sem_alloc : memref<!tpu.dma_semaphore, #tpu.memory_space<semaphore_mem>>
      tpu.enqueue_dma source(%arg3 : memref<16x512xi32, #tpu.memory_space<hbm>>) target(%arg8 : memref<16x512xi32, #tpu.memory_space<vmem>>) target_semaphore(%run_scoped3A : memref<!tpu.dma_semaphore, #tpu.memory_space<semaphore_mem>>)
      tpu.wait_dma2 semaphore(%run_scoped3A : memref<!tpu.dma_semaphore, #tpu.memory_space<semaphore_mem>>) src(%arg3 : memref<16x512xi32, #tpu.memory_space<hbm>>) dst(%arg8 : memref<16x512xi32, #tpu.memory_space<vmem>>)
      tpu.yield
    }) : () -> ()
    "tpu.region"() ({
      %run_scoped3A = tpu.sem_alloc : memref<!tpu.dma_semaphore, #tpu.memory_space<semaphore_mem>>
      tpu.enqueue_dma source(%arg4 : memref<512xf32, #tpu.memory_space<hbm>>) target(%arg9 : memref<512xf32, #tpu.memory_space<vmem>>) target_semaphore(%run_scoped3A : memref<!tpu.dma_semaphore, #tpu.memory_space<semaphore_mem>>)
      tpu.wait_dma2 semaphore(%run_scoped3A : memref<!tpu.dma_semaphore, #tpu.memory_space<semaphore_mem>>) src(%arg4 : memref<512xf32, #tpu.memory_space<hbm>>) dst(%arg9 : memref<512xf32, #tpu.memory_space<vmem>>)
      tpu.yield
    }) : () -> ()
    "tpu.region"() ({
      %run_scoped3A = tpu.sem_alloc : memref<!tpu.dma_semaphore, #tpu.memory_space<semaphore_mem>>
      tpu.enqueue_dma source(%arg5 : memref<512xf32, #tpu.memory_space<hbm>>) target(%arg10 : memref<512xf32, #tpu.memory_space<vmem>>) target_semaphore(%run_scoped3A : memref<!tpu.dma_semaphore, #tpu.memory_space<semaphore_mem>>)
      tpu.wait_dma2 semaphore(%run_scoped3A : memref<!tpu.dma_semaphore, #tpu.memory_space<semaphore_mem>>) src(%arg5 : memref<512xf32, #tpu.memory_space<hbm>>) dst(%arg10 : memref<512xf32, #tpu.memory_space<vmem>>)
      tpu.yield
    }) : () -> ()
    %scan3A = arith.constant 0 : i32
    %scan3A_1 = arith.constant 0 : i32
    %scan3A_2 = arith.constant 4 : i32
    %scan3A_3 = arith.addi %scan3A_1, %scan3A_2 : i32
    %scan3A_4 = arith.constant 1 : i32
    %scan3A_5 = scf.for %scan3A_7 = %scan3A_1 to %scan3A_3 step %scan3A_4 iter_args(%scan3A_8 = %scan3A) -> (i32)  : i32 {
      %mul3A_9 = arith.constant 64 : i32
      %mul3A_10 = arith.muli %add3A, %mul3A_9 : i32
      %mul3A_11 = arith.constant 16 : i32
      %mul3A_12 = arith.muli %scan3A_7, %mul3A_11 : i32
      %add3A_13 = arith.addi %mul3A_10, %mul3A_12 : i32
      "tpu.region"() ({
        %run_scoped3A = tpu.sem_alloc : memref<!tpu.dma_semaphore, #tpu.memory_space<semaphore_mem>>
        %dma_start3A = arith.constant 0 : i32
        %dma_start3A_17 = tpu.memref_slice %arg2[%add3A_13, %dma_start3A] : memref<2048x4096xf32, #tpu.memory_space<hbm>> -> memref<16x4096xf32, #tpu.memory_space<hbm>>
        %dma_start3A_18 = arith.constant 0 : i32
        %dma_start3A_19 = tpu.memref_slice %arg2[%add3A_13, %dma_start3A_18] : memref<2048x4096xf32, #tpu.memory_space<hbm>> -> memref<16x4096xf32, #tpu.memory_space<hbm>>
        tpu.enqueue_dma source(%dma_start3A_19 : memref<16x4096xf32, #tpu.memory_space<hbm>>) target(%arg7 : memref<16x4096xf32, #tpu.memory_space<vmem>>) target_semaphore(%run_scoped3A : memref<!tpu.dma_semaphore, #tpu.memory_space<semaphore_mem>>)
        %dma_wait3A = arith.constant 0 : i32
        %dma_wait3A_20 = tpu.memref_slice %arg2[%add3A_13, %dma_wait3A] : memref<2048x4096xf32, #tpu.memory_space<hbm>> -> memref<16x4096xf32, #tpu.memory_space<hbm>>
        %dma_wait3A_21 = arith.constant 0 : i32
        %dma_wait3A_22 = tpu.memref_slice %arg2[%add3A_13, %dma_wait3A_21] : memref<2048x4096xf32, #tpu.memory_space<hbm>> -> memref<16x4096xf32, #tpu.memory_space<hbm>>
        tpu.wait_dma2 semaphore(%run_scoped3A : memref<!tpu.dma_semaphore, #tpu.memory_space<semaphore_mem>>) src(%dma_wait3A_22 : memref<16x4096xf32, #tpu.memory_space<hbm>>) dst(%arg7 : memref<16x4096xf32, #tpu.memory_space<vmem>>)
        tpu.yield
      }) : () -> ()
      %parallel_loop3A = arith.constant 0 : i32
      %parallel_loop3A_14 = arith.constant 32 : i32
      %parallel_loop3A_15 = arith.constant 1 : i32
      scf.for %parallel_loop3A_17 = %parallel_loop3A to %parallel_loop3A_14 step %parallel_loop3A_15  : i32 {
        %parallel_loop3A_18 = arith.constant 16 : i32
        %parallel_loop3A_19 = arith.muli %parallel_loop3A_17, %parallel_loop3A_18 : i32
        %parallel_loop3A_20 = arith.constant 0 : i32
        %parallel_loop3A_21 = arith.index_cast %parallel_loop3A_20 : i32 to index
        %parallel_loop3A_22 = arith.index_cast %parallel_loop3A_19 : i32 to index
        %parallel_loop3A_23 = tpu.vector_load %arg8[%parallel_loop3A_21, %parallel_loop3A_22] {strides = array<i32>} : memref<16x512xi32, #tpu.memory_space<vmem>>, vector<16xi32>,
        %parallel_loop3A_24 = arith.constant 16 : i32
        %parallel_loop3A_25 = arith.muli %parallel_loop3A_17, %parallel_loop3A_24 : i32
        %parallel_loop3A_26 = arith.constant 1 : i32
        %parallel_loop3A_27 = arith.index_cast %parallel_loop3A_26 : i32 to index
        %parallel_loop3A_28 = arith.index_cast %parallel_loop3A_25 : i32 to index
        %parallel_loop3A_29 = tpu.vector_load %arg8[%parallel_loop3A_27, %parallel_loop3A_28] {strides = array<i32>} : memref<16x512xi32, #tpu.memory_space<vmem>>, vector<16xi32>,
        %parallel_loop3A_30 = arith.constant 16 : i32
        %parallel_loop3A_31 = arith.muli %parallel_loop3A_17, %parallel_loop3A_30 : i32
        %parallel_loop3A_32 = arith.constant 2 : i32
        %parallel_loop3A_33 = arith.index_cast %parallel_loop3A_32 : i32 to index
        %parallel_loop3A_34 = arith.index_cast %parallel_loop3A_31 : i32 to index
        %parallel_loop3A_35 = tpu.vector_load %arg8[%parallel_loop3A_33, %parallel_loop3A_34] {strides = array<i32>} : memref<16x512xi32, #tpu.memory_space<vmem>>, vector<16xi32>,
        %parallel_loop3A_36 = arith.constant 16 : i32
        %parallel_loop3A_37 = arith.muli %parallel_loop3A_17, %parallel_loop3A_36 : i32
        %parallel_loop3A_38 = arith.constant 3 : i32
        %parallel_loop3A_39 = arith.index_cast %parallel_loop3A_38 : i32 to index
        %parallel_loop3A_40 = arith.index_cast %parallel_loop3A_37 : i32 to index
        %parallel_loop3A_41 = tpu.vector_load %arg8[%parallel_loop3A_39, %parallel_loop3A_40] {strides = array<i32>} : memref<16x512xi32, #tpu.memory_space<vmem>>, vector<16xi32>,
        %parallel_loop3A_42 = arith.constant 16 : i32
        %parallel_loop3A_43 = arith.muli %parallel_loop3A_17, %parallel_loop3A_42 : i32
        %parallel_loop3A_44 = arith.constant 4 : i32
        %parallel_loop3A_45 = arith.index_cast %parallel_loop3A_44 : i32 to index
        %parallel_loop3A_46 = arith.index_cast %parallel_loop3A_43 : i32 to index
        %parallel_loop3A_47 = tpu.vector_load %arg8[%parallel_loop3A_45, %parallel_loop3A_46] {strides = array<i32>} : memref<16x512xi32, #tpu.memory_space<vmem>>, vector<16xi32>,
        %parallel_loop3A_48 = arith.constant 16 : i32
        %parallel_loop3A_49 = arith.muli %parallel_loop3A_17, %parallel_loop3A_48 : i32
        %parallel_loop3A_50 = arith.constant 5 : i32
        %parallel_loop3A_51 = arith.index_cast %parallel_loop3A_50 : i32 to index
        %parallel_loop3A_52 = arith.index_cast %parallel_loop3A_49 : i32 to index
        %parallel_loop3A_53 = tpu.vector_load %arg8[%parallel_loop3A_51, %parallel_loop3A_52] {strides = array<i32>} : memref<16x512xi32, #tpu.memory_space<vmem>>, vector<16xi32>,
        %parallel_loop3A_54 = arith.constant 16 : i32
        %parallel_loop3A_55 = arith.muli %parallel_loop3A_17, %parallel_loop3A_54 : i32
        %parallel_loop3A_56 = arith.constant 6 : i32
        %parallel_loop3A_57 = arith.index_cast %parallel_loop3A_56 : i32 to index
        %parallel_loop3A_58 = arith.index_cast %parallel_loop3A_55 : i32 to index
        %parallel_loop3A_59 = tpu.vector_load %arg8[%parallel_loop3A_57, %parallel_loop3A_58] {strides = array<i32>} : memref<16x512xi32, #tpu.memory_space<vmem>>, vector<16xi32>,
        %parallel_loop3A_60 = arith.constant 16 : i32
        %parallel_loop3A_61 = arith.muli %parallel_loop3A_17, %parallel_loop3A_60 : i32
        %parallel_loop3A_62 = arith.constant 7 : i32
        %parallel_loop3A_63 = arith.index_cast %parallel_loop3A_62 : i32 to index
        %parallel_loop3A_64 = arith.index_cast %parallel_loop3A_61 : i32 to index
        %parallel_loop3A_65 = tpu.vector_load %arg8[%parallel_loop3A_63, %parallel_loop3A_64] {strides = array<i32>} : memref<16x512xi32, #tpu.memory_space<vmem>>, vector<16xi32>,
        %parallel_loop3A_66 = arith.constant 16 : i32
        %parallel_loop3A_67 = arith.muli %parallel_loop3A_17, %parallel_loop3A_66 : i32
        %parallel_loop3A_68 = arith.constant 8 : i32
        %parallel_loop3A_69 = arith.index_cast %parallel_loop3A_68 : i32 to index
        %parallel_loop3A_70 = arith.index_cast %parallel_loop3A_67 : i32 to index
        %parallel_loop3A_71 = tpu.vector_load %arg8[%parallel_loop3A_69, %parallel_loop3A_70] {strides = array<i32>} : memref<16x512xi32, #tpu.memory_space<vmem>>, vector<16xi32>,
        %parallel_loop3A_72 = arith.constant 16 : i32
        %parallel_loop3A_73 = arith.muli %parallel_loop3A_17, %parallel_loop3A_72 : i32
        %parallel_loop3A_74 = arith.constant 9 : i32
        %parallel_loop3A_75 = arith.index_cast %parallel_loop3A_74 : i32 to index
        %parallel_loop3A_76 = arith.index_cast %parallel_loop3A_73 : i32 to index
        %parallel_loop3A_77 = tpu.vector_load %arg8[%parallel_loop3A_75, %parallel_loop3A_76] {strides = array<i32>} : memref<16x512xi32, #tpu.memory_space<vmem>>, vector<16xi32>,
        %parallel_loop3A_78 = arith.constant 16 : i32
        %parallel_loop3A_79 = arith.muli %parallel_loop3A_17, %parallel_loop3A_78 : i32
        %parallel_loop3A_80 = arith.constant 10 : i32
        %parallel_loop3A_81 = arith.index_cast %parallel_loop3A_80 : i32 to index
        %parallel_loop3A_82 = arith.index_cast %parallel_loop3A_79 : i32 to index
        %parallel_loop3A_83 = tpu.vector_load %arg8[%parallel_loop3A_81, %parallel_loop3A_82] {strides = array<i32>} : memref<16x512xi32, #tpu.memory_space<vmem>>, vector<16xi32>,
        %parallel_loop3A_84 = arith.constant 16 : i32
        %parallel_loop3A_85 = arith.muli %parallel_loop3A_17, %parallel_loop3A_84 : i32
        %parallel_loop3A_86 = arith.constant 11 : i32
        %parallel_loop3A_87 = arith.index_cast %parallel_loop3A_86 : i32 to index
        %parallel_loop3A_88 = arith.index_cast %parallel_loop3A_85 : i32 to index
        %parallel_loop3A_89 = tpu.vector_load %arg8[%parallel_loop3A_87, %parallel_loop3A_88] {strides = array<i32>} : memref<16x512xi32, #tpu.memory_space<vmem>>, vector<16xi32>,
        %parallel_loop3A_90 = arith.constant 16 : i32
        %parallel_loop3A_91 = arith.muli %parallel_loop3A_17, %parallel_loop3A_90 : i32
        %parallel_loop3A_92 = arith.constant 12 : i32
        %parallel_loop3A_93 = arith.index_cast %parallel_loop3A_92 : i32 to index
        %parallel_loop3A_94 = arith.index_cast %parallel_loop3A_91 : i32 to index
        %parallel_loop3A_95 = tpu.vector_load %arg8[%parallel_loop3A_93, %parallel_loop3A_94] {strides = array<i32>} : memref<16x512xi32, #tpu.memory_space<vmem>>, vector<16xi32>,
        %parallel_loop3A_96 = arith.constant 16 : i32
        %parallel_loop3A_97 = arith.muli %parallel_loop3A_17, %parallel_loop3A_96 : i32
        %parallel_loop3A_98 = arith.constant 13 : i32
        %parallel_loop3A_99 = arith.index_cast %parallel_loop3A_98 : i32 to index
        %parallel_loop3A_100 = arith.index_cast %parallel_loop3A_97 : i32 to index
        %parallel_loop3A_101 = tpu.vector_load %arg8[%parallel_loop3A_99, %parallel_loop3A_100] {strides = array<i32>} : memref<16x512xi32, #tpu.memory_space<vmem>>, vector<16xi32>,
        %parallel_loop3A_102 = arith.constant 16 : i32
        %parallel_loop3A_103 = arith.muli %parallel_loop3A_17, %parallel_loop3A_102 : i32
        %parallel_loop3A_104 = arith.constant 14 : i32
        %parallel_loop3A_105 = arith.index_cast %parallel_loop3A_104 : i32 to index
        %parallel_loop3A_106 = arith.index_cast %parallel_loop3A_103 : i32 to index
        %parallel_loop3A_107 = tpu.vector_load %arg8[%parallel_loop3A_105, %parallel_loop3A_106] {strides = array<i32>} : memref<16x512xi32, #tpu.memory_space<vmem>>, vector<16xi32>,
        %parallel_loop3A_108 = arith.constant 16 : i32
        %parallel_loop3A_109 = arith.muli %parallel_loop3A_17, %parallel_loop3A_108 : i32
        %parallel_loop3A_110 = arith.constant 15 : i32
        %parallel_loop3A_111 = arith.index_cast %parallel_loop3A_110 : i32 to index
        %parallel_loop3A_112 = arith.index_cast %parallel_loop3A_109 : i32 to index
        %parallel_loop3A_113 = tpu.vector_load %arg8[%parallel_loop3A_111, %parallel_loop3A_112] {strides = array<i32>} : memref<16x512xi32, #tpu.memory_space<vmem>>, vector<16xi32>,
        %parallel_loop3A_114 = arith.constant 16 : i32
        %parallel_loop3A_115 = arith.muli %parallel_loop3A_17, %parallel_loop3A_114 : i32
        %parallel_loop3A_116 = arith.index_cast %parallel_loop3A_115 : i32 to index
        %parallel_loop3A_117 = tpu.vector_load %arg9[%parallel_loop3A_116] {strides = array<i32>} : memref<512xf32, #tpu.memory_space<vmem>>, vector<16xf32>,
        %parallel_loop3A_118 = arith.constant 16 : i32
        %parallel_loop3A_119 = arith.muli %parallel_loop3A_17, %parallel_loop3A_118 : i32
        %parallel_loop3A_120 = arith.index_cast %parallel_loop3A_119 : i32 to index
        %parallel_loop3A_121 = tpu.vector_load %arg10[%parallel_loop3A_120] {strides = array<i32>} : memref<512xf32, #tpu.memory_space<vmem>>, vector<16xf32>,
        %parallel_loop3A_122 = arith.constant 0 : i32
        %parallel_loop3A_123 = vector.broadcast %parallel_loop3A_122 : i32 to vector<16xi32>
        %parallel_loop3A_124 = tpu.vector_load_idx %arg7[%parallel_loop3A_123, %parallel_loop3A_23] : memref<16x4096xf32, #tpu.memory_space<vmem>>[vector<16xi32>, vector<16xi32>], vector<16xf32>,
        %parallel_loop3A_125 = tpu.vector_load_idx %arg7[%parallel_loop3A_123, %parallel_loop3A_29] : memref<16x4096xf32, #tpu.memory_space<vmem>>[vector<16xi32>, vector<16xi32>], vector<16xf32>,
        %parallel_loop3A_126 = tpu.vector_load_idx %arg7[%parallel_loop3A_123, %parallel_loop3A_35] : memref<16x4096xf32, #tpu.memory_space<vmem>>[vector<16xi32>, vector<16xi32>], vector<16xf32>,
        %parallel_loop3A_127 = tpu.vector_load_idx %arg7[%parallel_loop3A_123, %parallel_loop3A_41] : memref<16x4096xf32, #tpu.memory_space<vmem>>[vector<16xi32>, vector<16xi32>], vector<16xf32>,
        %parallel_loop3A_128 = tpu.vector_load_idx %arg7[%parallel_loop3A_123, %parallel_loop3A_47] : memref<16x4096xf32, #tpu.memory_space<vmem>>[vector<16xi32>, vector<16xi32>], vector<16xf32>,
        %parallel_loop3A_129 = tpu.vector_load_idx %arg7[%parallel_loop3A_123, %parallel_loop3A_53] : memref<16x4096xf32, #tpu.memory_space<vmem>>[vector<16xi32>, vector<16xi32>], vector<16xf32>,
        %parallel_loop3A_130 = tpu.vector_load_idx %arg7[%parallel_loop3A_123, %parallel_loop3A_59] : memref<16x4096xf32, #tpu.memory_space<vmem>>[vector<16xi32>, vector<16xi32>], vector<16xf32>,
        %parallel_loop3A_131 = tpu.vector_load_idx %arg7[%parallel_loop3A_123, %parallel_loop3A_65] : memref<16x4096xf32, #tpu.memory_space<vmem>>[vector<16xi32>, vector<16xi32>], vector<16xf32>,
        %parallel_loop3A_132 = tpu.vector_load_idx %arg7[%parallel_loop3A_123, %parallel_loop3A_71] : memref<16x4096xf32, #tpu.memory_space<vmem>>[vector<16xi32>, vector<16xi32>], vector<16xf32>,
        %parallel_loop3A_133 = tpu.vector_load_idx %arg7[%parallel_loop3A_123, %parallel_loop3A_77] : memref<16x4096xf32, #tpu.memory_space<vmem>>[vector<16xi32>, vector<16xi32>], vector<16xf32>,
        %parallel_loop3A_134 = tpu.vector_load_idx %arg7[%parallel_loop3A_123, %parallel_loop3A_83] : memref<16x4096xf32, #tpu.memory_space<vmem>>[vector<16xi32>, vector<16xi32>], vector<16xf32>,
        %parallel_loop3A_135 = tpu.vector_load_idx %arg7[%parallel_loop3A_123, %parallel_loop3A_89] : memref<16x4096xf32, #tpu.memory_space<vmem>>[vector<16xi32>, vector<16xi32>], vector<16xf32>,
        %parallel_loop3A_136 = tpu.vector_load_idx %arg7[%parallel_loop3A_123, %parallel_loop3A_95] : memref<16x4096xf32, #tpu.memory_space<vmem>>[vector<16xi32>, vector<16xi32>], vector<16xf32>,
        %parallel_loop3A_137 = tpu.vector_load_idx %arg7[%parallel_loop3A_123, %parallel_loop3A_101] : memref<16x4096xf32, #tpu.memory_space<vmem>>[vector<16xi32>, vector<16xi32>], vector<16xf32>,
        %parallel_loop3A_138 = tpu.vector_load_idx %arg7[%parallel_loop3A_123, %parallel_loop3A_107] : memref<16x4096xf32, #tpu.memory_space<vmem>>[vector<16xi32>, vector<16xi32>], vector<16xf32>,
        %parallel_loop3A_139 = tpu.vector_load_idx %arg7[%parallel_loop3A_123, %parallel_loop3A_113] : memref<16x4096xf32, #tpu.memory_space<vmem>>[vector<16xi32>, vector<16xi32>], vector<16xf32>,
        %parallel_loop3A_140 = arith.addf %parallel_loop3A_124, %parallel_loop3A_125 : vector<16xf32>
        %parallel_loop3A_141 = arith.addf %parallel_loop3A_126, %parallel_loop3A_127 : vector<16xf32>
        %parallel_loop3A_142 = arith.addf %parallel_loop3A_128, %parallel_loop3A_129 : vector<16xf32>
        %parallel_loop3A_143 = arith.addf %parallel_loop3A_130, %parallel_loop3A_131 : vector<16xf32>
        %parallel_loop3A_144 = arith.addf %parallel_loop3A_132, %parallel_loop3A_133 : vector<16xf32>
        %parallel_loop3A_145 = arith.addf %parallel_loop3A_134, %parallel_loop3A_135 : vector<16xf32>
        %parallel_loop3A_146 = arith.addf %parallel_loop3A_136, %parallel_loop3A_137 : vector<16xf32>
        %parallel_loop3A_147 = arith.addf %parallel_loop3A_138, %parallel_loop3A_139 : vector<16xf32>
        %parallel_loop3A_148 = arith.addf %parallel_loop3A_140, %parallel_loop3A_141 : vector<16xf32>
        %parallel_loop3A_149 = arith.addf %parallel_loop3A_142, %parallel_loop3A_143 : vector<16xf32>
        %parallel_loop3A_150 = arith.addf %parallel_loop3A_144, %parallel_loop3A_145 : vector<16xf32>
        %parallel_loop3A_151 = arith.addf %parallel_loop3A_146, %parallel_loop3A_147 : vector<16xf32>
        %parallel_loop3A_152 = arith.addf %parallel_loop3A_148, %parallel_loop3A_149 : vector<16xf32>
        %parallel_loop3A_153 = arith.addf %parallel_loop3A_150, %parallel_loop3A_151 : vector<16xf32>
        %parallel_loop3A_154 = arith.addf %parallel_loop3A_152, %parallel_loop3A_153 : vector<16xf32>
        %parallel_loop3A_155 = arith.mulf %parallel_loop3A_154, %parallel_loop3A_121 : vector<16xf32>
        %parallel_loop3A_156 = arith.addf %parallel_loop3A_155, %parallel_loop3A_117 : vector<16xf32>
        %parallel_loop3A_157 = arith.constant 16 : i32
        %parallel_loop3A_158 = arith.muli %parallel_loop3A_17, %parallel_loop3A_157 : i32
        %parallel_loop3A_159 = arith.constant 0 : i32
        %parallel_loop3A_160 = arith.index_cast %parallel_loop3A_159 : i32 to index
        %parallel_loop3A_161 = arith.index_cast %parallel_loop3A_158 : i32 to index
        %parallel_loop3A_162 = tpu.vector_load %arg11[%parallel_loop3A_160, %parallel_loop3A_161] {strides = array<i32>} : memref<16x512xf32, #tpu.memory_space<vmem>>, vector<16xf32>,
        tpu.vector_store %arg11[%parallel_loop3A_160, %parallel_loop3A_161], %parallel_loop3A_156 {strides = array<i32>} : memref<16x512xf32, #tpu.memory_space<vmem>>, vector<16xf32>,
        %parallel_loop3A_163 = arith.constant 1 : i32
        %parallel_loop3A_164 = vector.broadcast %parallel_loop3A_163 : i32 to vector<16xi32>
        %parallel_loop3A_165 = tpu.vector_load_idx %arg7[%parallel_loop3A_164, %parallel_loop3A_23] : memref<16x4096xf32, #tpu.memory_space<vmem>>[vector<16xi32>, vector<16xi32>], vector<16xf32>,
        %parallel_loop3A_166 = tpu.vector_load_idx %arg7[%parallel_loop3A_164, %parallel_loop3A_29] : memref<16x4096xf32, #tpu.memory_space<vmem>>[vector<16xi32>, vector<16xi32>], vector<16xf32>,
        %parallel_loop3A_167 = tpu.vector_load_idx %arg7[%parallel_loop3A_164, %parallel_loop3A_35] : memref<16x4096xf32, #tpu.memory_space<vmem>>[vector<16xi32>, vector<16xi32>], vector<16xf32>,
        %parallel_loop3A_168 = tpu.vector_load_idx %arg7[%parallel_loop3A_164, %parallel_loop3A_41] : memref<16x4096xf32, #tpu.memory_space<vmem>>[vector<16xi32>, vector<16xi32>], vector<16xf32>,
        %parallel_loop3A_169 = tpu.vector_load_idx %arg7[%parallel_loop3A_164, %parallel_loop3A_47] : memref<16x4096xf32, #tpu.memory_space<vmem>>[vector<16xi32>, vector<16xi32>], vector<16xf32>,
        %parallel_loop3A_170 = tpu.vector_load_idx %arg7[%parallel_loop3A_164, %parallel_loop3A_53] : memref<16x4096xf32, #tpu.memory_space<vmem>>[vector<16xi32>, vector<16xi32>], vector<16xf32>,
        %parallel_loop3A_171 = tpu.vector_load_idx %arg7[%parallel_loop3A_164, %parallel_loop3A_59] : memref<16x4096xf32, #tpu.memory_space<vmem>>[vector<16xi32>, vector<16xi32>], vector<16xf32>,
        %parallel_loop3A_172 = tpu.vector_load_idx %arg7[%parallel_loop3A_164, %parallel_loop3A_65] : memref<16x4096xf32, #tpu.memory_space<vmem>>[vector<16xi32>, vector<16xi32>], vector<16xf32>,
        %parallel_loop3A_173 = tpu.vector_load_idx %arg7[%parallel_loop3A_164, %parallel_loop3A_71] : memref<16x4096xf32, #tpu.memory_space<vmem>>[vector<16xi32>, vector<16xi32>], vector<16xf32>,
        %parallel_loop3A_174 = tpu.vector_load_idx %arg7[%parallel_loop3A_164, %parallel_loop3A_77] : memref<16x4096xf32, #tpu.memory_space<vmem>>[vector<16xi32>, vector<16xi32>], vector<16xf32>,
        %parallel_loop3A_175 = tpu.vector_load_idx %arg7[%parallel_loop3A_164, %parallel_loop3A_83] : memref<16x4096xf32, #tpu.memory_space<vmem>>[vector<16xi32>, vector<16xi32>], vector<16xf32>,
        %parallel_loop3A_176 = tpu.vector_load_idx %arg7[%parallel_loop3A_164, %parallel_loop3A_89] : memref<16x4096xf32, #tpu.memory_space<vmem>>[vector<16xi32>, vector<16xi32>], vector<16xf32>,
        %parallel_loop3A_177 = tpu.vector_load_idx %arg7[%parallel_loop3A_164, %parallel_loop3A_95] : memref<16x4096xf32, #tpu.memory_space<vmem>>[vector<16xi32>, vector<16xi32>], vector<16xf32>,
        %parallel_loop3A_178 = tpu.vector_load_idx %arg7[%parallel_loop3A_164, %parallel_loop3A_101] : memref<16x4096xf32, #tpu.memory_space<vmem>>[vector<16xi32>, vector<16xi32>], vector<16xf32>,
        %parallel_loop3A_179 = tpu.vector_load_idx %arg7[%parallel_loop3A_164, %parallel_loop3A_107] : memref<16x4096xf32, #tpu.memory_space<vmem>>[vector<16xi32>, vector<16xi32>], vector<16xf32>,
        %parallel_loop3A_180 = tpu.vector_load_idx %arg7[%parallel_loop3A_164, %parallel_loop3A_113] : memref<16x4096xf32, #tpu.memory_space<vmem>>[vector<16xi32>, vector<16xi32>], vector<16xf32>,
        %parallel_loop3A_181 = arith.addf %parallel_loop3A_165, %parallel_loop3A_166 : vector<16xf32>
        %parallel_loop3A_182 = arith.addf %parallel_loop3A_167, %parallel_loop3A_168 : vector<16xf32>
        %parallel_loop3A_183 = arith.addf %parallel_loop3A_169, %parallel_loop3A_170 : vector<16xf32>
        %parallel_loop3A_184 = arith.addf %parallel_loop3A_171, %parallel_loop3A_172 : vector<16xf32>
        %parallel_loop3A_185 = arith.addf %parallel_loop3A_173, %parallel_loop3A_174 : vector<16xf32>
        %parallel_loop3A_186 = arith.addf %parallel_loop3A_175, %parallel_loop3A_176 : vector<16xf32>
        %parallel_loop3A_187 = arith.addf %parallel_loop3A_177, %parallel_loop3A_178 : vector<16xf32>
        %parallel_loop3A_188 = arith.addf %parallel_loop3A_179, %parallel_loop3A_180 : vector<16xf32>
        %parallel_loop3A_189 = arith.addf %parallel_loop3A_181, %parallel_loop3A_182 : vector<16xf32>
        %parallel_loop3A_190 = arith.addf %parallel_loop3A_183, %parallel_loop3A_184 : vector<16xf32>
        %parallel_loop3A_191 = arith.addf %parallel_loop3A_185, %parallel_loop3A_186 : vector<16xf32>
        %parallel_loop3A_192 = arith.addf %parallel_loop3A_187, %parallel_loop3A_188 : vector<16xf32>
        %parallel_loop3A_193 = arith.addf %parallel_loop3A_189, %parallel_loop3A_190 : vector<16xf32>
        %parallel_loop3A_194 = arith.addf %parallel_loop3A_191, %parallel_loop3A_192 : vector<16xf32>
        %parallel_loop3A_195 = arith.addf %parallel_loop3A_193, %parallel_loop3A_194 : vector<16xf32>
        %parallel_loop3A_196 = arith.mulf %parallel_loop3A_195, %parallel_loop3A_121 : vector<16xf32>
        %parallel_loop3A_197 = arith.addf %parallel_loop3A_196, %parallel_loop3A_117 : vector<16xf32>
        %parallel_loop3A_198 = arith.constant 16 : i32
        %parallel_loop3A_199 = arith.muli %parallel_loop3A_17, %parallel_loop3A_198 : i32
        %parallel_loop3A_200 = arith.constant 1 : i32
        %parallel_loop3A_201 = arith.index_cast %parallel_loop3A_200 : i32 to index
        %parallel_loop3A_202 = arith.index_cast %parallel_loop3A_199 : i32 to index
        %parallel_loop3A_203 = tpu.vector_load %arg11[%parallel_loop3A_201, %parallel_loop3A_202] {strides = array<i32>} : memref<16x512xf32, #tpu.memory_space<vmem>>, vector<16xf32>,
        tpu.vector_store %arg11[%parallel_loop3A_201, %parallel_loop3A_202], %parallel_loop3A_197 {strides = array<i32>} : memref<16x512xf32, #tpu.memory_space<vmem>>, vector<16xf32>,
        %parallel_loop3A_204 = arith.constant 2 : i32
        %parallel_loop3A_205 = vector.broadcast %parallel_loop3A_204 : i32 to vector<16xi32>
        %parallel_loop3A_206 = tpu.vector_load_idx %arg7[%parallel_loop3A_205, %parallel_loop3A_23] : memref<16x4096xf32, #tpu.memory_space<vmem>>[vector<16xi32>, vector<16xi32>], vector<16xf32>,
        %parallel_loop3A_207 = tpu.vector_load_idx %arg7[%parallel_loop3A_205, %parallel_loop3A_29] : memref<16x4096xf32, #tpu.memory_space<vmem>>[vector<16xi32>, vector<16xi32>], vector<16xf32>,
        %parallel_loop3A_208 = tpu.vector_load_idx %arg7[%parallel_loop3A_205, %parallel_loop3A_35] : memref<16x4096xf32, #tpu.memory_space<vmem>>[vector<16xi32>, vector<16xi32>], vector<16xf32>,
        %parallel_loop3A_209 = tpu.vector_load_idx %arg7[%parallel_loop3A_205, %parallel_loop3A_41] : memref<16x4096xf32, #tpu.memory_space<vmem>>[vector<16xi32>, vector<16xi32>], vector<16xf32>,
        %parallel_loop3A_210 = tpu.vector_load_idx %arg7[%parallel_loop3A_205, %parallel_loop3A_47] : memref<16x4096xf32, #tpu.memory_space<vmem>>[vector<16xi32>, vector<16xi32>], vector<16xf32>,
        %parallel_loop3A_211 = tpu.vector_load_idx %arg7[%parallel_loop3A_205, %parallel_loop3A_53] : memref<16x4096xf32, #tpu.memory_space<vmem>>[vector<16xi32>, vector<16xi32>], vector<16xf32>,
        %parallel_loop3A_212 = tpu.vector_load_idx %arg7[%parallel_loop3A_205, %parallel_loop3A_59] : memref<16x4096xf32, #tpu.memory_space<vmem>>[vector<16xi32>, vector<16xi32>], vector<16xf32>,
        %parallel_loop3A_213 = tpu.vector_load_idx %arg7[%parallel_loop3A_205, %parallel_loop3A_65] : memref<16x4096xf32, #tpu.memory_space<vmem>>[vector<16xi32>, vector<16xi32>], vector<16xf32>,
        %parallel_loop3A_214 = tpu.vector_load_idx %arg7[%parallel_loop3A_205, %parallel_loop3A_71] : memref<16x4096xf32, #tpu.memory_space<vmem>>[vector<16xi32>, vector<16xi32>], vector<16xf32>,
        %parallel_loop3A_215 = tpu.vector_load_idx %arg7[%parallel_loop3A_205, %parallel_loop3A_77] : memref<16x4096xf32, #tpu.memory_space<vmem>>[vector<16xi32>, vector<16xi32>], vector<16xf32>,
        %parallel_loop3A_216 = tpu.vector_load_idx %arg7[%parallel_loop3A_205, %parallel_loop3A_83] : memref<16x4096xf32, #tpu.memory_space<vmem>>[vector<16xi32>, vector<16xi32>], vector<16xf32>,
        %parallel_loop3A_217 = tpu.vector_load_idx %arg7[%parallel_loop3A_205, %parallel_loop3A_89] : memref<16x4096xf32, #tpu.memory_space<vmem>>[vector<16xi32>, vector<16xi32>], vector<16xf32>,
        %parallel_loop3A_218 = tpu.vector_load_idx %arg7[%parallel_loop3A_205, %parallel_loop3A_95] : memref<16x4096xf32, #tpu.memory_space<vmem>>[vector<16xi32>, vector<16xi32>], vector<16xf32>,
        %parallel_loop3A_219 = tpu.vector_load_idx %arg7[%parallel_loop3A_205, %parallel_loop3A_101] : memref<16x4096xf32, #tpu.memory_space<vmem>>[vector<16xi32>, vector<16xi32>], vector<16xf32>,
        %parallel_loop3A_220 = tpu.vector_load_idx %arg7[%parallel_loop3A_205, %parallel_loop3A_107] : memref<16x4096xf32, #tpu.memory_space<vmem>>[vector<16xi32>, vector<16xi32>], vector<16xf32>,
        %parallel_loop3A_221 = tpu.vector_load_idx %arg7[%parallel_loop3A_205, %parallel_loop3A_113] : memref<16x4096xf32, #tpu.memory_space<vmem>>[vector<16xi32>, vector<16xi32>], vector<16xf32>,
        %parallel_loop3A_222 = arith.addf %parallel_loop3A_206, %parallel_loop3A_207 : vector<16xf32>
        %parallel_loop3A_223 = arith.addf %parallel_loop3A_208, %parallel_loop3A_209 : vector<16xf32>
        %parallel_loop3A_224 = arith.addf %parallel_loop3A_210, %parallel_loop3A_211 : vector<16xf32>
        %parallel_loop3A_225 = arith.addf %parallel_loop3A_212, %parallel_loop3A_213 : vector<16xf32>
        %parallel_loop3A_226 = arith.addf %parallel_loop3A_214, %parallel_loop3A_215 : vector<16xf32>
        %parallel_loop3A_227 = arith.addf %parallel_loop3A_216, %parallel_loop3A_217 : vector<16xf32>
        %parallel_loop3A_228 = arith.addf %parallel_loop3A_218, %parallel_loop3A_219 : vector<16xf32>
        %parallel_loop3A_229 = arith.addf %parallel_loop3A_220, %parallel_loop3A_221 : vector<16xf32>
        %parallel_loop3A_230 = arith.addf %parallel_loop3A_222, %parallel_loop3A_223 : vector<16xf32>
        %parallel_loop3A_231 = arith.addf %parallel_loop3A_224, %parallel_loop3A_225 : vector<16xf32>
        %parallel_loop3A_232 = arith.addf %parallel_loop3A_226, %parallel_loop3A_227 : vector<16xf32>
        %parallel_loop3A_233 = arith.addf %parallel_loop3A_228, %parallel_loop3A_229 : vector<16xf32>
        %parallel_loop3A_234 = arith.addf %parallel_loop3A_230, %parallel_loop3A_231 : vector<16xf32>
        %parallel_loop3A_235 = arith.addf %parallel_loop3A_232, %parallel_loop3A_233 : vector<16xf32>
        %parallel_loop3A_236 = arith.addf %parallel_loop3A_234, %parallel_loop3A_235 : vector<16xf32>
        %parallel_loop3A_237 = arith.mulf %parallel_loop3A_236, %parallel_loop3A_121 : vector<16xf32>
        %parallel_loop3A_238 = arith.addf %parallel_loop3A_237, %parallel_loop3A_117 : vector<16xf32>
        %parallel_loop3A_239 = arith.constant 16 : i32
        %parallel_loop3A_240 = arith.muli %parallel_loop3A_17, %parallel_loop3A_239 : i32
        %parallel_loop3A_241 = arith.constant 2 : i32
        %parallel_loop3A_242 = arith.index_cast %parallel_loop3A_241 : i32 to index
        %parallel_loop3A_243 = arith.index_cast %parallel_loop3A_240 : i32 to index
        %parallel_loop3A_244 = tpu.vector_load %arg11[%parallel_loop3A_242, %parallel_loop3A_243] {strides = array<i32>} : memref<16x512xf32, #tpu.memory_space<vmem>>, vector<16xf32>,
        tpu.vector_store %arg11[%parallel_loop3A_242, %parallel_loop3A_243], %parallel_loop3A_238 {strides = array<i32>} : memref<16x512xf32, #tpu.memory_space<vmem>>, vector<16xf32>,
        %parallel_loop3A_245 = arith.constant 3 : i32
        %parallel_loop3A_246 = vector.broadcast %parallel_loop3A_245 : i32 to vector<16xi32>
        %parallel_loop3A_247 = tpu.vector_load_idx %arg7[%parallel_loop3A_246, %parallel_loop3A_23] : memref<16x4096xf32, #tpu.memory_space<vmem>>[vector<16xi32>, vector<16xi32>], vector<16xf32>,
        %parallel_loop3A_248 = tpu.vector_load_idx %arg7[%parallel_loop3A_246, %parallel_loop3A_29] : memref<16x4096xf32, #tpu.memory_space<vmem>>[vector<16xi32>, vector<16xi32>], vector<16xf32>,
        %parallel_loop3A_249 = tpu.vector_load_idx %arg7[%parallel_loop3A_246, %parallel_loop3A_35] : memref<16x4096xf32, #tpu.memory_space<vmem>>[vector<16xi32>, vector<16xi32>], vector<16xf32>,
        %parallel_loop3A_250 = tpu.vector_load_idx %arg7[%parallel_loop3A_246, %parallel_loop3A_41] : memref<16x4096xf32, #tpu.memory_space<vmem>>[vector<16xi32>, vector<16xi32>], vector<16xf32>,
        %parallel_loop3A_251 = tpu.vector_load_idx %arg7[%parallel_loop3A_246, %parallel_loop3A_47] : memref<16x4096xf32, #tpu.memory_space<vmem>>[vector<16xi32>, vector<16xi32>], vector<16xf32>,
        %parallel_loop3A_252 = tpu.vector_load_idx %arg7[%parallel_loop3A_246, %parallel_loop3A_53] : memref<16x4096xf32, #tpu.memory_space<vmem>>[vector<16xi32>, vector<16xi32>], vector<16xf32>,
        %parallel_loop3A_253 = tpu.vector_load_idx %arg7[%parallel_loop3A_246, %parallel_loop3A_59] : memref<16x4096xf32, #tpu.memory_space<vmem>>[vector<16xi32>, vector<16xi32>], vector<16xf32>,
        %parallel_loop3A_254 = tpu.vector_load_idx %arg7[%parallel_loop3A_246, %parallel_loop3A_65] : memref<16x4096xf32, #tpu.memory_space<vmem>>[vector<16xi32>, vector<16xi32>], vector<16xf32>,
        %parallel_loop3A_255 = tpu.vector_load_idx %arg7[%parallel_loop3A_246, %parallel_loop3A_71] : memref<16x4096xf32, #tpu.memory_space<vmem>>[vector<16xi32>, vector<16xi32>], vector<16xf32>,
        %parallel_loop3A_256 = tpu.vector_load_idx %arg7[%parallel_loop3A_246, %parallel_loop3A_77] : memref<16x4096xf32, #tpu.memory_space<vmem>>[vector<16xi32>, vector<16xi32>], vector<16xf32>,
        %parallel_loop3A_257 = tpu.vector_load_idx %arg7[%parallel_loop3A_246, %parallel_loop3A_83] : memref<16x4096xf32, #tpu.memory_space<vmem>>[vector<16xi32>, vector<16xi32>], vector<16xf32>,
        %parallel_loop3A_258 = tpu.vector_load_idx %arg7[%parallel_loop3A_246, %parallel_loop3A_89] : memref<16x4096xf32, #tpu.memory_space<vmem>>[vector<16xi32>, vector<16xi32>], vector<16xf32>,
        %parallel_loop3A_259 = tpu.vector_load_idx %arg7[%parallel_loop3A_246, %parallel_loop3A_95] : memref<16x4096xf32, #tpu.memory_space<vmem>>[vector<16xi32>, vector<16xi32>], vector<16xf32>,
        %parallel_loop3A_260 = tpu.vector_load_idx %arg7[%parallel_loop3A_246, %parallel_loop3A_101] : memref<16x4096xf32, #tpu.memory_space<vmem>>[vector<16xi32>, vector<16xi32>], vector<16xf32>,
        %parallel_loop3A_261 = tpu.vector_load_idx %arg7[%parallel_loop3A_246, %parallel_loop3A_107] : memref<16x4096xf32, #tpu.memory_space<vmem>>[vector<16xi32>, vector<16xi32>], vector<16xf32>,
        %parallel_loop3A_262 = tpu.vector_load_idx %arg7[%parallel_loop3A_246, %parallel_loop3A_113] : memref<16x4096xf32, #tpu.memory_space<vmem>>[vector<16xi32>, vector<16xi32>], vector<16xf32>,
        %parallel_loop3A_263 = arith.addf %parallel_loop3A_247, %parallel_loop3A_248 : vector<16xf32>
        %parallel_loop3A_264 = arith.addf %parallel_loop3A_249, %parallel_loop3A_250 : vector<16xf32>
        %parallel_loop3A_265 = arith.addf %parallel_loop3A_251, %parallel_loop3A_252 : vector<16xf32>
        %parallel_loop3A_266 = arith.addf %parallel_loop3A_253, %parallel_loop3A_254 : vector<16xf32>
        %parallel_loop3A_267 = arith.addf %parallel_loop3A_255, %parallel_loop3A_256 : vector<16xf32>
        %parallel_loop3A_268 = arith.addf %parallel_loop3A_257, %parallel_loop3A_258 : vector<16xf32>
        %parallel_loop3A_269 = arith.addf %parallel_loop3A_259, %parallel_loop3A_260 : vector<16xf32>
        %parallel_loop3A_270 = arith.addf %parallel_loop3A_261, %parallel_loop3A_262 : vector<16xf32>
        %parallel_loop3A_271 = arith.addf %parallel_loop3A_263, %parallel_loop3A_264 : vector<16xf32>
        %parallel_loop3A_272 = arith.addf %parallel_loop3A_265, %parallel_loop3A_266 : vector<16xf32>
        %parallel_loop3A_273 = arith.addf %parallel_loop3A_267, %parallel_loop3A_268 : vector<16xf32>
        %parallel_loop3A_274 = arith.addf %parallel_loop3A_269, %parallel_loop3A_270 : vector<16xf32>
        %parallel_loop3A_275 = arith.addf %parallel_loop3A_271, %parallel_loop3A_272 : vector<16xf32>
        %parallel_loop3A_276 = arith.addf %parallel_loop3A_273, %parallel_loop3A_274 : vector<16xf32>
        %parallel_loop3A_277 = arith.addf %parallel_loop3A_275, %parallel_loop3A_276 : vector<16xf32>
        %parallel_loop3A_278 = arith.mulf %parallel_loop3A_277, %parallel_loop3A_121 : vector<16xf32>
        %parallel_loop3A_279 = arith.addf %parallel_loop3A_278, %parallel_loop3A_117 : vector<16xf32>
        %parallel_loop3A_280 = arith.constant 16 : i32
        %parallel_loop3A_281 = arith.muli %parallel_loop3A_17, %parallel_loop3A_280 : i32
        %parallel_loop3A_282 = arith.constant 3 : i32
        %parallel_loop3A_283 = arith.index_cast %parallel_loop3A_282 : i32 to index
        %parallel_loop3A_284 = arith.index_cast %parallel_loop3A_281 : i32 to index
        %parallel_loop3A_285 = tpu.vector_load %arg11[%parallel_loop3A_283, %parallel_loop3A_284] {strides = array<i32>} : memref<16x512xf32, #tpu.memory_space<vmem>>, vector<16xf32>,
        tpu.vector_store %arg11[%parallel_loop3A_283, %parallel_loop3A_284], %parallel_loop3A_279 {strides = array<i32>} : memref<16x512xf32, #tpu.memory_space<vmem>>, vector<16xf32>,
        %parallel_loop3A_286 = arith.constant 4 : i32
        %parallel_loop3A_287 = vector.broadcast %parallel_loop3A_286 : i32 to vector<16xi32>
        %parallel_loop3A_288 = tpu.vector_load_idx %arg7[%parallel_loop3A_287, %parallel_loop3A_23] : memref<16x4096xf32, #tpu.memory_space<vmem>>[vector<16xi32>, vector<16xi32>], vector<16xf32>,
        %parallel_loop3A_289 = tpu.vector_load_idx %arg7[%parallel_loop3A_287, %parallel_loop3A_29] : memref<16x4096xf32, #tpu.memory_space<vmem>>[vector<16xi32>, vector<16xi32>], vector<16xf32>,
        %parallel_loop3A_290 = tpu.vector_load_idx %arg7[%parallel_loop3A_287, %parallel_loop3A_35] : memref<16x4096xf32, #tpu.memory_space<vmem>>[vector<16xi32>, vector<16xi32>], vector<16xf32>,
        %parallel_loop3A_291 = tpu.vector_load_idx %arg7[%parallel_loop3A_287, %parallel_loop3A_41] : memref<16x4096xf32, #tpu.memory_space<vmem>>[vector<16xi32>, vector<16xi32>], vector<16xf32>,
        %parallel_loop3A_292 = tpu.vector_load_idx %arg7[%parallel_loop3A_287, %parallel_loop3A_47] : memref<16x4096xf32, #tpu.memory_space<vmem>>[vector<16xi32>, vector<16xi32>], vector<16xf32>,
        %parallel_loop3A_293 = tpu.vector_load_idx %arg7[%parallel_loop3A_287, %parallel_loop3A_53] : memref<16x4096xf32, #tpu.memory_space<vmem>>[vector<16xi32>, vector<16xi32>], vector<16xf32>,
        %parallel_loop3A_294 = tpu.vector_load_idx %arg7[%parallel_loop3A_287, %parallel_loop3A_59] : memref<16x4096xf32, #tpu.memory_space<vmem>>[vector<16xi32>, vector<16xi32>], vector<16xf32>,
        %parallel_loop3A_295 = tpu.vector_load_idx %arg7[%parallel_loop3A_287, %parallel_loop3A_65] : memref<16x4096xf32, #tpu.memory_space<vmem>>[vector<16xi32>, vector<16xi32>], vector<16xf32>,
        %parallel_loop3A_296 = tpu.vector_load_idx %arg7[%parallel_loop3A_287, %parallel_loop3A_71] : memref<16x4096xf32, #tpu.memory_space<vmem>>[vector<16xi32>, vector<16xi32>], vector<16xf32>,
        %parallel_loop3A_297 = tpu.vector_load_idx %arg7[%parallel_loop3A_287, %parallel_loop3A_77] : memref<16x4096xf32, #tpu.memory_space<vmem>>[vector<16xi32>, vector<16xi32>], vector<16xf32>,
        %parallel_loop3A_298 = tpu.vector_load_idx %arg7[%parallel_loop3A_287, %parallel_loop3A_83] : memref<16x4096xf32, #tpu.memory_space<vmem>>[vector<16xi32>, vector<16xi32>], vector<16xf32>,
        %parallel_loop3A_299 = tpu.vector_load_idx %arg7[%parallel_loop3A_287, %parallel_loop3A_89] : memref<16x4096xf32, #tpu.memory_space<vmem>>[vector<16xi32>, vector<16xi32>], vector<16xf32>,
        %parallel_loop3A_300 = tpu.vector_load_idx %arg7[%parallel_loop3A_287, %parallel_loop3A_95] : memref<16x4096xf32, #tpu.memory_space<vmem>>[vector<16xi32>, vector<16xi32>], vector<16xf32>,
        %parallel_loop3A_301 = tpu.vector_load_idx %arg7[%parallel_loop3A_287, %parallel_loop3A_101] : memref<16x4096xf32, #tpu.memory_space<vmem>>[vector<16xi32>, vector<16xi32>], vector<16xf32>,
        %parallel_loop3A_302 = tpu.vector_load_idx %arg7[%parallel_loop3A_287, %parallel_loop3A_107] : memref<16x4096xf32, #tpu.memory_space<vmem>>[vector<16xi32>, vector<16xi32>], vector<16xf32>,
        %parallel_loop3A_303 = tpu.vector_load_idx %arg7[%parallel_loop3A_287, %parallel_loop3A_113] : memref<16x4096xf32, #tpu.memory_space<vmem>>[vector<16xi32>, vector<16xi32>], vector<16xf32>,
        %parallel_loop3A_304 = arith.addf %parallel_loop3A_288, %parallel_loop3A_289 : vector<16xf32>
        %parallel_loop3A_305 = arith.addf %parallel_loop3A_290, %parallel_loop3A_291 : vector<16xf32>
        %parallel_loop3A_306 = arith.addf %parallel_loop3A_292, %parallel_loop3A_293 : vector<16xf32>
        %parallel_loop3A_307 = arith.addf %parallel_loop3A_294, %parallel_loop3A_295 : vector<16xf32>
        %parallel_loop3A_308 = arith.addf %parallel_loop3A_296, %parallel_loop3A_297 : vector<16xf32>
        %parallel_loop3A_309 = arith.addf %parallel_loop3A_298, %parallel_loop3A_299 : vector<16xf32>
        %parallel_loop3A_310 = arith.addf %parallel_loop3A_300, %parallel_loop3A_301 : vector<16xf32>
        %parallel_loop3A_311 = arith.addf %parallel_loop3A_302, %parallel_loop3A_303 : vector<16xf32>
        %parallel_loop3A_312 = arith.addf %parallel_loop3A_304, %parallel_loop3A_305 : vector<16xf32>
        %parallel_loop3A_313 = arith.addf %parallel_loop3A_306, %parallel_loop3A_307 : vector<16xf32>
        %parallel_loop3A_314 = arith.addf %parallel_loop3A_308, %parallel_loop3A_309 : vector<16xf32>
        %parallel_loop3A_315 = arith.addf %parallel_loop3A_310, %parallel_loop3A_311 : vector<16xf32>
        %parallel_loop3A_316 = arith.addf %parallel_loop3A_312, %parallel_loop3A_313 : vector<16xf32>
        %parallel_loop3A_317 = arith.addf %parallel_loop3A_314, %parallel_loop3A_315 : vector<16xf32>
        %parallel_loop3A_318 = arith.addf %parallel_loop3A_316, %parallel_loop3A_317 : vector<16xf32>
        %parallel_loop3A_319 = arith.mulf %parallel_loop3A_318, %parallel_loop3A_121 : vector<16xf32>
        %parallel_loop3A_320 = arith.addf %parallel_loop3A_319, %parallel_loop3A_117 : vector<16xf32>
        %parallel_loop3A_321 = arith.constant 16 : i32
        %parallel_loop3A_322 = arith.muli %parallel_loop3A_17, %parallel_loop3A_321 : i32
        %parallel_loop3A_323 = arith.constant 4 : i32
        %parallel_loop3A_324 = arith.index_cast %parallel_loop3A_323 : i32 to index
        %parallel_loop3A_325 = arith.index_cast %parallel_loop3A_322 : i32 to index
        %parallel_loop3A_326 = tpu.vector_load %arg11[%parallel_loop3A_324, %parallel_loop3A_325] {strides = array<i32>} : memref<16x512xf32, #tpu.memory_space<vmem>>, vector<16xf32>,
        tpu.vector_store %arg11[%parallel_loop3A_324, %parallel_loop3A_325], %parallel_loop3A_320 {strides = array<i32>} : memref<16x512xf32, #tpu.memory_space<vmem>>, vector<16xf32>,
        %parallel_loop3A_327 = arith.constant 5 : i32
        %parallel_loop3A_328 = vector.broadcast %parallel_loop3A_327 : i32 to vector<16xi32>
        %parallel_loop3A_329 = tpu.vector_load_idx %arg7[%parallel_loop3A_328, %parallel_loop3A_23] : memref<16x4096xf32, #tpu.memory_space<vmem>>[vector<16xi32>, vector<16xi32>], vector<16xf32>,
        %parallel_loop3A_330 = tpu.vector_load_idx %arg7[%parallel_loop3A_328, %parallel_loop3A_29] : memref<16x4096xf32, #tpu.memory_space<vmem>>[vector<16xi32>, vector<16xi32>], vector<16xf32>,
        %parallel_loop3A_331 = tpu.vector_load_idx %arg7[%parallel_loop3A_328, %parallel_loop3A_35] : memref<16x4096xf32, #tpu.memory_space<vmem>>[vector<16xi32>, vector<16xi32>], vector<16xf32>,
        %parallel_loop3A_332 = tpu.vector_load_idx %arg7[%parallel_loop3A_328, %parallel_loop3A_41] : memref<16x4096xf32, #tpu.memory_space<vmem>>[vector<16xi32>, vector<16xi32>], vector<16xf32>,
        %parallel_loop3A_333 = tpu.vector_load_idx %arg7[%parallel_loop3A_328, %parallel_loop3A_47] : memref<16x4096xf32, #tpu.memory_space<vmem>>[vector<16xi32>, vector<16xi32>], vector<16xf32>,
        %parallel_loop3A_334 = tpu.vector_load_idx %arg7[%parallel_loop3A_328, %parallel_loop3A_53] : memref<16x4096xf32, #tpu.memory_space<vmem>>[vector<16xi32>, vector<16xi32>], vector<16xf32>,
        %parallel_loop3A_335 = tpu.vector_load_idx %arg7[%parallel_loop3A_328, %parallel_loop3A_59] : memref<16x4096xf32, #tpu.memory_space<vmem>>[vector<16xi32>, vector<16xi32>], vector<16xf32>,
        %parallel_loop3A_336 = tpu.vector_load_idx %arg7[%parallel_loop3A_328, %parallel_loop3A_65] : memref<16x4096xf32, #tpu.memory_space<vmem>>[vector<16xi32>, vector<16xi32>], vector<16xf32>,
        %parallel_loop3A_337 = tpu.vector_load_idx %arg7[%parallel_loop3A_328, %parallel_loop3A_71] : memref<16x4096xf32, #tpu.memory_space<vmem>>[vector<16xi32>, vector<16xi32>], vector<16xf32>,
        %parallel_loop3A_338 = tpu.vector_load_idx %arg7[%parallel_loop3A_328, %parallel_loop3A_77] : memref<16x4096xf32, #tpu.memory_space<vmem>>[vector<16xi32>, vector<16xi32>], vector<16xf32>,
        %parallel_loop3A_339 = tpu.vector_load_idx %arg7[%parallel_loop3A_328, %parallel_loop3A_83] : memref<16x4096xf32, #tpu.memory_space<vmem>>[vector<16xi32>, vector<16xi32>], vector<16xf32>,
        %parallel_loop3A_340 = tpu.vector_load_idx %arg7[%parallel_loop3A_328, %parallel_loop3A_89] : memref<16x4096xf32, #tpu.memory_space<vmem>>[vector<16xi32>, vector<16xi32>], vector<16xf32>,
        %parallel_loop3A_341 = tpu.vector_load_idx %arg7[%parallel_loop3A_328, %parallel_loop3A_95] : memref<16x4096xf32, #tpu.memory_space<vmem>>[vector<16xi32>, vector<16xi32>], vector<16xf32>,
        %parallel_loop3A_342 = tpu.vector_load_idx %arg7[%parallel_loop3A_328, %parallel_loop3A_101] : memref<16x4096xf32, #tpu.memory_space<vmem>>[vector<16xi32>, vector<16xi32>], vector<16xf32>,
        %parallel_loop3A_343 = tpu.vector_load_idx %arg7[%parallel_loop3A_328, %parallel_loop3A_107] : memref<16x4096xf32, #tpu.memory_space<vmem>>[vector<16xi32>, vector<16xi32>], vector<16xf32>,
        %parallel_loop3A_344 = tpu.vector_load_idx %arg7[%parallel_loop3A_328, %parallel_loop3A_113] : memref<16x4096xf32, #tpu.memory_space<vmem>>[vector<16xi32>, vector<16xi32>], vector<16xf32>,
        %parallel_loop3A_345 = arith.addf %parallel_loop3A_329, %parallel_loop3A_330 : vector<16xf32>
        %parallel_loop3A_346 = arith.addf %parallel_loop3A_331, %parallel_loop3A_332 : vector<16xf32>
        %parallel_loop3A_347 = arith.addf %parallel_loop3A_333, %parallel_loop3A_334 : vector<16xf32>
        %parallel_loop3A_348 = arith.addf %parallel_loop3A_335, %parallel_loop3A_336 : vector<16xf32>
        %parallel_loop3A_349 = arith.addf %parallel_loop3A_337, %parallel_loop3A_338 : vector<16xf32>
        %parallel_loop3A_350 = arith.addf %parallel_loop3A_339, %parallel_loop3A_340 : vector<16xf32>
        %parallel_loop3A_351 = arith.addf %parallel_loop3A_341, %parallel_loop3A_342 : vector<16xf32>
        %parallel_loop3A_352 = arith.addf %parallel_loop3A_343, %parallel_loop3A_344 : vector<16xf32>
        %parallel_loop3A_353 = arith.addf %parallel_loop3A_345, %parallel_loop3A_346 : vector<16xf32>
        %parallel_loop3A_354 = arith.addf %parallel_loop3A_347, %parallel_loop3A_348 : vector<16xf32>
        %parallel_loop3A_355 = arith.addf %parallel_loop3A_349, %parallel_loop3A_350 : vector<16xf32>
        %parallel_loop3A_356 = arith.addf %parallel_loop3A_351, %parallel_loop3A_352 : vector<16xf32>
        %parallel_loop3A_357 = arith.addf %parallel_loop3A_353, %parallel_loop3A_354 : vector<16xf32>
        %parallel_loop3A_358 = arith.addf %parallel_loop3A_355, %parallel_loop3A_356 : vector<16xf32>
        %parallel_loop3A_359 = arith.addf %parallel_loop3A_357, %parallel_loop3A_358 : vector<16xf32>
        %parallel_loop3A_360 = arith.mulf %parallel_loop3A_359, %parallel_loop3A_121 : vector<16xf32>
        %parallel_loop3A_361 = arith.addf %parallel_loop3A_360, %parallel_loop3A_117 : vector<16xf32>
        %parallel_loop3A_362 = arith.constant 16 : i32
        %parallel_loop3A_363 = arith.muli %parallel_loop3A_17, %parallel_loop3A_362 : i32
        %parallel_loop3A_364 = arith.constant 5 : i32
        %parallel_loop3A_365 = arith.index_cast %parallel_loop3A_364 : i32 to index
        %parallel_loop3A_366 = arith.index_cast %parallel_loop3A_363 : i32 to index
        %parallel_loop3A_367 = tpu.vector_load %arg11[%parallel_loop3A_365, %parallel_loop3A_366] {strides = array<i32>} : memref<16x512xf32, #tpu.memory_space<vmem>>, vector<16xf32>,
        tpu.vector_store %arg11[%parallel_loop3A_365, %parallel_loop3A_366], %parallel_loop3A_361 {strides = array<i32>} : memref<16x512xf32, #tpu.memory_space<vmem>>, vector<16xf32>,
        %parallel_loop3A_368 = arith.constant 6 : i32
        %parallel_loop3A_369 = vector.broadcast %parallel_loop3A_368 : i32 to vector<16xi32>
        %parallel_loop3A_370 = tpu.vector_load_idx %arg7[%parallel_loop3A_369, %parallel_loop3A_23] : memref<16x4096xf32, #tpu.memory_space<vmem>>[vector<16xi32>, vector<16xi32>], vector<16xf32>,
        %parallel_loop3A_371 = tpu.vector_load_idx %arg7[%parallel_loop3A_369, %parallel_loop3A_29] : memref<16x4096xf32, #tpu.memory_space<vmem>>[vector<16xi32>, vector<16xi32>], vector<16xf32>,
        %parallel_loop3A_372 = tpu.vector_load_idx %arg7[%parallel_loop3A_369, %parallel_loop3A_35] : memref<16x4096xf32, #tpu.memory_space<vmem>>[vector<16xi32>, vector<16xi32>], vector<16xf32>,
        %parallel_loop3A_373 = tpu.vector_load_idx %arg7[%parallel_loop3A_369, %parallel_loop3A_41] : memref<16x4096xf32, #tpu.memory_space<vmem>>[vector<16xi32>, vector<16xi32>], vector<16xf32>,
        %parallel_loop3A_374 = tpu.vector_load_idx %arg7[%parallel_loop3A_369, %parallel_loop3A_47] : memref<16x4096xf32, #tpu.memory_space<vmem>>[vector<16xi32>, vector<16xi32>], vector<16xf32>,
        %parallel_loop3A_375 = tpu.vector_load_idx %arg7[%parallel_loop3A_369, %parallel_loop3A_53] : memref<16x4096xf32, #tpu.memory_space<vmem>>[vector<16xi32>, vector<16xi32>], vector<16xf32>,
        %parallel_loop3A_376 = tpu.vector_load_idx %arg7[%parallel_loop3A_369, %parallel_loop3A_59] : memref<16x4096xf32, #tpu.memory_space<vmem>>[vector<16xi32>, vector<16xi32>], vector<16xf32>,
        %parallel_loop3A_377 = tpu.vector_load_idx %arg7[%parallel_loop3A_369, %parallel_loop3A_65] : memref<16x4096xf32, #tpu.memory_space<vmem>>[vector<16xi32>, vector<16xi32>], vector<16xf32>,
        %parallel_loop3A_378 = tpu.vector_load_idx %arg7[%parallel_loop3A_369, %parallel_loop3A_71] : memref<16x4096xf32, #tpu.memory_space<vmem>>[vector<16xi32>, vector<16xi32>], vector<16xf32>,
        %parallel_loop3A_379 = tpu.vector_load_idx %arg7[%parallel_loop3A_369, %parallel_loop3A_77] : memref<16x4096xf32, #tpu.memory_space<vmem>>[vector<16xi32>, vector<16xi32>], vector<16xf32>,
        %parallel_loop3A_380 = tpu.vector_load_idx %arg7[%parallel_loop3A_369, %parallel_loop3A_83] : memref<16x4096xf32, #tpu.memory_space<vmem>>[vector<16xi32>, vector<16xi32>], vector<16xf32>,
        %parallel_loop3A_381 = tpu.vector_load_idx %arg7[%parallel_loop3A_369, %parallel_loop3A_89] : memref<16x4096xf32, #tpu.memory_space<vmem>>[vector<16xi32>, vector<16xi32>], vector<16xf32>,
        %parallel_loop3A_382 = tpu.vector_load_idx %arg7[%parallel_loop3A_369, %parallel_loop3A_95] : memref<16x4096xf32, #tpu.memory_space<vmem>>[vector<16xi32>, vector<16xi32>], vector<16xf32>,
        %parallel_loop3A_383 = tpu.vector_load_idx %arg7[%parallel_loop3A_369, %parallel_loop3A_101] : memref<16x4096xf32, #tpu.memory_space<vmem>>[vector<16xi32>, vector<16xi32>], vector<16xf32>,
        %parallel_loop3A_384 = tpu.vector_load_idx %arg7[%parallel_loop3A_369, %parallel_loop3A_107] : memref<16x4096xf32, #tpu.memory_space<vmem>>[vector<16xi32>, vector<16xi32>], vector<16xf32>,
        %parallel_loop3A_385 = tpu.vector_load_idx %arg7[%parallel_loop3A_369, %parallel_loop3A_113] : memref<16x4096xf32, #tpu.memory_space<vmem>>[vector<16xi32>, vector<16xi32>], vector<16xf32>,
        %parallel_loop3A_386 = arith.addf %parallel_loop3A_370, %parallel_loop3A_371 : vector<16xf32>
        %parallel_loop3A_387 = arith.addf %parallel_loop3A_372, %parallel_loop3A_373 : vector<16xf32>
        %parallel_loop3A_388 = arith.addf %parallel_loop3A_374, %parallel_loop3A_375 : vector<16xf32>
        %parallel_loop3A_389 = arith.addf %parallel_loop3A_376, %parallel_loop3A_377 : vector<16xf32>
        %parallel_loop3A_390 = arith.addf %parallel_loop3A_378, %parallel_loop3A_379 : vector<16xf32>
        %parallel_loop3A_391 = arith.addf %parallel_loop3A_380, %parallel_loop3A_381 : vector<16xf32>
        %parallel_loop3A_392 = arith.addf %parallel_loop3A_382, %parallel_loop3A_383 : vector<16xf32>
        %parallel_loop3A_393 = arith.addf %parallel_loop3A_384, %parallel_loop3A_385 : vector<16xf32>
        %parallel_loop3A_394 = arith.addf %parallel_loop3A_386, %parallel_loop3A_387 : vector<16xf32>
        %parallel_loop3A_395 = arith.addf %parallel_loop3A_388, %parallel_loop3A_389 : vector<16xf32>
        %parallel_loop3A_396 = arith.addf %parallel_loop3A_390, %parallel_loop3A_391 : vector<16xf32>
        %parallel_loop3A_397 = arith.addf %parallel_loop3A_392, %parallel_loop3A_393 : vector<16xf32>
        %parallel_loop3A_398 = arith.addf %parallel_loop3A_394, %parallel_loop3A_395 : vector<16xf32>
        %parallel_loop3A_399 = arith.addf %parallel_loop3A_396, %parallel_loop3A_397 : vector<16xf32>
        %parallel_loop3A_400 = arith.addf %parallel_loop3A_398, %parallel_loop3A_399 : vector<16xf32>
        %parallel_loop3A_401 = arith.mulf %parallel_loop3A_400, %parallel_loop3A_121 : vector<16xf32>
        %parallel_loop3A_402 = arith.addf %parallel_loop3A_401, %parallel_loop3A_117 : vector<16xf32>
        %parallel_loop3A_403 = arith.constant 16 : i32
        %parallel_loop3A_404 = arith.muli %parallel_loop3A_17, %parallel_loop3A_403 : i32
        %parallel_loop3A_405 = arith.constant 6 : i32
        %parallel_loop3A_406 = arith.index_cast %parallel_loop3A_405 : i32 to index
        %parallel_loop3A_407 = arith.index_cast %parallel_loop3A_404 : i32 to index
        %parallel_loop3A_408 = tpu.vector_load %arg11[%parallel_loop3A_406, %parallel_loop3A_407] {strides = array<i32>} : memref<16x512xf32, #tpu.memory_space<vmem>>, vector<16xf32>,
        tpu.vector_store %arg11[%parallel_loop3A_406, %parallel_loop3A_407], %parallel_loop3A_402 {strides = array<i32>} : memref<16x512xf32, #tpu.memory_space<vmem>>, vector<16xf32>,
        %parallel_loop3A_409 = arith.constant 7 : i32
        %parallel_loop3A_410 = vector.broadcast %parallel_loop3A_409 : i32 to vector<16xi32>
        %parallel_loop3A_411 = tpu.vector_load_idx %arg7[%parallel_loop3A_410, %parallel_loop3A_23] : memref<16x4096xf32, #tpu.memory_space<vmem>>[vector<16xi32>, vector<16xi32>], vector<16xf32>,
        %parallel_loop3A_412 = tpu.vector_load_idx %arg7[%parallel_loop3A_410, %parallel_loop3A_29] : memref<16x4096xf32, #tpu.memory_space<vmem>>[vector<16xi32>, vector<16xi32>], vector<16xf32>,
        %parallel_loop3A_413 = tpu.vector_load_idx %arg7[%parallel_loop3A_410, %parallel_loop3A_35] : memref<16x4096xf32, #tpu.memory_space<vmem>>[vector<16xi32>, vector<16xi32>], vector<16xf32>,
        %parallel_loop3A_414 = tpu.vector_load_idx %arg7[%parallel_loop3A_410, %parallel_loop3A_41] : memref<16x4096xf32, #tpu.memory_space<vmem>>[vector<16xi32>, vector<16xi32>], vector<16xf32>,
        %parallel_loop3A_415 = tpu.vector_load_idx %arg7[%parallel_loop3A_410, %parallel_loop3A_47] : memref<16x4096xf32, #tpu.memory_space<vmem>>[vector<16xi32>, vector<16xi32>], vector<16xf32>,
        %parallel_loop3A_416 = tpu.vector_load_idx %arg7[%parallel_loop3A_410, %parallel_loop3A_53] : memref<16x4096xf32, #tpu.memory_space<vmem>>[vector<16xi32>, vector<16xi32>], vector<16xf32>,
        %parallel_loop3A_417 = tpu.vector_load_idx %arg7[%parallel_loop3A_410, %parallel_loop3A_59] : memref<16x4096xf32, #tpu.memory_space<vmem>>[vector<16xi32>, vector<16xi32>], vector<16xf32>,
        %parallel_loop3A_418 = tpu.vector_load_idx %arg7[%parallel_loop3A_410, %parallel_loop3A_65] : memref<16x4096xf32, #tpu.memory_space<vmem>>[vector<16xi32>, vector<16xi32>], vector<16xf32>,
        %parallel_loop3A_419 = tpu.vector_load_idx %arg7[%parallel_loop3A_410, %parallel_loop3A_71] : memref<16x4096xf32, #tpu.memory_space<vmem>>[vector<16xi32>, vector<16xi32>], vector<16xf32>,
        %parallel_loop3A_420 = tpu.vector_load_idx %arg7[%parallel_loop3A_410, %parallel_loop3A_77] : memref<16x4096xf32, #tpu.memory_space<vmem>>[vector<16xi32>, vector<16xi32>], vector<16xf32>,
        %parallel_loop3A_421 = tpu.vector_load_idx %arg7[%parallel_loop3A_410, %parallel_loop3A_83] : memref<16x4096xf32, #tpu.memory_space<vmem>>[vector<16xi32>, vector<16xi32>], vector<16xf32>,
        %parallel_loop3A_422 = tpu.vector_load_idx %arg7[%parallel_loop3A_410, %parallel_loop3A_89] : memref<16x4096xf32, #tpu.memory_space<vmem>>[vector<16xi32>, vector<16xi32>], vector<16xf32>,
        %parallel_loop3A_423 = tpu.vector_load_idx %arg7[%parallel_loop3A_410, %parallel_loop3A_95] : memref<16x4096xf32, #tpu.memory_space<vmem>>[vector<16xi32>, vector<16xi32>], vector<16xf32>,
        %parallel_loop3A_424 = tpu.vector_load_idx %arg7[%parallel_loop3A_410, %parallel_loop3A_101] : memref<16x4096xf32, #tpu.memory_space<vmem>>[vector<16xi32>, vector<16xi32>], vector<16xf32>,
        %parallel_loop3A_425 = tpu.vector_load_idx %arg7[%parallel_loop3A_410, %parallel_loop3A_107] : memref<16x4096xf32, #tpu.memory_space<vmem>>[vector<16xi32>, vector<16xi32>], vector<16xf32>,
        %parallel_loop3A_426 = tpu.vector_load_idx %arg7[%parallel_loop3A_410, %parallel_loop3A_113] : memref<16x4096xf32, #tpu.memory_space<vmem>>[vector<16xi32>, vector<16xi32>], vector<16xf32>,
        %parallel_loop3A_427 = arith.addf %parallel_loop3A_411, %parallel_loop3A_412 : vector<16xf32>
        %parallel_loop3A_428 = arith.addf %parallel_loop3A_413, %parallel_loop3A_414 : vector<16xf32>
        %parallel_loop3A_429 = arith.addf %parallel_loop3A_415, %parallel_loop3A_416 : vector<16xf32>
        %parallel_loop3A_430 = arith.addf %parallel_loop3A_417, %parallel_loop3A_418 : vector<16xf32>
        %parallel_loop3A_431 = arith.addf %parallel_loop3A_419, %parallel_loop3A_420 : vector<16xf32>
        %parallel_loop3A_432 = arith.addf %parallel_loop3A_421, %parallel_loop3A_422 : vector<16xf32>
        %parallel_loop3A_433 = arith.addf %parallel_loop3A_423, %parallel_loop3A_424 : vector<16xf32>
        %parallel_loop3A_434 = arith.addf %parallel_loop3A_425, %parallel_loop3A_426 : vector<16xf32>
        %parallel_loop3A_435 = arith.addf %parallel_loop3A_427, %parallel_loop3A_428 : vector<16xf32>
        %parallel_loop3A_436 = arith.addf %parallel_loop3A_429, %parallel_loop3A_430 : vector<16xf32>
        %parallel_loop3A_437 = arith.addf %parallel_loop3A_431, %parallel_loop3A_432 : vector<16xf32>
        %parallel_loop3A_438 = arith.addf %parallel_loop3A_433, %parallel_loop3A_434 : vector<16xf32>
        %parallel_loop3A_439 = arith.addf %parallel_loop3A_435, %parallel_loop3A_436 : vector<16xf32>
        %parallel_loop3A_440 = arith.addf %parallel_loop3A_437, %parallel_loop3A_438 : vector<16xf32>
        %parallel_loop3A_441 = arith.addf %parallel_loop3A_439, %parallel_loop3A_440 : vector<16xf32>
        %parallel_loop3A_442 = arith.mulf %parallel_loop3A_441, %parallel_loop3A_121 : vector<16xf32>
        %parallel_loop3A_443 = arith.addf %parallel_loop3A_442, %parallel_loop3A_117 : vector<16xf32>
        %parallel_loop3A_444 = arith.constant 16 : i32
        %parallel_loop3A_445 = arith.muli %parallel_loop3A_17, %parallel_loop3A_444 : i32
        %parallel_loop3A_446 = arith.constant 7 : i32
        %parallel_loop3A_447 = arith.index_cast %parallel_loop3A_446 : i32 to index
        %parallel_loop3A_448 = arith.index_cast %parallel_loop3A_445 : i32 to index
        %parallel_loop3A_449 = tpu.vector_load %arg11[%parallel_loop3A_447, %parallel_loop3A_448] {strides = array<i32>} : memref<16x512xf32, #tpu.memory_space<vmem>>, vector<16xf32>,
        tpu.vector_store %arg11[%parallel_loop3A_447, %parallel_loop3A_448], %parallel_loop3A_443 {strides = array<i32>} : memref<16x512xf32, #tpu.memory_space<vmem>>, vector<16xf32>,
        %parallel_loop3A_450 = arith.constant 8 : i32
        %parallel_loop3A_451 = vector.broadcast %parallel_loop3A_450 : i32 to vector<16xi32>
        %parallel_loop3A_452 = tpu.vector_load_idx %arg7[%parallel_loop3A_451, %parallel_loop3A_23] : memref<16x4096xf32, #tpu.memory_space<vmem>>[vector<16xi32>, vector<16xi32>], vector<16xf32>,
        %parallel_loop3A_453 = tpu.vector_load_idx %arg7[%parallel_loop3A_451, %parallel_loop3A_29] : memref<16x4096xf32, #tpu.memory_space<vmem>>[vector<16xi32>, vector<16xi32>], vector<16xf32>,
        %parallel_loop3A_454 = tpu.vector_load_idx %arg7[%parallel_loop3A_451, %parallel_loop3A_35] : memref<16x4096xf32, #tpu.memory_space<vmem>>[vector<16xi32>, vector<16xi32>], vector<16xf32>,
        %parallel_loop3A_455 = tpu.vector_load_idx %arg7[%parallel_loop3A_451, %parallel_loop3A_41] : memref<16x4096xf32, #tpu.memory_space<vmem>>[vector<16xi32>, vector<16xi32>], vector<16xf32>,
        %parallel_loop3A_456 = tpu.vector_load_idx %arg7[%parallel_loop3A_451, %parallel_loop3A_47] : memref<16x4096xf32, #tpu.memory_space<vmem>>[vector<16xi32>, vector<16xi32>], vector<16xf32>,
        %parallel_loop3A_457 = tpu.vector_load_idx %arg7[%parallel_loop3A_451, %parallel_loop3A_53] : memref<16x4096xf32, #tpu.memory_space<vmem>>[vector<16xi32>, vector<16xi32>], vector<16xf32>,
        %parallel_loop3A_458 = tpu.vector_load_idx %arg7[%parallel_loop3A_451, %parallel_loop3A_59] : memref<16x4096xf32, #tpu.memory_space<vmem>>[vector<16xi32>, vector<16xi32>], vector<16xf32>,
        %parallel_loop3A_459 = tpu.vector_load_idx %arg7[%parallel_loop3A_451, %parallel_loop3A_65] : memref<16x4096xf32, #tpu.memory_space<vmem>>[vector<16xi32>, vector<16xi32>], vector<16xf32>,
        %parallel_loop3A_460 = tpu.vector_load_idx %arg7[%parallel_loop3A_451, %parallel_loop3A_71] : memref<16x4096xf32, #tpu.memory_space<vmem>>[vector<16xi32>, vector<16xi32>], vector<16xf32>,
        %parallel_loop3A_461 = tpu.vector_load_idx %arg7[%parallel_loop3A_451, %parallel_loop3A_77] : memref<16x4096xf32, #tpu.memory_space<vmem>>[vector<16xi32>, vector<16xi32>], vector<16xf32>,
        %parallel_loop3A_462 = tpu.vector_load_idx %arg7[%parallel_loop3A_451, %parallel_loop3A_83] : memref<16x4096xf32, #tpu.memory_space<vmem>>[vector<16xi32>, vector<16xi32>], vector<16xf32>,
        %parallel_loop3A_463 = tpu.vector_load_idx %arg7[%parallel_loop3A_451, %parallel_loop3A_89] : memref<16x4096xf32, #tpu.memory_space<vmem>>[vector<16xi32>, vector<16xi32>], vector<16xf32>,
        %parallel_loop3A_464 = tpu.vector_load_idx %arg7[%parallel_loop3A_451, %parallel_loop3A_95] : memref<16x4096xf32, #tpu.memory_space<vmem>>[vector<16xi32>, vector<16xi32>], vector<16xf32>,
        %parallel_loop3A_465 = tpu.vector_load_idx %arg7[%parallel_loop3A_451, %parallel_loop3A_101] : memref<16x4096xf32, #tpu.memory_space<vmem>>[vector<16xi32>, vector<16xi32>], vector<16xf32>,
        %parallel_loop3A_466 = tpu.vector_load_idx %arg7[%parallel_loop3A_451, %parallel_loop3A_107] : memref<16x4096xf32, #tpu.memory_space<vmem>>[vector<16xi32>, vector<16xi32>], vector<16xf32>,
        %parallel_loop3A_467 = tpu.vector_load_idx %arg7[%parallel_loop3A_451, %parallel_loop3A_113] : memref<16x4096xf32, #tpu.memory_space<vmem>>[vector<16xi32>, vector<16xi32>], vector<16xf32>,
        %parallel_loop3A_468 = arith.addf %parallel_loop3A_452, %parallel_loop3A_453 : vector<16xf32>
        %parallel_loop3A_469 = arith.addf %parallel_loop3A_454, %parallel_loop3A_455 : vector<16xf32>
        %parallel_loop3A_470 = arith.addf %parallel_loop3A_456, %parallel_loop3A_457 : vector<16xf32>
        %parallel_loop3A_471 = arith.addf %parallel_loop3A_458, %parallel_loop3A_459 : vector<16xf32>
        %parallel_loop3A_472 = arith.addf %parallel_loop3A_460, %parallel_loop3A_461 : vector<16xf32>
        %parallel_loop3A_473 = arith.addf %parallel_loop3A_462, %parallel_loop3A_463 : vector<16xf32>
        %parallel_loop3A_474 = arith.addf %parallel_loop3A_464, %parallel_loop3A_465 : vector<16xf32>
        %parallel_loop3A_475 = arith.addf %parallel_loop3A_466, %parallel_loop3A_467 : vector<16xf32>
        %parallel_loop3A_476 = arith.addf %parallel_loop3A_468, %parallel_loop3A_469 : vector<16xf32>
        %parallel_loop3A_477 = arith.addf %parallel_loop3A_470, %parallel_loop3A_471 : vector<16xf32>
        %parallel_loop3A_478 = arith.addf %parallel_loop3A_472, %parallel_loop3A_473 : vector<16xf32>
        %parallel_loop3A_479 = arith.addf %parallel_loop3A_474, %parallel_loop3A_475 : vector<16xf32>
        %parallel_loop3A_480 = arith.addf %parallel_loop3A_476, %parallel_loop3A_477 : vector<16xf32>
        %parallel_loop3A_481 = arith.addf %parallel_loop3A_478, %parallel_loop3A_479 : vector<16xf32>
        %parallel_loop3A_482 = arith.addf %parallel_loop3A_480, %parallel_loop3A_481 : vector<16xf32>
        %parallel_loop3A_483 = arith.mulf %parallel_loop3A_482, %parallel_loop3A_121 : vector<16xf32>
        %parallel_loop3A_484 = arith.addf %parallel_loop3A_483, %parallel_loop3A_117 : vector<16xf32>
        %parallel_loop3A_485 = arith.constant 16 : i32
        %parallel_loop3A_486 = arith.muli %parallel_loop3A_17, %parallel_loop3A_485 : i32
        %parallel_loop3A_487 = arith.constant 8 : i32
        %parallel_loop3A_488 = arith.index_cast %parallel_loop3A_487 : i32 to index
        %parallel_loop3A_489 = arith.index_cast %parallel_loop3A_486 : i32 to index
        %parallel_loop3A_490 = tpu.vector_load %arg11[%parallel_loop3A_488, %parallel_loop3A_489] {strides = array<i32>} : memref<16x512xf32, #tpu.memory_space<vmem>>, vector<16xf32>,
        tpu.vector_store %arg11[%parallel_loop3A_488, %parallel_loop3A_489], %parallel_loop3A_484 {strides = array<i32>} : memref<16x512xf32, #tpu.memory_space<vmem>>, vector<16xf32>,
        %parallel_loop3A_491 = arith.constant 9 : i32
        %parallel_loop3A_492 = vector.broadcast %parallel_loop3A_491 : i32 to vector<16xi32>
        %parallel_loop3A_493 = tpu.vector_load_idx %arg7[%parallel_loop3A_492, %parallel_loop3A_23] : memref<16x4096xf32, #tpu.memory_space<vmem>>[vector<16xi32>, vector<16xi32>], vector<16xf32>,
        %parallel_loop3A_494 = tpu.vector_load_idx %arg7[%parallel_loop3A_492, %parallel_loop3A_29] : memref<16x4096xf32, #tpu.memory_space<vmem>>[vector<16xi32>, vector<16xi32>], vector<16xf32>,
        %parallel_loop3A_495 = tpu.vector_load_idx %arg7[%parallel_loop3A_492, %parallel_loop3A_35] : memref<16x4096xf32, #tpu.memory_space<vmem>>[vector<16xi32>, vector<16xi32>], vector<16xf32>,
        %parallel_loop3A_496 = tpu.vector_load_idx %arg7[%parallel_loop3A_492, %parallel_loop3A_41] : memref<16x4096xf32, #tpu.memory_space<vmem>>[vector<16xi32>, vector<16xi32>], vector<16xf32>,
        %parallel_loop3A_497 = tpu.vector_load_idx %arg7[%parallel_loop3A_492, %parallel_loop3A_47] : memref<16x4096xf32, #tpu.memory_space<vmem>>[vector<16xi32>, vector<16xi32>], vector<16xf32>,
        %parallel_loop3A_498 = tpu.vector_load_idx %arg7[%parallel_loop3A_492, %parallel_loop3A_53] : memref<16x4096xf32, #tpu.memory_space<vmem>>[vector<16xi32>, vector<16xi32>], vector<16xf32>,
        %parallel_loop3A_499 = tpu.vector_load_idx %arg7[%parallel_loop3A_492, %parallel_loop3A_59] : memref<16x4096xf32, #tpu.memory_space<vmem>>[vector<16xi32>, vector<16xi32>], vector<16xf32>,
        %parallel_loop3A_500 = tpu.vector_load_idx %arg7[%parallel_loop3A_492, %parallel_loop3A_65] : memref<16x4096xf32, #tpu.memory_space<vmem>>[vector<16xi32>, vector<16xi32>], vector<16xf32>,
        %parallel_loop3A_501 = tpu.vector_load_idx %arg7[%parallel_loop3A_492, %parallel_loop3A_71] : memref<16x4096xf32, #tpu.memory_space<vmem>>[vector<16xi32>, vector<16xi32>], vector<16xf32>,
        %parallel_loop3A_502 = tpu.vector_load_idx %arg7[%parallel_loop3A_492, %parallel_loop3A_77] : memref<16x4096xf32, #tpu.memory_space<vmem>>[vector<16xi32>, vector<16xi32>], vector<16xf32>,
        %parallel_loop3A_503 = tpu.vector_load_idx %arg7[%parallel_loop3A_492, %parallel_loop3A_83] : memref<16x4096xf32, #tpu.memory_space<vmem>>[vector<16xi32>, vector<16xi32>], vector<16xf32>,
        %parallel_loop3A_504 = tpu.vector_load_idx %arg7[%parallel_loop3A_492, %parallel_loop3A_89] : memref<16x4096xf32, #tpu.memory_space<vmem>>[vector<16xi32>, vector<16xi32>], vector<16xf32>,
        %parallel_loop3A_505 = tpu.vector_load_idx %arg7[%parallel_loop3A_492, %parallel_loop3A_95] : memref<16x4096xf32, #tpu.memory_space<vmem>>[vector<16xi32>, vector<16xi32>], vector<16xf32>,
        %parallel_loop3A_506 = tpu.vector_load_idx %arg7[%parallel_loop3A_492, %parallel_loop3A_101] : memref<16x4096xf32, #tpu.memory_space<vmem>>[vector<16xi32>, vector<16xi32>], vector<16xf32>,
        %parallel_loop3A_507 = tpu.vector_load_idx %arg7[%parallel_loop3A_492, %parallel_loop3A_107] : memref<16x4096xf32, #tpu.memory_space<vmem>>[vector<16xi32>, vector<16xi32>], vector<16xf32>,
        %parallel_loop3A_508 = tpu.vector_load_idx %arg7[%parallel_loop3A_492, %parallel_loop3A_113] : memref<16x4096xf32, #tpu.memory_space<vmem>>[vector<16xi32>, vector<16xi32>], vector<16xf32>,
        %parallel_loop3A_509 = arith.addf %parallel_loop3A_493, %parallel_loop3A_494 : vector<16xf32>
        %parallel_loop3A_510 = arith.addf %parallel_loop3A_495, %parallel_loop3A_496 : vector<16xf32>
        %parallel_loop3A_511 = arith.addf %parallel_loop3A_497, %parallel_loop3A_498 : vector<16xf32>
        %parallel_loop3A_512 = arith.addf %parallel_loop3A_499, %parallel_loop3A_500 : vector<16xf32>
        %parallel_loop3A_513 = arith.addf %parallel_loop3A_501, %parallel_loop3A_502 : vector<16xf32>
        %parallel_loop3A_514 = arith.addf %parallel_loop3A_503, %parallel_loop3A_504 : vector<16xf32>
        %parallel_loop3A_515 = arith.addf %parallel_loop3A_505, %parallel_loop3A_506 : vector<16xf32>
        %parallel_loop3A_516 = arith.addf %parallel_loop3A_507, %parallel_loop3A_508 : vector<16xf32>
        %parallel_loop3A_517 = arith.addf %parallel_loop3A_509, %parallel_loop3A_510 : vector<16xf32>
        %parallel_loop3A_518 = arith.addf %parallel_loop3A_511, %parallel_loop3A_512 : vector<16xf32>
        %parallel_loop3A_519 = arith.addf %parallel_loop3A_513, %parallel_loop3A_514 : vector<16xf32>
        %parallel_loop3A_520 = arith.addf %parallel_loop3A_515, %parallel_loop3A_516 : vector<16xf32>
        %parallel_loop3A_521 = arith.addf %parallel_loop3A_517, %parallel_loop3A_518 : vector<16xf32>
        %parallel_loop3A_522 = arith.addf %parallel_loop3A_519, %parallel_loop3A_520 : vector<16xf32>
        %parallel_loop3A_523 = arith.addf %parallel_loop3A_521, %parallel_loop3A_522 : vector<16xf32>
        %parallel_loop3A_524 = arith.mulf %parallel_loop3A_523, %parallel_loop3A_121 : vector<16xf32>
        %parallel_loop3A_525 = arith.addf %parallel_loop3A_524, %parallel_loop3A_117 : vector<16xf32>
        %parallel_loop3A_526 = arith.constant 16 : i32
        %parallel_loop3A_527 = arith.muli %parallel_loop3A_17, %parallel_loop3A_526 : i32
        %parallel_loop3A_528 = arith.constant 9 : i32
        %parallel_loop3A_529 = arith.index_cast %parallel_loop3A_528 : i32 to index
        %parallel_loop3A_530 = arith.index_cast %parallel_loop3A_527 : i32 to index
        %parallel_loop3A_531 = tpu.vector_load %arg11[%parallel_loop3A_529, %parallel_loop3A_530] {strides = array<i32>} : memref<16x512xf32, #tpu.memory_space<vmem>>, vector<16xf32>,
        tpu.vector_store %arg11[%parallel_loop3A_529, %parallel_loop3A_530], %parallel_loop3A_525 {strides = array<i32>} : memref<16x512xf32, #tpu.memory_space<vmem>>, vector<16xf32>,
        %parallel_loop3A_532 = arith.constant 10 : i32
        %parallel_loop3A_533 = vector.broadcast %parallel_loop3A_532 : i32 to vector<16xi32>
        %parallel_loop3A_534 = tpu.vector_load_idx %arg7[%parallel_loop3A_533, %parallel_loop3A_23] : memref<16x4096xf32, #tpu.memory_space<vmem>>[vector<16xi32>, vector<16xi32>], vector<16xf32>,
        %parallel_loop3A_535 = tpu.vector_load_idx %arg7[%parallel_loop3A_533, %parallel_loop3A_29] : memref<16x4096xf32, #tpu.memory_space<vmem>>[vector<16xi32>, vector<16xi32>], vector<16xf32>,
        %parallel_loop3A_536 = tpu.vector_load_idx %arg7[%parallel_loop3A_533, %parallel_loop3A_35] : memref<16x4096xf32, #tpu.memory_space<vmem>>[vector<16xi32>, vector<16xi32>], vector<16xf32>,
        %parallel_loop3A_537 = tpu.vector_load_idx %arg7[%parallel_loop3A_533, %parallel_loop3A_41] : memref<16x4096xf32, #tpu.memory_space<vmem>>[vector<16xi32>, vector<16xi32>], vector<16xf32>,
        %parallel_loop3A_538 = tpu.vector_load_idx %arg7[%parallel_loop3A_533, %parallel_loop3A_47] : memref<16x4096xf32, #tpu.memory_space<vmem>>[vector<16xi32>, vector<16xi32>], vector<16xf32>,
        %parallel_loop3A_539 = tpu.vector_load_idx %arg7[%parallel_loop3A_533, %parallel_loop3A_53] : memref<16x4096xf32, #tpu.memory_space<vmem>>[vector<16xi32>, vector<16xi32>], vector<16xf32>,
        %parallel_loop3A_540 = tpu.vector_load_idx %arg7[%parallel_loop3A_533, %parallel_loop3A_59] : memref<16x4096xf32, #tpu.memory_space<vmem>>[vector<16xi32>, vector<16xi32>], vector<16xf32>,
        %parallel_loop3A_541 = tpu.vector_load_idx %arg7[%parallel_loop3A_533, %parallel_loop3A_65] : memref<16x4096xf32, #tpu.memory_space<vmem>>[vector<16xi32>, vector<16xi32>], vector<16xf32>,
        %parallel_loop3A_542 = tpu.vector_load_idx %arg7[%parallel_loop3A_533, %parallel_loop3A_71] : memref<16x4096xf32, #tpu.memory_space<vmem>>[vector<16xi32>, vector<16xi32>], vector<16xf32>,
        %parallel_loop3A_543 = tpu.vector_load_idx %arg7[%parallel_loop3A_533, %parallel_loop3A_77] : memref<16x4096xf32, #tpu.memory_space<vmem>>[vector<16xi32>, vector<16xi32>], vector<16xf32>,
        %parallel_loop3A_544 = tpu.vector_load_idx %arg7[%parallel_loop3A_533, %parallel_loop3A_83] : memref<16x4096xf32, #tpu.memory_space<vmem>>[vector<16xi32>, vector<16xi32>], vector<16xf32>,
        %parallel_loop3A_545 = tpu.vector_load_idx %arg7[%parallel_loop3A_533, %parallel_loop3A_89] : memref<16x4096xf32, #tpu.memory_space<vmem>>[vector<16xi32>, vector<16xi32>], vector<16xf32>,
        %parallel_loop3A_546 = tpu.vector_load_idx %arg7[%parallel_loop3A_533, %parallel_loop3A_95] : memref<16x4096xf32, #tpu.memory_space<vmem>>[vector<16xi32>, vector<16xi32>], vector<16xf32>,
        %parallel_loop3A_547 = tpu.vector_load_idx %arg7[%parallel_loop3A_533, %parallel_loop3A_101] : memref<16x4096xf32, #tpu.memory_space<vmem>>[vector<16xi32>, vector<16xi32>], vector<16xf32>,
        %parallel_loop3A_548 = tpu.vector_load_idx %arg7[%parallel_loop3A_533, %parallel_loop3A_107] : memref<16x4096xf32, #tpu.memory_space<vmem>>[vector<16xi32>, vector<16xi32>], vector<16xf32>,
        %parallel_loop3A_549 = tpu.vector_load_idx %arg7[%parallel_loop3A_533, %parallel_loop3A_113] : memref<16x4096xf32, #tpu.memory_space<vmem>>[vector<16xi32>, vector<16xi32>], vector<16xf32>,
        %parallel_loop3A_550 = arith.addf %parallel_loop3A_534, %parallel_loop3A_535 : vector<16xf32>
        %parallel_loop3A_551 = arith.addf %parallel_loop3A_536, %parallel_loop3A_537 : vector<16xf32>
        %parallel_loop3A_552 = arith.addf %parallel_loop3A_538, %parallel_loop3A_539 : vector<16xf32>
        %parallel_loop3A_553 = arith.addf %parallel_loop3A_540, %parallel_loop3A_541 : vector<16xf32>
        %parallel_loop3A_554 = arith.addf %parallel_loop3A_542, %parallel_loop3A_543 : vector<16xf32>
        %parallel_loop3A_555 = arith.addf %parallel_loop3A_544, %parallel_loop3A_545 : vector<16xf32>
        %parallel_loop3A_556 = arith.addf %parallel_loop3A_546, %parallel_loop3A_547 : vector<16xf32>
        %parallel_loop3A_557 = arith.addf %parallel_loop3A_548, %parallel_loop3A_549 : vector<16xf32>
        %parallel_loop3A_558 = arith.addf %parallel_loop3A_550, %parallel_loop3A_551 : vector<16xf32>
        %parallel_loop3A_559 = arith.addf %parallel_loop3A_552, %parallel_loop3A_553 : vector<16xf32>
        %parallel_loop3A_560 = arith.addf %parallel_loop3A_554, %parallel_loop3A_555 : vector<16xf32>
        %parallel_loop3A_561 = arith.addf %parallel_loop3A_556, %parallel_loop3A_557 : vector<16xf32>
        %parallel_loop3A_562 = arith.addf %parallel_loop3A_558, %parallel_loop3A_559 : vector<16xf32>
        %parallel_loop3A_563 = arith.addf %parallel_loop3A_560, %parallel_loop3A_561 : vector<16xf32>
        %parallel_loop3A_564 = arith.addf %parallel_loop3A_562, %parallel_loop3A_563 : vector<16xf32>
        %parallel_loop3A_565 = arith.mulf %parallel_loop3A_564, %parallel_loop3A_121 : vector<16xf32>
        %parallel_loop3A_566 = arith.addf %parallel_loop3A_565, %parallel_loop3A_117 : vector<16xf32>
        %parallel_loop3A_567 = arith.constant 16 : i32
        %parallel_loop3A_568 = arith.muli %parallel_loop3A_17, %parallel_loop3A_567 : i32
        %parallel_loop3A_569 = arith.constant 10 : i32
        %parallel_loop3A_570 = arith.index_cast %parallel_loop3A_569 : i32 to index
        %parallel_loop3A_571 = arith.index_cast %parallel_loop3A_568 : i32 to index
        %parallel_loop3A_572 = tpu.vector_load %arg11[%parallel_loop3A_570, %parallel_loop3A_571] {strides = array<i32>} : memref<16x512xf32, #tpu.memory_space<vmem>>, vector<16xf32>,
        tpu.vector_store %arg11[%parallel_loop3A_570, %parallel_loop3A_571], %parallel_loop3A_566 {strides = array<i32>} : memref<16x512xf32, #tpu.memory_space<vmem>>, vector<16xf32>,
        %parallel_loop3A_573 = arith.constant 11 : i32
        %parallel_loop3A_574 = vector.broadcast %parallel_loop3A_573 : i32 to vector<16xi32>
        %parallel_loop3A_575 = tpu.vector_load_idx %arg7[%parallel_loop3A_574, %parallel_loop3A_23] : memref<16x4096xf32, #tpu.memory_space<vmem>>[vector<16xi32>, vector<16xi32>], vector<16xf32>,
        %parallel_loop3A_576 = tpu.vector_load_idx %arg7[%parallel_loop3A_574, %parallel_loop3A_29] : memref<16x4096xf32, #tpu.memory_space<vmem>>[vector<16xi32>, vector<16xi32>], vector<16xf32>,
        %parallel_loop3A_577 = tpu.vector_load_idx %arg7[%parallel_loop3A_574, %parallel_loop3A_35] : memref<16x4096xf32, #tpu.memory_space<vmem>>[vector<16xi32>, vector<16xi32>], vector<16xf32>,
        %parallel_loop3A_578 = tpu.vector_load_idx %arg7[%parallel_loop3A_574, %parallel_loop3A_41] : memref<16x4096xf32, #tpu.memory_space<vmem>>[vector<16xi32>, vector<16xi32>], vector<16xf32>,
        %parallel_loop3A_579 = tpu.vector_load_idx %arg7[%parallel_loop3A_574, %parallel_loop3A_47] : memref<16x4096xf32, #tpu.memory_space<vmem>>[vector<16xi32>, vector<16xi32>], vector<16xf32>,
        %parallel_loop3A_580 = tpu.vector_load_idx %arg7[%parallel_loop3A_574, %parallel_loop3A_53] : memref<16x4096xf32, #tpu.memory_space<vmem>>[vector<16xi32>, vector<16xi32>], vector<16xf32>,
        %parallel_loop3A_581 = tpu.vector_load_idx %arg7[%parallel_loop3A_574, %parallel_loop3A_59] : memref<16x4096xf32, #tpu.memory_space<vmem>>[vector<16xi32>, vector<16xi32>], vector<16xf32>,
        %parallel_loop3A_582 = tpu.vector_load_idx %arg7[%parallel_loop3A_574, %parallel_loop3A_65] : memref<16x4096xf32, #tpu.memory_space<vmem>>[vector<16xi32>, vector<16xi32>], vector<16xf32>,
        %parallel_loop3A_583 = tpu.vector_load_idx %arg7[%parallel_loop3A_574, %parallel_loop3A_71] : memref<16x4096xf32, #tpu.memory_space<vmem>>[vector<16xi32>, vector<16xi32>], vector<16xf32>,
        %parallel_loop3A_584 = tpu.vector_load_idx %arg7[%parallel_loop3A_574, %parallel_loop3A_77] : memref<16x4096xf32, #tpu.memory_space<vmem>>[vector<16xi32>, vector<16xi32>], vector<16xf32>,
        %parallel_loop3A_585 = tpu.vector_load_idx %arg7[%parallel_loop3A_574, %parallel_loop3A_83] : memref<16x4096xf32, #tpu.memory_space<vmem>>[vector<16xi32>, vector<16xi32>], vector<16xf32>,
        %parallel_loop3A_586 = tpu.vector_load_idx %arg7[%parallel_loop3A_574, %parallel_loop3A_89] : memref<16x4096xf32, #tpu.memory_space<vmem>>[vector<16xi32>, vector<16xi32>], vector<16xf32>,
        %parallel_loop3A_587 = tpu.vector_load_idx %arg7[%parallel_loop3A_574, %parallel_loop3A_95] : memref<16x4096xf32, #tpu.memory_space<vmem>>[vector<16xi32>, vector<16xi32>], vector<16xf32>,
        %parallel_loop3A_588 = tpu.vector_load_idx %arg7[%parallel_loop3A_574, %parallel_loop3A_101] : memref<16x4096xf32, #tpu.memory_space<vmem>>[vector<16xi32>, vector<16xi32>], vector<16xf32>,
        %parallel_loop3A_589 = tpu.vector_load_idx %arg7[%parallel_loop3A_574, %parallel_loop3A_107] : memref<16x4096xf32, #tpu.memory_space<vmem>>[vector<16xi32>, vector<16xi32>], vector<16xf32>,
        %parallel_loop3A_590 = tpu.vector_load_idx %arg7[%parallel_loop3A_574, %parallel_loop3A_113] : memref<16x4096xf32, #tpu.memory_space<vmem>>[vector<16xi32>, vector<16xi32>], vector<16xf32>,
        %parallel_loop3A_591 = arith.addf %parallel_loop3A_575, %parallel_loop3A_576 : vector<16xf32>
        %parallel_loop3A_592 = arith.addf %parallel_loop3A_577, %parallel_loop3A_578 : vector<16xf32>
        %parallel_loop3A_593 = arith.addf %parallel_loop3A_579, %parallel_loop3A_580 : vector<16xf32>
        %parallel_loop3A_594 = arith.addf %parallel_loop3A_581, %parallel_loop3A_582 : vector<16xf32>
        %parallel_loop3A_595 = arith.addf %parallel_loop3A_583, %parallel_loop3A_584 : vector<16xf32>
        %parallel_loop3A_596 = arith.addf %parallel_loop3A_585, %parallel_loop3A_586 : vector<16xf32>
        %parallel_loop3A_597 = arith.addf %parallel_loop3A_587, %parallel_loop3A_588 : vector<16xf32>
        %parallel_loop3A_598 = arith.addf %parallel_loop3A_589, %parallel_loop3A_590 : vector<16xf32>
        %parallel_loop3A_599 = arith.addf %parallel_loop3A_591, %parallel_loop3A_592 : vector<16xf32>
        %parallel_loop3A_600 = arith.addf %parallel_loop3A_593, %parallel_loop3A_594 : vector<16xf32>
        %parallel_loop3A_601 = arith.addf %parallel_loop3A_595, %parallel_loop3A_596 : vector<16xf32>
        %parallel_loop3A_602 = arith.addf %parallel_loop3A_597, %parallel_loop3A_598 : vector<16xf32>
        %parallel_loop3A_603 = arith.addf %parallel_loop3A_599, %parallel_loop3A_600 : vector<16xf32>
        %parallel_loop3A_604 = arith.addf %parallel_loop3A_601, %parallel_loop3A_602 : vector<16xf32>
        %parallel_loop3A_605 = arith.addf %parallel_loop3A_603, %parallel_loop3A_604 : vector<16xf32>
        %parallel_loop3A_606 = arith.mulf %parallel_loop3A_605, %parallel_loop3A_121 : vector<16xf32>
        %parallel_loop3A_607 = arith.addf %parallel_loop3A_606, %parallel_loop3A_117 : vector<16xf32>
        %parallel_loop3A_608 = arith.constant 16 : i32
        %parallel_loop3A_609 = arith.muli %parallel_loop3A_17, %parallel_loop3A_608 : i32
        %parallel_loop3A_610 = arith.constant 11 : i32
        %parallel_loop3A_611 = arith.index_cast %parallel_loop3A_610 : i32 to index
        %parallel_loop3A_612 = arith.index_cast %parallel_loop3A_609 : i32 to index
        %parallel_loop3A_613 = tpu.vector_load %arg11[%parallel_loop3A_611, %parallel_loop3A_612] {strides = array<i32>} : memref<16x512xf32, #tpu.memory_space<vmem>>, vector<16xf32>,
        tpu.vector_store %arg11[%parallel_loop3A_611, %parallel_loop3A_612], %parallel_loop3A_607 {strides = array<i32>} : memref<16x512xf32, #tpu.memory_space<vmem>>, vector<16xf32>,
        %parallel_loop3A_614 = arith.constant 12 : i32
        %parallel_loop3A_615 = vector.broadcast %parallel_loop3A_614 : i32 to vector<16xi32>
        %parallel_loop3A_616 = tpu.vector_load_idx %arg7[%parallel_loop3A_615, %parallel_loop3A_23] : memref<16x4096xf32, #tpu.memory_space<vmem>>[vector<16xi32>, vector<16xi32>], vector<16xf32>,
        %parallel_loop3A_617 = tpu.vector_load_idx %arg7[%parallel_loop3A_615, %parallel_loop3A_29] : memref<16x4096xf32, #tpu.memory_space<vmem>>[vector<16xi32>, vector<16xi32>], vector<16xf32>,
        %parallel_loop3A_618 = tpu.vector_load_idx %arg7[%parallel_loop3A_615, %parallel_loop3A_35] : memref<16x4096xf32, #tpu.memory_space<vmem>>[vector<16xi32>, vector<16xi32>], vector<16xf32>,
        %parallel_loop3A_619 = tpu.vector_load_idx %arg7[%parallel_loop3A_615, %parallel_loop3A_41] : memref<16x4096xf32, #tpu.memory_space<vmem>>[vector<16xi32>, vector<16xi32>], vector<16xf32>,
        %parallel_loop3A_620 = tpu.vector_load_idx %arg7[%parallel_loop3A_615, %parallel_loop3A_47] : memref<16x4096xf32, #tpu.memory_space<vmem>>[vector<16xi32>, vector<16xi32>], vector<16xf32>,
        %parallel_loop3A_621 = tpu.vector_load_idx %arg7[%parallel_loop3A_615, %parallel_loop3A_53] : memref<16x4096xf32, #tpu.memory_space<vmem>>[vector<16xi32>, vector<16xi32>], vector<16xf32>,
        %parallel_loop3A_622 = tpu.vector_load_idx %arg7[%parallel_loop3A_615, %parallel_loop3A_59] : memref<16x4096xf32, #tpu.memory_space<vmem>>[vector<16xi32>, vector<16xi32>], vector<16xf32>,
        %parallel_loop3A_623 = tpu.vector_load_idx %arg7[%parallel_loop3A_615, %parallel_loop3A_65] : memref<16x4096xf32, #tpu.memory_space<vmem>>[vector<16xi32>, vector<16xi32>], vector<16xf32>,
        %parallel_loop3A_624 = tpu.vector_load_idx %arg7[%parallel_loop3A_615, %parallel_loop3A_71] : memref<16x4096xf32, #tpu.memory_space<vmem>>[vector<16xi32>, vector<16xi32>], vector<16xf32>,
        %parallel_loop3A_625 = tpu.vector_load_idx %arg7[%parallel_loop3A_615, %parallel_loop3A_77] : memref<16x4096xf32, #tpu.memory_space<vmem>>[vector<16xi32>, vector<16xi32>], vector<16xf32>,
        %parallel_loop3A_626 = tpu.vector_load_idx %arg7[%parallel_loop3A_615, %parallel_loop3A_83] : memref<16x4096xf32, #tpu.memory_space<vmem>>[vector<16xi32>, vector<16xi32>], vector<16xf32>,
        %parallel_loop3A_627 = tpu.vector_load_idx %arg7[%parallel_loop3A_615, %parallel_loop3A_89] : memref<16x4096xf32, #tpu.memory_space<vmem>>[vector<16xi32>, vector<16xi32>], vector<16xf32>,
        %parallel_loop3A_628 = tpu.vector_load_idx %arg7[%parallel_loop3A_615, %parallel_loop3A_95] : memref<16x4096xf32, #tpu.memory_space<vmem>>[vector<16xi32>, vector<16xi32>], vector<16xf32>,
        %parallel_loop3A_629 = tpu.vector_load_idx %arg7[%parallel_loop3A_615, %parallel_loop3A_101] : memref<16x4096xf32, #tpu.memory_space<vmem>>[vector<16xi32>, vector<16xi32>], vector<16xf32>,
        %parallel_loop3A_630 = tpu.vector_load_idx %arg7[%parallel_loop3A_615, %parallel_loop3A_107] : memref<16x4096xf32, #tpu.memory_space<vmem>>[vector<16xi32>, vector<16xi32>], vector<16xf32>,
        %parallel_loop3A_631 = tpu.vector_load_idx %arg7[%parallel_loop3A_615, %parallel_loop3A_113] : memref<16x4096xf32, #tpu.memory_space<vmem>>[vector<16xi32>, vector<16xi32>], vector<16xf32>,
        %parallel_loop3A_632 = arith.addf %parallel_loop3A_616, %parallel_loop3A_617 : vector<16xf32>
        %parallel_loop3A_633 = arith.addf %parallel_loop3A_618, %parallel_loop3A_619 : vector<16xf32>
        %parallel_loop3A_634 = arith.addf %parallel_loop3A_620, %parallel_loop3A_621 : vector<16xf32>
        %parallel_loop3A_635 = arith.addf %parallel_loop3A_622, %parallel_loop3A_623 : vector<16xf32>
        %parallel_loop3A_636 = arith.addf %parallel_loop3A_624, %parallel_loop3A_625 : vector<16xf32>
        %parallel_loop3A_637 = arith.addf %parallel_loop3A_626, %parallel_loop3A_627 : vector<16xf32>
        %parallel_loop3A_638 = arith.addf %parallel_loop3A_628, %parallel_loop3A_629 : vector<16xf32>
        %parallel_loop3A_639 = arith.addf %parallel_loop3A_630, %parallel_loop3A_631 : vector<16xf32>
        %parallel_loop3A_640 = arith.addf %parallel_loop3A_632, %parallel_loop3A_633 : vector<16xf32>
        %parallel_loop3A_641 = arith.addf %parallel_loop3A_634, %parallel_loop3A_635 : vector<16xf32>
        %parallel_loop3A_642 = arith.addf %parallel_loop3A_636, %parallel_loop3A_637 : vector<16xf32>
        %parallel_loop3A_643 = arith.addf %parallel_loop3A_638, %parallel_loop3A_639 : vector<16xf32>
        %parallel_loop3A_644 = arith.addf %parallel_loop3A_640, %parallel_loop3A_641 : vector<16xf32>
        %parallel_loop3A_645 = arith.addf %parallel_loop3A_642, %parallel_loop3A_643 : vector<16xf32>
        %parallel_loop3A_646 = arith.addf %parallel_loop3A_644, %parallel_loop3A_645 : vector<16xf32>
        %parallel_loop3A_647 = arith.mulf %parallel_loop3A_646, %parallel_loop3A_121 : vector<16xf32>
        %parallel_loop3A_648 = arith.addf %parallel_loop3A_647, %parallel_loop3A_117 : vector<16xf32>
        %parallel_loop3A_649 = arith.constant 16 : i32
        %parallel_loop3A_650 = arith.muli %parallel_loop3A_17, %parallel_loop3A_649 : i32
        %parallel_loop3A_651 = arith.constant 12 : i32
        %parallel_loop3A_652 = arith.index_cast %parallel_loop3A_651 : i32 to index
        %parallel_loop3A_653 = arith.index_cast %parallel_loop3A_650 : i32 to index
        %parallel_loop3A_654 = tpu.vector_load %arg11[%parallel_loop3A_652, %parallel_loop3A_653] {strides = array<i32>} : memref<16x512xf32, #tpu.memory_space<vmem>>, vector<16xf32>,
        tpu.vector_store %arg11[%parallel_loop3A_652, %parallel_loop3A_653], %parallel_loop3A_648 {strides = array<i32>} : memref<16x512xf32, #tpu.memory_space<vmem>>, vector<16xf32>,
        %parallel_loop3A_655 = arith.constant 13 : i32
        %parallel_loop3A_656 = vector.broadcast %parallel_loop3A_655 : i32 to vector<16xi32>
        %parallel_loop3A_657 = tpu.vector_load_idx %arg7[%parallel_loop3A_656, %parallel_loop3A_23] : memref<16x4096xf32, #tpu.memory_space<vmem>>[vector<16xi32>, vector<16xi32>], vector<16xf32>,
        %parallel_loop3A_658 = tpu.vector_load_idx %arg7[%parallel_loop3A_656, %parallel_loop3A_29] : memref<16x4096xf32, #tpu.memory_space<vmem>>[vector<16xi32>, vector<16xi32>], vector<16xf32>,
        %parallel_loop3A_659 = tpu.vector_load_idx %arg7[%parallel_loop3A_656, %parallel_loop3A_35] : memref<16x4096xf32, #tpu.memory_space<vmem>>[vector<16xi32>, vector<16xi32>], vector<16xf32>,
        %parallel_loop3A_660 = tpu.vector_load_idx %arg7[%parallel_loop3A_656, %parallel_loop3A_41] : memref<16x4096xf32, #tpu.memory_space<vmem>>[vector<16xi32>, vector<16xi32>], vector<16xf32>,
        %parallel_loop3A_661 = tpu.vector_load_idx %arg7[%parallel_loop3A_656, %parallel_loop3A_47] : memref<16x4096xf32, #tpu.memory_space<vmem>>[vector<16xi32>, vector<16xi32>], vector<16xf32>,
        %parallel_loop3A_662 = tpu.vector_load_idx %arg7[%parallel_loop3A_656, %parallel_loop3A_53] : memref<16x4096xf32, #tpu.memory_space<vmem>>[vector<16xi32>, vector<16xi32>], vector<16xf32>,
        %parallel_loop3A_663 = tpu.vector_load_idx %arg7[%parallel_loop3A_656, %parallel_loop3A_59] : memref<16x4096xf32, #tpu.memory_space<vmem>>[vector<16xi32>, vector<16xi32>], vector<16xf32>,
        %parallel_loop3A_664 = tpu.vector_load_idx %arg7[%parallel_loop3A_656, %parallel_loop3A_65] : memref<16x4096xf32, #tpu.memory_space<vmem>>[vector<16xi32>, vector<16xi32>], vector<16xf32>,
        %parallel_loop3A_665 = tpu.vector_load_idx %arg7[%parallel_loop3A_656, %parallel_loop3A_71] : memref<16x4096xf32, #tpu.memory_space<vmem>>[vector<16xi32>, vector<16xi32>], vector<16xf32>,
        %parallel_loop3A_666 = tpu.vector_load_idx %arg7[%parallel_loop3A_656, %parallel_loop3A_77] : memref<16x4096xf32, #tpu.memory_space<vmem>>[vector<16xi32>, vector<16xi32>], vector<16xf32>,
        %parallel_loop3A_667 = tpu.vector_load_idx %arg7[%parallel_loop3A_656, %parallel_loop3A_83] : memref<16x4096xf32, #tpu.memory_space<vmem>>[vector<16xi32>, vector<16xi32>], vector<16xf32>,
        %parallel_loop3A_668 = tpu.vector_load_idx %arg7[%parallel_loop3A_656, %parallel_loop3A_89] : memref<16x4096xf32, #tpu.memory_space<vmem>>[vector<16xi32>, vector<16xi32>], vector<16xf32>,
        %parallel_loop3A_669 = tpu.vector_load_idx %arg7[%parallel_loop3A_656, %parallel_loop3A_95] : memref<16x4096xf32, #tpu.memory_space<vmem>>[vector<16xi32>, vector<16xi32>], vector<16xf32>,
        %parallel_loop3A_670 = tpu.vector_load_idx %arg7[%parallel_loop3A_656, %parallel_loop3A_101] : memref<16x4096xf32, #tpu.memory_space<vmem>>[vector<16xi32>, vector<16xi32>], vector<16xf32>,
        %parallel_loop3A_671 = tpu.vector_load_idx %arg7[%parallel_loop3A_656, %parallel_loop3A_107] : memref<16x4096xf32, #tpu.memory_space<vmem>>[vector<16xi32>, vector<16xi32>], vector<16xf32>,
        %parallel_loop3A_672 = tpu.vector_load_idx %arg7[%parallel_loop3A_656, %parallel_loop3A_113] : memref<16x4096xf32, #tpu.memory_space<vmem>>[vector<16xi32>, vector<16xi32>], vector<16xf32>,
        %parallel_loop3A_673 = arith.addf %parallel_loop3A_657, %parallel_loop3A_658 : vector<16xf32>
        %parallel_loop3A_674 = arith.addf %parallel_loop3A_659, %parallel_loop3A_660 : vector<16xf32>
        %parallel_loop3A_675 = arith.addf %parallel_loop3A_661, %parallel_loop3A_662 : vector<16xf32>
        %parallel_loop3A_676 = arith.addf %parallel_loop3A_663, %parallel_loop3A_664 : vector<16xf32>
        %parallel_loop3A_677 = arith.addf %parallel_loop3A_665, %parallel_loop3A_666 : vector<16xf32>
        %parallel_loop3A_678 = arith.addf %parallel_loop3A_667, %parallel_loop3A_668 : vector<16xf32>
        %parallel_loop3A_679 = arith.addf %parallel_loop3A_669, %parallel_loop3A_670 : vector<16xf32>
        %parallel_loop3A_680 = arith.addf %parallel_loop3A_671, %parallel_loop3A_672 : vector<16xf32>
        %parallel_loop3A_681 = arith.addf %parallel_loop3A_673, %parallel_loop3A_674 : vector<16xf32>
        %parallel_loop3A_682 = arith.addf %parallel_loop3A_675, %parallel_loop3A_676 : vector<16xf32>
        %parallel_loop3A_683 = arith.addf %parallel_loop3A_677, %parallel_loop3A_678 : vector<16xf32>
        %parallel_loop3A_684 = arith.addf %parallel_loop3A_679, %parallel_loop3A_680 : vector<16xf32>
        %parallel_loop3A_685 = arith.addf %parallel_loop3A_681, %parallel_loop3A_682 : vector<16xf32>
        %parallel_loop3A_686 = arith.addf %parallel_loop3A_683, %parallel_loop3A_684 : vector<16xf32>
        %parallel_loop3A_687 = arith.addf %parallel_loop3A_685, %parallel_loop3A_686 : vector<16xf32>
        %parallel_loop3A_688 = arith.mulf %parallel_loop3A_687, %parallel_loop3A_121 : vector<16xf32>
        %parallel_loop3A_689 = arith.addf %parallel_loop3A_688, %parallel_loop3A_117 : vector<16xf32>
        %parallel_loop3A_690 = arith.constant 16 : i32
        %parallel_loop3A_691 = arith.muli %parallel_loop3A_17, %parallel_loop3A_690 : i32
        %parallel_loop3A_692 = arith.constant 13 : i32
        %parallel_loop3A_693 = arith.index_cast %parallel_loop3A_692 : i32 to index
        %parallel_loop3A_694 = arith.index_cast %parallel_loop3A_691 : i32 to index
        %parallel_loop3A_695 = tpu.vector_load %arg11[%parallel_loop3A_693, %parallel_loop3A_694] {strides = array<i32>} : memref<16x512xf32, #tpu.memory_space<vmem>>, vector<16xf32>,
        tpu.vector_store %arg11[%parallel_loop3A_693, %parallel_loop3A_694], %parallel_loop3A_689 {strides = array<i32>} : memref<16x512xf32, #tpu.memory_space<vmem>>, vector<16xf32>,
        %parallel_loop3A_696 = arith.constant 14 : i32
        %parallel_loop3A_697 = vector.broadcast %parallel_loop3A_696 : i32 to vector<16xi32>
        %parallel_loop3A_698 = tpu.vector_load_idx %arg7[%parallel_loop3A_697, %parallel_loop3A_23] : memref<16x4096xf32, #tpu.memory_space<vmem>>[vector<16xi32>, vector<16xi32>], vector<16xf32>,
        %parallel_loop3A_699 = tpu.vector_load_idx %arg7[%parallel_loop3A_697, %parallel_loop3A_29] : memref<16x4096xf32, #tpu.memory_space<vmem>>[vector<16xi32>, vector<16xi32>], vector<16xf32>,
        %parallel_loop3A_700 = tpu.vector_load_idx %arg7[%parallel_loop3A_697, %parallel_loop3A_35] : memref<16x4096xf32, #tpu.memory_space<vmem>>[vector<16xi32>, vector<16xi32>], vector<16xf32>,
        %parallel_loop3A_701 = tpu.vector_load_idx %arg7[%parallel_loop3A_697, %parallel_loop3A_41] : memref<16x4096xf32, #tpu.memory_space<vmem>>[vector<16xi32>, vector<16xi32>], vector<16xf32>,
        %parallel_loop3A_702 = tpu.vector_load_idx %arg7[%parallel_loop3A_697, %parallel_loop3A_47] : memref<16x4096xf32, #tpu.memory_space<vmem>>[vector<16xi32>, vector<16xi32>], vector<16xf32>,
        %parallel_loop3A_703 = tpu.vector_load_idx %arg7[%parallel_loop3A_697, %parallel_loop3A_53] : memref<16x4096xf32, #tpu.memory_space<vmem>>[vector<16xi32>, vector<16xi32>], vector<16xf32>,
        %parallel_loop3A_704 = tpu.vector_load_idx %arg7[%parallel_loop3A_697, %parallel_loop3A_59] : memref<16x4096xf32, #tpu.memory_space<vmem>>[vector<16xi32>, vector<16xi32>], vector<16xf32>,
        %parallel_loop3A_705 = tpu.vector_load_idx %arg7[%parallel_loop3A_697, %parallel_loop3A_65] : memref<16x4096xf32, #tpu.memory_space<vmem>>[vector<16xi32>, vector<16xi32>], vector<16xf32>,
        %parallel_loop3A_706 = tpu.vector_load_idx %arg7[%parallel_loop3A_697, %parallel_loop3A_71] : memref<16x4096xf32, #tpu.memory_space<vmem>>[vector<16xi32>, vector<16xi32>], vector<16xf32>,
        %parallel_loop3A_707 = tpu.vector_load_idx %arg7[%parallel_loop3A_697, %parallel_loop3A_77] : memref<16x4096xf32, #tpu.memory_space<vmem>>[vector<16xi32>, vector<16xi32>], vector<16xf32>,
        %parallel_loop3A_708 = tpu.vector_load_idx %arg7[%parallel_loop3A_697, %parallel_loop3A_83] : memref<16x4096xf32, #tpu.memory_space<vmem>>[vector<16xi32>, vector<16xi32>], vector<16xf32>,
        %parallel_loop3A_709 = tpu.vector_load_idx %arg7[%parallel_loop3A_697, %parallel_loop3A_89] : memref<16x4096xf32, #tpu.memory_space<vmem>>[vector<16xi32>, vector<16xi32>], vector<16xf32>,
        %parallel_loop3A_710 = tpu.vector_load_idx %arg7[%parallel_loop3A_697, %parallel_loop3A_95] : memref<16x4096xf32, #tpu.memory_space<vmem>>[vector<16xi32>, vector<16xi32>], vector<16xf32>,
        %parallel_loop3A_711 = tpu.vector_load_idx %arg7[%parallel_loop3A_697, %parallel_loop3A_101] : memref<16x4096xf32, #tpu.memory_space<vmem>>[vector<16xi32>, vector<16xi32>], vector<16xf32>,
        %parallel_loop3A_712 = tpu.vector_load_idx %arg7[%parallel_loop3A_697, %parallel_loop3A_107] : memref<16x4096xf32, #tpu.memory_space<vmem>>[vector<16xi32>, vector<16xi32>], vector<16xf32>,
        %parallel_loop3A_713 = tpu.vector_load_idx %arg7[%parallel_loop3A_697, %parallel_loop3A_113] : memref<16x4096xf32, #tpu.memory_space<vmem>>[vector<16xi32>, vector<16xi32>], vector<16xf32>,
        %parallel_loop3A_714 = arith.addf %parallel_loop3A_698, %parallel_loop3A_699 : vector<16xf32>
        %parallel_loop3A_715 = arith.addf %parallel_loop3A_700, %parallel_loop3A_701 : vector<16xf32>
        %parallel_loop3A_716 = arith.addf %parallel_loop3A_702, %parallel_loop3A_703 : vector<16xf32>
        %parallel_loop3A_717 = arith.addf %parallel_loop3A_704, %parallel_loop3A_705 : vector<16xf32>
        %parallel_loop3A_718 = arith.addf %parallel_loop3A_706, %parallel_loop3A_707 : vector<16xf32>
        %parallel_loop3A_719 = arith.addf %parallel_loop3A_708, %parallel_loop3A_709 : vector<16xf32>
        %parallel_loop3A_720 = arith.addf %parallel_loop3A_710, %parallel_loop3A_711 : vector<16xf32>
        %parallel_loop3A_721 = arith.addf %parallel_loop3A_712, %parallel_loop3A_713 : vector<16xf32>
        %parallel_loop3A_722 = arith.addf %parallel_loop3A_714, %parallel_loop3A_715 : vector<16xf32>
        %parallel_loop3A_723 = arith.addf %parallel_loop3A_716, %parallel_loop3A_717 : vector<16xf32>
        %parallel_loop3A_724 = arith.addf %parallel_loop3A_718, %parallel_loop3A_719 : vector<16xf32>
        %parallel_loop3A_725 = arith.addf %parallel_loop3A_720, %parallel_loop3A_721 : vector<16xf32>
        %parallel_loop3A_726 = arith.addf %parallel_loop3A_722, %parallel_loop3A_723 : vector<16xf32>
        %parallel_loop3A_727 = arith.addf %parallel_loop3A_724, %parallel_loop3A_725 : vector<16xf32>
        %parallel_loop3A_728 = arith.addf %parallel_loop3A_726, %parallel_loop3A_727 : vector<16xf32>
        %parallel_loop3A_729 = arith.mulf %parallel_loop3A_728, %parallel_loop3A_121 : vector<16xf32>
        %parallel_loop3A_730 = arith.addf %parallel_loop3A_729, %parallel_loop3A_117 : vector<16xf32>
        %parallel_loop3A_731 = arith.constant 16 : i32
        %parallel_loop3A_732 = arith.muli %parallel_loop3A_17, %parallel_loop3A_731 : i32
        %parallel_loop3A_733 = arith.constant 14 : i32
        %parallel_loop3A_734 = arith.index_cast %parallel_loop3A_733 : i32 to index
        %parallel_loop3A_735 = arith.index_cast %parallel_loop3A_732 : i32 to index
        %parallel_loop3A_736 = tpu.vector_load %arg11[%parallel_loop3A_734, %parallel_loop3A_735] {strides = array<i32>} : memref<16x512xf32, #tpu.memory_space<vmem>>, vector<16xf32>,
        tpu.vector_store %arg11[%parallel_loop3A_734, %parallel_loop3A_735], %parallel_loop3A_730 {strides = array<i32>} : memref<16x512xf32, #tpu.memory_space<vmem>>, vector<16xf32>,
        %parallel_loop3A_737 = arith.constant 15 : i32
        %parallel_loop3A_738 = vector.broadcast %parallel_loop3A_737 : i32 to vector<16xi32>
        %parallel_loop3A_739 = tpu.vector_load_idx %arg7[%parallel_loop3A_738, %parallel_loop3A_23] : memref<16x4096xf32, #tpu.memory_space<vmem>>[vector<16xi32>, vector<16xi32>], vector<16xf32>,
        %parallel_loop3A_740 = tpu.vector_load_idx %arg7[%parallel_loop3A_738, %parallel_loop3A_29] : memref<16x4096xf32, #tpu.memory_space<vmem>>[vector<16xi32>, vector<16xi32>], vector<16xf32>,
        %parallel_loop3A_741 = tpu.vector_load_idx %arg7[%parallel_loop3A_738, %parallel_loop3A_35] : memref<16x4096xf32, #tpu.memory_space<vmem>>[vector<16xi32>, vector<16xi32>], vector<16xf32>,
        %parallel_loop3A_742 = tpu.vector_load_idx %arg7[%parallel_loop3A_738, %parallel_loop3A_41] : memref<16x4096xf32, #tpu.memory_space<vmem>>[vector<16xi32>, vector<16xi32>], vector<16xf32>,
        %parallel_loop3A_743 = tpu.vector_load_idx %arg7[%parallel_loop3A_738, %parallel_loop3A_47] : memref<16x4096xf32, #tpu.memory_space<vmem>>[vector<16xi32>, vector<16xi32>], vector<16xf32>,
        %parallel_loop3A_744 = tpu.vector_load_idx %arg7[%parallel_loop3A_738, %parallel_loop3A_53] : memref<16x4096xf32, #tpu.memory_space<vmem>>[vector<16xi32>, vector<16xi32>], vector<16xf32>,
        %parallel_loop3A_745 = tpu.vector_load_idx %arg7[%parallel_loop3A_738, %parallel_loop3A_59] : memref<16x4096xf32, #tpu.memory_space<vmem>>[vector<16xi32>, vector<16xi32>], vector<16xf32>,
        %parallel_loop3A_746 = tpu.vector_load_idx %arg7[%parallel_loop3A_738, %parallel_loop3A_65] : memref<16x4096xf32, #tpu.memory_space<vmem>>[vector<16xi32>, vector<16xi32>], vector<16xf32>,
        %parallel_loop3A_747 = tpu.vector_load_idx %arg7[%parallel_loop3A_738, %parallel_loop3A_71] : memref<16x4096xf32, #tpu.memory_space<vmem>>[vector<16xi32>, vector<16xi32>], vector<16xf32>,
        %parallel_loop3A_748 = tpu.vector_load_idx %arg7[%parallel_loop3A_738, %parallel_loop3A_77] : memref<16x4096xf32, #tpu.memory_space<vmem>>[vector<16xi32>, vector<16xi32>], vector<16xf32>,
        %parallel_loop3A_749 = tpu.vector_load_idx %arg7[%parallel_loop3A_738, %parallel_loop3A_83] : memref<16x4096xf32, #tpu.memory_space<vmem>>[vector<16xi32>, vector<16xi32>], vector<16xf32>,
        %parallel_loop3A_750 = tpu.vector_load_idx %arg7[%parallel_loop3A_738, %parallel_loop3A_89] : memref<16x4096xf32, #tpu.memory_space<vmem>>[vector<16xi32>, vector<16xi32>], vector<16xf32>,
        %parallel_loop3A_751 = tpu.vector_load_idx %arg7[%parallel_loop3A_738, %parallel_loop3A_95] : memref<16x4096xf32, #tpu.memory_space<vmem>>[vector<16xi32>, vector<16xi32>], vector<16xf32>,
        %parallel_loop3A_752 = tpu.vector_load_idx %arg7[%parallel_loop3A_738, %parallel_loop3A_101] : memref<16x4096xf32, #tpu.memory_space<vmem>>[vector<16xi32>, vector<16xi32>], vector<16xf32>,
        %parallel_loop3A_753 = tpu.vector_load_idx %arg7[%parallel_loop3A_738, %parallel_loop3A_107] : memref<16x4096xf32, #tpu.memory_space<vmem>>[vector<16xi32>, vector<16xi32>], vector<16xf32>,
        %parallel_loop3A_754 = tpu.vector_load_idx %arg7[%parallel_loop3A_738, %parallel_loop3A_113] : memref<16x4096xf32, #tpu.memory_space<vmem>>[vector<16xi32>, vector<16xi32>], vector<16xf32>,
        %parallel_loop3A_755 = arith.addf %parallel_loop3A_739, %parallel_loop3A_740 : vector<16xf32>
        %parallel_loop3A_756 = arith.addf %parallel_loop3A_741, %parallel_loop3A_742 : vector<16xf32>
        %parallel_loop3A_757 = arith.addf %parallel_loop3A_743, %parallel_loop3A_744 : vector<16xf32>
        %parallel_loop3A_758 = arith.addf %parallel_loop3A_745, %parallel_loop3A_746 : vector<16xf32>
        %parallel_loop3A_759 = arith.addf %parallel_loop3A_747, %parallel_loop3A_748 : vector<16xf32>
        %parallel_loop3A_760 = arith.addf %parallel_loop3A_749, %parallel_loop3A_750 : vector<16xf32>
        %parallel_loop3A_761 = arith.addf %parallel_loop3A_751, %parallel_loop3A_752 : vector<16xf32>
        %parallel_loop3A_762 = arith.addf %parallel_loop3A_753, %parallel_loop3A_754 : vector<16xf32>
        %parallel_loop3A_763 = arith.addf %parallel_loop3A_755, %parallel_loop3A_756 : vector<16xf32>
        %parallel_loop3A_764 = arith.addf %parallel_loop3A_757, %parallel_loop3A_758 : vector<16xf32>
        %parallel_loop3A_765 = arith.addf %parallel_loop3A_759, %parallel_loop3A_760 : vector<16xf32>
        %parallel_loop3A_766 = arith.addf %parallel_loop3A_761, %parallel_loop3A_762 : vector<16xf32>
        %parallel_loop3A_767 = arith.addf %parallel_loop3A_763, %parallel_loop3A_764 : vector<16xf32>
        %parallel_loop3A_768 = arith.addf %parallel_loop3A_765, %parallel_loop3A_766 : vector<16xf32>
        %parallel_loop3A_769 = arith.addf %parallel_loop3A_767, %parallel_loop3A_768 : vector<16xf32>
        %parallel_loop3A_770 = arith.mulf %parallel_loop3A_769, %parallel_loop3A_121 : vector<16xf32>
        %parallel_loop3A_771 = arith.addf %parallel_loop3A_770, %parallel_loop3A_117 : vector<16xf32>
        %parallel_loop3A_772 = arith.constant 16 : i32
        %parallel_loop3A_773 = arith.muli %parallel_loop3A_17, %parallel_loop3A_772 : i32
        %parallel_loop3A_774 = arith.constant 15 : i32
        %parallel_loop3A_775 = arith.index_cast %parallel_loop3A_774 : i32 to index
        %parallel_loop3A_776 = arith.index_cast %parallel_loop3A_773 : i32 to index
        %parallel_loop3A_777 = tpu.vector_load %arg11[%parallel_loop3A_775, %parallel_loop3A_776] {strides = array<i32>} : memref<16x512xf32, #tpu.memory_space<vmem>>, vector<16xf32>,
        tpu.vector_store %arg11[%parallel_loop3A_775, %parallel_loop3A_776], %parallel_loop3A_771 {strides = array<i32>} : memref<16x512xf32, #tpu.memory_space<vmem>>, vector<16xf32>,
      } {sc.loop_unroll_factor = 2 : i64, sc.parallel_access}
      "tpu.region"() ({
        %run_scoped3A = tpu.sem_alloc : memref<!tpu.dma_semaphore, #tpu.memory_space<semaphore_mem>>
        %dma_start3A = arith.constant 0 : i32
        %dma_start3A_17 = tpu.memref_slice %arg6[%add3A_13, %dma_start3A] : memref<2048x512xf32, #tpu.memory_space<hbm>> -> memref<16x512xf32, #tpu.memory_space<hbm>>
        %dma_start3A_18 = arith.constant 0 : i32
        %dma_start3A_19 = tpu.memref_slice %arg6[%add3A_13, %dma_start3A_18] : memref<2048x512xf32, #tpu.memory_space<hbm>> -> memref<16x512xf32, #tpu.memory_space<hbm>>
        tpu.enqueue_dma source(%arg11 : memref<16x512xf32, #tpu.memory_space<vmem>>) target(%dma_start3A_19 : memref<16x512xf32, #tpu.memory_space<hbm>>) target_semaphore(%run_scoped3A : memref<!tpu.dma_semaphore, #tpu.memory_space<semaphore_mem>>)
        %dma_wait3A = arith.constant 0 : i32
        %dma_wait3A_20 = tpu.memref_slice %arg6[%add3A_13, %dma_wait3A] : memref<2048x512xf32, #tpu.memory_space<hbm>> -> memref<16x512xf32, #tpu.memory_space<hbm>>
        %dma_wait3A_21 = arith.constant 0 : i32
        %dma_wait3A_22 = tpu.memref_slice %arg6[%add3A_13, %dma_wait3A_21] : memref<2048x512xf32, #tpu.memory_space<hbm>> -> memref<16x512xf32, #tpu.memory_space<hbm>>
        tpu.wait_dma2 semaphore(%run_scoped3A : memref<!tpu.dma_semaphore, #tpu.memory_space<semaphore_mem>>) src(%arg11 : memref<16x512xf32, #tpu.memory_space<vmem>>) dst(%dma_wait3A_22 : memref<16x512xf32, #tpu.memory_space<hbm>>)
        tpu.yield
      }) : () -> ()
      %scan3A_16 = arith.constant 0 : i32
      scf.yield %scan3A_16 : i32
    }
    %scan3A_6 = arith.constant 4 : i32
    return
  }
}

module attributes {stable_mosaic.version = 14 : i64} {
  func.func @_pqa_body(%arg0: i32, %arg1: memref<2048x128xbf16, #tpu.memory_space<vmem>>, %arg2: memref<1x256x128xf32, #tpu.memory_space<vmem>>, %arg3: memref<1x32xf32, #tpu.memory_space<vmem>>, %arg4: memref<1x1x32xi32, #tpu.memory_space<vmem>>, %arg5: memref<1x4096xi32, #tpu.memory_space<vmem>>, %arg6: memref<1x4096xf32, #tpu.memory_space<vmem>>, %arg7: memref<2048x256xf32, #tpu.memory_space<vmem>>, %arg8: memref<1x4096xf32, #tpu.memory_space<vmem>>, %arg9: memref<1x4096xf32, #tpu.memory_space<vmem>>, %arg10: memref<2048x32xf32, #tpu.memory_space<vmem>>) attributes {dimension_semantics = [#tpu.dimension_semantics<arbitrary>], iteration_bounds = array<i64: 16>, scalar_prefetch = 0 : i64, scratch_operands = 1 : i64, tpu.core_type = #tpu.core_type<tc>, window_params = [{transform_indices = @transform_0, window_bounds = array<i64: 2048, 128>}, {transform_indices = @transform_1, window_bounds = array<i64: 1, 256, 128>}, {pipeline_mode = #tpu.pipeline_mode<synchronous>, transform_indices = @transform_2, window_bounds = array<i64: 1, 32>}, {transform_indices = @transform_3, window_bounds = array<i64: 1, 1, 32>}, {pipeline_mode = #tpu.pipeline_mode<synchronous>, transform_indices = @transform_4, window_bounds = array<i64: 1, 4096>}, {pipeline_mode = #tpu.pipeline_mode<synchronous>, transform_indices = @transform_5, window_bounds = array<i64: 1, 4096>}, {transform_indices = @transform_6, window_bounds = array<i64: 2048, 256>}, {pipeline_mode = #tpu.pipeline_mode<synchronous>, transform_indices = @transform_7, window_bounds = array<i64: 1, 4096>}, {pipeline_mode = #tpu.pipeline_mode<synchronous>, transform_indices = @transform_8, window_bounds = array<i64: 1, 4096>}]} {
    %get3A = arith.constant 0 : index
    %get3A_0 = arith.constant 0 : index
    %get3A_1 = vector.load %arg1[%get3A, %get3A_0] : memref<2048x128xbf16, #tpu.memory_space<vmem>>, vector<2048x128xbf16>
    %get3A_2 = arith.constant 0 : index
    %get3A_3 = arith.constant 0 : index
    %get3A_4 = arith.constant 0 : index
    %get3A_5 = vector.load %arg2[%get3A_2, %get3A_3, %get3A_4] : memref<1x256x128xf32, #tpu.memory_space<vmem>>, vector<1x256x128xf32>
    %get3A_6 = vector.shape_cast %get3A_5 : vector<1x256x128xf32> to vector<256x128xf32>
    %convert_element_type3A = arith.truncf %get3A_6 : vector<256x128xf32> to vector<256x128xbf16>
    %dot_general3A = arith.constant dense<0.000000e+00> : vector<2048x256xf32>
    %dot_general3A_7 = tpu.matmul %get3A_1, %convert_element_type3A, %dot_general3A {dimension_numbers = #tpu.dot_dimension_numbers<[1], [1], [0], [0], [0, 0, 1, 0], [], []>, transpose_lhs_hint = false} : vector<2048x128xbf16>, vector<256x128xbf16>, vector<2048x256xf32> -> vector<2048x256xf32>
    %swap3A = arith.constant 0 : index
    %swap3A_8 = arith.constant 0 : index
    %swap3A_9 = vector.load %arg7[%swap3A, %swap3A_8] : memref<2048x256xf32, #tpu.memory_space<vmem>>, vector<2048x256xf32>
    tpu.vector_store %arg7[%swap3A, %swap3A_8], %dot_general3A_7 {strides = array<i32>} : memref<2048x256xf32, #tpu.memory_space<vmem>>, vector<2048x256xf32>,
    %get3A_10 = arith.constant 0 : index
    %get3A_11 = arith.constant 0 : index
    %get3A_12 = arith.constant 0 : index
    %get3A_13 = vector.load %arg4[%get3A_10, %get3A_11, %get3A_12] : memref<1x1x32xi32, #tpu.memory_space<vmem>>, vector<1x1x32xi32>
    %get3A_14 = vector.shape_cast %get3A_13 : vector<1x1x32xi32> to vector<1x32xi32>
    %iota3A = tpu.iota {dimensions = array<i32: 1>} : vector<32x256xi32>
    %squeeze3A = vector.shape_cast %get3A_14 : vector<1x32xi32> to vector<32xi32>
    %broadcast_in_dim3A = vector.shape_cast %squeeze3A : vector<32xi32> to vector<32x1xi32>
    %eq3A = vector.broadcast %broadcast_in_dim3A : vector<32x1xi32> to vector<32x256xi32>
    %eq3A_15 = arith.cmpi eq, %eq3A, %iota3A : vector<32x256xi32>
    %convert_element_type3A_16 = arith.extui %eq3A_15 : vector<32x256xi1> to vector<32x256xi32>
    %convert_element_type3A_17 = arith.sitofp %convert_element_type3A_16 : vector<32x256xi32> to vector<32x256xf32>
    %convert_element_type3A_18 = arith.truncf %convert_element_type3A_17 : vector<32x256xf32> to vector<32x256xbf16>
    %convert_element_type3A_19 = arith.truncf %dot_general3A_7 : vector<2048x256xf32> to vector<2048x256xbf16>
    %dot_general3A_20 = arith.constant dense<0.000000e+00> : vector<2048x32xf32>
    %dot_general3A_21 = tpu.matmul %convert_element_type3A_19, %convert_element_type3A_18, %dot_general3A_20 {dimension_numbers = #tpu.dot_dimension_numbers<[1], [1], [0], [0], [0, 0, 1, 0], [], []>, transpose_lhs_hint = false} : vector<2048x256xbf16>, vector<32x256xbf16>, vector<2048x32xf32> -> vector<2048x32xf32>
    %eq3A_22 = arith.constant 0 : i32
    %eq3A_23 = arith.cmpi eq, %arg0, %eq3A_22 : i32
    %convert_element_type3A_24 = arith.extui %eq3A_23 : i1 to i32
    %cond3A = arith.constant 0 : i32
    %cond3A_25 = arith.cmpi ne, %convert_element_type3A_24, %cond3A : i32
    scf.if %cond3A_25 {
      %broadcast_in_dim3A_37 = arith.constant 0.000000e+00 : f32
      %broadcast_in_dim3A_38 = vector.broadcast %broadcast_in_dim3A_37 : f32 to vector<2048x32xf32>
      %swap3A_39 = arith.constant 0 : index
      %swap3A_40 = arith.constant 0 : index
      %swap3A_41 = vector.load %arg10[%swap3A_39, %swap3A_40] : memref<2048x32xf32, #tpu.memory_space<vmem>>, vector<2048x32xf32>
      tpu.vector_store %arg10[%swap3A_39, %swap3A_40], %broadcast_in_dim3A_38 {strides = array<i32>} : memref<2048x32xf32, #tpu.memory_space<vmem>>, vector<2048x32xf32>,
    } else {
    }
    %get3A_26 = arith.constant 0 : index
    %get3A_27 = arith.constant 0 : index
    %get3A_28 = vector.load %arg10[%get3A_26, %get3A_27] : memref<2048x32xf32, #tpu.memory_space<vmem>>, vector<2048x32xf32>
    %add3A = arith.addf %get3A_28, %dot_general3A_21 : vector<2048x32xf32>
    %swap3A_29 = arith.constant 0 : index
    %swap3A_30 = arith.constant 0 : index
    %swap3A_31 = vector.load %arg10[%swap3A_29, %swap3A_30] : memref<2048x32xf32, #tpu.memory_space<vmem>>, vector<2048x32xf32>
    tpu.vector_store %arg10[%swap3A_29, %swap3A_30], %add3A {strides = array<i32>} : memref<2048x32xf32, #tpu.memory_space<vmem>>, vector<2048x32xf32>,
    %eq3A_32 = arith.constant 15 : i32
    %eq3A_33 = arith.cmpi eq, %arg0, %eq3A_32 : i32
    %convert_element_type3A_34 = arith.extui %eq3A_33 : i1 to i32
    %cond3A_35 = arith.constant 0 : i32
    %cond3A_36 = arith.cmpi ne, %convert_element_type3A_34, %cond3A_35 : i32
    scf.if %cond3A_36 {
      %get3A_37 = arith.constant 0 : index
      %get3A_38 = arith.constant 0 : index
      %get3A_39 = vector.load %arg10[%get3A_37, %get3A_38] : memref<2048x32xf32, #tpu.memory_space<vmem>>, vector<2048x32xf32>
      %reduce_sum3A = arith.constant dense<0.000000e+00> : vector<2048xf32>
      %reduce_sum3A_40 = vector.multi_reduction <add>, %get3A_39, %reduce_sum3A [1] : vector<2048x32xf32> to vector<2048xf32>
      %broadcast_in_dim3A_41 = vector.shape_cast %reduce_sum3A_40 : vector<2048xf32> to vector<2048x1xf32>
      %div3A = arith.constant 3.200000e+01 : f32
      %div3A_42 = vector.broadcast %div3A : f32 to vector<2048x1xf32>
      %div3A_43 = arith.divf %broadcast_in_dim3A_41, %div3A_42 : vector<2048x1xf32>
      %sub3A = vector.broadcast %div3A_43 : vector<2048x1xf32> to vector<2048x32xf32>
      %sub3A_44 = arith.subf %get3A_39, %sub3A : vector<2048x32xf32>
      %integer_pow3A = arith.mulf %sub3A_44, %sub3A_44 : vector<2048x32xf32>
      %reduce_sum3A_45 = arith.constant dense<0.000000e+00> : vector<2048xf32>
      %reduce_sum3A_46 = vector.multi_reduction <add>, %integer_pow3A, %reduce_sum3A_45 [1] : vector<2048x32xf32> to vector<2048xf32>
      %broadcast_in_dim3A_47 = vector.shape_cast %reduce_sum3A_46 : vector<2048xf32> to vector<2048x1xf32>
      %div3A_48 = arith.constant 3.200000e+01 : f32
      %div3A_49 = vector.broadcast %div3A_48 : f32 to vector<2048x1xf32>
      %div3A_50 = arith.divf %broadcast_in_dim3A_47, %div3A_49 : vector<2048x1xf32>
      %sub3A_51 = vector.broadcast %div3A_43 : vector<2048x1xf32> to vector<2048x32xf32>
      %sub3A_52 = arith.subf %get3A_39, %sub3A_51 : vector<2048x32xf32>
      %add3A_53 = arith.constant 9.99999974E-6 : f32
      %add3A_54 = vector.broadcast %add3A_53 : f32 to vector<2048x1xf32>
      %add3A_55 = arith.addf %div3A_50, %add3A_54 : vector<2048x1xf32>
      %rsqrt3A = math.rsqrt %add3A_55 : vector<2048x1xf32>
      %mul3A = vector.broadcast %rsqrt3A : vector<2048x1xf32> to vector<2048x32xf32>
      %mul3A_56 = arith.mulf %sub3A_52, %mul3A : vector<2048x32xf32>
      %get3A_57 = arith.constant 0 : index
      %get3A_58 = arith.constant 0 : index
      %get3A_59 = vector.load %arg3[%get3A_57, %get3A_58] : memref<1x32xf32, #tpu.memory_space<vmem>>, vector<1x32xf32>
      %mul3A_60 = vector.broadcast %get3A_59 : vector<1x32xf32> to vector<2048x32xf32>
      %mul3A_61 = arith.mulf %mul3A_56, %mul3A_60 : vector<2048x32xf32>
      %reduce_max3A = arith.constant dense<0xFF800000> : vector<2048xf32>
      %reduce_max3A_62 = vector.multi_reduction <maximumf>, %mul3A_61, %reduce_max3A [1] : vector<2048x32xf32> to vector<2048xf32>
      %broadcast_in_dim3A_63 = vector.shape_cast %reduce_max3A_62 : vector<2048xf32> to vector<2048x1xf32>
      %iota3A_64 = tpu.iota {dimensions = array<i32: 1>} : vector<2048x32xi32>
      %ge3A = vector.broadcast %broadcast_in_dim3A_63 : vector<2048x1xf32> to vector<2048x32xf32>
      %ge3A_65 = arith.cmpf oge, %mul3A_61, %ge3A : vector<2048x32xf32>
      %jit3A = arith.constant 32 : i32
      %broadcast_in_dim3A_66 = vector.broadcast %jit3A : i32 to vector<2048x32xi32>
      %select_n3A = arith.select %ge3A_65, %iota3A_64, %broadcast_in_dim3A_66 : vector<2048x32xi1>, vector<2048x32xi32>
      %reduce_min3A = arith.constant dense<2147483647> : vector<2048xi32>
      %reduce_min3A_67 = vector.multi_reduction <minsi>, %select_n3A, %reduce_min3A [1] : vector<2048x32xi32> to vector<2048xi32>
      %broadcast_in_dim3A_68 = vector.shape_cast %reduce_min3A_67 : vector<2048xi32> to vector<2048x1xi32>
      %eq3A_69 = vector.broadcast %broadcast_in_dim3A_68 : vector<2048x1xi32> to vector<2048x32xi32>
      %eq3A_70 = arith.cmpi eq, %eq3A_69, %iota3A_64 : vector<2048x32xi32>
      %convert_element_type3A_71 = arith.extui %eq3A_70 : vector<2048x32xi1> to vector<2048x32xi32>
      %convert_element_type3A_72 = arith.sitofp %convert_element_type3A_71 : vector<2048x32xi32> to vector<2048x32xf32>
      %reduce_max3A_73 = arith.constant dense<0xFF800000> : vector<32xf32>
      %reduce_max3A_74 = vector.multi_reduction <maximumf>, %convert_element_type3A_72, %reduce_max3A_73 [0] : vector<2048x32xf32> to vector<32xf32>
      %broadcast_in_dim3A_75 = vector.shape_cast %reduce_max3A_74 : vector<32xf32> to vector<1x32xf32>
      %get3A_76 = arith.constant 0 : index
      %get3A_77 = arith.constant 0 : index
      %get3A_78 = vector.load %arg5[%get3A_76, %get3A_77] : memref<1x4096xi32, #tpu.memory_space<vmem>>, vector<1x4096xi32>
      %iota3A_79 = tpu.iota {dimensions = array<i32: 0>} : vector<32x4096xi32>
      %eq3A_80 = vector.broadcast %get3A_78 : vector<1x4096xi32> to vector<32x4096xi32>
      %eq3A_81 = arith.cmpi eq, %eq3A_80, %iota3A_79 : vector<32x4096xi32>
      %convert_element_type3A_82 = arith.extui %eq3A_81 : vector<32x4096xi1> to vector<32x4096xi32>
      %convert_element_type3A_83 = arith.sitofp %convert_element_type3A_82 : vector<32x4096xi32> to vector<32x4096xf32>
      %reshape3A = vector.shape_cast %broadcast_in_dim3A_75 : vector<1x32xf32> to vector<32x1xf32>
      %mul3A_84 = vector.broadcast %reshape3A : vector<32x1xf32> to vector<32x4096xf32>
      %mul3A_85 = arith.mulf %convert_element_type3A_83, %mul3A_84 : vector<32x4096xf32>
      %reduce_max3A_86 = arith.constant dense<0xFF800000> : vector<4096xf32>
      %reduce_max3A_87 = vector.multi_reduction <maximumf>, %mul3A_85, %reduce_max3A_86 [0] : vector<32x4096xf32> to vector<4096xf32>
      %broadcast_in_dim3A_88 = vector.shape_cast %reduce_max3A_87 : vector<4096xf32> to vector<1x4096xf32>
      %swap3A_89 = arith.constant 0 : index
      %swap3A_90 = arith.constant 0 : index
      %swap3A_91 = vector.load %arg8[%swap3A_89, %swap3A_90] : memref<1x4096xf32, #tpu.memory_space<vmem>>, vector<1x4096xf32>
      tpu.vector_store %arg8[%swap3A_89, %swap3A_90], %broadcast_in_dim3A_88 {strides = array<i32>} : memref<1x4096xf32, #tpu.memory_space<vmem>>, vector<1x4096xf32>,
      %get3A_92 = arith.constant 0 : index
      %get3A_93 = arith.constant 0 : index
      %get3A_94 = vector.load %arg6[%get3A_92, %get3A_93] : memref<1x4096xf32, #tpu.memory_space<vmem>>, vector<1x4096xf32>
      %mul3A_95 = arith.mulf %broadcast_in_dim3A_88, %get3A_94 : vector<1x4096xf32>
      %swap3A_96 = arith.constant 0 : index
      %swap3A_97 = arith.constant 0 : index
      %swap3A_98 = vector.load %arg9[%swap3A_96, %swap3A_97] : memref<1x4096xf32, #tpu.memory_space<vmem>>, vector<1x4096xf32>
      tpu.vector_store %arg9[%swap3A_96, %swap3A_97], %mul3A_95 {strides = array<i32>} : memref<1x4096xf32, #tpu.memory_space<vmem>>, vector<1x4096xf32>,
    } else {
    }
    return
  }
  func.func @transform_0(%arg0: i32) -> (i32, i32) {
    %c0_i32 = arith.constant 0 : i32
    %c0_i32_0 = arith.constant 0 : i32
    return %c0_i32, %arg0 : i32, i32
  }
  func.func @transform_1(%arg0: i32) -> (i32, i32, i32) {
    %c0_i32 = arith.constant 0 : i32
    %c0_i32_0 = arith.constant 0 : i32
    %c0_i32_1 = arith.constant 0 : i32
    return %arg0, %c0_i32, %c0_i32_0 : i32, i32, i32
  }
  func.func @transform_2(%arg0: i32) -> (i32, i32) {
    %c0_i32 = arith.constant 0 : i32
    %c0_i32_0 = arith.constant 0 : i32
    %c0_i32_1 = arith.constant 0 : i32
    return %c0_i32, %c0_i32_0 : i32, i32
  }
  func.func @transform_3(%arg0: i32) -> (i32, i32, i32) {
    %c0_i32 = arith.constant 0 : i32
    %c0_i32_0 = arith.constant 0 : i32
    %c0_i32_1 = arith.constant 0 : i32
    return %arg0, %c0_i32, %c0_i32_0 : i32, i32, i32
  }
  func.func @transform_4(%arg0: i32) -> (i32, i32) {
    %c0_i32 = arith.constant 0 : i32
    %c0_i32_0 = arith.constant 0 : i32
    %c0_i32_1 = arith.constant 0 : i32
    return %c0_i32, %c0_i32_0 : i32, i32
  }
  func.func @transform_5(%arg0: i32) -> (i32, i32) {
    %c0_i32 = arith.constant 0 : i32
    %c0_i32_0 = arith.constant 0 : i32
    %c0_i32_1 = arith.constant 0 : i32
    return %c0_i32, %c0_i32_0 : i32, i32
  }
  func.func @transform_6(%arg0: i32) -> (i32, i32) {
    %c0_i32 = arith.constant 0 : i32
    %c0_i32_0 = arith.constant 0 : i32
    return %c0_i32, %arg0 : i32, i32
  }
  func.func @transform_7(%arg0: i32) -> (i32, i32) {
    %c0_i32 = arith.constant 0 : i32
    %c0_i32_0 = arith.constant 0 : i32
    %c0_i32_1 = arith.constant 0 : i32
    return %c0_i32, %c0_i32_0 : i32, i32
  }
  func.func @transform_8(%arg0: i32) -> (i32, i32) {
    %c0_i32 = arith.constant 0 : i32
    %c0_i32_0 = arith.constant 0 : i32
    %c0_i32_1 = arith.constant 0 : i32
    return %c0_i32, %c0_i32_0 : i32, i32
  }
}

module attributes {stable_mosaic.version = 14 : i64} {
  func.func @_main_body(%arg0: i32, %arg1: memref<16x3584xi32, #tpu.memory_space<vmem>>, %arg2: memref<256x2048xbf16, #tpu.memory_space<vmem>>, %arg3: memref<1x3584xf32, #tpu.memory_space<vmem>>, %arg4: memref<1x3584xf32, #tpu.memory_space<vmem>>, %arg5: memref<16x256x128xf32, #tpu.memory_space<vmem>>, %arg6: memref<256x3584xf32, #tpu.memory_space<vmem>>, %arg7: memref<3584x2048xbf16, #tpu.memory_space<vmem>>) attributes {dimension_semantics = [#tpu.dimension_semantics<arbitrary>], iteration_bounds = array<i64: 8>, scalar_prefetch = 0 : i64, scratch_operands = 1 : i64, tpu.core_type = #tpu.core_type<tc>, window_params = [{pipeline_mode = #tpu.pipeline_mode<synchronous>, transform_indices = @transform_0, window_bounds = array<i64: 16, 3584>}, {transform_indices = @transform_1, window_bounds = array<i64: 256, 2048>}, {pipeline_mode = #tpu.pipeline_mode<synchronous>, transform_indices = @transform_2, window_bounds = array<i64: 1, 3584>}, {pipeline_mode = #tpu.pipeline_mode<synchronous>, transform_indices = @transform_3, window_bounds = array<i64: 1, 3584>}, {pipeline_mode = #tpu.pipeline_mode<synchronous>, transform_indices = @transform_4, window_bounds = array<i64: 16, 256, 128>}, {transform_indices = @transform_5, window_bounds = array<i64: 256, 3584>}]} {
    %eq3A = arith.constant 0 : i32
    %eq3A_0 = arith.cmpi eq, %arg0, %eq3A : i32
    %convert_element_type3A = arith.extui %eq3A_0 : i1 to i32
    %cond3A = arith.constant 0 : i32
    %cond3A_1 = arith.cmpi ne, %convert_element_type3A, %cond3A : i32
    scf.if %cond3A_1 {
      %get3A_18 = arith.constant 0 : index
      %get3A_19 = arith.constant 0 : index
      %get3A_20 = arith.constant 0 : index
      %get3A_21 = vector.load %arg5[%get3A_18, %get3A_19, %get3A_20] : memref<16x256x128xf32, #tpu.memory_space<vmem>>, vector<16x256x128xf32>
      %iota3A = tpu.iota {dimensions = array<i32: 1>} : vector<512x256xi32>
      %get3A_22 = arith.constant 0 : index
      %get3A_23 = arith.constant 0 : index
      %get3A_24 = vector.load %arg1[%get3A_22, %get3A_23] : memref<16x3584xi32, #tpu.memory_space<vmem>>, vector<16x512xi32>
      %slice3A = vector.extract_strided_slice %get3A_24 {offsets = [0, 0], sizes = [1, 512], strides = [1, 1]} : vector<16x512xi32> to vector<1x512xi32>
      %squeeze3A = vector.shape_cast %slice3A : vector<1x512xi32> to vector<512xi32>
      %broadcast_in_dim3A = vector.shape_cast %squeeze3A : vector<512xi32> to vector<512x1xi32>
      %eq3A_25 = vector.broadcast %broadcast_in_dim3A : vector<512x1xi32> to vector<512x256xi32>
      %eq3A_26 = arith.cmpi eq, %eq3A_25, %iota3A : vector<512x256xi32>
      %convert_element_type3A_27 = arith.extui %eq3A_26 : vector<512x256xi1> to vector<512x256xi32>
      %convert_element_type3A_28 = arith.sitofp %convert_element_type3A_27 : vector<512x256xi32> to vector<512x256xf32>
      %convert_element_type3A_29 = arith.truncf %convert_element_type3A_28 : vector<512x256xf32> to vector<512x256xbf16>
      %slice3A_30 = vector.extract_strided_slice %get3A_21 {offsets = [0, 0, 0], sizes = [1, 256, 128], strides = [1, 1, 1]} : vector<16x256x128xf32> to vector<1x256x128xf32>
      %squeeze3A_31 = vector.shape_cast %slice3A_30 : vector<1x256x128xf32> to vector<256x128xf32>
      %dot_general3A_32 = arith.constant dense<0.000000e+00> : vector<512x128xf32>
      %dot_general3A_33 = tpu.matmul %convert_element_type3A_29, %squeeze3A_31, %dot_general3A_32 {dimension_numbers = #tpu.dot_dimension_numbers<[1], [0], [0], [1], [0, 0, 1, 1], [], []>, transpose_lhs_hint = false} : vector<512x256xbf16>, vector<256x128xf32>, vector<512x128xf32> -> vector<512x128xf32>
      %convert_element_type3A_34 = arith.truncf %dot_general3A_33 : vector<512x128xf32> to vector<512x128xbf16>
      %swap3A_35 = arith.constant 0 : index
      %swap3A_36 = arith.constant 0 : index
      %swap3A_37 = vector.load %arg7[%swap3A_35, %swap3A_36] : memref<3584x2048xbf16, #tpu.memory_space<vmem>>, vector<512x128xbf16>
      tpu.vector_store %arg7[%swap3A_35, %swap3A_36], %convert_element_type3A_34 {strides = array<i32>} : memref<3584x2048xbf16, #tpu.memory_space<vmem>>, vector<512x128xbf16>,
      %slice3A_38 = vector.extract_strided_slice %get3A_24 {offsets = [1, 0], sizes = [1, 512], strides = [1, 1]} : vector<16x512xi32> to vector<1x512xi32>
      %squeeze3A_39 = vector.shape_cast %slice3A_38 : vector<1x512xi32> to vector<512xi32>
      %broadcast_in_dim3A_40 = vector.shape_cast %squeeze3A_39 : vector<512xi32> to vector<512x1xi32>
      %eq3A_41 = vector.broadcast %broadcast_in_dim3A_40 : vector<512x1xi32> to vector<512x256xi32>
      %eq3A_42 = arith.cmpi eq, %eq3A_41, %iota3A : vector<512x256xi32>
      %convert_element_type3A_43 = arith.extui %eq3A_42 : vector<512x256xi1> to vector<512x256xi32>
      %convert_element_type3A_44 = arith.sitofp %convert_element_type3A_43 : vector<512x256xi32> to vector<512x256xf32>
      %convert_element_type3A_45 = arith.truncf %convert_element_type3A_44 : vector<512x256xf32> to vector<512x256xbf16>
      %slice3A_46 = vector.extract_strided_slice %get3A_21 {offsets = [1, 0, 0], sizes = [1, 256, 128], strides = [1, 1, 1]} : vector<16x256x128xf32> to vector<1x256x128xf32>
      %squeeze3A_47 = vector.shape_cast %slice3A_46 : vector<1x256x128xf32> to vector<256x128xf32>
      %dot_general3A_48 = arith.constant dense<0.000000e+00> : vector<512x128xf32>
      %dot_general3A_49 = tpu.matmul %convert_element_type3A_45, %squeeze3A_47, %dot_general3A_48 {dimension_numbers = #tpu.dot_dimension_numbers<[1], [0], [0], [1], [0, 0, 1, 1], [], []>, transpose_lhs_hint = false} : vector<512x256xbf16>, vector<256x128xf32>, vector<512x128xf32> -> vector<512x128xf32>
      %convert_element_type3A_50 = arith.truncf %dot_general3A_49 : vector<512x128xf32> to vector<512x128xbf16>
      %swap3A_51 = arith.constant 0 : index
      %swap3A_52 = arith.constant 128 : index
      %swap3A_53 = vector.load %arg7[%swap3A_51, %swap3A_52] : memref<3584x2048xbf16, #tpu.memory_space<vmem>>, vector<512x128xbf16>
      tpu.vector_store %arg7[%swap3A_51, %swap3A_52], %convert_element_type3A_50 {strides = array<i32>} : memref<3584x2048xbf16, #tpu.memory_space<vmem>>, vector<512x128xbf16>,
      %slice3A_54 = vector.extract_strided_slice %get3A_24 {offsets = [2, 0], sizes = [1, 512], strides = [1, 1]} : vector<16x512xi32> to vector<1x512xi32>
      %squeeze3A_55 = vector.shape_cast %slice3A_54 : vector<1x512xi32> to vector<512xi32>
      %broadcast_in_dim3A_56 = vector.shape_cast %squeeze3A_55 : vector<512xi32> to vector<512x1xi32>
      %eq3A_57 = vector.broadcast %broadcast_in_dim3A_56 : vector<512x1xi32> to vector<512x256xi32>
      %eq3A_58 = arith.cmpi eq, %eq3A_57, %iota3A : vector<512x256xi32>
      %convert_element_type3A_59 = arith.extui %eq3A_58 : vector<512x256xi1> to vector<512x256xi32>
      %convert_element_type3A_60 = arith.sitofp %convert_element_type3A_59 : vector<512x256xi32> to vector<512x256xf32>
      %convert_element_type3A_61 = arith.truncf %convert_element_type3A_60 : vector<512x256xf32> to vector<512x256xbf16>
      %slice3A_62 = vector.extract_strided_slice %get3A_21 {offsets = [2, 0, 0], sizes = [1, 256, 128], strides = [1, 1, 1]} : vector<16x256x128xf32> to vector<1x256x128xf32>
      %squeeze3A_63 = vector.shape_cast %slice3A_62 : vector<1x256x128xf32> to vector<256x128xf32>
      %dot_general3A_64 = arith.constant dense<0.000000e+00> : vector<512x128xf32>
      %dot_general3A_65 = tpu.matmul %convert_element_type3A_61, %squeeze3A_63, %dot_general3A_64 {dimension_numbers = #tpu.dot_dimension_numbers<[1], [0], [0], [1], [0, 0, 1, 1], [], []>, transpose_lhs_hint = false} : vector<512x256xbf16>, vector<256x128xf32>, vector<512x128xf32> -> vector<512x128xf32>
      %convert_element_type3A_66 = arith.truncf %dot_general3A_65 : vector<512x128xf32> to vector<512x128xbf16>
      %swap3A_67 = arith.constant 0 : index
      %swap3A_68 = arith.constant 256 : index
      %swap3A_69 = vector.load %arg7[%swap3A_67, %swap3A_68] : memref<3584x2048xbf16, #tpu.memory_space<vmem>>, vector<512x128xbf16>
      tpu.vector_store %arg7[%swap3A_67, %swap3A_68], %convert_element_type3A_66 {strides = array<i32>} : memref<3584x2048xbf16, #tpu.memory_space<vmem>>, vector<512x128xbf16>,
      %slice3A_70 = vector.extract_strided_slice %get3A_24 {offsets = [3, 0], sizes = [1, 512], strides = [1, 1]} : vector<16x512xi32> to vector<1x512xi32>
      %squeeze3A_71 = vector.shape_cast %slice3A_70 : vector<1x512xi32> to vector<512xi32>
      %broadcast_in_dim3A_72 = vector.shape_cast %squeeze3A_71 : vector<512xi32> to vector<512x1xi32>
      %eq3A_73 = vector.broadcast %broadcast_in_dim3A_72 : vector<512x1xi32> to vector<512x256xi32>
      %eq3A_74 = arith.cmpi eq, %eq3A_73, %iota3A : vector<512x256xi32>
      %convert_element_type3A_75 = arith.extui %eq3A_74 : vector<512x256xi1> to vector<512x256xi32>
      %convert_element_type3A_76 = arith.sitofp %convert_element_type3A_75 : vector<512x256xi32> to vector<512x256xf32>
      %convert_element_type3A_77 = arith.truncf %convert_element_type3A_76 : vector<512x256xf32> to vector<512x256xbf16>
      %slice3A_78 = vector.extract_strided_slice %get3A_21 {offsets = [3, 0, 0], sizes = [1, 256, 128], strides = [1, 1, 1]} : vector<16x256x128xf32> to vector<1x256x128xf32>
      %squeeze3A_79 = vector.shape_cast %slice3A_78 : vector<1x256x128xf32> to vector<256x128xf32>
      %dot_general3A_80 = arith.constant dense<0.000000e+00> : vector<512x128xf32>
      %dot_general3A_81 = tpu.matmul %convert_element_type3A_77, %squeeze3A_79, %dot_general3A_80 {dimension_numbers = #tpu.dot_dimension_numbers<[1], [0], [0], [1], [0, 0, 1, 1], [], []>, transpose_lhs_hint = false} : vector<512x256xbf16>, vector<256x128xf32>, vector<512x128xf32> -> vector<512x128xf32>
      %convert_element_type3A_82 = arith.truncf %dot_general3A_81 : vector<512x128xf32> to vector<512x128xbf16>
      %swap3A_83 = arith.constant 0 : index
      %swap3A_84 = arith.constant 384 : index
      %swap3A_85 = vector.load %arg7[%swap3A_83, %swap3A_84] : memref<3584x2048xbf16, #tpu.memory_space<vmem>>, vector<512x128xbf16>
      tpu.vector_store %arg7[%swap3A_83, %swap3A_84], %convert_element_type3A_82 {strides = array<i32>} : memref<3584x2048xbf16, #tpu.memory_space<vmem>>, vector<512x128xbf16>,
      %slice3A_86 = vector.extract_strided_slice %get3A_24 {offsets = [4, 0], sizes = [1, 512], strides = [1, 1]} : vector<16x512xi32> to vector<1x512xi32>
      %squeeze3A_87 = vector.shape_cast %slice3A_86 : vector<1x512xi32> to vector<512xi32>
      %broadcast_in_dim3A_88 = vector.shape_cast %squeeze3A_87 : vector<512xi32> to vector<512x1xi32>
      %eq3A_89 = vector.broadcast %broadcast_in_dim3A_88 : vector<512x1xi32> to vector<512x256xi32>
      %eq3A_90 = arith.cmpi eq, %eq3A_89, %iota3A : vector<512x256xi32>
      %convert_element_type3A_91 = arith.extui %eq3A_90 : vector<512x256xi1> to vector<512x256xi32>
      %convert_element_type3A_92 = arith.sitofp %convert_element_type3A_91 : vector<512x256xi32> to vector<512x256xf32>
      %convert_element_type3A_93 = arith.truncf %convert_element_type3A_92 : vector<512x256xf32> to vector<512x256xbf16>
      %slice3A_94 = vector.extract_strided_slice %get3A_21 {offsets = [4, 0, 0], sizes = [1, 256, 128], strides = [1, 1, 1]} : vector<16x256x128xf32> to vector<1x256x128xf32>
      %squeeze3A_95 = vector.shape_cast %slice3A_94 : vector<1x256x128xf32> to vector<256x128xf32>
      %dot_general3A_96 = arith.constant dense<0.000000e+00> : vector<512x128xf32>
      %dot_general3A_97 = tpu.matmul %convert_element_type3A_93, %squeeze3A_95, %dot_general3A_96 {dimension_numbers = #tpu.dot_dimension_numbers<[1], [0], [0], [1], [0, 0, 1, 1], [], []>, transpose_lhs_hint = false} : vector<512x256xbf16>, vector<256x128xf32>, vector<512x128xf32> -> vector<512x128xf32>
      %convert_element_type3A_98 = arith.truncf %dot_general3A_97 : vector<512x128xf32> to vector<512x128xbf16>
      %swap3A_99 = arith.constant 0 : index
      %swap3A_100 = arith.constant 512 : index
      %swap3A_101 = vector.load %arg7[%swap3A_99, %swap3A_100] : memref<3584x2048xbf16, #tpu.memory_space<vmem>>, vector<512x128xbf16>
      tpu.vector_store %arg7[%swap3A_99, %swap3A_100], %convert_element_type3A_98 {strides = array<i32>} : memref<3584x2048xbf16, #tpu.memory_space<vmem>>, vector<512x128xbf16>,
      %slice3A_102 = vector.extract_strided_slice %get3A_24 {offsets = [5, 0], sizes = [1, 512], strides = [1, 1]} : vector<16x512xi32> to vector<1x512xi32>
      %squeeze3A_103 = vector.shape_cast %slice3A_102 : vector<1x512xi32> to vector<512xi32>
      %broadcast_in_dim3A_104 = vector.shape_cast %squeeze3A_103 : vector<512xi32> to vector<512x1xi32>
      %eq3A_105 = vector.broadcast %broadcast_in_dim3A_104 : vector<512x1xi32> to vector<512x256xi32>
      %eq3A_106 = arith.cmpi eq, %eq3A_105, %iota3A : vector<512x256xi32>
      %convert_element_type3A_107 = arith.extui %eq3A_106 : vector<512x256xi1> to vector<512x256xi32>
      %convert_element_type3A_108 = arith.sitofp %convert_element_type3A_107 : vector<512x256xi32> to vector<512x256xf32>
      %convert_element_type3A_109 = arith.truncf %convert_element_type3A_108 : vector<512x256xf32> to vector<512x256xbf16>
      %slice3A_110 = vector.extract_strided_slice %get3A_21 {offsets = [5, 0, 0], sizes = [1, 256, 128], strides = [1, 1, 1]} : vector<16x256x128xf32> to vector<1x256x128xf32>
      %squeeze3A_111 = vector.shape_cast %slice3A_110 : vector<1x256x128xf32> to vector<256x128xf32>
      %dot_general3A_112 = arith.constant dense<0.000000e+00> : vector<512x128xf32>
      %dot_general3A_113 = tpu.matmul %convert_element_type3A_109, %squeeze3A_111, %dot_general3A_112 {dimension_numbers = #tpu.dot_dimension_numbers<[1], [0], [0], [1], [0, 0, 1, 1], [], []>, transpose_lhs_hint = false} : vector<512x256xbf16>, vector<256x128xf32>, vector<512x128xf32> -> vector<512x128xf32>
      %convert_element_type3A_114 = arith.truncf %dot_general3A_113 : vector<512x128xf32> to vector<512x128xbf16>
      %swap3A_115 = arith.constant 0 : index
      %swap3A_116 = arith.constant 640 : index
      %swap3A_117 = vector.load %arg7[%swap3A_115, %swap3A_116] : memref<3584x2048xbf16, #tpu.memory_space<vmem>>, vector<512x128xbf16>
      tpu.vector_store %arg7[%swap3A_115, %swap3A_116], %convert_element_type3A_114 {strides = array<i32>} : memref<3584x2048xbf16, #tpu.memory_space<vmem>>, vector<512x128xbf16>,
      %slice3A_118 = vector.extract_strided_slice %get3A_24 {offsets = [6, 0], sizes = [1, 512], strides = [1, 1]} : vector<16x512xi32> to vector<1x512xi32>
      %squeeze3A_119 = vector.shape_cast %slice3A_118 : vector<1x512xi32> to vector<512xi32>
      %broadcast_in_dim3A_120 = vector.shape_cast %squeeze3A_119 : vector<512xi32> to vector<512x1xi32>
      %eq3A_121 = vector.broadcast %broadcast_in_dim3A_120 : vector<512x1xi32> to vector<512x256xi32>
      %eq3A_122 = arith.cmpi eq, %eq3A_121, %iota3A : vector<512x256xi32>
      %convert_element_type3A_123 = arith.extui %eq3A_122 : vector<512x256xi1> to vector<512x256xi32>
      %convert_element_type3A_124 = arith.sitofp %convert_element_type3A_123 : vector<512x256xi32> to vector<512x256xf32>
      %convert_element_type3A_125 = arith.truncf %convert_element_type3A_124 : vector<512x256xf32> to vector<512x256xbf16>
      %slice3A_126 = vector.extract_strided_slice %get3A_21 {offsets = [6, 0, 0], sizes = [1, 256, 128], strides = [1, 1, 1]} : vector<16x256x128xf32> to vector<1x256x128xf32>
      %squeeze3A_127 = vector.shape_cast %slice3A_126 : vector<1x256x128xf32> to vector<256x128xf32>
      %dot_general3A_128 = arith.constant dense<0.000000e+00> : vector<512x128xf32>
      %dot_general3A_129 = tpu.matmul %convert_element_type3A_125, %squeeze3A_127, %dot_general3A_128 {dimension_numbers = #tpu.dot_dimension_numbers<[1], [0], [0], [1], [0, 0, 1, 1], [], []>, transpose_lhs_hint = false} : vector<512x256xbf16>, vector<256x128xf32>, vector<512x128xf32> -> vector<512x128xf32>
      %convert_element_type3A_130 = arith.truncf %dot_general3A_129 : vector<512x128xf32> to vector<512x128xbf16>
      %swap3A_131 = arith.constant 0 : index
      %swap3A_132 = arith.constant 768 : index
      %swap3A_133 = vector.load %arg7[%swap3A_131, %swap3A_132] : memref<3584x2048xbf16, #tpu.memory_space<vmem>>, vector<512x128xbf16>
      tpu.vector_store %arg7[%swap3A_131, %swap3A_132], %convert_element_type3A_130 {strides = array<i32>} : memref<3584x2048xbf16, #tpu.memory_space<vmem>>, vector<512x128xbf16>,
      %slice3A_134 = vector.extract_strided_slice %get3A_24 {offsets = [7, 0], sizes = [1, 512], strides = [1, 1]} : vector<16x512xi32> to vector<1x512xi32>
      %squeeze3A_135 = vector.shape_cast %slice3A_134 : vector<1x512xi32> to vector<512xi32>
      %broadcast_in_dim3A_136 = vector.shape_cast %squeeze3A_135 : vector<512xi32> to vector<512x1xi32>
      %eq3A_137 = vector.broadcast %broadcast_in_dim3A_136 : vector<512x1xi32> to vector<512x256xi32>
      %eq3A_138 = arith.cmpi eq, %eq3A_137, %iota3A : vector<512x256xi32>
      %convert_element_type3A_139 = arith.extui %eq3A_138 : vector<512x256xi1> to vector<512x256xi32>
      %convert_element_type3A_140 = arith.sitofp %convert_element_type3A_139 : vector<512x256xi32> to vector<512x256xf32>
      %convert_element_type3A_141 = arith.truncf %convert_element_type3A_140 : vector<512x256xf32> to vector<512x256xbf16>
      %slice3A_142 = vector.extract_strided_slice %get3A_21 {offsets = [7, 0, 0], sizes = [1, 256, 128], strides = [1, 1, 1]} : vector<16x256x128xf32> to vector<1x256x128xf32>
      %squeeze3A_143 = vector.shape_cast %slice3A_142 : vector<1x256x128xf32> to vector<256x128xf32>
      %dot_general3A_144 = arith.constant dense<0.000000e+00> : vector<512x128xf32>
      %dot_general3A_145 = tpu.matmul %convert_element_type3A_141, %squeeze3A_143, %dot_general3A_144 {dimension_numbers = #tpu.dot_dimension_numbers<[1], [0], [0], [1], [0, 0, 1, 1], [], []>, transpose_lhs_hint = false} : vector<512x256xbf16>, vector<256x128xf32>, vector<512x128xf32> -> vector<512x128xf32>
      %convert_element_type3A_146 = arith.truncf %dot_general3A_145 : vector<512x128xf32> to vector<512x128xbf16>
      %swap3A_147 = arith.constant 0 : index
      %swap3A_148 = arith.constant 896 : index
      %swap3A_149 = vector.load %arg7[%swap3A_147, %swap3A_148] : memref<3584x2048xbf16, #tpu.memory_space<vmem>>, vector<512x128xbf16>
      tpu.vector_store %arg7[%swap3A_147, %swap3A_148], %convert_element_type3A_146 {strides = array<i32>} : memref<3584x2048xbf16, #tpu.memory_space<vmem>>, vector<512x128xbf16>,
      %slice3A_150 = vector.extract_strided_slice %get3A_24 {offsets = [8, 0], sizes = [1, 512], strides = [1, 1]} : vector<16x512xi32> to vector<1x512xi32>
      %squeeze3A_151 = vector.shape_cast %slice3A_150 : vector<1x512xi32> to vector<512xi32>
      %broadcast_in_dim3A_152 = vector.shape_cast %squeeze3A_151 : vector<512xi32> to vector<512x1xi32>
      %eq3A_153 = vector.broadcast %broadcast_in_dim3A_152 : vector<512x1xi32> to vector<512x256xi32>
      %eq3A_154 = arith.cmpi eq, %eq3A_153, %iota3A : vector<512x256xi32>
      %convert_element_type3A_155 = arith.extui %eq3A_154 : vector<512x256xi1> to vector<512x256xi32>
      %convert_element_type3A_156 = arith.sitofp %convert_element_type3A_155 : vector<512x256xi32> to vector<512x256xf32>
      %convert_element_type3A_157 = arith.truncf %convert_element_type3A_156 : vector<512x256xf32> to vector<512x256xbf16>
      %slice3A_158 = vector.extract_strided_slice %get3A_21 {offsets = [8, 0, 0], sizes = [1, 256, 128], strides = [1, 1, 1]} : vector<16x256x128xf32> to vector<1x256x128xf32>
      %squeeze3A_159 = vector.shape_cast %slice3A_158 : vector<1x256x128xf32> to vector<256x128xf32>
      %dot_general3A_160 = arith.constant dense<0.000000e+00> : vector<512x128xf32>
      %dot_general3A_161 = tpu.matmul %convert_element_type3A_157, %squeeze3A_159, %dot_general3A_160 {dimension_numbers = #tpu.dot_dimension_numbers<[1], [0], [0], [1], [0, 0, 1, 1], [], []>, transpose_lhs_hint = false} : vector<512x256xbf16>, vector<256x128xf32>, vector<512x128xf32> -> vector<512x128xf32>
      %convert_element_type3A_162 = arith.truncf %dot_general3A_161 : vector<512x128xf32> to vector<512x128xbf16>
      %swap3A_163 = arith.constant 0 : index
      %swap3A_164 = arith.constant 1024 : index
      %swap3A_165 = vector.load %arg7[%swap3A_163, %swap3A_164] : memref<3584x2048xbf16, #tpu.memory_space<vmem>>, vector<512x128xbf16>
      tpu.vector_store %arg7[%swap3A_163, %swap3A_164], %convert_element_type3A_162 {strides = array<i32>} : memref<3584x2048xbf16, #tpu.memory_space<vmem>>, vector<512x128xbf16>,
      %slice3A_166 = vector.extract_strided_slice %get3A_24 {offsets = [9, 0], sizes = [1, 512], strides = [1, 1]} : vector<16x512xi32> to vector<1x512xi32>
      %squeeze3A_167 = vector.shape_cast %slice3A_166 : vector<1x512xi32> to vector<512xi32>
      %broadcast_in_dim3A_168 = vector.shape_cast %squeeze3A_167 : vector<512xi32> to vector<512x1xi32>
      %eq3A_169 = vector.broadcast %broadcast_in_dim3A_168 : vector<512x1xi32> to vector<512x256xi32>
      %eq3A_170 = arith.cmpi eq, %eq3A_169, %iota3A : vector<512x256xi32>
      %convert_element_type3A_171 = arith.extui %eq3A_170 : vector<512x256xi1> to vector<512x256xi32>
      %convert_element_type3A_172 = arith.sitofp %convert_element_type3A_171 : vector<512x256xi32> to vector<512x256xf32>
      %convert_element_type3A_173 = arith.truncf %convert_element_type3A_172 : vector<512x256xf32> to vector<512x256xbf16>
      %slice3A_174 = vector.extract_strided_slice %get3A_21 {offsets = [9, 0, 0], sizes = [1, 256, 128], strides = [1, 1, 1]} : vector<16x256x128xf32> to vector<1x256x128xf32>
      %squeeze3A_175 = vector.shape_cast %slice3A_174 : vector<1x256x128xf32> to vector<256x128xf32>
      %dot_general3A_176 = arith.constant dense<0.000000e+00> : vector<512x128xf32>
      %dot_general3A_177 = tpu.matmul %convert_element_type3A_173, %squeeze3A_175, %dot_general3A_176 {dimension_numbers = #tpu.dot_dimension_numbers<[1], [0], [0], [1], [0, 0, 1, 1], [], []>, transpose_lhs_hint = false} : vector<512x256xbf16>, vector<256x128xf32>, vector<512x128xf32> -> vector<512x128xf32>
      %convert_element_type3A_178 = arith.truncf %dot_general3A_177 : vector<512x128xf32> to vector<512x128xbf16>
      %swap3A_179 = arith.constant 0 : index
      %swap3A_180 = arith.constant 1152 : index
      %swap3A_181 = vector.load %arg7[%swap3A_179, %swap3A_180] : memref<3584x2048xbf16, #tpu.memory_space<vmem>>, vector<512x128xbf16>
      tpu.vector_store %arg7[%swap3A_179, %swap3A_180], %convert_element_type3A_178 {strides = array<i32>} : memref<3584x2048xbf16, #tpu.memory_space<vmem>>, vector<512x128xbf16>,
      %slice3A_182 = vector.extract_strided_slice %get3A_24 {offsets = [10, 0], sizes = [1, 512], strides = [1, 1]} : vector<16x512xi32> to vector<1x512xi32>
      %squeeze3A_183 = vector.shape_cast %slice3A_182 : vector<1x512xi32> to vector<512xi32>
      %broadcast_in_dim3A_184 = vector.shape_cast %squeeze3A_183 : vector<512xi32> to vector<512x1xi32>
      %eq3A_185 = vector.broadcast %broadcast_in_dim3A_184 : vector<512x1xi32> to vector<512x256xi32>
      %eq3A_186 = arith.cmpi eq, %eq3A_185, %iota3A : vector<512x256xi32>
      %convert_element_type3A_187 = arith.extui %eq3A_186 : vector<512x256xi1> to vector<512x256xi32>
      %convert_element_type3A_188 = arith.sitofp %convert_element_type3A_187 : vector<512x256xi32> to vector<512x256xf32>
      %convert_element_type3A_189 = arith.truncf %convert_element_type3A_188 : vector<512x256xf32> to vector<512x256xbf16>
      %slice3A_190 = vector.extract_strided_slice %get3A_21 {offsets = [10, 0, 0], sizes = [1, 256, 128], strides = [1, 1, 1]} : vector<16x256x128xf32> to vector<1x256x128xf32>
      %squeeze3A_191 = vector.shape_cast %slice3A_190 : vector<1x256x128xf32> to vector<256x128xf32>
      %dot_general3A_192 = arith.constant dense<0.000000e+00> : vector<512x128xf32>
      %dot_general3A_193 = tpu.matmul %convert_element_type3A_189, %squeeze3A_191, %dot_general3A_192 {dimension_numbers = #tpu.dot_dimension_numbers<[1], [0], [0], [1], [0, 0, 1, 1], [], []>, transpose_lhs_hint = false} : vector<512x256xbf16>, vector<256x128xf32>, vector<512x128xf32> -> vector<512x128xf32>
      %convert_element_type3A_194 = arith.truncf %dot_general3A_193 : vector<512x128xf32> to vector<512x128xbf16>
      %swap3A_195 = arith.constant 0 : index
      %swap3A_196 = arith.constant 1280 : index
      %swap3A_197 = vector.load %arg7[%swap3A_195, %swap3A_196] : memref<3584x2048xbf16, #tpu.memory_space<vmem>>, vector<512x128xbf16>
      tpu.vector_store %arg7[%swap3A_195, %swap3A_196], %convert_element_type3A_194 {strides = array<i32>} : memref<3584x2048xbf16, #tpu.memory_space<vmem>>, vector<512x128xbf16>,
      %slice3A_198 = vector.extract_strided_slice %get3A_24 {offsets = [11, 0], sizes = [1, 512], strides = [1, 1]} : vector<16x512xi32> to vector<1x512xi32>
      %squeeze3A_199 = vector.shape_cast %slice3A_198 : vector<1x512xi32> to vector<512xi32>
      %broadcast_in_dim3A_200 = vector.shape_cast %squeeze3A_199 : vector<512xi32> to vector<512x1xi32>
      %eq3A_201 = vector.broadcast %broadcast_in_dim3A_200 : vector<512x1xi32> to vector<512x256xi32>
      %eq3A_202 = arith.cmpi eq, %eq3A_201, %iota3A : vector<512x256xi32>
      %convert_element_type3A_203 = arith.extui %eq3A_202 : vector<512x256xi1> to vector<512x256xi32>
      %convert_element_type3A_204 = arith.sitofp %convert_element_type3A_203 : vector<512x256xi32> to vector<512x256xf32>
      %convert_element_type3A_205 = arith.truncf %convert_element_type3A_204 : vector<512x256xf32> to vector<512x256xbf16>
      %slice3A_206 = vector.extract_strided_slice %get3A_21 {offsets = [11, 0, 0], sizes = [1, 256, 128], strides = [1, 1, 1]} : vector<16x256x128xf32> to vector<1x256x128xf32>
      %squeeze3A_207 = vector.shape_cast %slice3A_206 : vector<1x256x128xf32> to vector<256x128xf32>
      %dot_general3A_208 = arith.constant dense<0.000000e+00> : vector<512x128xf32>
      %dot_general3A_209 = tpu.matmul %convert_element_type3A_205, %squeeze3A_207, %dot_general3A_208 {dimension_numbers = #tpu.dot_dimension_numbers<[1], [0], [0], [1], [0, 0, 1, 1], [], []>, transpose_lhs_hint = false} : vector<512x256xbf16>, vector<256x128xf32>, vector<512x128xf32> -> vector<512x128xf32>
      %convert_element_type3A_210 = arith.truncf %dot_general3A_209 : vector<512x128xf32> to vector<512x128xbf16>
      %swap3A_211 = arith.constant 0 : index
      %swap3A_212 = arith.constant 1408 : index
      %swap3A_213 = vector.load %arg7[%swap3A_211, %swap3A_212] : memref<3584x2048xbf16, #tpu.memory_space<vmem>>, vector<512x128xbf16>
      tpu.vector_store %arg7[%swap3A_211, %swap3A_212], %convert_element_type3A_210 {strides = array<i32>} : memref<3584x2048xbf16, #tpu.memory_space<vmem>>, vector<512x128xbf16>,
      %slice3A_214 = vector.extract_strided_slice %get3A_24 {offsets = [12, 0], sizes = [1, 512], strides = [1, 1]} : vector<16x512xi32> to vector<1x512xi32>
      %squeeze3A_215 = vector.shape_cast %slice3A_214 : vector<1x512xi32> to vector<512xi32>
      %broadcast_in_dim3A_216 = vector.shape_cast %squeeze3A_215 : vector<512xi32> to vector<512x1xi32>
      %eq3A_217 = vector.broadcast %broadcast_in_dim3A_216 : vector<512x1xi32> to vector<512x256xi32>
      %eq3A_218 = arith.cmpi eq, %eq3A_217, %iota3A : vector<512x256xi32>
      %convert_element_type3A_219 = arith.extui %eq3A_218 : vector<512x256xi1> to vector<512x256xi32>
      %convert_element_type3A_220 = arith.sitofp %convert_element_type3A_219 : vector<512x256xi32> to vector<512x256xf32>
      %convert_element_type3A_221 = arith.truncf %convert_element_type3A_220 : vector<512x256xf32> to vector<512x256xbf16>
      %slice3A_222 = vector.extract_strided_slice %get3A_21 {offsets = [12, 0, 0], sizes = [1, 256, 128], strides = [1, 1, 1]} : vector<16x256x128xf32> to vector<1x256x128xf32>
      %squeeze3A_223 = vector.shape_cast %slice3A_222 : vector<1x256x128xf32> to vector<256x128xf32>
      %dot_general3A_224 = arith.constant dense<0.000000e+00> : vector<512x128xf32>
      %dot_general3A_225 = tpu.matmul %convert_element_type3A_221, %squeeze3A_223, %dot_general3A_224 {dimension_numbers = #tpu.dot_dimension_numbers<[1], [0], [0], [1], [0, 0, 1, 1], [], []>, transpose_lhs_hint = false} : vector<512x256xbf16>, vector<256x128xf32>, vector<512x128xf32> -> vector<512x128xf32>
      %convert_element_type3A_226 = arith.truncf %dot_general3A_225 : vector<512x128xf32> to vector<512x128xbf16>
      %swap3A_227 = arith.constant 0 : index
      %swap3A_228 = arith.constant 1536 : index
      %swap3A_229 = vector.load %arg7[%swap3A_227, %swap3A_228] : memref<3584x2048xbf16, #tpu.memory_space<vmem>>, vector<512x128xbf16>
      tpu.vector_store %arg7[%swap3A_227, %swap3A_228], %convert_element_type3A_226 {strides = array<i32>} : memref<3584x2048xbf16, #tpu.memory_space<vmem>>, vector<512x128xbf16>,
      %slice3A_230 = vector.extract_strided_slice %get3A_24 {offsets = [13, 0], sizes = [1, 512], strides = [1, 1]} : vector<16x512xi32> to vector<1x512xi32>
      %squeeze3A_231 = vector.shape_cast %slice3A_230 : vector<1x512xi32> to vector<512xi32>
      %broadcast_in_dim3A_232 = vector.shape_cast %squeeze3A_231 : vector<512xi32> to vector<512x1xi32>
      %eq3A_233 = vector.broadcast %broadcast_in_dim3A_232 : vector<512x1xi32> to vector<512x256xi32>
      %eq3A_234 = arith.cmpi eq, %eq3A_233, %iota3A : vector<512x256xi32>
      %convert_element_type3A_235 = arith.extui %eq3A_234 : vector<512x256xi1> to vector<512x256xi32>
      %convert_element_type3A_236 = arith.sitofp %convert_element_type3A_235 : vector<512x256xi32> to vector<512x256xf32>
      %convert_element_type3A_237 = arith.truncf %convert_element_type3A_236 : vector<512x256xf32> to vector<512x256xbf16>
      %slice3A_238 = vector.extract_strided_slice %get3A_21 {offsets = [13, 0, 0], sizes = [1, 256, 128], strides = [1, 1, 1]} : vector<16x256x128xf32> to vector<1x256x128xf32>
      %squeeze3A_239 = vector.shape_cast %slice3A_238 : vector<1x256x128xf32> to vector<256x128xf32>
      %dot_general3A_240 = arith.constant dense<0.000000e+00> : vector<512x128xf32>
      %dot_general3A_241 = tpu.matmul %convert_element_type3A_237, %squeeze3A_239, %dot_general3A_240 {dimension_numbers = #tpu.dot_dimension_numbers<[1], [0], [0], [1], [0, 0, 1, 1], [], []>, transpose_lhs_hint = false} : vector<512x256xbf16>, vector<256x128xf32>, vector<512x128xf32> -> vector<512x128xf32>
      %convert_element_type3A_242 = arith.truncf %dot_general3A_241 : vector<512x128xf32> to vector<512x128xbf16>
      %swap3A_243 = arith.constant 0 : index
      %swap3A_244 = arith.constant 1664 : index
      %swap3A_245 = vector.load %arg7[%swap3A_243, %swap3A_244] : memref<3584x2048xbf16, #tpu.memory_space<vmem>>, vector<512x128xbf16>
      tpu.vector_store %arg7[%swap3A_243, %swap3A_244], %convert_element_type3A_242 {strides = array<i32>} : memref<3584x2048xbf16, #tpu.memory_space<vmem>>, vector<512x128xbf16>,
      %slice3A_246 = vector.extract_strided_slice %get3A_24 {offsets = [14, 0], sizes = [1, 512], strides = [1, 1]} : vector<16x512xi32> to vector<1x512xi32>
      %squeeze3A_247 = vector.shape_cast %slice3A_246 : vector<1x512xi32> to vector<512xi32>
      %broadcast_in_dim3A_248 = vector.shape_cast %squeeze3A_247 : vector<512xi32> to vector<512x1xi32>
      %eq3A_249 = vector.broadcast %broadcast_in_dim3A_248 : vector<512x1xi32> to vector<512x256xi32>
      %eq3A_250 = arith.cmpi eq, %eq3A_249, %iota3A : vector<512x256xi32>
      %convert_element_type3A_251 = arith.extui %eq3A_250 : vector<512x256xi1> to vector<512x256xi32>
      %convert_element_type3A_252 = arith.sitofp %convert_element_type3A_251 : vector<512x256xi32> to vector<512x256xf32>
      %convert_element_type3A_253 = arith.truncf %convert_element_type3A_252 : vector<512x256xf32> to vector<512x256xbf16>
      %slice3A_254 = vector.extract_strided_slice %get3A_21 {offsets = [14, 0, 0], sizes = [1, 256, 128], strides = [1, 1, 1]} : vector<16x256x128xf32> to vector<1x256x128xf32>
      %squeeze3A_255 = vector.shape_cast %slice3A_254 : vector<1x256x128xf32> to vector<256x128xf32>
      %dot_general3A_256 = arith.constant dense<0.000000e+00> : vector<512x128xf32>
      %dot_general3A_257 = tpu.matmul %convert_element_type3A_253, %squeeze3A_255, %dot_general3A_256 {dimension_numbers = #tpu.dot_dimension_numbers<[1], [0], [0], [1], [0, 0, 1, 1], [], []>, transpose_lhs_hint = false} : vector<512x256xbf16>, vector<256x128xf32>, vector<512x128xf32> -> vector<512x128xf32>
      %convert_element_type3A_258 = arith.truncf %dot_general3A_257 : vector<512x128xf32> to vector<512x128xbf16>
      %swap3A_259 = arith.constant 0 : index
      %swap3A_260 = arith.constant 1792 : index
      %swap3A_261 = vector.load %arg7[%swap3A_259, %swap3A_260] : memref<3584x2048xbf16, #tpu.memory_space<vmem>>, vector<512x128xbf16>
      tpu.vector_store %arg7[%swap3A_259, %swap3A_260], %convert_element_type3A_258 {strides = array<i32>} : memref<3584x2048xbf16, #tpu.memory_space<vmem>>, vector<512x128xbf16>,
      %slice3A_262 = vector.extract_strided_slice %get3A_24 {offsets = [15, 0], sizes = [1, 512], strides = [1, 1]} : vector<16x512xi32> to vector<1x512xi32>
      %squeeze3A_263 = vector.shape_cast %slice3A_262 : vector<1x512xi32> to vector<512xi32>
      %broadcast_in_dim3A_264 = vector.shape_cast %squeeze3A_263 : vector<512xi32> to vector<512x1xi32>
      %eq3A_265 = vector.broadcast %broadcast_in_dim3A_264 : vector<512x1xi32> to vector<512x256xi32>
      %eq3A_266 = arith.cmpi eq, %eq3A_265, %iota3A : vector<512x256xi32>
      %convert_element_type3A_267 = arith.extui %eq3A_266 : vector<512x256xi1> to vector<512x256xi32>
      %convert_element_type3A_268 = arith.sitofp %convert_element_type3A_267 : vector<512x256xi32> to vector<512x256xf32>
      %convert_element_type3A_269 = arith.truncf %convert_element_type3A_268 : vector<512x256xf32> to vector<512x256xbf16>
      %slice3A_270 = vector.extract_strided_slice %get3A_21 {offsets = [15, 0, 0], sizes = [1, 256, 128], strides = [1, 1, 1]} : vector<16x256x128xf32> to vector<1x256x128xf32>
      %squeeze3A_271 = vector.shape_cast %slice3A_270 : vector<1x256x128xf32> to vector<256x128xf32>
      %dot_general3A_272 = arith.constant dense<0.000000e+00> : vector<512x128xf32>
      %dot_general3A_273 = tpu.matmul %convert_element_type3A_269, %squeeze3A_271, %dot_general3A_272 {dimension_numbers = #tpu.dot_dimension_numbers<[1], [0], [0], [1], [0, 0, 1, 1], [], []>, transpose_lhs_hint = false} : vector<512x256xbf16>, vector<256x128xf32>, vector<512x128xf32> -> vector<512x128xf32>
      %convert_element_type3A_274 = arith.truncf %dot_general3A_273 : vector<512x128xf32> to vector<512x128xbf16>
      %swap3A_275 = arith.constant 0 : index
      %swap3A_276 = arith.constant 1920 : index
      %swap3A_277 = vector.load %arg7[%swap3A_275, %swap3A_276] : memref<3584x2048xbf16, #tpu.memory_space<vmem>>, vector<512x128xbf16>
      tpu.vector_store %arg7[%swap3A_275, %swap3A_276], %convert_element_type3A_274 {strides = array<i32>} : memref<3584x2048xbf16, #tpu.memory_space<vmem>>, vector<512x128xbf16>,
      %get3A_278 = arith.constant 0 : index
      %get3A_279 = arith.constant 512 : index
      %get3A_280 = vector.load %arg1[%get3A_278, %get3A_279] : memref<16x3584xi32, #tpu.memory_space<vmem>>, vector<16x512xi32>
      %slice3A_281 = vector.extract_strided_slice %get3A_280 {offsets = [0, 0], sizes = [1, 512], strides = [1, 1]} : vector<16x512xi32> to vector<1x512xi32>
      %squeeze3A_282 = vector.shape_cast %slice3A_281 : vector<1x512xi32> to vector<512xi32>
      %broadcast_in_dim3A_283 = vector.shape_cast %squeeze3A_282 : vector<512xi32> to vector<512x1xi32>
      %eq3A_284 = vector.broadcast %broadcast_in_dim3A_283 : vector<512x1xi32> to vector<512x256xi32>
      %eq3A_285 = arith.cmpi eq, %eq3A_284, %iota3A : vector<512x256xi32>
      %convert_element_type3A_286 = arith.extui %eq3A_285 : vector<512x256xi1> to vector<512x256xi32>
      %convert_element_type3A_287 = arith.sitofp %convert_element_type3A_286 : vector<512x256xi32> to vector<512x256xf32>
      %convert_element_type3A_288 = arith.truncf %convert_element_type3A_287 : vector<512x256xf32> to vector<512x256xbf16>
      %slice3A_289 = vector.extract_strided_slice %get3A_21 {offsets = [0, 0, 0], sizes = [1, 256, 128], strides = [1, 1, 1]} : vector<16x256x128xf32> to vector<1x256x128xf32>
      %squeeze3A_290 = vector.shape_cast %slice3A_289 : vector<1x256x128xf32> to vector<256x128xf32>
      %dot_general3A_291 = arith.constant dense<0.000000e+00> : vector<512x128xf32>
      %dot_general3A_292 = tpu.matmul %convert_element_type3A_288, %squeeze3A_290, %dot_general3A_291 {dimension_numbers = #tpu.dot_dimension_numbers<[1], [0], [0], [1], [0, 0, 1, 1], [], []>, transpose_lhs_hint = false} : vector<512x256xbf16>, vector<256x128xf32>, vector<512x128xf32> -> vector<512x128xf32>
      %convert_element_type3A_293 = arith.truncf %dot_general3A_292 : vector<512x128xf32> to vector<512x128xbf16>
      %swap3A_294 = arith.constant 512 : index
      %swap3A_295 = arith.constant 0 : index
      %swap3A_296 = vector.load %arg7[%swap3A_294, %swap3A_295] : memref<3584x2048xbf16, #tpu.memory_space<vmem>>, vector<512x128xbf16>
      tpu.vector_store %arg7[%swap3A_294, %swap3A_295], %convert_element_type3A_293 {strides = array<i32>} : memref<3584x2048xbf16, #tpu.memory_space<vmem>>, vector<512x128xbf16>,
      %slice3A_297 = vector.extract_strided_slice %get3A_280 {offsets = [1, 0], sizes = [1, 512], strides = [1, 1]} : vector<16x512xi32> to vector<1x512xi32>
      %squeeze3A_298 = vector.shape_cast %slice3A_297 : vector<1x512xi32> to vector<512xi32>
      %broadcast_in_dim3A_299 = vector.shape_cast %squeeze3A_298 : vector<512xi32> to vector<512x1xi32>
      %eq3A_300 = vector.broadcast %broadcast_in_dim3A_299 : vector<512x1xi32> to vector<512x256xi32>
      %eq3A_301 = arith.cmpi eq, %eq3A_300, %iota3A : vector<512x256xi32>
      %convert_element_type3A_302 = arith.extui %eq3A_301 : vector<512x256xi1> to vector<512x256xi32>
      %convert_element_type3A_303 = arith.sitofp %convert_element_type3A_302 : vector<512x256xi32> to vector<512x256xf32>
      %convert_element_type3A_304 = arith.truncf %convert_element_type3A_303 : vector<512x256xf32> to vector<512x256xbf16>
      %slice3A_305 = vector.extract_strided_slice %get3A_21 {offsets = [1, 0, 0], sizes = [1, 256, 128], strides = [1, 1, 1]} : vector<16x256x128xf32> to vector<1x256x128xf32>
      %squeeze3A_306 = vector.shape_cast %slice3A_305 : vector<1x256x128xf32> to vector<256x128xf32>
      %dot_general3A_307 = arith.constant dense<0.000000e+00> : vector<512x128xf32>
      %dot_general3A_308 = tpu.matmul %convert_element_type3A_304, %squeeze3A_306, %dot_general3A_307 {dimension_numbers = #tpu.dot_dimension_numbers<[1], [0], [0], [1], [0, 0, 1, 1], [], []>, transpose_lhs_hint = false} : vector<512x256xbf16>, vector<256x128xf32>, vector<512x128xf32> -> vector<512x128xf32>
      %convert_element_type3A_309 = arith.truncf %dot_general3A_308 : vector<512x128xf32> to vector<512x128xbf16>
      %swap3A_310 = arith.constant 512 : index
      %swap3A_311 = arith.constant 128 : index
      %swap3A_312 = vector.load %arg7[%swap3A_310, %swap3A_311] : memref<3584x2048xbf16, #tpu.memory_space<vmem>>, vector<512x128xbf16>
      tpu.vector_store %arg7[%swap3A_310, %swap3A_311], %convert_element_type3A_309 {strides = array<i32>} : memref<3584x2048xbf16, #tpu.memory_space<vmem>>, vector<512x128xbf16>,
      %slice3A_313 = vector.extract_strided_slice %get3A_280 {offsets = [2, 0], sizes = [1, 512], strides = [1, 1]} : vector<16x512xi32> to vector<1x512xi32>
      %squeeze3A_314 = vector.shape_cast %slice3A_313 : vector<1x512xi32> to vector<512xi32>
      %broadcast_in_dim3A_315 = vector.shape_cast %squeeze3A_314 : vector<512xi32> to vector<512x1xi32>
      %eq3A_316 = vector.broadcast %broadcast_in_dim3A_315 : vector<512x1xi32> to vector<512x256xi32>
      %eq3A_317 = arith.cmpi eq, %eq3A_316, %iota3A : vector<512x256xi32>
      %convert_element_type3A_318 = arith.extui %eq3A_317 : vector<512x256xi1> to vector<512x256xi32>
      %convert_element_type3A_319 = arith.sitofp %convert_element_type3A_318 : vector<512x256xi32> to vector<512x256xf32>
      %convert_element_type3A_320 = arith.truncf %convert_element_type3A_319 : vector<512x256xf32> to vector<512x256xbf16>
      %slice3A_321 = vector.extract_strided_slice %get3A_21 {offsets = [2, 0, 0], sizes = [1, 256, 128], strides = [1, 1, 1]} : vector<16x256x128xf32> to vector<1x256x128xf32>
      %squeeze3A_322 = vector.shape_cast %slice3A_321 : vector<1x256x128xf32> to vector<256x128xf32>
      %dot_general3A_323 = arith.constant dense<0.000000e+00> : vector<512x128xf32>
      %dot_general3A_324 = tpu.matmul %convert_element_type3A_320, %squeeze3A_322, %dot_general3A_323 {dimension_numbers = #tpu.dot_dimension_numbers<[1], [0], [0], [1], [0, 0, 1, 1], [], []>, transpose_lhs_hint = false} : vector<512x256xbf16>, vector<256x128xf32>, vector<512x128xf32> -> vector<512x128xf32>
      %convert_element_type3A_325 = arith.truncf %dot_general3A_324 : vector<512x128xf32> to vector<512x128xbf16>
      %swap3A_326 = arith.constant 512 : index
      %swap3A_327 = arith.constant 256 : index
      %swap3A_328 = vector.load %arg7[%swap3A_326, %swap3A_327] : memref<3584x2048xbf16, #tpu.memory_space<vmem>>, vector<512x128xbf16>
      tpu.vector_store %arg7[%swap3A_326, %swap3A_327], %convert_element_type3A_325 {strides = array<i32>} : memref<3584x2048xbf16, #tpu.memory_space<vmem>>, vector<512x128xbf16>,
      %slice3A_329 = vector.extract_strided_slice %get3A_280 {offsets = [3, 0], sizes = [1, 512], strides = [1, 1]} : vector<16x512xi32> to vector<1x512xi32>
      %squeeze3A_330 = vector.shape_cast %slice3A_329 : vector<1x512xi32> to vector<512xi32>
      %broadcast_in_dim3A_331 = vector.shape_cast %squeeze3A_330 : vector<512xi32> to vector<512x1xi32>
      %eq3A_332 = vector.broadcast %broadcast_in_dim3A_331 : vector<512x1xi32> to vector<512x256xi32>
      %eq3A_333 = arith.cmpi eq, %eq3A_332, %iota3A : vector<512x256xi32>
      %convert_element_type3A_334 = arith.extui %eq3A_333 : vector<512x256xi1> to vector<512x256xi32>
      %convert_element_type3A_335 = arith.sitofp %convert_element_type3A_334 : vector<512x256xi32> to vector<512x256xf32>
      %convert_element_type3A_336 = arith.truncf %convert_element_type3A_335 : vector<512x256xf32> to vector<512x256xbf16>
      %slice3A_337 = vector.extract_strided_slice %get3A_21 {offsets = [3, 0, 0], sizes = [1, 256, 128], strides = [1, 1, 1]} : vector<16x256x128xf32> to vector<1x256x128xf32>
      %squeeze3A_338 = vector.shape_cast %slice3A_337 : vector<1x256x128xf32> to vector<256x128xf32>
      %dot_general3A_339 = arith.constant dense<0.000000e+00> : vector<512x128xf32>
      %dot_general3A_340 = tpu.matmul %convert_element_type3A_336, %squeeze3A_338, %dot_general3A_339 {dimension_numbers = #tpu.dot_dimension_numbers<[1], [0], [0], [1], [0, 0, 1, 1], [], []>, transpose_lhs_hint = false} : vector<512x256xbf16>, vector<256x128xf32>, vector<512x128xf32> -> vector<512x128xf32>
      %convert_element_type3A_341 = arith.truncf %dot_general3A_340 : vector<512x128xf32> to vector<512x128xbf16>
      %swap3A_342 = arith.constant 512 : index
      %swap3A_343 = arith.constant 384 : index
      %swap3A_344 = vector.load %arg7[%swap3A_342, %swap3A_343] : memref<3584x2048xbf16, #tpu.memory_space<vmem>>, vector<512x128xbf16>
      tpu.vector_store %arg7[%swap3A_342, %swap3A_343], %convert_element_type3A_341 {strides = array<i32>} : memref<3584x2048xbf16, #tpu.memory_space<vmem>>, vector<512x128xbf16>,
      %slice3A_345 = vector.extract_strided_slice %get3A_280 {offsets = [4, 0], sizes = [1, 512], strides = [1, 1]} : vector<16x512xi32> to vector<1x512xi32>
      %squeeze3A_346 = vector.shape_cast %slice3A_345 : vector<1x512xi32> to vector<512xi32>
      %broadcast_in_dim3A_347 = vector.shape_cast %squeeze3A_346 : vector<512xi32> to vector<512x1xi32>
      %eq3A_348 = vector.broadcast %broadcast_in_dim3A_347 : vector<512x1xi32> to vector<512x256xi32>
      %eq3A_349 = arith.cmpi eq, %eq3A_348, %iota3A : vector<512x256xi32>
      %convert_element_type3A_350 = arith.extui %eq3A_349 : vector<512x256xi1> to vector<512x256xi32>
      %convert_element_type3A_351 = arith.sitofp %convert_element_type3A_350 : vector<512x256xi32> to vector<512x256xf32>
      %convert_element_type3A_352 = arith.truncf %convert_element_type3A_351 : vector<512x256xf32> to vector<512x256xbf16>
      %slice3A_353 = vector.extract_strided_slice %get3A_21 {offsets = [4, 0, 0], sizes = [1, 256, 128], strides = [1, 1, 1]} : vector<16x256x128xf32> to vector<1x256x128xf32>
      %squeeze3A_354 = vector.shape_cast %slice3A_353 : vector<1x256x128xf32> to vector<256x128xf32>
      %dot_general3A_355 = arith.constant dense<0.000000e+00> : vector<512x128xf32>
      %dot_general3A_356 = tpu.matmul %convert_element_type3A_352, %squeeze3A_354, %dot_general3A_355 {dimension_numbers = #tpu.dot_dimension_numbers<[1], [0], [0], [1], [0, 0, 1, 1], [], []>, transpose_lhs_hint = false} : vector<512x256xbf16>, vector<256x128xf32>, vector<512x128xf32> -> vector<512x128xf32>
      %convert_element_type3A_357 = arith.truncf %dot_general3A_356 : vector<512x128xf32> to vector<512x128xbf16>
      %swap3A_358 = arith.constant 512 : index
      %swap3A_359 = arith.constant 512 : index
      %swap3A_360 = vector.load %arg7[%swap3A_358, %swap3A_359] : memref<3584x2048xbf16, #tpu.memory_space<vmem>>, vector<512x128xbf16>
      tpu.vector_store %arg7[%swap3A_358, %swap3A_359], %convert_element_type3A_357 {strides = array<i32>} : memref<3584x2048xbf16, #tpu.memory_space<vmem>>, vector<512x128xbf16>,
      %slice3A_361 = vector.extract_strided_slice %get3A_280 {offsets = [5, 0], sizes = [1, 512], strides = [1, 1]} : vector<16x512xi32> to vector<1x512xi32>
      %squeeze3A_362 = vector.shape_cast %slice3A_361 : vector<1x512xi32> to vector<512xi32>
      %broadcast_in_dim3A_363 = vector.shape_cast %squeeze3A_362 : vector<512xi32> to vector<512x1xi32>
      %eq3A_364 = vector.broadcast %broadcast_in_dim3A_363 : vector<512x1xi32> to vector<512x256xi32>
      %eq3A_365 = arith.cmpi eq, %eq3A_364, %iota3A : vector<512x256xi32>
      %convert_element_type3A_366 = arith.extui %eq3A_365 : vector<512x256xi1> to vector<512x256xi32>
      %convert_element_type3A_367 = arith.sitofp %convert_element_type3A_366 : vector<512x256xi32> to vector<512x256xf32>
      %convert_element_type3A_368 = arith.truncf %convert_element_type3A_367 : vector<512x256xf32> to vector<512x256xbf16>
      %slice3A_369 = vector.extract_strided_slice %get3A_21 {offsets = [5, 0, 0], sizes = [1, 256, 128], strides = [1, 1, 1]} : vector<16x256x128xf32> to vector<1x256x128xf32>
      %squeeze3A_370 = vector.shape_cast %slice3A_369 : vector<1x256x128xf32> to vector<256x128xf32>
      %dot_general3A_371 = arith.constant dense<0.000000e+00> : vector<512x128xf32>
      %dot_general3A_372 = tpu.matmul %convert_element_type3A_368, %squeeze3A_370, %dot_general3A_371 {dimension_numbers = #tpu.dot_dimension_numbers<[1], [0], [0], [1], [0, 0, 1, 1], [], []>, transpose_lhs_hint = false} : vector<512x256xbf16>, vector<256x128xf32>, vector<512x128xf32> -> vector<512x128xf32>
      %convert_element_type3A_373 = arith.truncf %dot_general3A_372 : vector<512x128xf32> to vector<512x128xbf16>
      %swap3A_374 = arith.constant 512 : index
      %swap3A_375 = arith.constant 640 : index
      %swap3A_376 = vector.load %arg7[%swap3A_374, %swap3A_375] : memref<3584x2048xbf16, #tpu.memory_space<vmem>>, vector<512x128xbf16>
      tpu.vector_store %arg7[%swap3A_374, %swap3A_375], %convert_element_type3A_373 {strides = array<i32>} : memref<3584x2048xbf16, #tpu.memory_space<vmem>>, vector<512x128xbf16>,
      %slice3A_377 = vector.extract_strided_slice %get3A_280 {offsets = [6, 0], sizes = [1, 512], strides = [1, 1]} : vector<16x512xi32> to vector<1x512xi32>
      %squeeze3A_378 = vector.shape_cast %slice3A_377 : vector<1x512xi32> to vector<512xi32>
      %broadcast_in_dim3A_379 = vector.shape_cast %squeeze3A_378 : vector<512xi32> to vector<512x1xi32>
      %eq3A_380 = vector.broadcast %broadcast_in_dim3A_379 : vector<512x1xi32> to vector<512x256xi32>
      %eq3A_381 = arith.cmpi eq, %eq3A_380, %iota3A : vector<512x256xi32>
      %convert_element_type3A_382 = arith.extui %eq3A_381 : vector<512x256xi1> to vector<512x256xi32>
      %convert_element_type3A_383 = arith.sitofp %convert_element_type3A_382 : vector<512x256xi32> to vector<512x256xf32>
      %convert_element_type3A_384 = arith.truncf %convert_element_type3A_383 : vector<512x256xf32> to vector<512x256xbf16>
      %slice3A_385 = vector.extract_strided_slice %get3A_21 {offsets = [6, 0, 0], sizes = [1, 256, 128], strides = [1, 1, 1]} : vector<16x256x128xf32> to vector<1x256x128xf32>
      %squeeze3A_386 = vector.shape_cast %slice3A_385 : vector<1x256x128xf32> to vector<256x128xf32>
      %dot_general3A_387 = arith.constant dense<0.000000e+00> : vector<512x128xf32>
      %dot_general3A_388 = tpu.matmul %convert_element_type3A_384, %squeeze3A_386, %dot_general3A_387 {dimension_numbers = #tpu.dot_dimension_numbers<[1], [0], [0], [1], [0, 0, 1, 1], [], []>, transpose_lhs_hint = false} : vector<512x256xbf16>, vector<256x128xf32>, vector<512x128xf32> -> vector<512x128xf32>
      %convert_element_type3A_389 = arith.truncf %dot_general3A_388 : vector<512x128xf32> to vector<512x128xbf16>
      %swap3A_390 = arith.constant 512 : index
      %swap3A_391 = arith.constant 768 : index
      %swap3A_392 = vector.load %arg7[%swap3A_390, %swap3A_391] : memref<3584x2048xbf16, #tpu.memory_space<vmem>>, vector<512x128xbf16>
      tpu.vector_store %arg7[%swap3A_390, %swap3A_391], %convert_element_type3A_389 {strides = array<i32>} : memref<3584x2048xbf16, #tpu.memory_space<vmem>>, vector<512x128xbf16>,
      %slice3A_393 = vector.extract_strided_slice %get3A_280 {offsets = [7, 0], sizes = [1, 512], strides = [1, 1]} : vector<16x512xi32> to vector<1x512xi32>
      %squeeze3A_394 = vector.shape_cast %slice3A_393 : vector<1x512xi32> to vector<512xi32>
      %broadcast_in_dim3A_395 = vector.shape_cast %squeeze3A_394 : vector<512xi32> to vector<512x1xi32>
      %eq3A_396 = vector.broadcast %broadcast_in_dim3A_395 : vector<512x1xi32> to vector<512x256xi32>
      %eq3A_397 = arith.cmpi eq, %eq3A_396, %iota3A : vector<512x256xi32>
      %convert_element_type3A_398 = arith.extui %eq3A_397 : vector<512x256xi1> to vector<512x256xi32>
      %convert_element_type3A_399 = arith.sitofp %convert_element_type3A_398 : vector<512x256xi32> to vector<512x256xf32>
      %convert_element_type3A_400 = arith.truncf %convert_element_type3A_399 : vector<512x256xf32> to vector<512x256xbf16>
      %slice3A_401 = vector.extract_strided_slice %get3A_21 {offsets = [7, 0, 0], sizes = [1, 256, 128], strides = [1, 1, 1]} : vector<16x256x128xf32> to vector<1x256x128xf32>
      %squeeze3A_402 = vector.shape_cast %slice3A_401 : vector<1x256x128xf32> to vector<256x128xf32>
      %dot_general3A_403 = arith.constant dense<0.000000e+00> : vector<512x128xf32>
      %dot_general3A_404 = tpu.matmul %convert_element_type3A_400, %squeeze3A_402, %dot_general3A_403 {dimension_numbers = #tpu.dot_dimension_numbers<[1], [0], [0], [1], [0, 0, 1, 1], [], []>, transpose_lhs_hint = false} : vector<512x256xbf16>, vector<256x128xf32>, vector<512x128xf32> -> vector<512x128xf32>
      %convert_element_type3A_405 = arith.truncf %dot_general3A_404 : vector<512x128xf32> to vector<512x128xbf16>
      %swap3A_406 = arith.constant 512 : index
      %swap3A_407 = arith.constant 896 : index
      %swap3A_408 = vector.load %arg7[%swap3A_406, %swap3A_407] : memref<3584x2048xbf16, #tpu.memory_space<vmem>>, vector<512x128xbf16>
      tpu.vector_store %arg7[%swap3A_406, %swap3A_407], %convert_element_type3A_405 {strides = array<i32>} : memref<3584x2048xbf16, #tpu.memory_space<vmem>>, vector<512x128xbf16>,
      %slice3A_409 = vector.extract_strided_slice %get3A_280 {offsets = [8, 0], sizes = [1, 512], strides = [1, 1]} : vector<16x512xi32> to vector<1x512xi32>
      %squeeze3A_410 = vector.shape_cast %slice3A_409 : vector<1x512xi32> to vector<512xi32>
      %broadcast_in_dim3A_411 = vector.shape_cast %squeeze3A_410 : vector<512xi32> to vector<512x1xi32>
      %eq3A_412 = vector.broadcast %broadcast_in_dim3A_411 : vector<512x1xi32> to vector<512x256xi32>
      %eq3A_413 = arith.cmpi eq, %eq3A_412, %iota3A : vector<512x256xi32>
      %convert_element_type3A_414 = arith.extui %eq3A_413 : vector<512x256xi1> to vector<512x256xi32>
      %convert_element_type3A_415 = arith.sitofp %convert_element_type3A_414 : vector<512x256xi32> to vector<512x256xf32>
      %convert_element_type3A_416 = arith.truncf %convert_element_type3A_415 : vector<512x256xf32> to vector<512x256xbf16>
      %slice3A_417 = vector.extract_strided_slice %get3A_21 {offsets = [8, 0, 0], sizes = [1, 256, 128], strides = [1, 1, 1]} : vector<16x256x128xf32> to vector<1x256x128xf32>
      %squeeze3A_418 = vector.shape_cast %slice3A_417 : vector<1x256x128xf32> to vector<256x128xf32>
      %dot_general3A_419 = arith.constant dense<0.000000e+00> : vector<512x128xf32>
      %dot_general3A_420 = tpu.matmul %convert_element_type3A_416, %squeeze3A_418, %dot_general3A_419 {dimension_numbers = #tpu.dot_dimension_numbers<[1], [0], [0], [1], [0, 0, 1, 1], [], []>, transpose_lhs_hint = false} : vector<512x256xbf16>, vector<256x128xf32>, vector<512x128xf32> -> vector<512x128xf32>
      %convert_element_type3A_421 = arith.truncf %dot_general3A_420 : vector<512x128xf32> to vector<512x128xbf16>
      %swap3A_422 = arith.constant 512 : index
      %swap3A_423 = arith.constant 1024 : index
      %swap3A_424 = vector.load %arg7[%swap3A_422, %swap3A_423] : memref<3584x2048xbf16, #tpu.memory_space<vmem>>, vector<512x128xbf16>
      tpu.vector_store %arg7[%swap3A_422, %swap3A_423], %convert_element_type3A_421 {strides = array<i32>} : memref<3584x2048xbf16, #tpu.memory_space<vmem>>, vector<512x128xbf16>,
      %slice3A_425 = vector.extract_strided_slice %get3A_280 {offsets = [9, 0], sizes = [1, 512], strides = [1, 1]} : vector<16x512xi32> to vector<1x512xi32>
      %squeeze3A_426 = vector.shape_cast %slice3A_425 : vector<1x512xi32> to vector<512xi32>
      %broadcast_in_dim3A_427 = vector.shape_cast %squeeze3A_426 : vector<512xi32> to vector<512x1xi32>
      %eq3A_428 = vector.broadcast %broadcast_in_dim3A_427 : vector<512x1xi32> to vector<512x256xi32>
      %eq3A_429 = arith.cmpi eq, %eq3A_428, %iota3A : vector<512x256xi32>
      %convert_element_type3A_430 = arith.extui %eq3A_429 : vector<512x256xi1> to vector<512x256xi32>
      %convert_element_type3A_431 = arith.sitofp %convert_element_type3A_430 : vector<512x256xi32> to vector<512x256xf32>
      %convert_element_type3A_432 = arith.truncf %convert_element_type3A_431 : vector<512x256xf32> to vector<512x256xbf16>
      %slice3A_433 = vector.extract_strided_slice %get3A_21 {offsets = [9, 0, 0], sizes = [1, 256, 128], strides = [1, 1, 1]} : vector<16x256x128xf32> to vector<1x256x128xf32>
      %squeeze3A_434 = vector.shape_cast %slice3A_433 : vector<1x256x128xf32> to vector<256x128xf32>
      %dot_general3A_435 = arith.constant dense<0.000000e+00> : vector<512x128xf32>
      %dot_general3A_436 = tpu.matmul %convert_element_type3A_432, %squeeze3A_434, %dot_general3A_435 {dimension_numbers = #tpu.dot_dimension_numbers<[1], [0], [0], [1], [0, 0, 1, 1], [], []>, transpose_lhs_hint = false} : vector<512x256xbf16>, vector<256x128xf32>, vector<512x128xf32> -> vector<512x128xf32>
      %convert_element_type3A_437 = arith.truncf %dot_general3A_436 : vector<512x128xf32> to vector<512x128xbf16>
      %swap3A_438 = arith.constant 512 : index
      %swap3A_439 = arith.constant 1152 : index
      %swap3A_440 = vector.load %arg7[%swap3A_438, %swap3A_439] : memref<3584x2048xbf16, #tpu.memory_space<vmem>>, vector<512x128xbf16>
      tpu.vector_store %arg7[%swap3A_438, %swap3A_439], %convert_element_type3A_437 {strides = array<i32>} : memref<3584x2048xbf16, #tpu.memory_space<vmem>>, vector<512x128xbf16>,
      %slice3A_441 = vector.extract_strided_slice %get3A_280 {offsets = [10, 0], sizes = [1, 512], strides = [1, 1]} : vector<16x512xi32> to vector<1x512xi32>
      %squeeze3A_442 = vector.shape_cast %slice3A_441 : vector<1x512xi32> to vector<512xi32>
      %broadcast_in_dim3A_443 = vector.shape_cast %squeeze3A_442 : vector<512xi32> to vector<512x1xi32>
      %eq3A_444 = vector.broadcast %broadcast_in_dim3A_443 : vector<512x1xi32> to vector<512x256xi32>
      %eq3A_445 = arith.cmpi eq, %eq3A_444, %iota3A : vector<512x256xi32>
      %convert_element_type3A_446 = arith.extui %eq3A_445 : vector<512x256xi1> to vector<512x256xi32>
      %convert_element_type3A_447 = arith.sitofp %convert_element_type3A_446 : vector<512x256xi32> to vector<512x256xf32>
      %convert_element_type3A_448 = arith.truncf %convert_element_type3A_447 : vector<512x256xf32> to vector<512x256xbf16>
      %slice3A_449 = vector.extract_strided_slice %get3A_21 {offsets = [10, 0, 0], sizes = [1, 256, 128], strides = [1, 1, 1]} : vector<16x256x128xf32> to vector<1x256x128xf32>
      %squeeze3A_450 = vector.shape_cast %slice3A_449 : vector<1x256x128xf32> to vector<256x128xf32>
      %dot_general3A_451 = arith.constant dense<0.000000e+00> : vector<512x128xf32>
      %dot_general3A_452 = tpu.matmul %convert_element_type3A_448, %squeeze3A_450, %dot_general3A_451 {dimension_numbers = #tpu.dot_dimension_numbers<[1], [0], [0], [1], [0, 0, 1, 1], [], []>, transpose_lhs_hint = false} : vector<512x256xbf16>, vector<256x128xf32>, vector<512x128xf32> -> vector<512x128xf32>
      %convert_element_type3A_453 = arith.truncf %dot_general3A_452 : vector<512x128xf32> to vector<512x128xbf16>
      %swap3A_454 = arith.constant 512 : index
      %swap3A_455 = arith.constant 1280 : index
      %swap3A_456 = vector.load %arg7[%swap3A_454, %swap3A_455] : memref<3584x2048xbf16, #tpu.memory_space<vmem>>, vector<512x128xbf16>
      tpu.vector_store %arg7[%swap3A_454, %swap3A_455], %convert_element_type3A_453 {strides = array<i32>} : memref<3584x2048xbf16, #tpu.memory_space<vmem>>, vector<512x128xbf16>,
      %slice3A_457 = vector.extract_strided_slice %get3A_280 {offsets = [11, 0], sizes = [1, 512], strides = [1, 1]} : vector<16x512xi32> to vector<1x512xi32>
      %squeeze3A_458 = vector.shape_cast %slice3A_457 : vector<1x512xi32> to vector<512xi32>
      %broadcast_in_dim3A_459 = vector.shape_cast %squeeze3A_458 : vector<512xi32> to vector<512x1xi32>
      %eq3A_460 = vector.broadcast %broadcast_in_dim3A_459 : vector<512x1xi32> to vector<512x256xi32>
      %eq3A_461 = arith.cmpi eq, %eq3A_460, %iota3A : vector<512x256xi32>
      %convert_element_type3A_462 = arith.extui %eq3A_461 : vector<512x256xi1> to vector<512x256xi32>
      %convert_element_type3A_463 = arith.sitofp %convert_element_type3A_462 : vector<512x256xi32> to vector<512x256xf32>
      %convert_element_type3A_464 = arith.truncf %convert_element_type3A_463 : vector<512x256xf32> to vector<512x256xbf16>
      %slice3A_465 = vector.extract_strided_slice %get3A_21 {offsets = [11, 0, 0], sizes = [1, 256, 128], strides = [1, 1, 1]} : vector<16x256x128xf32> to vector<1x256x128xf32>
      %squeeze3A_466 = vector.shape_cast %slice3A_465 : vector<1x256x128xf32> to vector<256x128xf32>
      %dot_general3A_467 = arith.constant dense<0.000000e+00> : vector<512x128xf32>
      %dot_general3A_468 = tpu.matmul %convert_element_type3A_464, %squeeze3A_466, %dot_general3A_467 {dimension_numbers = #tpu.dot_dimension_numbers<[1], [0], [0], [1], [0, 0, 1, 1], [], []>, transpose_lhs_hint = false} : vector<512x256xbf16>, vector<256x128xf32>, vector<512x128xf32> -> vector<512x128xf32>
      %convert_element_type3A_469 = arith.truncf %dot_general3A_468 : vector<512x128xf32> to vector<512x128xbf16>
      %swap3A_470 = arith.constant 512 : index
      %swap3A_471 = arith.constant 1408 : index
      %swap3A_472 = vector.load %arg7[%swap3A_470, %swap3A_471] : memref<3584x2048xbf16, #tpu.memory_space<vmem>>, vector<512x128xbf16>
      tpu.vector_store %arg7[%swap3A_470, %swap3A_471], %convert_element_type3A_469 {strides = array<i32>} : memref<3584x2048xbf16, #tpu.memory_space<vmem>>, vector<512x128xbf16>,
      %slice3A_473 = vector.extract_strided_slice %get3A_280 {offsets = [12, 0], sizes = [1, 512], strides = [1, 1]} : vector<16x512xi32> to vector<1x512xi32>
      %squeeze3A_474 = vector.shape_cast %slice3A_473 : vector<1x512xi32> to vector<512xi32>
      %broadcast_in_dim3A_475 = vector.shape_cast %squeeze3A_474 : vector<512xi32> to vector<512x1xi32>
      %eq3A_476 = vector.broadcast %broadcast_in_dim3A_475 : vector<512x1xi32> to vector<512x256xi32>
      %eq3A_477 = arith.cmpi eq, %eq3A_476, %iota3A : vector<512x256xi32>
      %convert_element_type3A_478 = arith.extui %eq3A_477 : vector<512x256xi1> to vector<512x256xi32>
      %convert_element_type3A_479 = arith.sitofp %convert_element_type3A_478 : vector<512x256xi32> to vector<512x256xf32>
      %convert_element_type3A_480 = arith.truncf %convert_element_type3A_479 : vector<512x256xf32> to vector<512x256xbf16>
      %slice3A_481 = vector.extract_strided_slice %get3A_21 {offsets = [12, 0, 0], sizes = [1, 256, 128], strides = [1, 1, 1]} : vector<16x256x128xf32> to vector<1x256x128xf32>
      %squeeze3A_482 = vector.shape_cast %slice3A_481 : vector<1x256x128xf32> to vector<256x128xf32>
      %dot_general3A_483 = arith.constant dense<0.000000e+00> : vector<512x128xf32>
      %dot_general3A_484 = tpu.matmul %convert_element_type3A_480, %squeeze3A_482, %dot_general3A_483 {dimension_numbers = #tpu.dot_dimension_numbers<[1], [0], [0], [1], [0, 0, 1, 1], [], []>, transpose_lhs_hint = false} : vector<512x256xbf16>, vector<256x128xf32>, vector<512x128xf32> -> vector<512x128xf32>
      %convert_element_type3A_485 = arith.truncf %dot_general3A_484 : vector<512x128xf32> to vector<512x128xbf16>
      %swap3A_486 = arith.constant 512 : index
      %swap3A_487 = arith.constant 1536 : index
      %swap3A_488 = vector.load %arg7[%swap3A_486, %swap3A_487] : memref<3584x2048xbf16, #tpu.memory_space<vmem>>, vector<512x128xbf16>
      tpu.vector_store %arg7[%swap3A_486, %swap3A_487], %convert_element_type3A_485 {strides = array<i32>} : memref<3584x2048xbf16, #tpu.memory_space<vmem>>, vector<512x128xbf16>,
      %slice3A_489 = vector.extract_strided_slice %get3A_280 {offsets = [13, 0], sizes = [1, 512], strides = [1, 1]} : vector<16x512xi32> to vector<1x512xi32>
      %squeeze3A_490 = vector.shape_cast %slice3A_489 : vector<1x512xi32> to vector<512xi32>
      %broadcast_in_dim3A_491 = vector.shape_cast %squeeze3A_490 : vector<512xi32> to vector<512x1xi32>
      %eq3A_492 = vector.broadcast %broadcast_in_dim3A_491 : vector<512x1xi32> to vector<512x256xi32>
      %eq3A_493 = arith.cmpi eq, %eq3A_492, %iota3A : vector<512x256xi32>
      %convert_element_type3A_494 = arith.extui %eq3A_493 : vector<512x256xi1> to vector<512x256xi32>
      %convert_element_type3A_495 = arith.sitofp %convert_element_type3A_494 : vector<512x256xi32> to vector<512x256xf32>
      %convert_element_type3A_496 = arith.truncf %convert_element_type3A_495 : vector<512x256xf32> to vector<512x256xbf16>
      %slice3A_497 = vector.extract_strided_slice %get3A_21 {offsets = [13, 0, 0], sizes = [1, 256, 128], strides = [1, 1, 1]} : vector<16x256x128xf32> to vector<1x256x128xf32>
      %squeeze3A_498 = vector.shape_cast %slice3A_497 : vector<1x256x128xf32> to vector<256x128xf32>
      %dot_general3A_499 = arith.constant dense<0.000000e+00> : vector<512x128xf32>
      %dot_general3A_500 = tpu.matmul %convert_element_type3A_496, %squeeze3A_498, %dot_general3A_499 {dimension_numbers = #tpu.dot_dimension_numbers<[1], [0], [0], [1], [0, 0, 1, 1], [], []>, transpose_lhs_hint = false} : vector<512x256xbf16>, vector<256x128xf32>, vector<512x128xf32> -> vector<512x128xf32>
      %convert_element_type3A_501 = arith.truncf %dot_general3A_500 : vector<512x128xf32> to vector<512x128xbf16>
      %swap3A_502 = arith.constant 512 : index
      %swap3A_503 = arith.constant 1664 : index
      %swap3A_504 = vector.load %arg7[%swap3A_502, %swap3A_503] : memref<3584x2048xbf16, #tpu.memory_space<vmem>>, vector<512x128xbf16>
      tpu.vector_store %arg7[%swap3A_502, %swap3A_503], %convert_element_type3A_501 {strides = array<i32>} : memref<3584x2048xbf16, #tpu.memory_space<vmem>>, vector<512x128xbf16>,
      %slice3A_505 = vector.extract_strided_slice %get3A_280 {offsets = [14, 0], sizes = [1, 512], strides = [1, 1]} : vector<16x512xi32> to vector<1x512xi32>
      %squeeze3A_506 = vector.shape_cast %slice3A_505 : vector<1x512xi32> to vector<512xi32>
      %broadcast_in_dim3A_507 = vector.shape_cast %squeeze3A_506 : vector<512xi32> to vector<512x1xi32>
      %eq3A_508 = vector.broadcast %broadcast_in_dim3A_507 : vector<512x1xi32> to vector<512x256xi32>
      %eq3A_509 = arith.cmpi eq, %eq3A_508, %iota3A : vector<512x256xi32>
      %convert_element_type3A_510 = arith.extui %eq3A_509 : vector<512x256xi1> to vector<512x256xi32>
      %convert_element_type3A_511 = arith.sitofp %convert_element_type3A_510 : vector<512x256xi32> to vector<512x256xf32>
      %convert_element_type3A_512 = arith.truncf %convert_element_type3A_511 : vector<512x256xf32> to vector<512x256xbf16>
      %slice3A_513 = vector.extract_strided_slice %get3A_21 {offsets = [14, 0, 0], sizes = [1, 256, 128], strides = [1, 1, 1]} : vector<16x256x128xf32> to vector<1x256x128xf32>
      %squeeze3A_514 = vector.shape_cast %slice3A_513 : vector<1x256x128xf32> to vector<256x128xf32>
      %dot_general3A_515 = arith.constant dense<0.000000e+00> : vector<512x128xf32>
      %dot_general3A_516 = tpu.matmul %convert_element_type3A_512, %squeeze3A_514, %dot_general3A_515 {dimension_numbers = #tpu.dot_dimension_numbers<[1], [0], [0], [1], [0, 0, 1, 1], [], []>, transpose_lhs_hint = false} : vector<512x256xbf16>, vector<256x128xf32>, vector<512x128xf32> -> vector<512x128xf32>
      %convert_element_type3A_517 = arith.truncf %dot_general3A_516 : vector<512x128xf32> to vector<512x128xbf16>
      %swap3A_518 = arith.constant 512 : index
      %swap3A_519 = arith.constant 1792 : index
      %swap3A_520 = vector.load %arg7[%swap3A_518, %swap3A_519] : memref<3584x2048xbf16, #tpu.memory_space<vmem>>, vector<512x128xbf16>
      tpu.vector_store %arg7[%swap3A_518, %swap3A_519], %convert_element_type3A_517 {strides = array<i32>} : memref<3584x2048xbf16, #tpu.memory_space<vmem>>, vector<512x128xbf16>,
      %slice3A_521 = vector.extract_strided_slice %get3A_280 {offsets = [15, 0], sizes = [1, 512], strides = [1, 1]} : vector<16x512xi32> to vector<1x512xi32>
      %squeeze3A_522 = vector.shape_cast %slice3A_521 : vector<1x512xi32> to vector<512xi32>
      %broadcast_in_dim3A_523 = vector.shape_cast %squeeze3A_522 : vector<512xi32> to vector<512x1xi32>
      %eq3A_524 = vector.broadcast %broadcast_in_dim3A_523 : vector<512x1xi32> to vector<512x256xi32>
      %eq3A_525 = arith.cmpi eq, %eq3A_524, %iota3A : vector<512x256xi32>
      %convert_element_type3A_526 = arith.extui %eq3A_525 : vector<512x256xi1> to vector<512x256xi32>
      %convert_element_type3A_527 = arith.sitofp %convert_element_type3A_526 : vector<512x256xi32> to vector<512x256xf32>
      %convert_element_type3A_528 = arith.truncf %convert_element_type3A_527 : vector<512x256xf32> to vector<512x256xbf16>
      %slice3A_529 = vector.extract_strided_slice %get3A_21 {offsets = [15, 0, 0], sizes = [1, 256, 128], strides = [1, 1, 1]} : vector<16x256x128xf32> to vector<1x256x128xf32>
      %squeeze3A_530 = vector.shape_cast %slice3A_529 : vector<1x256x128xf32> to vector<256x128xf32>
      %dot_general3A_531 = arith.constant dense<0.000000e+00> : vector<512x128xf32>
      %dot_general3A_532 = tpu.matmul %convert_element_type3A_528, %squeeze3A_530, %dot_general3A_531 {dimension_numbers = #tpu.dot_dimension_numbers<[1], [0], [0], [1], [0, 0, 1, 1], [], []>, transpose_lhs_hint = false} : vector<512x256xbf16>, vector<256x128xf32>, vector<512x128xf32> -> vector<512x128xf32>
      %convert_element_type3A_533 = arith.truncf %dot_general3A_532 : vector<512x128xf32> to vector<512x128xbf16>
      %swap3A_534 = arith.constant 512 : index
      %swap3A_535 = arith.constant 1920 : index
      %swap3A_536 = vector.load %arg7[%swap3A_534, %swap3A_535] : memref<3584x2048xbf16, #tpu.memory_space<vmem>>, vector<512x128xbf16>
      tpu.vector_store %arg7[%swap3A_534, %swap3A_535], %convert_element_type3A_533 {strides = array<i32>} : memref<3584x2048xbf16, #tpu.memory_space<vmem>>, vector<512x128xbf16>,
      %get3A_537 = arith.constant 0 : index
      %get3A_538 = arith.constant 1024 : index
      %get3A_539 = vector.load %arg1[%get3A_537, %get3A_538] : memref<16x3584xi32, #tpu.memory_space<vmem>>, vector<16x512xi32>
      %slice3A_540 = vector.extract_strided_slice %get3A_539 {offsets = [0, 0], sizes = [1, 512], strides = [1, 1]} : vector<16x512xi32> to vector<1x512xi32>
      %squeeze3A_541 = vector.shape_cast %slice3A_540 : vector<1x512xi32> to vector<512xi32>
      %broadcast_in_dim3A_542 = vector.shape_cast %squeeze3A_541 : vector<512xi32> to vector<512x1xi32>
      %eq3A_543 = vector.broadcast %broadcast_in_dim3A_542 : vector<512x1xi32> to vector<512x256xi32>
      %eq3A_544 = arith.cmpi eq, %eq3A_543, %iota3A : vector<512x256xi32>
      %convert_element_type3A_545 = arith.extui %eq3A_544 : vector<512x256xi1> to vector<512x256xi32>
      %convert_element_type3A_546 = arith.sitofp %convert_element_type3A_545 : vector<512x256xi32> to vector<512x256xf32>
      %convert_element_type3A_547 = arith.truncf %convert_element_type3A_546 : vector<512x256xf32> to vector<512x256xbf16>
      %slice3A_548 = vector.extract_strided_slice %get3A_21 {offsets = [0, 0, 0], sizes = [1, 256, 128], strides = [1, 1, 1]} : vector<16x256x128xf32> to vector<1x256x128xf32>
      %squeeze3A_549 = vector.shape_cast %slice3A_548 : vector<1x256x128xf32> to vector<256x128xf32>
      %dot_general3A_550 = arith.constant dense<0.000000e+00> : vector<512x128xf32>
      %dot_general3A_551 = tpu.matmul %convert_element_type3A_547, %squeeze3A_549, %dot_general3A_550 {dimension_numbers = #tpu.dot_dimension_numbers<[1], [0], [0], [1], [0, 0, 1, 1], [], []>, transpose_lhs_hint = false} : vector<512x256xbf16>, vector<256x128xf32>, vector<512x128xf32> -> vector<512x128xf32>
      %convert_element_type3A_552 = arith.truncf %dot_general3A_551 : vector<512x128xf32> to vector<512x128xbf16>
      %swap3A_553 = arith.constant 1024 : index
      %swap3A_554 = arith.constant 0 : index
      %swap3A_555 = vector.load %arg7[%swap3A_553, %swap3A_554] : memref<3584x2048xbf16, #tpu.memory_space<vmem>>, vector<512x128xbf16>
      tpu.vector_store %arg7[%swap3A_553, %swap3A_554], %convert_element_type3A_552 {strides = array<i32>} : memref<3584x2048xbf16, #tpu.memory_space<vmem>>, vector<512x128xbf16>,
      %slice3A_556 = vector.extract_strided_slice %get3A_539 {offsets = [1, 0], sizes = [1, 512], strides = [1, 1]} : vector<16x512xi32> to vector<1x512xi32>
      %squeeze3A_557 = vector.shape_cast %slice3A_556 : vector<1x512xi32> to vector<512xi32>
      %broadcast_in_dim3A_558 = vector.shape_cast %squeeze3A_557 : vector<512xi32> to vector<512x1xi32>
      %eq3A_559 = vector.broadcast %broadcast_in_dim3A_558 : vector<512x1xi32> to vector<512x256xi32>
      %eq3A_560 = arith.cmpi eq, %eq3A_559, %iota3A : vector<512x256xi32>
      %convert_element_type3A_561 = arith.extui %eq3A_560 : vector<512x256xi1> to vector<512x256xi32>
      %convert_element_type3A_562 = arith.sitofp %convert_element_type3A_561 : vector<512x256xi32> to vector<512x256xf32>
      %convert_element_type3A_563 = arith.truncf %convert_element_type3A_562 : vector<512x256xf32> to vector<512x256xbf16>
      %slice3A_564 = vector.extract_strided_slice %get3A_21 {offsets = [1, 0, 0], sizes = [1, 256, 128], strides = [1, 1, 1]} : vector<16x256x128xf32> to vector<1x256x128xf32>
      %squeeze3A_565 = vector.shape_cast %slice3A_564 : vector<1x256x128xf32> to vector<256x128xf32>
      %dot_general3A_566 = arith.constant dense<0.000000e+00> : vector<512x128xf32>
      %dot_general3A_567 = tpu.matmul %convert_element_type3A_563, %squeeze3A_565, %dot_general3A_566 {dimension_numbers = #tpu.dot_dimension_numbers<[1], [0], [0], [1], [0, 0, 1, 1], [], []>, transpose_lhs_hint = false} : vector<512x256xbf16>, vector<256x128xf32>, vector<512x128xf32> -> vector<512x128xf32>
      %convert_element_type3A_568 = arith.truncf %dot_general3A_567 : vector<512x128xf32> to vector<512x128xbf16>
      %swap3A_569 = arith.constant 1024 : index
      %swap3A_570 = arith.constant 128 : index
      %swap3A_571 = vector.load %arg7[%swap3A_569, %swap3A_570] : memref<3584x2048xbf16, #tpu.memory_space<vmem>>, vector<512x128xbf16>
      tpu.vector_store %arg7[%swap3A_569, %swap3A_570], %convert_element_type3A_568 {strides = array<i32>} : memref<3584x2048xbf16, #tpu.memory_space<vmem>>, vector<512x128xbf16>,
      %slice3A_572 = vector.extract_strided_slice %get3A_539 {offsets = [2, 0], sizes = [1, 512], strides = [1, 1]} : vector<16x512xi32> to vector<1x512xi32>
      %squeeze3A_573 = vector.shape_cast %slice3A_572 : vector<1x512xi32> to vector<512xi32>
      %broadcast_in_dim3A_574 = vector.shape_cast %squeeze3A_573 : vector<512xi32> to vector<512x1xi32>
      %eq3A_575 = vector.broadcast %broadcast_in_dim3A_574 : vector<512x1xi32> to vector<512x256xi32>
      %eq3A_576 = arith.cmpi eq, %eq3A_575, %iota3A : vector<512x256xi32>
      %convert_element_type3A_577 = arith.extui %eq3A_576 : vector<512x256xi1> to vector<512x256xi32>
      %convert_element_type3A_578 = arith.sitofp %convert_element_type3A_577 : vector<512x256xi32> to vector<512x256xf32>
      %convert_element_type3A_579 = arith.truncf %convert_element_type3A_578 : vector<512x256xf32> to vector<512x256xbf16>
      %slice3A_580 = vector.extract_strided_slice %get3A_21 {offsets = [2, 0, 0], sizes = [1, 256, 128], strides = [1, 1, 1]} : vector<16x256x128xf32> to vector<1x256x128xf32>
      %squeeze3A_581 = vector.shape_cast %slice3A_580 : vector<1x256x128xf32> to vector<256x128xf32>
      %dot_general3A_582 = arith.constant dense<0.000000e+00> : vector<512x128xf32>
      %dot_general3A_583 = tpu.matmul %convert_element_type3A_579, %squeeze3A_581, %dot_general3A_582 {dimension_numbers = #tpu.dot_dimension_numbers<[1], [0], [0], [1], [0, 0, 1, 1], [], []>, transpose_lhs_hint = false} : vector<512x256xbf16>, vector<256x128xf32>, vector<512x128xf32> -> vector<512x128xf32>
      %convert_element_type3A_584 = arith.truncf %dot_general3A_583 : vector<512x128xf32> to vector<512x128xbf16>
      %swap3A_585 = arith.constant 1024 : index
      %swap3A_586 = arith.constant 256 : index
      %swap3A_587 = vector.load %arg7[%swap3A_585, %swap3A_586] : memref<3584x2048xbf16, #tpu.memory_space<vmem>>, vector<512x128xbf16>
      tpu.vector_store %arg7[%swap3A_585, %swap3A_586], %convert_element_type3A_584 {strides = array<i32>} : memref<3584x2048xbf16, #tpu.memory_space<vmem>>, vector<512x128xbf16>,
      %slice3A_588 = vector.extract_strided_slice %get3A_539 {offsets = [3, 0], sizes = [1, 512], strides = [1, 1]} : vector<16x512xi32> to vector<1x512xi32>
      %squeeze3A_589 = vector.shape_cast %slice3A_588 : vector<1x512xi32> to vector<512xi32>
      %broadcast_in_dim3A_590 = vector.shape_cast %squeeze3A_589 : vector<512xi32> to vector<512x1xi32>
      %eq3A_591 = vector.broadcast %broadcast_in_dim3A_590 : vector<512x1xi32> to vector<512x256xi32>
      %eq3A_592 = arith.cmpi eq, %eq3A_591, %iota3A : vector<512x256xi32>
      %convert_element_type3A_593 = arith.extui %eq3A_592 : vector<512x256xi1> to vector<512x256xi32>
      %convert_element_type3A_594 = arith.sitofp %convert_element_type3A_593 : vector<512x256xi32> to vector<512x256xf32>
      %convert_element_type3A_595 = arith.truncf %convert_element_type3A_594 : vector<512x256xf32> to vector<512x256xbf16>
      %slice3A_596 = vector.extract_strided_slice %get3A_21 {offsets = [3, 0, 0], sizes = [1, 256, 128], strides = [1, 1, 1]} : vector<16x256x128xf32> to vector<1x256x128xf32>
      %squeeze3A_597 = vector.shape_cast %slice3A_596 : vector<1x256x128xf32> to vector<256x128xf32>
      %dot_general3A_598 = arith.constant dense<0.000000e+00> : vector<512x128xf32>
      %dot_general3A_599 = tpu.matmul %convert_element_type3A_595, %squeeze3A_597, %dot_general3A_598 {dimension_numbers = #tpu.dot_dimension_numbers<[1], [0], [0], [1], [0, 0, 1, 1], [], []>, transpose_lhs_hint = false} : vector<512x256xbf16>, vector<256x128xf32>, vector<512x128xf32> -> vector<512x128xf32>
      %convert_element_type3A_600 = arith.truncf %dot_general3A_599 : vector<512x128xf32> to vector<512x128xbf16>
      %swap3A_601 = arith.constant 1024 : index
      %swap3A_602 = arith.constant 384 : index
      %swap3A_603 = vector.load %arg7[%swap3A_601, %swap3A_602] : memref<3584x2048xbf16, #tpu.memory_space<vmem>>, vector<512x128xbf16>
      tpu.vector_store %arg7[%swap3A_601, %swap3A_602], %convert_element_type3A_600 {strides = array<i32>} : memref<3584x2048xbf16, #tpu.memory_space<vmem>>, vector<512x128xbf16>,
      %slice3A_604 = vector.extract_strided_slice %get3A_539 {offsets = [4, 0], sizes = [1, 512], strides = [1, 1]} : vector<16x512xi32> to vector<1x512xi32>
      %squeeze3A_605 = vector.shape_cast %slice3A_604 : vector<1x512xi32> to vector<512xi32>
      %broadcast_in_dim3A_606 = vector.shape_cast %squeeze3A_605 : vector<512xi32> to vector<512x1xi32>
      %eq3A_607 = vector.broadcast %broadcast_in_dim3A_606 : vector<512x1xi32> to vector<512x256xi32>
      %eq3A_608 = arith.cmpi eq, %eq3A_607, %iota3A : vector<512x256xi32>
      %convert_element_type3A_609 = arith.extui %eq3A_608 : vector<512x256xi1> to vector<512x256xi32>
      %convert_element_type3A_610 = arith.sitofp %convert_element_type3A_609 : vector<512x256xi32> to vector<512x256xf32>
      %convert_element_type3A_611 = arith.truncf %convert_element_type3A_610 : vector<512x256xf32> to vector<512x256xbf16>
      %slice3A_612 = vector.extract_strided_slice %get3A_21 {offsets = [4, 0, 0], sizes = [1, 256, 128], strides = [1, 1, 1]} : vector<16x256x128xf32> to vector<1x256x128xf32>
      %squeeze3A_613 = vector.shape_cast %slice3A_612 : vector<1x256x128xf32> to vector<256x128xf32>
      %dot_general3A_614 = arith.constant dense<0.000000e+00> : vector<512x128xf32>
      %dot_general3A_615 = tpu.matmul %convert_element_type3A_611, %squeeze3A_613, %dot_general3A_614 {dimension_numbers = #tpu.dot_dimension_numbers<[1], [0], [0], [1], [0, 0, 1, 1], [], []>, transpose_lhs_hint = false} : vector<512x256xbf16>, vector<256x128xf32>, vector<512x128xf32> -> vector<512x128xf32>
      %convert_element_type3A_616 = arith.truncf %dot_general3A_615 : vector<512x128xf32> to vector<512x128xbf16>
      %swap3A_617 = arith.constant 1024 : index
      %swap3A_618 = arith.constant 512 : index
      %swap3A_619 = vector.load %arg7[%swap3A_617, %swap3A_618] : memref<3584x2048xbf16, #tpu.memory_space<vmem>>, vector<512x128xbf16>
      tpu.vector_store %arg7[%swap3A_617, %swap3A_618], %convert_element_type3A_616 {strides = array<i32>} : memref<3584x2048xbf16, #tpu.memory_space<vmem>>, vector<512x128xbf16>,
      %slice3A_620 = vector.extract_strided_slice %get3A_539 {offsets = [5, 0], sizes = [1, 512], strides = [1, 1]} : vector<16x512xi32> to vector<1x512xi32>
      %squeeze3A_621 = vector.shape_cast %slice3A_620 : vector<1x512xi32> to vector<512xi32>
      %broadcast_in_dim3A_622 = vector.shape_cast %squeeze3A_621 : vector<512xi32> to vector<512x1xi32>
      %eq3A_623 = vector.broadcast %broadcast_in_dim3A_622 : vector<512x1xi32> to vector<512x256xi32>
      %eq3A_624 = arith.cmpi eq, %eq3A_623, %iota3A : vector<512x256xi32>
      %convert_element_type3A_625 = arith.extui %eq3A_624 : vector<512x256xi1> to vector<512x256xi32>
      %convert_element_type3A_626 = arith.sitofp %convert_element_type3A_625 : vector<512x256xi32> to vector<512x256xf32>
      %convert_element_type3A_627 = arith.truncf %convert_element_type3A_626 : vector<512x256xf32> to vector<512x256xbf16>
      %slice3A_628 = vector.extract_strided_slice %get3A_21 {offsets = [5, 0, 0], sizes = [1, 256, 128], strides = [1, 1, 1]} : vector<16x256x128xf32> to vector<1x256x128xf32>
      %squeeze3A_629 = vector.shape_cast %slice3A_628 : vector<1x256x128xf32> to vector<256x128xf32>
      %dot_general3A_630 = arith.constant dense<0.000000e+00> : vector<512x128xf32>
      %dot_general3A_631 = tpu.matmul %convert_element_type3A_627, %squeeze3A_629, %dot_general3A_630 {dimension_numbers = #tpu.dot_dimension_numbers<[1], [0], [0], [1], [0, 0, 1, 1], [], []>, transpose_lhs_hint = false} : vector<512x256xbf16>, vector<256x128xf32>, vector<512x128xf32> -> vector<512x128xf32>
      %convert_element_type3A_632 = arith.truncf %dot_general3A_631 : vector<512x128xf32> to vector<512x128xbf16>
      %swap3A_633 = arith.constant 1024 : index
      %swap3A_634 = arith.constant 640 : index
      %swap3A_635 = vector.load %arg7[%swap3A_633, %swap3A_634] : memref<3584x2048xbf16, #tpu.memory_space<vmem>>, vector<512x128xbf16>
      tpu.vector_store %arg7[%swap3A_633, %swap3A_634], %convert_element_type3A_632 {strides = array<i32>} : memref<3584x2048xbf16, #tpu.memory_space<vmem>>, vector<512x128xbf16>,
      %slice3A_636 = vector.extract_strided_slice %get3A_539 {offsets = [6, 0], sizes = [1, 512], strides = [1, 1]} : vector<16x512xi32> to vector<1x512xi32>
      %squeeze3A_637 = vector.shape_cast %slice3A_636 : vector<1x512xi32> to vector<512xi32>
      %broadcast_in_dim3A_638 = vector.shape_cast %squeeze3A_637 : vector<512xi32> to vector<512x1xi32>
      %eq3A_639 = vector.broadcast %broadcast_in_dim3A_638 : vector<512x1xi32> to vector<512x256xi32>
      %eq3A_640 = arith.cmpi eq, %eq3A_639, %iota3A : vector<512x256xi32>
      %convert_element_type3A_641 = arith.extui %eq3A_640 : vector<512x256xi1> to vector<512x256xi32>
      %convert_element_type3A_642 = arith.sitofp %convert_element_type3A_641 : vector<512x256xi32> to vector<512x256xf32>
      %convert_element_type3A_643 = arith.truncf %convert_element_type3A_642 : vector<512x256xf32> to vector<512x256xbf16>
      %slice3A_644 = vector.extract_strided_slice %get3A_21 {offsets = [6, 0, 0], sizes = [1, 256, 128], strides = [1, 1, 1]} : vector<16x256x128xf32> to vector<1x256x128xf32>
      %squeeze3A_645 = vector.shape_cast %slice3A_644 : vector<1x256x128xf32> to vector<256x128xf32>
      %dot_general3A_646 = arith.constant dense<0.000000e+00> : vector<512x128xf32>
      %dot_general3A_647 = tpu.matmul %convert_element_type3A_643, %squeeze3A_645, %dot_general3A_646 {dimension_numbers = #tpu.dot_dimension_numbers<[1], [0], [0], [1], [0, 0, 1, 1], [], []>, transpose_lhs_hint = false} : vector<512x256xbf16>, vector<256x128xf32>, vector<512x128xf32> -> vector<512x128xf32>
      %convert_element_type3A_648 = arith.truncf %dot_general3A_647 : vector<512x128xf32> to vector<512x128xbf16>
      %swap3A_649 = arith.constant 1024 : index
      %swap3A_650 = arith.constant 768 : index
      %swap3A_651 = vector.load %arg7[%swap3A_649, %swap3A_650] : memref<3584x2048xbf16, #tpu.memory_space<vmem>>, vector<512x128xbf16>
      tpu.vector_store %arg7[%swap3A_649, %swap3A_650], %convert_element_type3A_648 {strides = array<i32>} : memref<3584x2048xbf16, #tpu.memory_space<vmem>>, vector<512x128xbf16>,
      %slice3A_652 = vector.extract_strided_slice %get3A_539 {offsets = [7, 0], sizes = [1, 512], strides = [1, 1]} : vector<16x512xi32> to vector<1x512xi32>
      %squeeze3A_653 = vector.shape_cast %slice3A_652 : vector<1x512xi32> to vector<512xi32>
      %broadcast_in_dim3A_654 = vector.shape_cast %squeeze3A_653 : vector<512xi32> to vector<512x1xi32>
      %eq3A_655 = vector.broadcast %broadcast_in_dim3A_654 : vector<512x1xi32> to vector<512x256xi32>
      %eq3A_656 = arith.cmpi eq, %eq3A_655, %iota3A : vector<512x256xi32>
      %convert_element_type3A_657 = arith.extui %eq3A_656 : vector<512x256xi1> to vector<512x256xi32>
      %convert_element_type3A_658 = arith.sitofp %convert_element_type3A_657 : vector<512x256xi32> to vector<512x256xf32>
      %convert_element_type3A_659 = arith.truncf %convert_element_type3A_658 : vector<512x256xf32> to vector<512x256xbf16>
      %slice3A_660 = vector.extract_strided_slice %get3A_21 {offsets = [7, 0, 0], sizes = [1, 256, 128], strides = [1, 1, 1]} : vector<16x256x128xf32> to vector<1x256x128xf32>
      %squeeze3A_661 = vector.shape_cast %slice3A_660 : vector<1x256x128xf32> to vector<256x128xf32>
      %dot_general3A_662 = arith.constant dense<0.000000e+00> : vector<512x128xf32>
      %dot_general3A_663 = tpu.matmul %convert_element_type3A_659, %squeeze3A_661, %dot_general3A_662 {dimension_numbers = #tpu.dot_dimension_numbers<[1], [0], [0], [1], [0, 0, 1, 1], [], []>, transpose_lhs_hint = false} : vector<512x256xbf16>, vector<256x128xf32>, vector<512x128xf32> -> vector<512x128xf32>
      %convert_element_type3A_664 = arith.truncf %dot_general3A_663 : vector<512x128xf32> to vector<512x128xbf16>
      %swap3A_665 = arith.constant 1024 : index
      %swap3A_666 = arith.constant 896 : index
      %swap3A_667 = vector.load %arg7[%swap3A_665, %swap3A_666] : memref<3584x2048xbf16, #tpu.memory_space<vmem>>, vector<512x128xbf16>
      tpu.vector_store %arg7[%swap3A_665, %swap3A_666], %convert_element_type3A_664 {strides = array<i32>} : memref<3584x2048xbf16, #tpu.memory_space<vmem>>, vector<512x128xbf16>,
      %slice3A_668 = vector.extract_strided_slice %get3A_539 {offsets = [8, 0], sizes = [1, 512], strides = [1, 1]} : vector<16x512xi32> to vector<1x512xi32>
      %squeeze3A_669 = vector.shape_cast %slice3A_668 : vector<1x512xi32> to vector<512xi32>
      %broadcast_in_dim3A_670 = vector.shape_cast %squeeze3A_669 : vector<512xi32> to vector<512x1xi32>
      %eq3A_671 = vector.broadcast %broadcast_in_dim3A_670 : vector<512x1xi32> to vector<512x256xi32>
      %eq3A_672 = arith.cmpi eq, %eq3A_671, %iota3A : vector<512x256xi32>
      %convert_element_type3A_673 = arith.extui %eq3A_672 : vector<512x256xi1> to vector<512x256xi32>
      %convert_element_type3A_674 = arith.sitofp %convert_element_type3A_673 : vector<512x256xi32> to vector<512x256xf32>
      %convert_element_type3A_675 = arith.truncf %convert_element_type3A_674 : vector<512x256xf32> to vector<512x256xbf16>
      %slice3A_676 = vector.extract_strided_slice %get3A_21 {offsets = [8, 0, 0], sizes = [1, 256, 128], strides = [1, 1, 1]} : vector<16x256x128xf32> to vector<1x256x128xf32>
      %squeeze3A_677 = vector.shape_cast %slice3A_676 : vector<1x256x128xf32> to vector<256x128xf32>
      %dot_general3A_678 = arith.constant dense<0.000000e+00> : vector<512x128xf32>
      %dot_general3A_679 = tpu.matmul %convert_element_type3A_675, %squeeze3A_677, %dot_general3A_678 {dimension_numbers = #tpu.dot_dimension_numbers<[1], [0], [0], [1], [0, 0, 1, 1], [], []>, transpose_lhs_hint = false} : vector<512x256xbf16>, vector<256x128xf32>, vector<512x128xf32> -> vector<512x128xf32>
      %convert_element_type3A_680 = arith.truncf %dot_general3A_679 : vector<512x128xf32> to vector<512x128xbf16>
      %swap3A_681 = arith.constant 1024 : index
      %swap3A_682 = arith.constant 1024 : index
      %swap3A_683 = vector.load %arg7[%swap3A_681, %swap3A_682] : memref<3584x2048xbf16, #tpu.memory_space<vmem>>, vector<512x128xbf16>
      tpu.vector_store %arg7[%swap3A_681, %swap3A_682], %convert_element_type3A_680 {strides = array<i32>} : memref<3584x2048xbf16, #tpu.memory_space<vmem>>, vector<512x128xbf16>,
      %slice3A_684 = vector.extract_strided_slice %get3A_539 {offsets = [9, 0], sizes = [1, 512], strides = [1, 1]} : vector<16x512xi32> to vector<1x512xi32>
      %squeeze3A_685 = vector.shape_cast %slice3A_684 : vector<1x512xi32> to vector<512xi32>
      %broadcast_in_dim3A_686 = vector.shape_cast %squeeze3A_685 : vector<512xi32> to vector<512x1xi32>
      %eq3A_687 = vector.broadcast %broadcast_in_dim3A_686 : vector<512x1xi32> to vector<512x256xi32>
      %eq3A_688 = arith.cmpi eq, %eq3A_687, %iota3A : vector<512x256xi32>
      %convert_element_type3A_689 = arith.extui %eq3A_688 : vector<512x256xi1> to vector<512x256xi32>
      %convert_element_type3A_690 = arith.sitofp %convert_element_type3A_689 : vector<512x256xi32> to vector<512x256xf32>
      %convert_element_type3A_691 = arith.truncf %convert_element_type3A_690 : vector<512x256xf32> to vector<512x256xbf16>
      %slice3A_692 = vector.extract_strided_slice %get3A_21 {offsets = [9, 0, 0], sizes = [1, 256, 128], strides = [1, 1, 1]} : vector<16x256x128xf32> to vector<1x256x128xf32>
      %squeeze3A_693 = vector.shape_cast %slice3A_692 : vector<1x256x128xf32> to vector<256x128xf32>
      %dot_general3A_694 = arith.constant dense<0.000000e+00> : vector<512x128xf32>
      %dot_general3A_695 = tpu.matmul %convert_element_type3A_691, %squeeze3A_693, %dot_general3A_694 {dimension_numbers = #tpu.dot_dimension_numbers<[1], [0], [0], [1], [0, 0, 1, 1], [], []>, transpose_lhs_hint = false} : vector<512x256xbf16>, vector<256x128xf32>, vector<512x128xf32> -> vector<512x128xf32>
      %convert_element_type3A_696 = arith.truncf %dot_general3A_695 : vector<512x128xf32> to vector<512x128xbf16>
      %swap3A_697 = arith.constant 1024 : index
      %swap3A_698 = arith.constant 1152 : index
      %swap3A_699 = vector.load %arg7[%swap3A_697, %swap3A_698] : memref<3584x2048xbf16, #tpu.memory_space<vmem>>, vector<512x128xbf16>
      tpu.vector_store %arg7[%swap3A_697, %swap3A_698], %convert_element_type3A_696 {strides = array<i32>} : memref<3584x2048xbf16, #tpu.memory_space<vmem>>, vector<512x128xbf16>,
      %slice3A_700 = vector.extract_strided_slice %get3A_539 {offsets = [10, 0], sizes = [1, 512], strides = [1, 1]} : vector<16x512xi32> to vector<1x512xi32>
      %squeeze3A_701 = vector.shape_cast %slice3A_700 : vector<1x512xi32> to vector<512xi32>
      %broadcast_in_dim3A_702 = vector.shape_cast %squeeze3A_701 : vector<512xi32> to vector<512x1xi32>
      %eq3A_703 = vector.broadcast %broadcast_in_dim3A_702 : vector<512x1xi32> to vector<512x256xi32>
      %eq3A_704 = arith.cmpi eq, %eq3A_703, %iota3A : vector<512x256xi32>
      %convert_element_type3A_705 = arith.extui %eq3A_704 : vector<512x256xi1> to vector<512x256xi32>
      %convert_element_type3A_706 = arith.sitofp %convert_element_type3A_705 : vector<512x256xi32> to vector<512x256xf32>
      %convert_element_type3A_707 = arith.truncf %convert_element_type3A_706 : vector<512x256xf32> to vector<512x256xbf16>
      %slice3A_708 = vector.extract_strided_slice %get3A_21 {offsets = [10, 0, 0], sizes = [1, 256, 128], strides = [1, 1, 1]} : vector<16x256x128xf32> to vector<1x256x128xf32>
      %squeeze3A_709 = vector.shape_cast %slice3A_708 : vector<1x256x128xf32> to vector<256x128xf32>
      %dot_general3A_710 = arith.constant dense<0.000000e+00> : vector<512x128xf32>
      %dot_general3A_711 = tpu.matmul %convert_element_type3A_707, %squeeze3A_709, %dot_general3A_710 {dimension_numbers = #tpu.dot_dimension_numbers<[1], [0], [0], [1], [0, 0, 1, 1], [], []>, transpose_lhs_hint = false} : vector<512x256xbf16>, vector<256x128xf32>, vector<512x128xf32> -> vector<512x128xf32>
      %convert_element_type3A_712 = arith.truncf %dot_general3A_711 : vector<512x128xf32> to vector<512x128xbf16>
      %swap3A_713 = arith.constant 1024 : index
      %swap3A_714 = arith.constant 1280 : index
      %swap3A_715 = vector.load %arg7[%swap3A_713, %swap3A_714] : memref<3584x2048xbf16, #tpu.memory_space<vmem>>, vector<512x128xbf16>
      tpu.vector_store %arg7[%swap3A_713, %swap3A_714], %convert_element_type3A_712 {strides = array<i32>} : memref<3584x2048xbf16, #tpu.memory_space<vmem>>, vector<512x128xbf16>,
      %slice3A_716 = vector.extract_strided_slice %get3A_539 {offsets = [11, 0], sizes = [1, 512], strides = [1, 1]} : vector<16x512xi32> to vector<1x512xi32>
      %squeeze3A_717 = vector.shape_cast %slice3A_716 : vector<1x512xi32> to vector<512xi32>
      %broadcast_in_dim3A_718 = vector.shape_cast %squeeze3A_717 : vector<512xi32> to vector<512x1xi32>
      %eq3A_719 = vector.broadcast %broadcast_in_dim3A_718 : vector<512x1xi32> to vector<512x256xi32>
      %eq3A_720 = arith.cmpi eq, %eq3A_719, %iota3A : vector<512x256xi32>
      %convert_element_type3A_721 = arith.extui %eq3A_720 : vector<512x256xi1> to vector<512x256xi32>
      %convert_element_type3A_722 = arith.sitofp %convert_element_type3A_721 : vector<512x256xi32> to vector<512x256xf32>
      %convert_element_type3A_723 = arith.truncf %convert_element_type3A_722 : vector<512x256xf32> to vector<512x256xbf16>
      %slice3A_724 = vector.extract_strided_slice %get3A_21 {offsets = [11, 0, 0], sizes = [1, 256, 128], strides = [1, 1, 1]} : vector<16x256x128xf32> to vector<1x256x128xf32>
      %squeeze3A_725 = vector.shape_cast %slice3A_724 : vector<1x256x128xf32> to vector<256x128xf32>
      %dot_general3A_726 = arith.constant dense<0.000000e+00> : vector<512x128xf32>
      %dot_general3A_727 = tpu.matmul %convert_element_type3A_723, %squeeze3A_725, %dot_general3A_726 {dimension_numbers = #tpu.dot_dimension_numbers<[1], [0], [0], [1], [0, 0, 1, 1], [], []>, transpose_lhs_hint = false} : vector<512x256xbf16>, vector<256x128xf32>, vector<512x128xf32> -> vector<512x128xf32>
      %convert_element_type3A_728 = arith.truncf %dot_general3A_727 : vector<512x128xf32> to vector<512x128xbf16>
      %swap3A_729 = arith.constant 1024 : index
      %swap3A_730 = arith.constant 1408 : index
      %swap3A_731 = vector.load %arg7[%swap3A_729, %swap3A_730] : memref<3584x2048xbf16, #tpu.memory_space<vmem>>, vector<512x128xbf16>
      tpu.vector_store %arg7[%swap3A_729, %swap3A_730], %convert_element_type3A_728 {strides = array<i32>} : memref<3584x2048xbf16, #tpu.memory_space<vmem>>, vector<512x128xbf16>,
      %slice3A_732 = vector.extract_strided_slice %get3A_539 {offsets = [12, 0], sizes = [1, 512], strides = [1, 1]} : vector<16x512xi32> to vector<1x512xi32>
      %squeeze3A_733 = vector.shape_cast %slice3A_732 : vector<1x512xi32> to vector<512xi32>
      %broadcast_in_dim3A_734 = vector.shape_cast %squeeze3A_733 : vector<512xi32> to vector<512x1xi32>
      %eq3A_735 = vector.broadcast %broadcast_in_dim3A_734 : vector<512x1xi32> to vector<512x256xi32>
      %eq3A_736 = arith.cmpi eq, %eq3A_735, %iota3A : vector<512x256xi32>
      %convert_element_type3A_737 = arith.extui %eq3A_736 : vector<512x256xi1> to vector<512x256xi32>
      %convert_element_type3A_738 = arith.sitofp %convert_element_type3A_737 : vector<512x256xi32> to vector<512x256xf32>
      %convert_element_type3A_739 = arith.truncf %convert_element_type3A_738 : vector<512x256xf32> to vector<512x256xbf16>
      %slice3A_740 = vector.extract_strided_slice %get3A_21 {offsets = [12, 0, 0], sizes = [1, 256, 128], strides = [1, 1, 1]} : vector<16x256x128xf32> to vector<1x256x128xf32>
      %squeeze3A_741 = vector.shape_cast %slice3A_740 : vector<1x256x128xf32> to vector<256x128xf32>
      %dot_general3A_742 = arith.constant dense<0.000000e+00> : vector<512x128xf32>
      %dot_general3A_743 = tpu.matmul %convert_element_type3A_739, %squeeze3A_741, %dot_general3A_742 {dimension_numbers = #tpu.dot_dimension_numbers<[1], [0], [0], [1], [0, 0, 1, 1], [], []>, transpose_lhs_hint = false} : vector<512x256xbf16>, vector<256x128xf32>, vector<512x128xf32> -> vector<512x128xf32>
      %convert_element_type3A_744 = arith.truncf %dot_general3A_743 : vector<512x128xf32> to vector<512x128xbf16>
      %swap3A_745 = arith.constant 1024 : index
      %swap3A_746 = arith.constant 1536 : index
      %swap3A_747 = vector.load %arg7[%swap3A_745, %swap3A_746] : memref<3584x2048xbf16, #tpu.memory_space<vmem>>, vector<512x128xbf16>
      tpu.vector_store %arg7[%swap3A_745, %swap3A_746], %convert_element_type3A_744 {strides = array<i32>} : memref<3584x2048xbf16, #tpu.memory_space<vmem>>, vector<512x128xbf16>,
      %slice3A_748 = vector.extract_strided_slice %get3A_539 {offsets = [13, 0], sizes = [1, 512], strides = [1, 1]} : vector<16x512xi32> to vector<1x512xi32>
      %squeeze3A_749 = vector.shape_cast %slice3A_748 : vector<1x512xi32> to vector<512xi32>
      %broadcast_in_dim3A_750 = vector.shape_cast %squeeze3A_749 : vector<512xi32> to vector<512x1xi32>
      %eq3A_751 = vector.broadcast %broadcast_in_dim3A_750 : vector<512x1xi32> to vector<512x256xi32>
      %eq3A_752 = arith.cmpi eq, %eq3A_751, %iota3A : vector<512x256xi32>
      %convert_element_type3A_753 = arith.extui %eq3A_752 : vector<512x256xi1> to vector<512x256xi32>
      %convert_element_type3A_754 = arith.sitofp %convert_element_type3A_753 : vector<512x256xi32> to vector<512x256xf32>
      %convert_element_type3A_755 = arith.truncf %convert_element_type3A_754 : vector<512x256xf32> to vector<512x256xbf16>
      %slice3A_756 = vector.extract_strided_slice %get3A_21 {offsets = [13, 0, 0], sizes = [1, 256, 128], strides = [1, 1, 1]} : vector<16x256x128xf32> to vector<1x256x128xf32>
      %squeeze3A_757 = vector.shape_cast %slice3A_756 : vector<1x256x128xf32> to vector<256x128xf32>
      %dot_general3A_758 = arith.constant dense<0.000000e+00> : vector<512x128xf32>
      %dot_general3A_759 = tpu.matmul %convert_element_type3A_755, %squeeze3A_757, %dot_general3A_758 {dimension_numbers = #tpu.dot_dimension_numbers<[1], [0], [0], [1], [0, 0, 1, 1], [], []>, transpose_lhs_hint = false} : vector<512x256xbf16>, vector<256x128xf32>, vector<512x128xf32> -> vector<512x128xf32>
      %convert_element_type3A_760 = arith.truncf %dot_general3A_759 : vector<512x128xf32> to vector<512x128xbf16>
      %swap3A_761 = arith.constant 1024 : index
      %swap3A_762 = arith.constant 1664 : index
      %swap3A_763 = vector.load %arg7[%swap3A_761, %swap3A_762] : memref<3584x2048xbf16, #tpu.memory_space<vmem>>, vector<512x128xbf16>
      tpu.vector_store %arg7[%swap3A_761, %swap3A_762], %convert_element_type3A_760 {strides = array<i32>} : memref<3584x2048xbf16, #tpu.memory_space<vmem>>, vector<512x128xbf16>,
      %slice3A_764 = vector.extract_strided_slice %get3A_539 {offsets = [14, 0], sizes = [1, 512], strides = [1, 1]} : vector<16x512xi32> to vector<1x512xi32>
      %squeeze3A_765 = vector.shape_cast %slice3A_764 : vector<1x512xi32> to vector<512xi32>
      %broadcast_in_dim3A_766 = vector.shape_cast %squeeze3A_765 : vector<512xi32> to vector<512x1xi32>
      %eq3A_767 = vector.broadcast %broadcast_in_dim3A_766 : vector<512x1xi32> to vector<512x256xi32>
      %eq3A_768 = arith.cmpi eq, %eq3A_767, %iota3A : vector<512x256xi32>
      %convert_element_type3A_769 = arith.extui %eq3A_768 : vector<512x256xi1> to vector<512x256xi32>
      %convert_element_type3A_770 = arith.sitofp %convert_element_type3A_769 : vector<512x256xi32> to vector<512x256xf32>
      %convert_element_type3A_771 = arith.truncf %convert_element_type3A_770 : vector<512x256xf32> to vector<512x256xbf16>
      %slice3A_772 = vector.extract_strided_slice %get3A_21 {offsets = [14, 0, 0], sizes = [1, 256, 128], strides = [1, 1, 1]} : vector<16x256x128xf32> to vector<1x256x128xf32>
      %squeeze3A_773 = vector.shape_cast %slice3A_772 : vector<1x256x128xf32> to vector<256x128xf32>
      %dot_general3A_774 = arith.constant dense<0.000000e+00> : vector<512x128xf32>
      %dot_general3A_775 = tpu.matmul %convert_element_type3A_771, %squeeze3A_773, %dot_general3A_774 {dimension_numbers = #tpu.dot_dimension_numbers<[1], [0], [0], [1], [0, 0, 1, 1], [], []>, transpose_lhs_hint = false} : vector<512x256xbf16>, vector<256x128xf32>, vector<512x128xf32> -> vector<512x128xf32>
      %convert_element_type3A_776 = arith.truncf %dot_general3A_775 : vector<512x128xf32> to vector<512x128xbf16>
      %swap3A_777 = arith.constant 1024 : index
      %swap3A_778 = arith.constant 1792 : index
      %swap3A_779 = vector.load %arg7[%swap3A_777, %swap3A_778] : memref<3584x2048xbf16, #tpu.memory_space<vmem>>, vector<512x128xbf16>
      tpu.vector_store %arg7[%swap3A_777, %swap3A_778], %convert_element_type3A_776 {strides = array<i32>} : memref<3584x2048xbf16, #tpu.memory_space<vmem>>, vector<512x128xbf16>,
      %slice3A_780 = vector.extract_strided_slice %get3A_539 {offsets = [15, 0], sizes = [1, 512], strides = [1, 1]} : vector<16x512xi32> to vector<1x512xi32>
      %squeeze3A_781 = vector.shape_cast %slice3A_780 : vector<1x512xi32> to vector<512xi32>
      %broadcast_in_dim3A_782 = vector.shape_cast %squeeze3A_781 : vector<512xi32> to vector<512x1xi32>
      %eq3A_783 = vector.broadcast %broadcast_in_dim3A_782 : vector<512x1xi32> to vector<512x256xi32>
      %eq3A_784 = arith.cmpi eq, %eq3A_783, %iota3A : vector<512x256xi32>
      %convert_element_type3A_785 = arith.extui %eq3A_784 : vector<512x256xi1> to vector<512x256xi32>
      %convert_element_type3A_786 = arith.sitofp %convert_element_type3A_785 : vector<512x256xi32> to vector<512x256xf32>
      %convert_element_type3A_787 = arith.truncf %convert_element_type3A_786 : vector<512x256xf32> to vector<512x256xbf16>
      %slice3A_788 = vector.extract_strided_slice %get3A_21 {offsets = [15, 0, 0], sizes = [1, 256, 128], strides = [1, 1, 1]} : vector<16x256x128xf32> to vector<1x256x128xf32>
      %squeeze3A_789 = vector.shape_cast %slice3A_788 : vector<1x256x128xf32> to vector<256x128xf32>
      %dot_general3A_790 = arith.constant dense<0.000000e+00> : vector<512x128xf32>
      %dot_general3A_791 = tpu.matmul %convert_element_type3A_787, %squeeze3A_789, %dot_general3A_790 {dimension_numbers = #tpu.dot_dimension_numbers<[1], [0], [0], [1], [0, 0, 1, 1], [], []>, transpose_lhs_hint = false} : vector<512x256xbf16>, vector<256x128xf32>, vector<512x128xf32> -> vector<512x128xf32>
      %convert_element_type3A_792 = arith.truncf %dot_general3A_791 : vector<512x128xf32> to vector<512x128xbf16>
      %swap3A_793 = arith.constant 1024 : index
      %swap3A_794 = arith.constant 1920 : index
      %swap3A_795 = vector.load %arg7[%swap3A_793, %swap3A_794] : memref<3584x2048xbf16, #tpu.memory_space<vmem>>, vector<512x128xbf16>
      tpu.vector_store %arg7[%swap3A_793, %swap3A_794], %convert_element_type3A_792 {strides = array<i32>} : memref<3584x2048xbf16, #tpu.memory_space<vmem>>, vector<512x128xbf16>,
      %get3A_796 = arith.constant 0 : index
      %get3A_797 = arith.constant 1536 : index
      %get3A_798 = vector.load %arg1[%get3A_796, %get3A_797] : memref<16x3584xi32, #tpu.memory_space<vmem>>, vector<16x512xi32>
      %slice3A_799 = vector.extract_strided_slice %get3A_798 {offsets = [0, 0], sizes = [1, 512], strides = [1, 1]} : vector<16x512xi32> to vector<1x512xi32>
      %squeeze3A_800 = vector.shape_cast %slice3A_799 : vector<1x512xi32> to vector<512xi32>
      %broadcast_in_dim3A_801 = vector.shape_cast %squeeze3A_800 : vector<512xi32> to vector<512x1xi32>
      %eq3A_802 = vector.broadcast %broadcast_in_dim3A_801 : vector<512x1xi32> to vector<512x256xi32>
      %eq3A_803 = arith.cmpi eq, %eq3A_802, %iota3A : vector<512x256xi32>
      %convert_element_type3A_804 = arith.extui %eq3A_803 : vector<512x256xi1> to vector<512x256xi32>
      %convert_element_type3A_805 = arith.sitofp %convert_element_type3A_804 : vector<512x256xi32> to vector<512x256xf32>
      %convert_element_type3A_806 = arith.truncf %convert_element_type3A_805 : vector<512x256xf32> to vector<512x256xbf16>
      %slice3A_807 = vector.extract_strided_slice %get3A_21 {offsets = [0, 0, 0], sizes = [1, 256, 128], strides = [1, 1, 1]} : vector<16x256x128xf32> to vector<1x256x128xf32>
      %squeeze3A_808 = vector.shape_cast %slice3A_807 : vector<1x256x128xf32> to vector<256x128xf32>
      %dot_general3A_809 = arith.constant dense<0.000000e+00> : vector<512x128xf32>
      %dot_general3A_810 = tpu.matmul %convert_element_type3A_806, %squeeze3A_808, %dot_general3A_809 {dimension_numbers = #tpu.dot_dimension_numbers<[1], [0], [0], [1], [0, 0, 1, 1], [], []>, transpose_lhs_hint = false} : vector<512x256xbf16>, vector<256x128xf32>, vector<512x128xf32> -> vector<512x128xf32>
      %convert_element_type3A_811 = arith.truncf %dot_general3A_810 : vector<512x128xf32> to vector<512x128xbf16>
      %swap3A_812 = arith.constant 1536 : index
      %swap3A_813 = arith.constant 0 : index
      %swap3A_814 = vector.load %arg7[%swap3A_812, %swap3A_813] : memref<3584x2048xbf16, #tpu.memory_space<vmem>>, vector<512x128xbf16>
      tpu.vector_store %arg7[%swap3A_812, %swap3A_813], %convert_element_type3A_811 {strides = array<i32>} : memref<3584x2048xbf16, #tpu.memory_space<vmem>>, vector<512x128xbf16>,
      %slice3A_815 = vector.extract_strided_slice %get3A_798 {offsets = [1, 0], sizes = [1, 512], strides = [1, 1]} : vector<16x512xi32> to vector<1x512xi32>
      %squeeze3A_816 = vector.shape_cast %slice3A_815 : vector<1x512xi32> to vector<512xi32>
      %broadcast_in_dim3A_817 = vector.shape_cast %squeeze3A_816 : vector<512xi32> to vector<512x1xi32>
      %eq3A_818 = vector.broadcast %broadcast_in_dim3A_817 : vector<512x1xi32> to vector<512x256xi32>
      %eq3A_819 = arith.cmpi eq, %eq3A_818, %iota3A : vector<512x256xi32>
      %convert_element_type3A_820 = arith.extui %eq3A_819 : vector<512x256xi1> to vector<512x256xi32>
      %convert_element_type3A_821 = arith.sitofp %convert_element_type3A_820 : vector<512x256xi32> to vector<512x256xf32>
      %convert_element_type3A_822 = arith.truncf %convert_element_type3A_821 : vector<512x256xf32> to vector<512x256xbf16>
      %slice3A_823 = vector.extract_strided_slice %get3A_21 {offsets = [1, 0, 0], sizes = [1, 256, 128], strides = [1, 1, 1]} : vector<16x256x128xf32> to vector<1x256x128xf32>
      %squeeze3A_824 = vector.shape_cast %slice3A_823 : vector<1x256x128xf32> to vector<256x128xf32>
      %dot_general3A_825 = arith.constant dense<0.000000e+00> : vector<512x128xf32>
      %dot_general3A_826 = tpu.matmul %convert_element_type3A_822, %squeeze3A_824, %dot_general3A_825 {dimension_numbers = #tpu.dot_dimension_numbers<[1], [0], [0], [1], [0, 0, 1, 1], [], []>, transpose_lhs_hint = false} : vector<512x256xbf16>, vector<256x128xf32>, vector<512x128xf32> -> vector<512x128xf32>
      %convert_element_type3A_827 = arith.truncf %dot_general3A_826 : vector<512x128xf32> to vector<512x128xbf16>
      %swap3A_828 = arith.constant 1536 : index
      %swap3A_829 = arith.constant 128 : index
      %swap3A_830 = vector.load %arg7[%swap3A_828, %swap3A_829] : memref<3584x2048xbf16, #tpu.memory_space<vmem>>, vector<512x128xbf16>
      tpu.vector_store %arg7[%swap3A_828, %swap3A_829], %convert_element_type3A_827 {strides = array<i32>} : memref<3584x2048xbf16, #tpu.memory_space<vmem>>, vector<512x128xbf16>,
      %slice3A_831 = vector.extract_strided_slice %get3A_798 {offsets = [2, 0], sizes = [1, 512], strides = [1, 1]} : vector<16x512xi32> to vector<1x512xi32>
      %squeeze3A_832 = vector.shape_cast %slice3A_831 : vector<1x512xi32> to vector<512xi32>
      %broadcast_in_dim3A_833 = vector.shape_cast %squeeze3A_832 : vector<512xi32> to vector<512x1xi32>
      %eq3A_834 = vector.broadcast %broadcast_in_dim3A_833 : vector<512x1xi32> to vector<512x256xi32>
      %eq3A_835 = arith.cmpi eq, %eq3A_834, %iota3A : vector<512x256xi32>
      %convert_element_type3A_836 = arith.extui %eq3A_835 : vector<512x256xi1> to vector<512x256xi32>
      %convert_element_type3A_837 = arith.sitofp %convert_element_type3A_836 : vector<512x256xi32> to vector<512x256xf32>
      %convert_element_type3A_838 = arith.truncf %convert_element_type3A_837 : vector<512x256xf32> to vector<512x256xbf16>
      %slice3A_839 = vector.extract_strided_slice %get3A_21 {offsets = [2, 0, 0], sizes = [1, 256, 128], strides = [1, 1, 1]} : vector<16x256x128xf32> to vector<1x256x128xf32>
      %squeeze3A_840 = vector.shape_cast %slice3A_839 : vector<1x256x128xf32> to vector<256x128xf32>
      %dot_general3A_841 = arith.constant dense<0.000000e+00> : vector<512x128xf32>
      %dot_general3A_842 = tpu.matmul %convert_element_type3A_838, %squeeze3A_840, %dot_general3A_841 {dimension_numbers = #tpu.dot_dimension_numbers<[1], [0], [0], [1], [0, 0, 1, 1], [], []>, transpose_lhs_hint = false} : vector<512x256xbf16>, vector<256x128xf32>, vector<512x128xf32> -> vector<512x128xf32>
      %convert_element_type3A_843 = arith.truncf %dot_general3A_842 : vector<512x128xf32> to vector<512x128xbf16>
      %swap3A_844 = arith.constant 1536 : index
      %swap3A_845 = arith.constant 256 : index
      %swap3A_846 = vector.load %arg7[%swap3A_844, %swap3A_845] : memref<3584x2048xbf16, #tpu.memory_space<vmem>>, vector<512x128xbf16>
      tpu.vector_store %arg7[%swap3A_844, %swap3A_845], %convert_element_type3A_843 {strides = array<i32>} : memref<3584x2048xbf16, #tpu.memory_space<vmem>>, vector<512x128xbf16>,
      %slice3A_847 = vector.extract_strided_slice %get3A_798 {offsets = [3, 0], sizes = [1, 512], strides = [1, 1]} : vector<16x512xi32> to vector<1x512xi32>
      %squeeze3A_848 = vector.shape_cast %slice3A_847 : vector<1x512xi32> to vector<512xi32>
      %broadcast_in_dim3A_849 = vector.shape_cast %squeeze3A_848 : vector<512xi32> to vector<512x1xi32>
      %eq3A_850 = vector.broadcast %broadcast_in_dim3A_849 : vector<512x1xi32> to vector<512x256xi32>
      %eq3A_851 = arith.cmpi eq, %eq3A_850, %iota3A : vector<512x256xi32>
      %convert_element_type3A_852 = arith.extui %eq3A_851 : vector<512x256xi1> to vector<512x256xi32>
      %convert_element_type3A_853 = arith.sitofp %convert_element_type3A_852 : vector<512x256xi32> to vector<512x256xf32>
      %convert_element_type3A_854 = arith.truncf %convert_element_type3A_853 : vector<512x256xf32> to vector<512x256xbf16>
      %slice3A_855 = vector.extract_strided_slice %get3A_21 {offsets = [3, 0, 0], sizes = [1, 256, 128], strides = [1, 1, 1]} : vector<16x256x128xf32> to vector<1x256x128xf32>
      %squeeze3A_856 = vector.shape_cast %slice3A_855 : vector<1x256x128xf32> to vector<256x128xf32>
      %dot_general3A_857 = arith.constant dense<0.000000e+00> : vector<512x128xf32>
      %dot_general3A_858 = tpu.matmul %convert_element_type3A_854, %squeeze3A_856, %dot_general3A_857 {dimension_numbers = #tpu.dot_dimension_numbers<[1], [0], [0], [1], [0, 0, 1, 1], [], []>, transpose_lhs_hint = false} : vector<512x256xbf16>, vector<256x128xf32>, vector<512x128xf32> -> vector<512x128xf32>
      %convert_element_type3A_859 = arith.truncf %dot_general3A_858 : vector<512x128xf32> to vector<512x128xbf16>
      %swap3A_860 = arith.constant 1536 : index
      %swap3A_861 = arith.constant 384 : index
      %swap3A_862 = vector.load %arg7[%swap3A_860, %swap3A_861] : memref<3584x2048xbf16, #tpu.memory_space<vmem>>, vector<512x128xbf16>
      tpu.vector_store %arg7[%swap3A_860, %swap3A_861], %convert_element_type3A_859 {strides = array<i32>} : memref<3584x2048xbf16, #tpu.memory_space<vmem>>, vector<512x128xbf16>,
      %slice3A_863 = vector.extract_strided_slice %get3A_798 {offsets = [4, 0], sizes = [1, 512], strides = [1, 1]} : vector<16x512xi32> to vector<1x512xi32>
      %squeeze3A_864 = vector.shape_cast %slice3A_863 : vector<1x512xi32> to vector<512xi32>
      %broadcast_in_dim3A_865 = vector.shape_cast %squeeze3A_864 : vector<512xi32> to vector<512x1xi32>
      %eq3A_866 = vector.broadcast %broadcast_in_dim3A_865 : vector<512x1xi32> to vector<512x256xi32>
      %eq3A_867 = arith.cmpi eq, %eq3A_866, %iota3A : vector<512x256xi32>
      %convert_element_type3A_868 = arith.extui %eq3A_867 : vector<512x256xi1> to vector<512x256xi32>
      %convert_element_type3A_869 = arith.sitofp %convert_element_type3A_868 : vector<512x256xi32> to vector<512x256xf32>
      %convert_element_type3A_870 = arith.truncf %convert_element_type3A_869 : vector<512x256xf32> to vector<512x256xbf16>
      %slice3A_871 = vector.extract_strided_slice %get3A_21 {offsets = [4, 0, 0], sizes = [1, 256, 128], strides = [1, 1, 1]} : vector<16x256x128xf32> to vector<1x256x128xf32>
      %squeeze3A_872 = vector.shape_cast %slice3A_871 : vector<1x256x128xf32> to vector<256x128xf32>
      %dot_general3A_873 = arith.constant dense<0.000000e+00> : vector<512x128xf32>
      %dot_general3A_874 = tpu.matmul %convert_element_type3A_870, %squeeze3A_872, %dot_general3A_873 {dimension_numbers = #tpu.dot_dimension_numbers<[1], [0], [0], [1], [0, 0, 1, 1], [], []>, transpose_lhs_hint = false} : vector<512x256xbf16>, vector<256x128xf32>, vector<512x128xf32> -> vector<512x128xf32>
      %convert_element_type3A_875 = arith.truncf %dot_general3A_874 : vector<512x128xf32> to vector<512x128xbf16>
      %swap3A_876 = arith.constant 1536 : index
      %swap3A_877 = arith.constant 512 : index
      %swap3A_878 = vector.load %arg7[%swap3A_876, %swap3A_877] : memref<3584x2048xbf16, #tpu.memory_space<vmem>>, vector<512x128xbf16>
      tpu.vector_store %arg7[%swap3A_876, %swap3A_877], %convert_element_type3A_875 {strides = array<i32>} : memref<3584x2048xbf16, #tpu.memory_space<vmem>>, vector<512x128xbf16>,
      %slice3A_879 = vector.extract_strided_slice %get3A_798 {offsets = [5, 0], sizes = [1, 512], strides = [1, 1]} : vector<16x512xi32> to vector<1x512xi32>
      %squeeze3A_880 = vector.shape_cast %slice3A_879 : vector<1x512xi32> to vector<512xi32>
      %broadcast_in_dim3A_881 = vector.shape_cast %squeeze3A_880 : vector<512xi32> to vector<512x1xi32>
      %eq3A_882 = vector.broadcast %broadcast_in_dim3A_881 : vector<512x1xi32> to vector<512x256xi32>
      %eq3A_883 = arith.cmpi eq, %eq3A_882, %iota3A : vector<512x256xi32>
      %convert_element_type3A_884 = arith.extui %eq3A_883 : vector<512x256xi1> to vector<512x256xi32>
      %convert_element_type3A_885 = arith.sitofp %convert_element_type3A_884 : vector<512x256xi32> to vector<512x256xf32>
      %convert_element_type3A_886 = arith.truncf %convert_element_type3A_885 : vector<512x256xf32> to vector<512x256xbf16>
      %slice3A_887 = vector.extract_strided_slice %get3A_21 {offsets = [5, 0, 0], sizes = [1, 256, 128], strides = [1, 1, 1]} : vector<16x256x128xf32> to vector<1x256x128xf32>
      %squeeze3A_888 = vector.shape_cast %slice3A_887 : vector<1x256x128xf32> to vector<256x128xf32>
      %dot_general3A_889 = arith.constant dense<0.000000e+00> : vector<512x128xf32>
      %dot_general3A_890 = tpu.matmul %convert_element_type3A_886, %squeeze3A_888, %dot_general3A_889 {dimension_numbers = #tpu.dot_dimension_numbers<[1], [0], [0], [1], [0, 0, 1, 1], [], []>, transpose_lhs_hint = false} : vector<512x256xbf16>, vector<256x128xf32>, vector<512x128xf32> -> vector<512x128xf32>
      %convert_element_type3A_891 = arith.truncf %dot_general3A_890 : vector<512x128xf32> to vector<512x128xbf16>
      %swap3A_892 = arith.constant 1536 : index
      %swap3A_893 = arith.constant 640 : index
      %swap3A_894 = vector.load %arg7[%swap3A_892, %swap3A_893] : memref<3584x2048xbf16, #tpu.memory_space<vmem>>, vector<512x128xbf16>
      tpu.vector_store %arg7[%swap3A_892, %swap3A_893], %convert_element_type3A_891 {strides = array<i32>} : memref<3584x2048xbf16, #tpu.memory_space<vmem>>, vector<512x128xbf16>,
      %slice3A_895 = vector.extract_strided_slice %get3A_798 {offsets = [6, 0], sizes = [1, 512], strides = [1, 1]} : vector<16x512xi32> to vector<1x512xi32>
      %squeeze3A_896 = vector.shape_cast %slice3A_895 : vector<1x512xi32> to vector<512xi32>
      %broadcast_in_dim3A_897 = vector.shape_cast %squeeze3A_896 : vector<512xi32> to vector<512x1xi32>
      %eq3A_898 = vector.broadcast %broadcast_in_dim3A_897 : vector<512x1xi32> to vector<512x256xi32>
      %eq3A_899 = arith.cmpi eq, %eq3A_898, %iota3A : vector<512x256xi32>
      %convert_element_type3A_900 = arith.extui %eq3A_899 : vector<512x256xi1> to vector<512x256xi32>
      %convert_element_type3A_901 = arith.sitofp %convert_element_type3A_900 : vector<512x256xi32> to vector<512x256xf32>
      %convert_element_type3A_902 = arith.truncf %convert_element_type3A_901 : vector<512x256xf32> to vector<512x256xbf16>
      %slice3A_903 = vector.extract_strided_slice %get3A_21 {offsets = [6, 0, 0], sizes = [1, 256, 128], strides = [1, 1, 1]} : vector<16x256x128xf32> to vector<1x256x128xf32>
      %squeeze3A_904 = vector.shape_cast %slice3A_903 : vector<1x256x128xf32> to vector<256x128xf32>
      %dot_general3A_905 = arith.constant dense<0.000000e+00> : vector<512x128xf32>
      %dot_general3A_906 = tpu.matmul %convert_element_type3A_902, %squeeze3A_904, %dot_general3A_905 {dimension_numbers = #tpu.dot_dimension_numbers<[1], [0], [0], [1], [0, 0, 1, 1], [], []>, transpose_lhs_hint = false} : vector<512x256xbf16>, vector<256x128xf32>, vector<512x128xf32> -> vector<512x128xf32>
      %convert_element_type3A_907 = arith.truncf %dot_general3A_906 : vector<512x128xf32> to vector<512x128xbf16>
      %swap3A_908 = arith.constant 1536 : index
      %swap3A_909 = arith.constant 768 : index
      %swap3A_910 = vector.load %arg7[%swap3A_908, %swap3A_909] : memref<3584x2048xbf16, #tpu.memory_space<vmem>>, vector<512x128xbf16>
      tpu.vector_store %arg7[%swap3A_908, %swap3A_909], %convert_element_type3A_907 {strides = array<i32>} : memref<3584x2048xbf16, #tpu.memory_space<vmem>>, vector<512x128xbf16>,
      %slice3A_911 = vector.extract_strided_slice %get3A_798 {offsets = [7, 0], sizes = [1, 512], strides = [1, 1]} : vector<16x512xi32> to vector<1x512xi32>
      %squeeze3A_912 = vector.shape_cast %slice3A_911 : vector<1x512xi32> to vector<512xi32>
      %broadcast_in_dim3A_913 = vector.shape_cast %squeeze3A_912 : vector<512xi32> to vector<512x1xi32>
      %eq3A_914 = vector.broadcast %broadcast_in_dim3A_913 : vector<512x1xi32> to vector<512x256xi32>
      %eq3A_915 = arith.cmpi eq, %eq3A_914, %iota3A : vector<512x256xi32>
      %convert_element_type3A_916 = arith.extui %eq3A_915 : vector<512x256xi1> to vector<512x256xi32>
      %convert_element_type3A_917 = arith.sitofp %convert_element_type3A_916 : vector<512x256xi32> to vector<512x256xf32>
      %convert_element_type3A_918 = arith.truncf %convert_element_type3A_917 : vector<512x256xf32> to vector<512x256xbf16>
      %slice3A_919 = vector.extract_strided_slice %get3A_21 {offsets = [7, 0, 0], sizes = [1, 256, 128], strides = [1, 1, 1]} : vector<16x256x128xf32> to vector<1x256x128xf32>
      %squeeze3A_920 = vector.shape_cast %slice3A_919 : vector<1x256x128xf32> to vector<256x128xf32>
      %dot_general3A_921 = arith.constant dense<0.000000e+00> : vector<512x128xf32>
      %dot_general3A_922 = tpu.matmul %convert_element_type3A_918, %squeeze3A_920, %dot_general3A_921 {dimension_numbers = #tpu.dot_dimension_numbers<[1], [0], [0], [1], [0, 0, 1, 1], [], []>, transpose_lhs_hint = false} : vector<512x256xbf16>, vector<256x128xf32>, vector<512x128xf32> -> vector<512x128xf32>
      %convert_element_type3A_923 = arith.truncf %dot_general3A_922 : vector<512x128xf32> to vector<512x128xbf16>
      %swap3A_924 = arith.constant 1536 : index
      %swap3A_925 = arith.constant 896 : index
      %swap3A_926 = vector.load %arg7[%swap3A_924, %swap3A_925] : memref<3584x2048xbf16, #tpu.memory_space<vmem>>, vector<512x128xbf16>
      tpu.vector_store %arg7[%swap3A_924, %swap3A_925], %convert_element_type3A_923 {strides = array<i32>} : memref<3584x2048xbf16, #tpu.memory_space<vmem>>, vector<512x128xbf16>,
      %slice3A_927 = vector.extract_strided_slice %get3A_798 {offsets = [8, 0], sizes = [1, 512], strides = [1, 1]} : vector<16x512xi32> to vector<1x512xi32>
      %squeeze3A_928 = vector.shape_cast %slice3A_927 : vector<1x512xi32> to vector<512xi32>
      %broadcast_in_dim3A_929 = vector.shape_cast %squeeze3A_928 : vector<512xi32> to vector<512x1xi32>
      %eq3A_930 = vector.broadcast %broadcast_in_dim3A_929 : vector<512x1xi32> to vector<512x256xi32>
      %eq3A_931 = arith.cmpi eq, %eq3A_930, %iota3A : vector<512x256xi32>
      %convert_element_type3A_932 = arith.extui %eq3A_931 : vector<512x256xi1> to vector<512x256xi32>
      %convert_element_type3A_933 = arith.sitofp %convert_element_type3A_932 : vector<512x256xi32> to vector<512x256xf32>
      %convert_element_type3A_934 = arith.truncf %convert_element_type3A_933 : vector<512x256xf32> to vector<512x256xbf16>
      %slice3A_935 = vector.extract_strided_slice %get3A_21 {offsets = [8, 0, 0], sizes = [1, 256, 128], strides = [1, 1, 1]} : vector<16x256x128xf32> to vector<1x256x128xf32>
      %squeeze3A_936 = vector.shape_cast %slice3A_935 : vector<1x256x128xf32> to vector<256x128xf32>
      %dot_general3A_937 = arith.constant dense<0.000000e+00> : vector<512x128xf32>
      %dot_general3A_938 = tpu.matmul %convert_element_type3A_934, %squeeze3A_936, %dot_general3A_937 {dimension_numbers = #tpu.dot_dimension_numbers<[1], [0], [0], [1], [0, 0, 1, 1], [], []>, transpose_lhs_hint = false} : vector<512x256xbf16>, vector<256x128xf32>, vector<512x128xf32> -> vector<512x128xf32>
      %convert_element_type3A_939 = arith.truncf %dot_general3A_938 : vector<512x128xf32> to vector<512x128xbf16>
      %swap3A_940 = arith.constant 1536 : index
      %swap3A_941 = arith.constant 1024 : index
      %swap3A_942 = vector.load %arg7[%swap3A_940, %swap3A_941] : memref<3584x2048xbf16, #tpu.memory_space<vmem>>, vector<512x128xbf16>
      tpu.vector_store %arg7[%swap3A_940, %swap3A_941], %convert_element_type3A_939 {strides = array<i32>} : memref<3584x2048xbf16, #tpu.memory_space<vmem>>, vector<512x128xbf16>,
      %slice3A_943 = vector.extract_strided_slice %get3A_798 {offsets = [9, 0], sizes = [1, 512], strides = [1, 1]} : vector<16x512xi32> to vector<1x512xi32>
      %squeeze3A_944 = vector.shape_cast %slice3A_943 : vector<1x512xi32> to vector<512xi32>
      %broadcast_in_dim3A_945 = vector.shape_cast %squeeze3A_944 : vector<512xi32> to vector<512x1xi32>
      %eq3A_946 = vector.broadcast %broadcast_in_dim3A_945 : vector<512x1xi32> to vector<512x256xi32>
      %eq3A_947 = arith.cmpi eq, %eq3A_946, %iota3A : vector<512x256xi32>
      %convert_element_type3A_948 = arith.extui %eq3A_947 : vector<512x256xi1> to vector<512x256xi32>
      %convert_element_type3A_949 = arith.sitofp %convert_element_type3A_948 : vector<512x256xi32> to vector<512x256xf32>
      %convert_element_type3A_950 = arith.truncf %convert_element_type3A_949 : vector<512x256xf32> to vector<512x256xbf16>
      %slice3A_951 = vector.extract_strided_slice %get3A_21 {offsets = [9, 0, 0], sizes = [1, 256, 128], strides = [1, 1, 1]} : vector<16x256x128xf32> to vector<1x256x128xf32>
      %squeeze3A_952 = vector.shape_cast %slice3A_951 : vector<1x256x128xf32> to vector<256x128xf32>
      %dot_general3A_953 = arith.constant dense<0.000000e+00> : vector<512x128xf32>
      %dot_general3A_954 = tpu.matmul %convert_element_type3A_950, %squeeze3A_952, %dot_general3A_953 {dimension_numbers = #tpu.dot_dimension_numbers<[1], [0], [0], [1], [0, 0, 1, 1], [], []>, transpose_lhs_hint = false} : vector<512x256xbf16>, vector<256x128xf32>, vector<512x128xf32> -> vector<512x128xf32>
      %convert_element_type3A_955 = arith.truncf %dot_general3A_954 : vector<512x128xf32> to vector<512x128xbf16>
      %swap3A_956 = arith.constant 1536 : index
      %swap3A_957 = arith.constant 1152 : index
      %swap3A_958 = vector.load %arg7[%swap3A_956, %swap3A_957] : memref<3584x2048xbf16, #tpu.memory_space<vmem>>, vector<512x128xbf16>
      tpu.vector_store %arg7[%swap3A_956, %swap3A_957], %convert_element_type3A_955 {strides = array<i32>} : memref<3584x2048xbf16, #tpu.memory_space<vmem>>, vector<512x128xbf16>,
      %slice3A_959 = vector.extract_strided_slice %get3A_798 {offsets = [10, 0], sizes = [1, 512], strides = [1, 1]} : vector<16x512xi32> to vector<1x512xi32>
      %squeeze3A_960 = vector.shape_cast %slice3A_959 : vector<1x512xi32> to vector<512xi32>
      %broadcast_in_dim3A_961 = vector.shape_cast %squeeze3A_960 : vector<512xi32> to vector<512x1xi32>
      %eq3A_962 = vector.broadcast %broadcast_in_dim3A_961 : vector<512x1xi32> to vector<512x256xi32>
      %eq3A_963 = arith.cmpi eq, %eq3A_962, %iota3A : vector<512x256xi32>
      %convert_element_type3A_964 = arith.extui %eq3A_963 : vector<512x256xi1> to vector<512x256xi32>
      %convert_element_type3A_965 = arith.sitofp %convert_element_type3A_964 : vector<512x256xi32> to vector<512x256xf32>
      %convert_element_type3A_966 = arith.truncf %convert_element_type3A_965 : vector<512x256xf32> to vector<512x256xbf16>
      %slice3A_967 = vector.extract_strided_slice %get3A_21 {offsets = [10, 0, 0], sizes = [1, 256, 128], strides = [1, 1, 1]} : vector<16x256x128xf32> to vector<1x256x128xf32>
      %squeeze3A_968 = vector.shape_cast %slice3A_967 : vector<1x256x128xf32> to vector<256x128xf32>
      %dot_general3A_969 = arith.constant dense<0.000000e+00> : vector<512x128xf32>
      %dot_general3A_970 = tpu.matmul %convert_element_type3A_966, %squeeze3A_968, %dot_general3A_969 {dimension_numbers = #tpu.dot_dimension_numbers<[1], [0], [0], [1], [0, 0, 1, 1], [], []>, transpose_lhs_hint = false} : vector<512x256xbf16>, vector<256x128xf32>, vector<512x128xf32> -> vector<512x128xf32>
      %convert_element_type3A_971 = arith.truncf %dot_general3A_970 : vector<512x128xf32> to vector<512x128xbf16>
      %swap3A_972 = arith.constant 1536 : index
      %swap3A_973 = arith.constant 1280 : index
      %swap3A_974 = vector.load %arg7[%swap3A_972, %swap3A_973] : memref<3584x2048xbf16, #tpu.memory_space<vmem>>, vector<512x128xbf16>
      tpu.vector_store %arg7[%swap3A_972, %swap3A_973], %convert_element_type3A_971 {strides = array<i32>} : memref<3584x2048xbf16, #tpu.memory_space<vmem>>, vector<512x128xbf16>,
      %slice3A_975 = vector.extract_strided_slice %get3A_798 {offsets = [11, 0], sizes = [1, 512], strides = [1, 1]} : vector<16x512xi32> to vector<1x512xi32>
      %squeeze3A_976 = vector.shape_cast %slice3A_975 : vector<1x512xi32> to vector<512xi32>
      %broadcast_in_dim3A_977 = vector.shape_cast %squeeze3A_976 : vector<512xi32> to vector<512x1xi32>
      %eq3A_978 = vector.broadcast %broadcast_in_dim3A_977 : vector<512x1xi32> to vector<512x256xi32>
      %eq3A_979 = arith.cmpi eq, %eq3A_978, %iota3A : vector<512x256xi32>
      %convert_element_type3A_980 = arith.extui %eq3A_979 : vector<512x256xi1> to vector<512x256xi32>
      %convert_element_type3A_981 = arith.sitofp %convert_element_type3A_980 : vector<512x256xi32> to vector<512x256xf32>
      %convert_element_type3A_982 = arith.truncf %convert_element_type3A_981 : vector<512x256xf32> to vector<512x256xbf16>
      %slice3A_983 = vector.extract_strided_slice %get3A_21 {offsets = [11, 0, 0], sizes = [1, 256, 128], strides = [1, 1, 1]} : vector<16x256x128xf32> to vector<1x256x128xf32>
      %squeeze3A_984 = vector.shape_cast %slice3A_983 : vector<1x256x128xf32> to vector<256x128xf32>
      %dot_general3A_985 = arith.constant dense<0.000000e+00> : vector<512x128xf32>
      %dot_general3A_986 = tpu.matmul %convert_element_type3A_982, %squeeze3A_984, %dot_general3A_985 {dimension_numbers = #tpu.dot_dimension_numbers<[1], [0], [0], [1], [0, 0, 1, 1], [], []>, transpose_lhs_hint = false} : vector<512x256xbf16>, vector<256x128xf32>, vector<512x128xf32> -> vector<512x128xf32>
      %convert_element_type3A_987 = arith.truncf %dot_general3A_986 : vector<512x128xf32> to vector<512x128xbf16>
      %swap3A_988 = arith.constant 1536 : index
      %swap3A_989 = arith.constant 1408 : index
      %swap3A_990 = vector.load %arg7[%swap3A_988, %swap3A_989] : memref<3584x2048xbf16, #tpu.memory_space<vmem>>, vector<512x128xbf16>
      tpu.vector_store %arg7[%swap3A_988, %swap3A_989], %convert_element_type3A_987 {strides = array<i32>} : memref<3584x2048xbf16, #tpu.memory_space<vmem>>, vector<512x128xbf16>,
      %slice3A_991 = vector.extract_strided_slice %get3A_798 {offsets = [12, 0], sizes = [1, 512], strides = [1, 1]} : vector<16x512xi32> to vector<1x512xi32>
      %squeeze3A_992 = vector.shape_cast %slice3A_991 : vector<1x512xi32> to vector<512xi32>
      %broadcast_in_dim3A_993 = vector.shape_cast %squeeze3A_992 : vector<512xi32> to vector<512x1xi32>
      %eq3A_994 = vector.broadcast %broadcast_in_dim3A_993 : vector<512x1xi32> to vector<512x256xi32>
      %eq3A_995 = arith.cmpi eq, %eq3A_994, %iota3A : vector<512x256xi32>
      %convert_element_type3A_996 = arith.extui %eq3A_995 : vector<512x256xi1> to vector<512x256xi32>
      %convert_element_type3A_997 = arith.sitofp %convert_element_type3A_996 : vector<512x256xi32> to vector<512x256xf32>
      %convert_element_type3A_998 = arith.truncf %convert_element_type3A_997 : vector<512x256xf32> to vector<512x256xbf16>
      %slice3A_999 = vector.extract_strided_slice %get3A_21 {offsets = [12, 0, 0], sizes = [1, 256, 128], strides = [1, 1, 1]} : vector<16x256x128xf32> to vector<1x256x128xf32>
      %squeeze3A_1000 = vector.shape_cast %slice3A_999 : vector<1x256x128xf32> to vector<256x128xf32>
      %dot_general3A_1001 = arith.constant dense<0.000000e+00> : vector<512x128xf32>
      %dot_general3A_1002 = tpu.matmul %convert_element_type3A_998, %squeeze3A_1000, %dot_general3A_1001 {dimension_numbers = #tpu.dot_dimension_numbers<[1], [0], [0], [1], [0, 0, 1, 1], [], []>, transpose_lhs_hint = false} : vector<512x256xbf16>, vector<256x128xf32>, vector<512x128xf32> -> vector<512x128xf32>
      %convert_element_type3A_1003 = arith.truncf %dot_general3A_1002 : vector<512x128xf32> to vector<512x128xbf16>
      %swap3A_1004 = arith.constant 1536 : index
      %swap3A_1005 = arith.constant 1536 : index
      %swap3A_1006 = vector.load %arg7[%swap3A_1004, %swap3A_1005] : memref<3584x2048xbf16, #tpu.memory_space<vmem>>, vector<512x128xbf16>
      tpu.vector_store %arg7[%swap3A_1004, %swap3A_1005], %convert_element_type3A_1003 {strides = array<i32>} : memref<3584x2048xbf16, #tpu.memory_space<vmem>>, vector<512x128xbf16>,
      %slice3A_1007 = vector.extract_strided_slice %get3A_798 {offsets = [13, 0], sizes = [1, 512], strides = [1, 1]} : vector<16x512xi32> to vector<1x512xi32>
      %squeeze3A_1008 = vector.shape_cast %slice3A_1007 : vector<1x512xi32> to vector<512xi32>
      %broadcast_in_dim3A_1009 = vector.shape_cast %squeeze3A_1008 : vector<512xi32> to vector<512x1xi32>
      %eq3A_1010 = vector.broadcast %broadcast_in_dim3A_1009 : vector<512x1xi32> to vector<512x256xi32>
      %eq3A_1011 = arith.cmpi eq, %eq3A_1010, %iota3A : vector<512x256xi32>
      %convert_element_type3A_1012 = arith.extui %eq3A_1011 : vector<512x256xi1> to vector<512x256xi32>
      %convert_element_type3A_1013 = arith.sitofp %convert_element_type3A_1012 : vector<512x256xi32> to vector<512x256xf32>
      %convert_element_type3A_1014 = arith.truncf %convert_element_type3A_1013 : vector<512x256xf32> to vector<512x256xbf16>
      %slice3A_1015 = vector.extract_strided_slice %get3A_21 {offsets = [13, 0, 0], sizes = [1, 256, 128], strides = [1, 1, 1]} : vector<16x256x128xf32> to vector<1x256x128xf32>
      %squeeze3A_1016 = vector.shape_cast %slice3A_1015 : vector<1x256x128xf32> to vector<256x128xf32>
      %dot_general3A_1017 = arith.constant dense<0.000000e+00> : vector<512x128xf32>
      %dot_general3A_1018 = tpu.matmul %convert_element_type3A_1014, %squeeze3A_1016, %dot_general3A_1017 {dimension_numbers = #tpu.dot_dimension_numbers<[1], [0], [0], [1], [0, 0, 1, 1], [], []>, transpose_lhs_hint = false} : vector<512x256xbf16>, vector<256x128xf32>, vector<512x128xf32> -> vector<512x128xf32>
      %convert_element_type3A_1019 = arith.truncf %dot_general3A_1018 : vector<512x128xf32> to vector<512x128xbf16>
      %swap3A_1020 = arith.constant 1536 : index
      %swap3A_1021 = arith.constant 1664 : index
      %swap3A_1022 = vector.load %arg7[%swap3A_1020, %swap3A_1021] : memref<3584x2048xbf16, #tpu.memory_space<vmem>>, vector<512x128xbf16>
      tpu.vector_store %arg7[%swap3A_1020, %swap3A_1021], %convert_element_type3A_1019 {strides = array<i32>} : memref<3584x2048xbf16, #tpu.memory_space<vmem>>, vector<512x128xbf16>,
      %slice3A_1023 = vector.extract_strided_slice %get3A_798 {offsets = [14, 0], sizes = [1, 512], strides = [1, 1]} : vector<16x512xi32> to vector<1x512xi32>
      %squeeze3A_1024 = vector.shape_cast %slice3A_1023 : vector<1x512xi32> to vector<512xi32>
      %broadcast_in_dim3A_1025 = vector.shape_cast %squeeze3A_1024 : vector<512xi32> to vector<512x1xi32>
      %eq3A_1026 = vector.broadcast %broadcast_in_dim3A_1025 : vector<512x1xi32> to vector<512x256xi32>
      %eq3A_1027 = arith.cmpi eq, %eq3A_1026, %iota3A : vector<512x256xi32>
      %convert_element_type3A_1028 = arith.extui %eq3A_1027 : vector<512x256xi1> to vector<512x256xi32>
      %convert_element_type3A_1029 = arith.sitofp %convert_element_type3A_1028 : vector<512x256xi32> to vector<512x256xf32>
      %convert_element_type3A_1030 = arith.truncf %convert_element_type3A_1029 : vector<512x256xf32> to vector<512x256xbf16>
      %slice3A_1031 = vector.extract_strided_slice %get3A_21 {offsets = [14, 0, 0], sizes = [1, 256, 128], strides = [1, 1, 1]} : vector<16x256x128xf32> to vector<1x256x128xf32>
      %squeeze3A_1032 = vector.shape_cast %slice3A_1031 : vector<1x256x128xf32> to vector<256x128xf32>
      %dot_general3A_1033 = arith.constant dense<0.000000e+00> : vector<512x128xf32>
      %dot_general3A_1034 = tpu.matmul %convert_element_type3A_1030, %squeeze3A_1032, %dot_general3A_1033 {dimension_numbers = #tpu.dot_dimension_numbers<[1], [0], [0], [1], [0, 0, 1, 1], [], []>, transpose_lhs_hint = false} : vector<512x256xbf16>, vector<256x128xf32>, vector<512x128xf32> -> vector<512x128xf32>
      %convert_element_type3A_1035 = arith.truncf %dot_general3A_1034 : vector<512x128xf32> to vector<512x128xbf16>
      %swap3A_1036 = arith.constant 1536 : index
      %swap3A_1037 = arith.constant 1792 : index
      %swap3A_1038 = vector.load %arg7[%swap3A_1036, %swap3A_1037] : memref<3584x2048xbf16, #tpu.memory_space<vmem>>, vector<512x128xbf16>
      tpu.vector_store %arg7[%swap3A_1036, %swap3A_1037], %convert_element_type3A_1035 {strides = array<i32>} : memref<3584x2048xbf16, #tpu.memory_space<vmem>>, vector<512x128xbf16>,
      %slice3A_1039 = vector.extract_strided_slice %get3A_798 {offsets = [15, 0], sizes = [1, 512], strides = [1, 1]} : vector<16x512xi32> to vector<1x512xi32>
      %squeeze3A_1040 = vector.shape_cast %slice3A_1039 : vector<1x512xi32> to vector<512xi32>
      %broadcast_in_dim3A_1041 = vector.shape_cast %squeeze3A_1040 : vector<512xi32> to vector<512x1xi32>
      %eq3A_1042 = vector.broadcast %broadcast_in_dim3A_1041 : vector<512x1xi32> to vector<512x256xi32>
      %eq3A_1043 = arith.cmpi eq, %eq3A_1042, %iota3A : vector<512x256xi32>
      %convert_element_type3A_1044 = arith.extui %eq3A_1043 : vector<512x256xi1> to vector<512x256xi32>
      %convert_element_type3A_1045 = arith.sitofp %convert_element_type3A_1044 : vector<512x256xi32> to vector<512x256xf32>
      %convert_element_type3A_1046 = arith.truncf %convert_element_type3A_1045 : vector<512x256xf32> to vector<512x256xbf16>
      %slice3A_1047 = vector.extract_strided_slice %get3A_21 {offsets = [15, 0, 0], sizes = [1, 256, 128], strides = [1, 1, 1]} : vector<16x256x128xf32> to vector<1x256x128xf32>
      %squeeze3A_1048 = vector.shape_cast %slice3A_1047 : vector<1x256x128xf32> to vector<256x128xf32>
      %dot_general3A_1049 = arith.constant dense<0.000000e+00> : vector<512x128xf32>
      %dot_general3A_1050 = tpu.matmul %convert_element_type3A_1046, %squeeze3A_1048, %dot_general3A_1049 {dimension_numbers = #tpu.dot_dimension_numbers<[1], [0], [0], [1], [0, 0, 1, 1], [], []>, transpose_lhs_hint = false} : vector<512x256xbf16>, vector<256x128xf32>, vector<512x128xf32> -> vector<512x128xf32>
      %convert_element_type3A_1051 = arith.truncf %dot_general3A_1050 : vector<512x128xf32> to vector<512x128xbf16>
      %swap3A_1052 = arith.constant 1536 : index
      %swap3A_1053 = arith.constant 1920 : index
      %swap3A_1054 = vector.load %arg7[%swap3A_1052, %swap3A_1053] : memref<3584x2048xbf16, #tpu.memory_space<vmem>>, vector<512x128xbf16>
      tpu.vector_store %arg7[%swap3A_1052, %swap3A_1053], %convert_element_type3A_1051 {strides = array<i32>} : memref<3584x2048xbf16, #tpu.memory_space<vmem>>, vector<512x128xbf16>,
      %get3A_1055 = arith.constant 0 : index
      %get3A_1056 = arith.constant 2048 : index
      %get3A_1057 = vector.load %arg1[%get3A_1055, %get3A_1056] : memref<16x3584xi32, #tpu.memory_space<vmem>>, vector<16x512xi32>
      %slice3A_1058 = vector.extract_strided_slice %get3A_1057 {offsets = [0, 0], sizes = [1, 512], strides = [1, 1]} : vector<16x512xi32> to vector<1x512xi32>
      %squeeze3A_1059 = vector.shape_cast %slice3A_1058 : vector<1x512xi32> to vector<512xi32>
      %broadcast_in_dim3A_1060 = vector.shape_cast %squeeze3A_1059 : vector<512xi32> to vector<512x1xi32>
      %eq3A_1061 = vector.broadcast %broadcast_in_dim3A_1060 : vector<512x1xi32> to vector<512x256xi32>
      %eq3A_1062 = arith.cmpi eq, %eq3A_1061, %iota3A : vector<512x256xi32>
      %convert_element_type3A_1063 = arith.extui %eq3A_1062 : vector<512x256xi1> to vector<512x256xi32>
      %convert_element_type3A_1064 = arith.sitofp %convert_element_type3A_1063 : vector<512x256xi32> to vector<512x256xf32>
      %convert_element_type3A_1065 = arith.truncf %convert_element_type3A_1064 : vector<512x256xf32> to vector<512x256xbf16>
      %slice3A_1066 = vector.extract_strided_slice %get3A_21 {offsets = [0, 0, 0], sizes = [1, 256, 128], strides = [1, 1, 1]} : vector<16x256x128xf32> to vector<1x256x128xf32>
      %squeeze3A_1067 = vector.shape_cast %slice3A_1066 : vector<1x256x128xf32> to vector<256x128xf32>
      %dot_general3A_1068 = arith.constant dense<0.000000e+00> : vector<512x128xf32>
      %dot_general3A_1069 = tpu.matmul %convert_element_type3A_1065, %squeeze3A_1067, %dot_general3A_1068 {dimension_numbers = #tpu.dot_dimension_numbers<[1], [0], [0], [1], [0, 0, 1, 1], [], []>, transpose_lhs_hint = false} : vector<512x256xbf16>, vector<256x128xf32>, vector<512x128xf32> -> vector<512x128xf32>
      %convert_element_type3A_1070 = arith.truncf %dot_general3A_1069 : vector<512x128xf32> to vector<512x128xbf16>
      %swap3A_1071 = arith.constant 2048 : index
      %swap3A_1072 = arith.constant 0 : index
      %swap3A_1073 = vector.load %arg7[%swap3A_1071, %swap3A_1072] : memref<3584x2048xbf16, #tpu.memory_space<vmem>>, vector<512x128xbf16>
      tpu.vector_store %arg7[%swap3A_1071, %swap3A_1072], %convert_element_type3A_1070 {strides = array<i32>} : memref<3584x2048xbf16, #tpu.memory_space<vmem>>, vector<512x128xbf16>,
      %slice3A_1074 = vector.extract_strided_slice %get3A_1057 {offsets = [1, 0], sizes = [1, 512], strides = [1, 1]} : vector<16x512xi32> to vector<1x512xi32>
      %squeeze3A_1075 = vector.shape_cast %slice3A_1074 : vector<1x512xi32> to vector<512xi32>
      %broadcast_in_dim3A_1076 = vector.shape_cast %squeeze3A_1075 : vector<512xi32> to vector<512x1xi32>
      %eq3A_1077 = vector.broadcast %broadcast_in_dim3A_1076 : vector<512x1xi32> to vector<512x256xi32>
      %eq3A_1078 = arith.cmpi eq, %eq3A_1077, %iota3A : vector<512x256xi32>
      %convert_element_type3A_1079 = arith.extui %eq3A_1078 : vector<512x256xi1> to vector<512x256xi32>
      %convert_element_type3A_1080 = arith.sitofp %convert_element_type3A_1079 : vector<512x256xi32> to vector<512x256xf32>
      %convert_element_type3A_1081 = arith.truncf %convert_element_type3A_1080 : vector<512x256xf32> to vector<512x256xbf16>
      %slice3A_1082 = vector.extract_strided_slice %get3A_21 {offsets = [1, 0, 0], sizes = [1, 256, 128], strides = [1, 1, 1]} : vector<16x256x128xf32> to vector<1x256x128xf32>
      %squeeze3A_1083 = vector.shape_cast %slice3A_1082 : vector<1x256x128xf32> to vector<256x128xf32>
      %dot_general3A_1084 = arith.constant dense<0.000000e+00> : vector<512x128xf32>
      %dot_general3A_1085 = tpu.matmul %convert_element_type3A_1081, %squeeze3A_1083, %dot_general3A_1084 {dimension_numbers = #tpu.dot_dimension_numbers<[1], [0], [0], [1], [0, 0, 1, 1], [], []>, transpose_lhs_hint = false} : vector<512x256xbf16>, vector<256x128xf32>, vector<512x128xf32> -> vector<512x128xf32>
      %convert_element_type3A_1086 = arith.truncf %dot_general3A_1085 : vector<512x128xf32> to vector<512x128xbf16>
      %swap3A_1087 = arith.constant 2048 : index
      %swap3A_1088 = arith.constant 128 : index
      %swap3A_1089 = vector.load %arg7[%swap3A_1087, %swap3A_1088] : memref<3584x2048xbf16, #tpu.memory_space<vmem>>, vector<512x128xbf16>
      tpu.vector_store %arg7[%swap3A_1087, %swap3A_1088], %convert_element_type3A_1086 {strides = array<i32>} : memref<3584x2048xbf16, #tpu.memory_space<vmem>>, vector<512x128xbf16>,
      %slice3A_1090 = vector.extract_strided_slice %get3A_1057 {offsets = [2, 0], sizes = [1, 512], strides = [1, 1]} : vector<16x512xi32> to vector<1x512xi32>
      %squeeze3A_1091 = vector.shape_cast %slice3A_1090 : vector<1x512xi32> to vector<512xi32>
      %broadcast_in_dim3A_1092 = vector.shape_cast %squeeze3A_1091 : vector<512xi32> to vector<512x1xi32>
      %eq3A_1093 = vector.broadcast %broadcast_in_dim3A_1092 : vector<512x1xi32> to vector<512x256xi32>
      %eq3A_1094 = arith.cmpi eq, %eq3A_1093, %iota3A : vector<512x256xi32>
      %convert_element_type3A_1095 = arith.extui %eq3A_1094 : vector<512x256xi1> to vector<512x256xi32>
      %convert_element_type3A_1096 = arith.sitofp %convert_element_type3A_1095 : vector<512x256xi32> to vector<512x256xf32>
      %convert_element_type3A_1097 = arith.truncf %convert_element_type3A_1096 : vector<512x256xf32> to vector<512x256xbf16>
      %slice3A_1098 = vector.extract_strided_slice %get3A_21 {offsets = [2, 0, 0], sizes = [1, 256, 128], strides = [1, 1, 1]} : vector<16x256x128xf32> to vector<1x256x128xf32>
      %squeeze3A_1099 = vector.shape_cast %slice3A_1098 : vector<1x256x128xf32> to vector<256x128xf32>
      %dot_general3A_1100 = arith.constant dense<0.000000e+00> : vector<512x128xf32>
      %dot_general3A_1101 = tpu.matmul %convert_element_type3A_1097, %squeeze3A_1099, %dot_general3A_1100 {dimension_numbers = #tpu.dot_dimension_numbers<[1], [0], [0], [1], [0, 0, 1, 1], [], []>, transpose_lhs_hint = false} : vector<512x256xbf16>, vector<256x128xf32>, vector<512x128xf32> -> vector<512x128xf32>
      %convert_element_type3A_1102 = arith.truncf %dot_general3A_1101 : vector<512x128xf32> to vector<512x128xbf16>
      %swap3A_1103 = arith.constant 2048 : index
      %swap3A_1104 = arith.constant 256 : index
      %swap3A_1105 = vector.load %arg7[%swap3A_1103, %swap3A_1104] : memref<3584x2048xbf16, #tpu.memory_space<vmem>>, vector<512x128xbf16>
      tpu.vector_store %arg7[%swap3A_1103, %swap3A_1104], %convert_element_type3A_1102 {strides = array<i32>} : memref<3584x2048xbf16, #tpu.memory_space<vmem>>, vector<512x128xbf16>,
      %slice3A_1106 = vector.extract_strided_slice %get3A_1057 {offsets = [3, 0], sizes = [1, 512], strides = [1, 1]} : vector<16x512xi32> to vector<1x512xi32>
      %squeeze3A_1107 = vector.shape_cast %slice3A_1106 : vector<1x512xi32> to vector<512xi32>
      %broadcast_in_dim3A_1108 = vector.shape_cast %squeeze3A_1107 : vector<512xi32> to vector<512x1xi32>
      %eq3A_1109 = vector.broadcast %broadcast_in_dim3A_1108 : vector<512x1xi32> to vector<512x256xi32>
      %eq3A_1110 = arith.cmpi eq, %eq3A_1109, %iota3A : vector<512x256xi32>
      %convert_element_type3A_1111 = arith.extui %eq3A_1110 : vector<512x256xi1> to vector<512x256xi32>
      %convert_element_type3A_1112 = arith.sitofp %convert_element_type3A_1111 : vector<512x256xi32> to vector<512x256xf32>
      %convert_element_type3A_1113 = arith.truncf %convert_element_type3A_1112 : vector<512x256xf32> to vector<512x256xbf16>
      %slice3A_1114 = vector.extract_strided_slice %get3A_21 {offsets = [3, 0, 0], sizes = [1, 256, 128], strides = [1, 1, 1]} : vector<16x256x128xf32> to vector<1x256x128xf32>
      %squeeze3A_1115 = vector.shape_cast %slice3A_1114 : vector<1x256x128xf32> to vector<256x128xf32>
      %dot_general3A_1116 = arith.constant dense<0.000000e+00> : vector<512x128xf32>
      %dot_general3A_1117 = tpu.matmul %convert_element_type3A_1113, %squeeze3A_1115, %dot_general3A_1116 {dimension_numbers = #tpu.dot_dimension_numbers<[1], [0], [0], [1], [0, 0, 1, 1], [], []>, transpose_lhs_hint = false} : vector<512x256xbf16>, vector<256x128xf32>, vector<512x128xf32> -> vector<512x128xf32>
      %convert_element_type3A_1118 = arith.truncf %dot_general3A_1117 : vector<512x128xf32> to vector<512x128xbf16>
      %swap3A_1119 = arith.constant 2048 : index
      %swap3A_1120 = arith.constant 384 : index
      %swap3A_1121 = vector.load %arg7[%swap3A_1119, %swap3A_1120] : memref<3584x2048xbf16, #tpu.memory_space<vmem>>, vector<512x128xbf16>
      tpu.vector_store %arg7[%swap3A_1119, %swap3A_1120], %convert_element_type3A_1118 {strides = array<i32>} : memref<3584x2048xbf16, #tpu.memory_space<vmem>>, vector<512x128xbf16>,
      %slice3A_1122 = vector.extract_strided_slice %get3A_1057 {offsets = [4, 0], sizes = [1, 512], strides = [1, 1]} : vector<16x512xi32> to vector<1x512xi32>
      %squeeze3A_1123 = vector.shape_cast %slice3A_1122 : vector<1x512xi32> to vector<512xi32>
      %broadcast_in_dim3A_1124 = vector.shape_cast %squeeze3A_1123 : vector<512xi32> to vector<512x1xi32>
      %eq3A_1125 = vector.broadcast %broadcast_in_dim3A_1124 : vector<512x1xi32> to vector<512x256xi32>
      %eq3A_1126 = arith.cmpi eq, %eq3A_1125, %iota3A : vector<512x256xi32>
      %convert_element_type3A_1127 = arith.extui %eq3A_1126 : vector<512x256xi1> to vector<512x256xi32>
      %convert_element_type3A_1128 = arith.sitofp %convert_element_type3A_1127 : vector<512x256xi32> to vector<512x256xf32>
      %convert_element_type3A_1129 = arith.truncf %convert_element_type3A_1128 : vector<512x256xf32> to vector<512x256xbf16>
      %slice3A_1130 = vector.extract_strided_slice %get3A_21 {offsets = [4, 0, 0], sizes = [1, 256, 128], strides = [1, 1, 1]} : vector<16x256x128xf32> to vector<1x256x128xf32>
      %squeeze3A_1131 = vector.shape_cast %slice3A_1130 : vector<1x256x128xf32> to vector<256x128xf32>
      %dot_general3A_1132 = arith.constant dense<0.000000e+00> : vector<512x128xf32>
      %dot_general3A_1133 = tpu.matmul %convert_element_type3A_1129, %squeeze3A_1131, %dot_general3A_1132 {dimension_numbers = #tpu.dot_dimension_numbers<[1], [0], [0], [1], [0, 0, 1, 1], [], []>, transpose_lhs_hint = false} : vector<512x256xbf16>, vector<256x128xf32>, vector<512x128xf32> -> vector<512x128xf32>
      %convert_element_type3A_1134 = arith.truncf %dot_general3A_1133 : vector<512x128xf32> to vector<512x128xbf16>
      %swap3A_1135 = arith.constant 2048 : index
      %swap3A_1136 = arith.constant 512 : index
      %swap3A_1137 = vector.load %arg7[%swap3A_1135, %swap3A_1136] : memref<3584x2048xbf16, #tpu.memory_space<vmem>>, vector<512x128xbf16>
      tpu.vector_store %arg7[%swap3A_1135, %swap3A_1136], %convert_element_type3A_1134 {strides = array<i32>} : memref<3584x2048xbf16, #tpu.memory_space<vmem>>, vector<512x128xbf16>,
      %slice3A_1138 = vector.extract_strided_slice %get3A_1057 {offsets = [5, 0], sizes = [1, 512], strides = [1, 1]} : vector<16x512xi32> to vector<1x512xi32>
      %squeeze3A_1139 = vector.shape_cast %slice3A_1138 : vector<1x512xi32> to vector<512xi32>
      %broadcast_in_dim3A_1140 = vector.shape_cast %squeeze3A_1139 : vector<512xi32> to vector<512x1xi32>
      %eq3A_1141 = vector.broadcast %broadcast_in_dim3A_1140 : vector<512x1xi32> to vector<512x256xi32>
      %eq3A_1142 = arith.cmpi eq, %eq3A_1141, %iota3A : vector<512x256xi32>
      %convert_element_type3A_1143 = arith.extui %eq3A_1142 : vector<512x256xi1> to vector<512x256xi32>
      %convert_element_type3A_1144 = arith.sitofp %convert_element_type3A_1143 : vector<512x256xi32> to vector<512x256xf32>
      %convert_element_type3A_1145 = arith.truncf %convert_element_type3A_1144 : vector<512x256xf32> to vector<512x256xbf16>
      %slice3A_1146 = vector.extract_strided_slice %get3A_21 {offsets = [5, 0, 0], sizes = [1, 256, 128], strides = [1, 1, 1]} : vector<16x256x128xf32> to vector<1x256x128xf32>
      %squeeze3A_1147 = vector.shape_cast %slice3A_1146 : vector<1x256x128xf32> to vector<256x128xf32>
      %dot_general3A_1148 = arith.constant dense<0.000000e+00> : vector<512x128xf32>
      %dot_general3A_1149 = tpu.matmul %convert_element_type3A_1145, %squeeze3A_1147, %dot_general3A_1148 {dimension_numbers = #tpu.dot_dimension_numbers<[1], [0], [0], [1], [0, 0, 1, 1], [], []>, transpose_lhs_hint = false} : vector<512x256xbf16>, vector<256x128xf32>, vector<512x128xf32> -> vector<512x128xf32>
      %convert_element_type3A_1150 = arith.truncf %dot_general3A_1149 : vector<512x128xf32> to vector<512x128xbf16>
      %swap3A_1151 = arith.constant 2048 : index
      %swap3A_1152 = arith.constant 640 : index
      %swap3A_1153 = vector.load %arg7[%swap3A_1151, %swap3A_1152] : memref<3584x2048xbf16, #tpu.memory_space<vmem>>, vector<512x128xbf16>
      tpu.vector_store %arg7[%swap3A_1151, %swap3A_1152], %convert_element_type3A_1150 {strides = array<i32>} : memref<3584x2048xbf16, #tpu.memory_space<vmem>>, vector<512x128xbf16>,
      %slice3A_1154 = vector.extract_strided_slice %get3A_1057 {offsets = [6, 0], sizes = [1, 512], strides = [1, 1]} : vector<16x512xi32> to vector<1x512xi32>
      %squeeze3A_1155 = vector.shape_cast %slice3A_1154 : vector<1x512xi32> to vector<512xi32>
      %broadcast_in_dim3A_1156 = vector.shape_cast %squeeze3A_1155 : vector<512xi32> to vector<512x1xi32>
      %eq3A_1157 = vector.broadcast %broadcast_in_dim3A_1156 : vector<512x1xi32> to vector<512x256xi32>
      %eq3A_1158 = arith.cmpi eq, %eq3A_1157, %iota3A : vector<512x256xi32>
      %convert_element_type3A_1159 = arith.extui %eq3A_1158 : vector<512x256xi1> to vector<512x256xi32>
      %convert_element_type3A_1160 = arith.sitofp %convert_element_type3A_1159 : vector<512x256xi32> to vector<512x256xf32>
      %convert_element_type3A_1161 = arith.truncf %convert_element_type3A_1160 : vector<512x256xf32> to vector<512x256xbf16>
      %slice3A_1162 = vector.extract_strided_slice %get3A_21 {offsets = [6, 0, 0], sizes = [1, 256, 128], strides = [1, 1, 1]} : vector<16x256x128xf32> to vector<1x256x128xf32>
      %squeeze3A_1163 = vector.shape_cast %slice3A_1162 : vector<1x256x128xf32> to vector<256x128xf32>
      %dot_general3A_1164 = arith.constant dense<0.000000e+00> : vector<512x128xf32>
      %dot_general3A_1165 = tpu.matmul %convert_element_type3A_1161, %squeeze3A_1163, %dot_general3A_1164 {dimension_numbers = #tpu.dot_dimension_numbers<[1], [0], [0], [1], [0, 0, 1, 1], [], []>, transpose_lhs_hint = false} : vector<512x256xbf16>, vector<256x128xf32>, vector<512x128xf32> -> vector<512x128xf32>
      %convert_element_type3A_1166 = arith.truncf %dot_general3A_1165 : vector<512x128xf32> to vector<512x128xbf16>
      %swap3A_1167 = arith.constant 2048 : index
      %swap3A_1168 = arith.constant 768 : index
      %swap3A_1169 = vector.load %arg7[%swap3A_1167, %swap3A_1168] : memref<3584x2048xbf16, #tpu.memory_space<vmem>>, vector<512x128xbf16>
      tpu.vector_store %arg7[%swap3A_1167, %swap3A_1168], %convert_element_type3A_1166 {strides = array<i32>} : memref<3584x2048xbf16, #tpu.memory_space<vmem>>, vector<512x128xbf16>,
      %slice3A_1170 = vector.extract_strided_slice %get3A_1057 {offsets = [7, 0], sizes = [1, 512], strides = [1, 1]} : vector<16x512xi32> to vector<1x512xi32>
      %squeeze3A_1171 = vector.shape_cast %slice3A_1170 : vector<1x512xi32> to vector<512xi32>
      %broadcast_in_dim3A_1172 = vector.shape_cast %squeeze3A_1171 : vector<512xi32> to vector<512x1xi32>
      %eq3A_1173 = vector.broadcast %broadcast_in_dim3A_1172 : vector<512x1xi32> to vector<512x256xi32>
      %eq3A_1174 = arith.cmpi eq, %eq3A_1173, %iota3A : vector<512x256xi32>
      %convert_element_type3A_1175 = arith.extui %eq3A_1174 : vector<512x256xi1> to vector<512x256xi32>
      %convert_element_type3A_1176 = arith.sitofp %convert_element_type3A_1175 : vector<512x256xi32> to vector<512x256xf32>
      %convert_element_type3A_1177 = arith.truncf %convert_element_type3A_1176 : vector<512x256xf32> to vector<512x256xbf16>
      %slice3A_1178 = vector.extract_strided_slice %get3A_21 {offsets = [7, 0, 0], sizes = [1, 256, 128], strides = [1, 1, 1]} : vector<16x256x128xf32> to vector<1x256x128xf32>
      %squeeze3A_1179 = vector.shape_cast %slice3A_1178 : vector<1x256x128xf32> to vector<256x128xf32>
      %dot_general3A_1180 = arith.constant dense<0.000000e+00> : vector<512x128xf32>
      %dot_general3A_1181 = tpu.matmul %convert_element_type3A_1177, %squeeze3A_1179, %dot_general3A_1180 {dimension_numbers = #tpu.dot_dimension_numbers<[1], [0], [0], [1], [0, 0, 1, 1], [], []>, transpose_lhs_hint = false} : vector<512x256xbf16>, vector<256x128xf32>, vector<512x128xf32> -> vector<512x128xf32>
      %convert_element_type3A_1182 = arith.truncf %dot_general3A_1181 : vector<512x128xf32> to vector<512x128xbf16>
      %swap3A_1183 = arith.constant 2048 : index
      %swap3A_1184 = arith.constant 896 : index
      %swap3A_1185 = vector.load %arg7[%swap3A_1183, %swap3A_1184] : memref<3584x2048xbf16, #tpu.memory_space<vmem>>, vector<512x128xbf16>
      tpu.vector_store %arg7[%swap3A_1183, %swap3A_1184], %convert_element_type3A_1182 {strides = array<i32>} : memref<3584x2048xbf16, #tpu.memory_space<vmem>>, vector<512x128xbf16>,
      %slice3A_1186 = vector.extract_strided_slice %get3A_1057 {offsets = [8, 0], sizes = [1, 512], strides = [1, 1]} : vector<16x512xi32> to vector<1x512xi32>
      %squeeze3A_1187 = vector.shape_cast %slice3A_1186 : vector<1x512xi32> to vector<512xi32>
      %broadcast_in_dim3A_1188 = vector.shape_cast %squeeze3A_1187 : vector<512xi32> to vector<512x1xi32>
      %eq3A_1189 = vector.broadcast %broadcast_in_dim3A_1188 : vector<512x1xi32> to vector<512x256xi32>
      %eq3A_1190 = arith.cmpi eq, %eq3A_1189, %iota3A : vector<512x256xi32>
      %convert_element_type3A_1191 = arith.extui %eq3A_1190 : vector<512x256xi1> to vector<512x256xi32>
      %convert_element_type3A_1192 = arith.sitofp %convert_element_type3A_1191 : vector<512x256xi32> to vector<512x256xf32>
      %convert_element_type3A_1193 = arith.truncf %convert_element_type3A_1192 : vector<512x256xf32> to vector<512x256xbf16>
      %slice3A_1194 = vector.extract_strided_slice %get3A_21 {offsets = [8, 0, 0], sizes = [1, 256, 128], strides = [1, 1, 1]} : vector<16x256x128xf32> to vector<1x256x128xf32>
      %squeeze3A_1195 = vector.shape_cast %slice3A_1194 : vector<1x256x128xf32> to vector<256x128xf32>
      %dot_general3A_1196 = arith.constant dense<0.000000e+00> : vector<512x128xf32>
      %dot_general3A_1197 = tpu.matmul %convert_element_type3A_1193, %squeeze3A_1195, %dot_general3A_1196 {dimension_numbers = #tpu.dot_dimension_numbers<[1], [0], [0], [1], [0, 0, 1, 1], [], []>, transpose_lhs_hint = false} : vector<512x256xbf16>, vector<256x128xf32>, vector<512x128xf32> -> vector<512x128xf32>
      %convert_element_type3A_1198 = arith.truncf %dot_general3A_1197 : vector<512x128xf32> to vector<512x128xbf16>
      %swap3A_1199 = arith.constant 2048 : index
      %swap3A_1200 = arith.constant 1024 : index
      %swap3A_1201 = vector.load %arg7[%swap3A_1199, %swap3A_1200] : memref<3584x2048xbf16, #tpu.memory_space<vmem>>, vector<512x128xbf16>
      tpu.vector_store %arg7[%swap3A_1199, %swap3A_1200], %convert_element_type3A_1198 {strides = array<i32>} : memref<3584x2048xbf16, #tpu.memory_space<vmem>>, vector<512x128xbf16>,
      %slice3A_1202 = vector.extract_strided_slice %get3A_1057 {offsets = [9, 0], sizes = [1, 512], strides = [1, 1]} : vector<16x512xi32> to vector<1x512xi32>
      %squeeze3A_1203 = vector.shape_cast %slice3A_1202 : vector<1x512xi32> to vector<512xi32>
      %broadcast_in_dim3A_1204 = vector.shape_cast %squeeze3A_1203 : vector<512xi32> to vector<512x1xi32>
      %eq3A_1205 = vector.broadcast %broadcast_in_dim3A_1204 : vector<512x1xi32> to vector<512x256xi32>
      %eq3A_1206 = arith.cmpi eq, %eq3A_1205, %iota3A : vector<512x256xi32>
      %convert_element_type3A_1207 = arith.extui %eq3A_1206 : vector<512x256xi1> to vector<512x256xi32>
      %convert_element_type3A_1208 = arith.sitofp %convert_element_type3A_1207 : vector<512x256xi32> to vector<512x256xf32>
      %convert_element_type3A_1209 = arith.truncf %convert_element_type3A_1208 : vector<512x256xf32> to vector<512x256xbf16>
      %slice3A_1210 = vector.extract_strided_slice %get3A_21 {offsets = [9, 0, 0], sizes = [1, 256, 128], strides = [1, 1, 1]} : vector<16x256x128xf32> to vector<1x256x128xf32>
      %squeeze3A_1211 = vector.shape_cast %slice3A_1210 : vector<1x256x128xf32> to vector<256x128xf32>
      %dot_general3A_1212 = arith.constant dense<0.000000e+00> : vector<512x128xf32>
      %dot_general3A_1213 = tpu.matmul %convert_element_type3A_1209, %squeeze3A_1211, %dot_general3A_1212 {dimension_numbers = #tpu.dot_dimension_numbers<[1], [0], [0], [1], [0, 0, 1, 1], [], []>, transpose_lhs_hint = false} : vector<512x256xbf16>, vector<256x128xf32>, vector<512x128xf32> -> vector<512x128xf32>
      %convert_element_type3A_1214 = arith.truncf %dot_general3A_1213 : vector<512x128xf32> to vector<512x128xbf16>
      %swap3A_1215 = arith.constant 2048 : index
      %swap3A_1216 = arith.constant 1152 : index
      %swap3A_1217 = vector.load %arg7[%swap3A_1215, %swap3A_1216] : memref<3584x2048xbf16, #tpu.memory_space<vmem>>, vector<512x128xbf16>
      tpu.vector_store %arg7[%swap3A_1215, %swap3A_1216], %convert_element_type3A_1214 {strides = array<i32>} : memref<3584x2048xbf16, #tpu.memory_space<vmem>>, vector<512x128xbf16>,
      %slice3A_1218 = vector.extract_strided_slice %get3A_1057 {offsets = [10, 0], sizes = [1, 512], strides = [1, 1]} : vector<16x512xi32> to vector<1x512xi32>
      %squeeze3A_1219 = vector.shape_cast %slice3A_1218 : vector<1x512xi32> to vector<512xi32>
      %broadcast_in_dim3A_1220 = vector.shape_cast %squeeze3A_1219 : vector<512xi32> to vector<512x1xi32>
      %eq3A_1221 = vector.broadcast %broadcast_in_dim3A_1220 : vector<512x1xi32> to vector<512x256xi32>
      %eq3A_1222 = arith.cmpi eq, %eq3A_1221, %iota3A : vector<512x256xi32>
      %convert_element_type3A_1223 = arith.extui %eq3A_1222 : vector<512x256xi1> to vector<512x256xi32>
      %convert_element_type3A_1224 = arith.sitofp %convert_element_type3A_1223 : vector<512x256xi32> to vector<512x256xf32>
      %convert_element_type3A_1225 = arith.truncf %convert_element_type3A_1224 : vector<512x256xf32> to vector<512x256xbf16>
      %slice3A_1226 = vector.extract_strided_slice %get3A_21 {offsets = [10, 0, 0], sizes = [1, 256, 128], strides = [1, 1, 1]} : vector<16x256x128xf32> to vector<1x256x128xf32>
      %squeeze3A_1227 = vector.shape_cast %slice3A_1226 : vector<1x256x128xf32> to vector<256x128xf32>
      %dot_general3A_1228 = arith.constant dense<0.000000e+00> : vector<512x128xf32>
      %dot_general3A_1229 = tpu.matmul %convert_element_type3A_1225, %squeeze3A_1227, %dot_general3A_1228 {dimension_numbers = #tpu.dot_dimension_numbers<[1], [0], [0], [1], [0, 0, 1, 1], [], []>, transpose_lhs_hint = false} : vector<512x256xbf16>, vector<256x128xf32>, vector<512x128xf32> -> vector<512x128xf32>
      %convert_element_type3A_1230 = arith.truncf %dot_general3A_1229 : vector<512x128xf32> to vector<512x128xbf16>
      %swap3A_1231 = arith.constant 2048 : index
      %swap3A_1232 = arith.constant 1280 : index
      %swap3A_1233 = vector.load %arg7[%swap3A_1231, %swap3A_1232] : memref<3584x2048xbf16, #tpu.memory_space<vmem>>, vector<512x128xbf16>
      tpu.vector_store %arg7[%swap3A_1231, %swap3A_1232], %convert_element_type3A_1230 {strides = array<i32>} : memref<3584x2048xbf16, #tpu.memory_space<vmem>>, vector<512x128xbf16>,
      %slice3A_1234 = vector.extract_strided_slice %get3A_1057 {offsets = [11, 0], sizes = [1, 512], strides = [1, 1]} : vector<16x512xi32> to vector<1x512xi32>
      %squeeze3A_1235 = vector.shape_cast %slice3A_1234 : vector<1x512xi32> to vector<512xi32>
      %broadcast_in_dim3A_1236 = vector.shape_cast %squeeze3A_1235 : vector<512xi32> to vector<512x1xi32>
      %eq3A_1237 = vector.broadcast %broadcast_in_dim3A_1236 : vector<512x1xi32> to vector<512x256xi32>
      %eq3A_1238 = arith.cmpi eq, %eq3A_1237, %iota3A : vector<512x256xi32>
      %convert_element_type3A_1239 = arith.extui %eq3A_1238 : vector<512x256xi1> to vector<512x256xi32>
      %convert_element_type3A_1240 = arith.sitofp %convert_element_type3A_1239 : vector<512x256xi32> to vector<512x256xf32>
      %convert_element_type3A_1241 = arith.truncf %convert_element_type3A_1240 : vector<512x256xf32> to vector<512x256xbf16>
      %slice3A_1242 = vector.extract_strided_slice %get3A_21 {offsets = [11, 0, 0], sizes = [1, 256, 128], strides = [1, 1, 1]} : vector<16x256x128xf32> to vector<1x256x128xf32>
      %squeeze3A_1243 = vector.shape_cast %slice3A_1242 : vector<1x256x128xf32> to vector<256x128xf32>
      %dot_general3A_1244 = arith.constant dense<0.000000e+00> : vector<512x128xf32>
      %dot_general3A_1245 = tpu.matmul %convert_element_type3A_1241, %squeeze3A_1243, %dot_general3A_1244 {dimension_numbers = #tpu.dot_dimension_numbers<[1], [0], [0], [1], [0, 0, 1, 1], [], []>, transpose_lhs_hint = false} : vector<512x256xbf16>, vector<256x128xf32>, vector<512x128xf32> -> vector<512x128xf32>
      %convert_element_type3A_1246 = arith.truncf %dot_general3A_1245 : vector<512x128xf32> to vector<512x128xbf16>
      %swap3A_1247 = arith.constant 2048 : index
      %swap3A_1248 = arith.constant 1408 : index
      %swap3A_1249 = vector.load %arg7[%swap3A_1247, %swap3A_1248] : memref<3584x2048xbf16, #tpu.memory_space<vmem>>, vector<512x128xbf16>
      tpu.vector_store %arg7[%swap3A_1247, %swap3A_1248], %convert_element_type3A_1246 {strides = array<i32>} : memref<3584x2048xbf16, #tpu.memory_space<vmem>>, vector<512x128xbf16>,
      %slice3A_1250 = vector.extract_strided_slice %get3A_1057 {offsets = [12, 0], sizes = [1, 512], strides = [1, 1]} : vector<16x512xi32> to vector<1x512xi32>
      %squeeze3A_1251 = vector.shape_cast %slice3A_1250 : vector<1x512xi32> to vector<512xi32>
      %broadcast_in_dim3A_1252 = vector.shape_cast %squeeze3A_1251 : vector<512xi32> to vector<512x1xi32>
      %eq3A_1253 = vector.broadcast %broadcast_in_dim3A_1252 : vector<512x1xi32> to vector<512x256xi32>
      %eq3A_1254 = arith.cmpi eq, %eq3A_1253, %iota3A : vector<512x256xi32>
      %convert_element_type3A_1255 = arith.extui %eq3A_1254 : vector<512x256xi1> to vector<512x256xi32>
      %convert_element_type3A_1256 = arith.sitofp %convert_element_type3A_1255 : vector<512x256xi32> to vector<512x256xf32>
      %convert_element_type3A_1257 = arith.truncf %convert_element_type3A_1256 : vector<512x256xf32> to vector<512x256xbf16>
      %slice3A_1258 = vector.extract_strided_slice %get3A_21 {offsets = [12, 0, 0], sizes = [1, 256, 128], strides = [1, 1, 1]} : vector<16x256x128xf32> to vector<1x256x128xf32>
      %squeeze3A_1259 = vector.shape_cast %slice3A_1258 : vector<1x256x128xf32> to vector<256x128xf32>
      %dot_general3A_1260 = arith.constant dense<0.000000e+00> : vector<512x128xf32>
      %dot_general3A_1261 = tpu.matmul %convert_element_type3A_1257, %squeeze3A_1259, %dot_general3A_1260 {dimension_numbers = #tpu.dot_dimension_numbers<[1], [0], [0], [1], [0, 0, 1, 1], [], []>, transpose_lhs_hint = false} : vector<512x256xbf16>, vector<256x128xf32>, vector<512x128xf32> -> vector<512x128xf32>
      %convert_element_type3A_1262 = arith.truncf %dot_general3A_1261 : vector<512x128xf32> to vector<512x128xbf16>
      %swap3A_1263 = arith.constant 2048 : index
      %swap3A_1264 = arith.constant 1536 : index
      %swap3A_1265 = vector.load %arg7[%swap3A_1263, %swap3A_1264] : memref<3584x2048xbf16, #tpu.memory_space<vmem>>, vector<512x128xbf16>
      tpu.vector_store %arg7[%swap3A_1263, %swap3A_1264], %convert_element_type3A_1262 {strides = array<i32>} : memref<3584x2048xbf16, #tpu.memory_space<vmem>>, vector<512x128xbf16>,
      %slice3A_1266 = vector.extract_strided_slice %get3A_1057 {offsets = [13, 0], sizes = [1, 512], strides = [1, 1]} : vector<16x512xi32> to vector<1x512xi32>
      %squeeze3A_1267 = vector.shape_cast %slice3A_1266 : vector<1x512xi32> to vector<512xi32>
      %broadcast_in_dim3A_1268 = vector.shape_cast %squeeze3A_1267 : vector<512xi32> to vector<512x1xi32>
      %eq3A_1269 = vector.broadcast %broadcast_in_dim3A_1268 : vector<512x1xi32> to vector<512x256xi32>
      %eq3A_1270 = arith.cmpi eq, %eq3A_1269, %iota3A : vector<512x256xi32>
      %convert_element_type3A_1271 = arith.extui %eq3A_1270 : vector<512x256xi1> to vector<512x256xi32>
      %convert_element_type3A_1272 = arith.sitofp %convert_element_type3A_1271 : vector<512x256xi32> to vector<512x256xf32>
      %convert_element_type3A_1273 = arith.truncf %convert_element_type3A_1272 : vector<512x256xf32> to vector<512x256xbf16>
      %slice3A_1274 = vector.extract_strided_slice %get3A_21 {offsets = [13, 0, 0], sizes = [1, 256, 128], strides = [1, 1, 1]} : vector<16x256x128xf32> to vector<1x256x128xf32>
      %squeeze3A_1275 = vector.shape_cast %slice3A_1274 : vector<1x256x128xf32> to vector<256x128xf32>
      %dot_general3A_1276 = arith.constant dense<0.000000e+00> : vector<512x128xf32>
      %dot_general3A_1277 = tpu.matmul %convert_element_type3A_1273, %squeeze3A_1275, %dot_general3A_1276 {dimension_numbers = #tpu.dot_dimension_numbers<[1], [0], [0], [1], [0, 0, 1, 1], [], []>, transpose_lhs_hint = false} : vector<512x256xbf16>, vector<256x128xf32>, vector<512x128xf32> -> vector<512x128xf32>
      %convert_element_type3A_1278 = arith.truncf %dot_general3A_1277 : vector<512x128xf32> to vector<512x128xbf16>
      %swap3A_1279 = arith.constant 2048 : index
      %swap3A_1280 = arith.constant 1664 : index
      %swap3A_1281 = vector.load %arg7[%swap3A_1279, %swap3A_1280] : memref<3584x2048xbf16, #tpu.memory_space<vmem>>, vector<512x128xbf16>
      tpu.vector_store %arg7[%swap3A_1279, %swap3A_1280], %convert_element_type3A_1278 {strides = array<i32>} : memref<3584x2048xbf16, #tpu.memory_space<vmem>>, vector<512x128xbf16>,
      %slice3A_1282 = vector.extract_strided_slice %get3A_1057 {offsets = [14, 0], sizes = [1, 512], strides = [1, 1]} : vector<16x512xi32> to vector<1x512xi32>
      %squeeze3A_1283 = vector.shape_cast %slice3A_1282 : vector<1x512xi32> to vector<512xi32>
      %broadcast_in_dim3A_1284 = vector.shape_cast %squeeze3A_1283 : vector<512xi32> to vector<512x1xi32>
      %eq3A_1285 = vector.broadcast %broadcast_in_dim3A_1284 : vector<512x1xi32> to vector<512x256xi32>
      %eq3A_1286 = arith.cmpi eq, %eq3A_1285, %iota3A : vector<512x256xi32>
      %convert_element_type3A_1287 = arith.extui %eq3A_1286 : vector<512x256xi1> to vector<512x256xi32>
      %convert_element_type3A_1288 = arith.sitofp %convert_element_type3A_1287 : vector<512x256xi32> to vector<512x256xf32>
      %convert_element_type3A_1289 = arith.truncf %convert_element_type3A_1288 : vector<512x256xf32> to vector<512x256xbf16>
      %slice3A_1290 = vector.extract_strided_slice %get3A_21 {offsets = [14, 0, 0], sizes = [1, 256, 128], strides = [1, 1, 1]} : vector<16x256x128xf32> to vector<1x256x128xf32>
      %squeeze3A_1291 = vector.shape_cast %slice3A_1290 : vector<1x256x128xf32> to vector<256x128xf32>
      %dot_general3A_1292 = arith.constant dense<0.000000e+00> : vector<512x128xf32>
      %dot_general3A_1293 = tpu.matmul %convert_element_type3A_1289, %squeeze3A_1291, %dot_general3A_1292 {dimension_numbers = #tpu.dot_dimension_numbers<[1], [0], [0], [1], [0, 0, 1, 1], [], []>, transpose_lhs_hint = false} : vector<512x256xbf16>, vector<256x128xf32>, vector<512x128xf32> -> vector<512x128xf32>
      %convert_element_type3A_1294 = arith.truncf %dot_general3A_1293 : vector<512x128xf32> to vector<512x128xbf16>
      %swap3A_1295 = arith.constant 2048 : index
      %swap3A_1296 = arith.constant 1792 : index
      %swap3A_1297 = vector.load %arg7[%swap3A_1295, %swap3A_1296] : memref<3584x2048xbf16, #tpu.memory_space<vmem>>, vector<512x128xbf16>
      tpu.vector_store %arg7[%swap3A_1295, %swap3A_1296], %convert_element_type3A_1294 {strides = array<i32>} : memref<3584x2048xbf16, #tpu.memory_space<vmem>>, vector<512x128xbf16>,
      %slice3A_1298 = vector.extract_strided_slice %get3A_1057 {offsets = [15, 0], sizes = [1, 512], strides = [1, 1]} : vector<16x512xi32> to vector<1x512xi32>
      %squeeze3A_1299 = vector.shape_cast %slice3A_1298 : vector<1x512xi32> to vector<512xi32>
      %broadcast_in_dim3A_1300 = vector.shape_cast %squeeze3A_1299 : vector<512xi32> to vector<512x1xi32>
      %eq3A_1301 = vector.broadcast %broadcast_in_dim3A_1300 : vector<512x1xi32> to vector<512x256xi32>
      %eq3A_1302 = arith.cmpi eq, %eq3A_1301, %iota3A : vector<512x256xi32>
      %convert_element_type3A_1303 = arith.extui %eq3A_1302 : vector<512x256xi1> to vector<512x256xi32>
      %convert_element_type3A_1304 = arith.sitofp %convert_element_type3A_1303 : vector<512x256xi32> to vector<512x256xf32>
      %convert_element_type3A_1305 = arith.truncf %convert_element_type3A_1304 : vector<512x256xf32> to vector<512x256xbf16>
      %slice3A_1306 = vector.extract_strided_slice %get3A_21 {offsets = [15, 0, 0], sizes = [1, 256, 128], strides = [1, 1, 1]} : vector<16x256x128xf32> to vector<1x256x128xf32>
      %squeeze3A_1307 = vector.shape_cast %slice3A_1306 : vector<1x256x128xf32> to vector<256x128xf32>
      %dot_general3A_1308 = arith.constant dense<0.000000e+00> : vector<512x128xf32>
      %dot_general3A_1309 = tpu.matmul %convert_element_type3A_1305, %squeeze3A_1307, %dot_general3A_1308 {dimension_numbers = #tpu.dot_dimension_numbers<[1], [0], [0], [1], [0, 0, 1, 1], [], []>, transpose_lhs_hint = false} : vector<512x256xbf16>, vector<256x128xf32>, vector<512x128xf32> -> vector<512x128xf32>
      %convert_element_type3A_1310 = arith.truncf %dot_general3A_1309 : vector<512x128xf32> to vector<512x128xbf16>
      %swap3A_1311 = arith.constant 2048 : index
      %swap3A_1312 = arith.constant 1920 : index
      %swap3A_1313 = vector.load %arg7[%swap3A_1311, %swap3A_1312] : memref<3584x2048xbf16, #tpu.memory_space<vmem>>, vector<512x128xbf16>
      tpu.vector_store %arg7[%swap3A_1311, %swap3A_1312], %convert_element_type3A_1310 {strides = array<i32>} : memref<3584x2048xbf16, #tpu.memory_space<vmem>>, vector<512x128xbf16>,
      %get3A_1314 = arith.constant 0 : index
      %get3A_1315 = arith.constant 2560 : index
      %get3A_1316 = vector.load %arg1[%get3A_1314, %get3A_1315] : memref<16x3584xi32, #tpu.memory_space<vmem>>, vector<16x512xi32>
      %slice3A_1317 = vector.extract_strided_slice %get3A_1316 {offsets = [0, 0], sizes = [1, 512], strides = [1, 1]} : vector<16x512xi32> to vector<1x512xi32>
      %squeeze3A_1318 = vector.shape_cast %slice3A_1317 : vector<1x512xi32> to vector<512xi32>
      %broadcast_in_dim3A_1319 = vector.shape_cast %squeeze3A_1318 : vector<512xi32> to vector<512x1xi32>
      %eq3A_1320 = vector.broadcast %broadcast_in_dim3A_1319 : vector<512x1xi32> to vector<512x256xi32>
      %eq3A_1321 = arith.cmpi eq, %eq3A_1320, %iota3A : vector<512x256xi32>
      %convert_element_type3A_1322 = arith.extui %eq3A_1321 : vector<512x256xi1> to vector<512x256xi32>
      %convert_element_type3A_1323 = arith.sitofp %convert_element_type3A_1322 : vector<512x256xi32> to vector<512x256xf32>
      %convert_element_type3A_1324 = arith.truncf %convert_element_type3A_1323 : vector<512x256xf32> to vector<512x256xbf16>
      %slice3A_1325 = vector.extract_strided_slice %get3A_21 {offsets = [0, 0, 0], sizes = [1, 256, 128], strides = [1, 1, 1]} : vector<16x256x128xf32> to vector<1x256x128xf32>
      %squeeze3A_1326 = vector.shape_cast %slice3A_1325 : vector<1x256x128xf32> to vector<256x128xf32>
      %dot_general3A_1327 = arith.constant dense<0.000000e+00> : vector<512x128xf32>
      %dot_general3A_1328 = tpu.matmul %convert_element_type3A_1324, %squeeze3A_1326, %dot_general3A_1327 {dimension_numbers = #tpu.dot_dimension_numbers<[1], [0], [0], [1], [0, 0, 1, 1], [], []>, transpose_lhs_hint = false} : vector<512x256xbf16>, vector<256x128xf32>, vector<512x128xf32> -> vector<512x128xf32>
      %convert_element_type3A_1329 = arith.truncf %dot_general3A_1328 : vector<512x128xf32> to vector<512x128xbf16>
      %swap3A_1330 = arith.constant 2560 : index
      %swap3A_1331 = arith.constant 0 : index
      %swap3A_1332 = vector.load %arg7[%swap3A_1330, %swap3A_1331] : memref<3584x2048xbf16, #tpu.memory_space<vmem>>, vector<512x128xbf16>
      tpu.vector_store %arg7[%swap3A_1330, %swap3A_1331], %convert_element_type3A_1329 {strides = array<i32>} : memref<3584x2048xbf16, #tpu.memory_space<vmem>>, vector<512x128xbf16>,
      %slice3A_1333 = vector.extract_strided_slice %get3A_1316 {offsets = [1, 0], sizes = [1, 512], strides = [1, 1]} : vector<16x512xi32> to vector<1x512xi32>
      %squeeze3A_1334 = vector.shape_cast %slice3A_1333 : vector<1x512xi32> to vector<512xi32>
      %broadcast_in_dim3A_1335 = vector.shape_cast %squeeze3A_1334 : vector<512xi32> to vector<512x1xi32>
      %eq3A_1336 = vector.broadcast %broadcast_in_dim3A_1335 : vector<512x1xi32> to vector<512x256xi32>
      %eq3A_1337 = arith.cmpi eq, %eq3A_1336, %iota3A : vector<512x256xi32>
      %convert_element_type3A_1338 = arith.extui %eq3A_1337 : vector<512x256xi1> to vector<512x256xi32>
      %convert_element_type3A_1339 = arith.sitofp %convert_element_type3A_1338 : vector<512x256xi32> to vector<512x256xf32>
      %convert_element_type3A_1340 = arith.truncf %convert_element_type3A_1339 : vector<512x256xf32> to vector<512x256xbf16>
      %slice3A_1341 = vector.extract_strided_slice %get3A_21 {offsets = [1, 0, 0], sizes = [1, 256, 128], strides = [1, 1, 1]} : vector<16x256x128xf32> to vector<1x256x128xf32>
      %squeeze3A_1342 = vector.shape_cast %slice3A_1341 : vector<1x256x128xf32> to vector<256x128xf32>
      %dot_general3A_1343 = arith.constant dense<0.000000e+00> : vector<512x128xf32>
      %dot_general3A_1344 = tpu.matmul %convert_element_type3A_1340, %squeeze3A_1342, %dot_general3A_1343 {dimension_numbers = #tpu.dot_dimension_numbers<[1], [0], [0], [1], [0, 0, 1, 1], [], []>, transpose_lhs_hint = false} : vector<512x256xbf16>, vector<256x128xf32>, vector<512x128xf32> -> vector<512x128xf32>
      %convert_element_type3A_1345 = arith.truncf %dot_general3A_1344 : vector<512x128xf32> to vector<512x128xbf16>
      %swap3A_1346 = arith.constant 2560 : index
      %swap3A_1347 = arith.constant 128 : index
      %swap3A_1348 = vector.load %arg7[%swap3A_1346, %swap3A_1347] : memref<3584x2048xbf16, #tpu.memory_space<vmem>>, vector<512x128xbf16>
      tpu.vector_store %arg7[%swap3A_1346, %swap3A_1347], %convert_element_type3A_1345 {strides = array<i32>} : memref<3584x2048xbf16, #tpu.memory_space<vmem>>, vector<512x128xbf16>,
      %slice3A_1349 = vector.extract_strided_slice %get3A_1316 {offsets = [2, 0], sizes = [1, 512], strides = [1, 1]} : vector<16x512xi32> to vector<1x512xi32>
      %squeeze3A_1350 = vector.shape_cast %slice3A_1349 : vector<1x512xi32> to vector<512xi32>
      %broadcast_in_dim3A_1351 = vector.shape_cast %squeeze3A_1350 : vector<512xi32> to vector<512x1xi32>
      %eq3A_1352 = vector.broadcast %broadcast_in_dim3A_1351 : vector<512x1xi32> to vector<512x256xi32>
      %eq3A_1353 = arith.cmpi eq, %eq3A_1352, %iota3A : vector<512x256xi32>
      %convert_element_type3A_1354 = arith.extui %eq3A_1353 : vector<512x256xi1> to vector<512x256xi32>
      %convert_element_type3A_1355 = arith.sitofp %convert_element_type3A_1354 : vector<512x256xi32> to vector<512x256xf32>
      %convert_element_type3A_1356 = arith.truncf %convert_element_type3A_1355 : vector<512x256xf32> to vector<512x256xbf16>
      %slice3A_1357 = vector.extract_strided_slice %get3A_21 {offsets = [2, 0, 0], sizes = [1, 256, 128], strides = [1, 1, 1]} : vector<16x256x128xf32> to vector<1x256x128xf32>
      %squeeze3A_1358 = vector.shape_cast %slice3A_1357 : vector<1x256x128xf32> to vector<256x128xf32>
      %dot_general3A_1359 = arith.constant dense<0.000000e+00> : vector<512x128xf32>
      %dot_general3A_1360 = tpu.matmul %convert_element_type3A_1356, %squeeze3A_1358, %dot_general3A_1359 {dimension_numbers = #tpu.dot_dimension_numbers<[1], [0], [0], [1], [0, 0, 1, 1], [], []>, transpose_lhs_hint = false} : vector<512x256xbf16>, vector<256x128xf32>, vector<512x128xf32> -> vector<512x128xf32>
      %convert_element_type3A_1361 = arith.truncf %dot_general3A_1360 : vector<512x128xf32> to vector<512x128xbf16>
      %swap3A_1362 = arith.constant 2560 : index
      %swap3A_1363 = arith.constant 256 : index
      %swap3A_1364 = vector.load %arg7[%swap3A_1362, %swap3A_1363] : memref<3584x2048xbf16, #tpu.memory_space<vmem>>, vector<512x128xbf16>
      tpu.vector_store %arg7[%swap3A_1362, %swap3A_1363], %convert_element_type3A_1361 {strides = array<i32>} : memref<3584x2048xbf16, #tpu.memory_space<vmem>>, vector<512x128xbf16>,
      %slice3A_1365 = vector.extract_strided_slice %get3A_1316 {offsets = [3, 0], sizes = [1, 512], strides = [1, 1]} : vector<16x512xi32> to vector<1x512xi32>
      %squeeze3A_1366 = vector.shape_cast %slice3A_1365 : vector<1x512xi32> to vector<512xi32>
      %broadcast_in_dim3A_1367 = vector.shape_cast %squeeze3A_1366 : vector<512xi32> to vector<512x1xi32>
      %eq3A_1368 = vector.broadcast %broadcast_in_dim3A_1367 : vector<512x1xi32> to vector<512x256xi32>
      %eq3A_1369 = arith.cmpi eq, %eq3A_1368, %iota3A : vector<512x256xi32>
      %convert_element_type3A_1370 = arith.extui %eq3A_1369 : vector<512x256xi1> to vector<512x256xi32>
      %convert_element_type3A_1371 = arith.sitofp %convert_element_type3A_1370 : vector<512x256xi32> to vector<512x256xf32>
      %convert_element_type3A_1372 = arith.truncf %convert_element_type3A_1371 : vector<512x256xf32> to vector<512x256xbf16>
      %slice3A_1373 = vector.extract_strided_slice %get3A_21 {offsets = [3, 0, 0], sizes = [1, 256, 128], strides = [1, 1, 1]} : vector<16x256x128xf32> to vector<1x256x128xf32>
      %squeeze3A_1374 = vector.shape_cast %slice3A_1373 : vector<1x256x128xf32> to vector<256x128xf32>
      %dot_general3A_1375 = arith.constant dense<0.000000e+00> : vector<512x128xf32>
      %dot_general3A_1376 = tpu.matmul %convert_element_type3A_1372, %squeeze3A_1374, %dot_general3A_1375 {dimension_numbers = #tpu.dot_dimension_numbers<[1], [0], [0], [1], [0, 0, 1, 1], [], []>, transpose_lhs_hint = false} : vector<512x256xbf16>, vector<256x128xf32>, vector<512x128xf32> -> vector<512x128xf32>
      %convert_element_type3A_1377 = arith.truncf %dot_general3A_1376 : vector<512x128xf32> to vector<512x128xbf16>
      %swap3A_1378 = arith.constant 2560 : index
      %swap3A_1379 = arith.constant 384 : index
      %swap3A_1380 = vector.load %arg7[%swap3A_1378, %swap3A_1379] : memref<3584x2048xbf16, #tpu.memory_space<vmem>>, vector<512x128xbf16>
      tpu.vector_store %arg7[%swap3A_1378, %swap3A_1379], %convert_element_type3A_1377 {strides = array<i32>} : memref<3584x2048xbf16, #tpu.memory_space<vmem>>, vector<512x128xbf16>,
      %slice3A_1381 = vector.extract_strided_slice %get3A_1316 {offsets = [4, 0], sizes = [1, 512], strides = [1, 1]} : vector<16x512xi32> to vector<1x512xi32>
      %squeeze3A_1382 = vector.shape_cast %slice3A_1381 : vector<1x512xi32> to vector<512xi32>
      %broadcast_in_dim3A_1383 = vector.shape_cast %squeeze3A_1382 : vector<512xi32> to vector<512x1xi32>
      %eq3A_1384 = vector.broadcast %broadcast_in_dim3A_1383 : vector<512x1xi32> to vector<512x256xi32>
      %eq3A_1385 = arith.cmpi eq, %eq3A_1384, %iota3A : vector<512x256xi32>
      %convert_element_type3A_1386 = arith.extui %eq3A_1385 : vector<512x256xi1> to vector<512x256xi32>
      %convert_element_type3A_1387 = arith.sitofp %convert_element_type3A_1386 : vector<512x256xi32> to vector<512x256xf32>
      %convert_element_type3A_1388 = arith.truncf %convert_element_type3A_1387 : vector<512x256xf32> to vector<512x256xbf16>
      %slice3A_1389 = vector.extract_strided_slice %get3A_21 {offsets = [4, 0, 0], sizes = [1, 256, 128], strides = [1, 1, 1]} : vector<16x256x128xf32> to vector<1x256x128xf32>
      %squeeze3A_1390 = vector.shape_cast %slice3A_1389 : vector<1x256x128xf32> to vector<256x128xf32>
      %dot_general3A_1391 = arith.constant dense<0.000000e+00> : vector<512x128xf32>
      %dot_general3A_1392 = tpu.matmul %convert_element_type3A_1388, %squeeze3A_1390, %dot_general3A_1391 {dimension_numbers = #tpu.dot_dimension_numbers<[1], [0], [0], [1], [0, 0, 1, 1], [], []>, transpose_lhs_hint = false} : vector<512x256xbf16>, vector<256x128xf32>, vector<512x128xf32> -> vector<512x128xf32>
      %convert_element_type3A_1393 = arith.truncf %dot_general3A_1392 : vector<512x128xf32> to vector<512x128xbf16>
      %swap3A_1394 = arith.constant 2560 : index
      %swap3A_1395 = arith.constant 512 : index
      %swap3A_1396 = vector.load %arg7[%swap3A_1394, %swap3A_1395] : memref<3584x2048xbf16, #tpu.memory_space<vmem>>, vector<512x128xbf16>
      tpu.vector_store %arg7[%swap3A_1394, %swap3A_1395], %convert_element_type3A_1393 {strides = array<i32>} : memref<3584x2048xbf16, #tpu.memory_space<vmem>>, vector<512x128xbf16>,
      %slice3A_1397 = vector.extract_strided_slice %get3A_1316 {offsets = [5, 0], sizes = [1, 512], strides = [1, 1]} : vector<16x512xi32> to vector<1x512xi32>
      %squeeze3A_1398 = vector.shape_cast %slice3A_1397 : vector<1x512xi32> to vector<512xi32>
      %broadcast_in_dim3A_1399 = vector.shape_cast %squeeze3A_1398 : vector<512xi32> to vector<512x1xi32>
      %eq3A_1400 = vector.broadcast %broadcast_in_dim3A_1399 : vector<512x1xi32> to vector<512x256xi32>
      %eq3A_1401 = arith.cmpi eq, %eq3A_1400, %iota3A : vector<512x256xi32>
      %convert_element_type3A_1402 = arith.extui %eq3A_1401 : vector<512x256xi1> to vector<512x256xi32>
      %convert_element_type3A_1403 = arith.sitofp %convert_element_type3A_1402 : vector<512x256xi32> to vector<512x256xf32>
      %convert_element_type3A_1404 = arith.truncf %convert_element_type3A_1403 : vector<512x256xf32> to vector<512x256xbf16>
      %slice3A_1405 = vector.extract_strided_slice %get3A_21 {offsets = [5, 0, 0], sizes = [1, 256, 128], strides = [1, 1, 1]} : vector<16x256x128xf32> to vector<1x256x128xf32>
      %squeeze3A_1406 = vector.shape_cast %slice3A_1405 : vector<1x256x128xf32> to vector<256x128xf32>
      %dot_general3A_1407 = arith.constant dense<0.000000e+00> : vector<512x128xf32>
      %dot_general3A_1408 = tpu.matmul %convert_element_type3A_1404, %squeeze3A_1406, %dot_general3A_1407 {dimension_numbers = #tpu.dot_dimension_numbers<[1], [0], [0], [1], [0, 0, 1, 1], [], []>, transpose_lhs_hint = false} : vector<512x256xbf16>, vector<256x128xf32>, vector<512x128xf32> -> vector<512x128xf32>
      %convert_element_type3A_1409 = arith.truncf %dot_general3A_1408 : vector<512x128xf32> to vector<512x128xbf16>
      %swap3A_1410 = arith.constant 2560 : index
      %swap3A_1411 = arith.constant 640 : index
      %swap3A_1412 = vector.load %arg7[%swap3A_1410, %swap3A_1411] : memref<3584x2048xbf16, #tpu.memory_space<vmem>>, vector<512x128xbf16>
      tpu.vector_store %arg7[%swap3A_1410, %swap3A_1411], %convert_element_type3A_1409 {strides = array<i32>} : memref<3584x2048xbf16, #tpu.memory_space<vmem>>, vector<512x128xbf16>,
      %slice3A_1413 = vector.extract_strided_slice %get3A_1316 {offsets = [6, 0], sizes = [1, 512], strides = [1, 1]} : vector<16x512xi32> to vector<1x512xi32>
      %squeeze3A_1414 = vector.shape_cast %slice3A_1413 : vector<1x512xi32> to vector<512xi32>
      %broadcast_in_dim3A_1415 = vector.shape_cast %squeeze3A_1414 : vector<512xi32> to vector<512x1xi32>
      %eq3A_1416 = vector.broadcast %broadcast_in_dim3A_1415 : vector<512x1xi32> to vector<512x256xi32>
      %eq3A_1417 = arith.cmpi eq, %eq3A_1416, %iota3A : vector<512x256xi32>
      %convert_element_type3A_1418 = arith.extui %eq3A_1417 : vector<512x256xi1> to vector<512x256xi32>
      %convert_element_type3A_1419 = arith.sitofp %convert_element_type3A_1418 : vector<512x256xi32> to vector<512x256xf32>
      %convert_element_type3A_1420 = arith.truncf %convert_element_type3A_1419 : vector<512x256xf32> to vector<512x256xbf16>
      %slice3A_1421 = vector.extract_strided_slice %get3A_21 {offsets = [6, 0, 0], sizes = [1, 256, 128], strides = [1, 1, 1]} : vector<16x256x128xf32> to vector<1x256x128xf32>
      %squeeze3A_1422 = vector.shape_cast %slice3A_1421 : vector<1x256x128xf32> to vector<256x128xf32>
      %dot_general3A_1423 = arith.constant dense<0.000000e+00> : vector<512x128xf32>
      %dot_general3A_1424 = tpu.matmul %convert_element_type3A_1420, %squeeze3A_1422, %dot_general3A_1423 {dimension_numbers = #tpu.dot_dimension_numbers<[1], [0], [0], [1], [0, 0, 1, 1], [], []>, transpose_lhs_hint = false} : vector<512x256xbf16>, vector<256x128xf32>, vector<512x128xf32> -> vector<512x128xf32>
      %convert_element_type3A_1425 = arith.truncf %dot_general3A_1424 : vector<512x128xf32> to vector<512x128xbf16>
      %swap3A_1426 = arith.constant 2560 : index
      %swap3A_1427 = arith.constant 768 : index
      %swap3A_1428 = vector.load %arg7[%swap3A_1426, %swap3A_1427] : memref<3584x2048xbf16, #tpu.memory_space<vmem>>, vector<512x128xbf16>
      tpu.vector_store %arg7[%swap3A_1426, %swap3A_1427], %convert_element_type3A_1425 {strides = array<i32>} : memref<3584x2048xbf16, #tpu.memory_space<vmem>>, vector<512x128xbf16>,
      %slice3A_1429 = vector.extract_strided_slice %get3A_1316 {offsets = [7, 0], sizes = [1, 512], strides = [1, 1]} : vector<16x512xi32> to vector<1x512xi32>
      %squeeze3A_1430 = vector.shape_cast %slice3A_1429 : vector<1x512xi32> to vector<512xi32>
      %broadcast_in_dim3A_1431 = vector.shape_cast %squeeze3A_1430 : vector<512xi32> to vector<512x1xi32>
      %eq3A_1432 = vector.broadcast %broadcast_in_dim3A_1431 : vector<512x1xi32> to vector<512x256xi32>
      %eq3A_1433 = arith.cmpi eq, %eq3A_1432, %iota3A : vector<512x256xi32>
      %convert_element_type3A_1434 = arith.extui %eq3A_1433 : vector<512x256xi1> to vector<512x256xi32>
      %convert_element_type3A_1435 = arith.sitofp %convert_element_type3A_1434 : vector<512x256xi32> to vector<512x256xf32>
      %convert_element_type3A_1436 = arith.truncf %convert_element_type3A_1435 : vector<512x256xf32> to vector<512x256xbf16>
      %slice3A_1437 = vector.extract_strided_slice %get3A_21 {offsets = [7, 0, 0], sizes = [1, 256, 128], strides = [1, 1, 1]} : vector<16x256x128xf32> to vector<1x256x128xf32>
      %squeeze3A_1438 = vector.shape_cast %slice3A_1437 : vector<1x256x128xf32> to vector<256x128xf32>
      %dot_general3A_1439 = arith.constant dense<0.000000e+00> : vector<512x128xf32>
      %dot_general3A_1440 = tpu.matmul %convert_element_type3A_1436, %squeeze3A_1438, %dot_general3A_1439 {dimension_numbers = #tpu.dot_dimension_numbers<[1], [0], [0], [1], [0, 0, 1, 1], [], []>, transpose_lhs_hint = false} : vector<512x256xbf16>, vector<256x128xf32>, vector<512x128xf32> -> vector<512x128xf32>
      %convert_element_type3A_1441 = arith.truncf %dot_general3A_1440 : vector<512x128xf32> to vector<512x128xbf16>
      %swap3A_1442 = arith.constant 2560 : index
      %swap3A_1443 = arith.constant 896 : index
      %swap3A_1444 = vector.load %arg7[%swap3A_1442, %swap3A_1443] : memref<3584x2048xbf16, #tpu.memory_space<vmem>>, vector<512x128xbf16>
      tpu.vector_store %arg7[%swap3A_1442, %swap3A_1443], %convert_element_type3A_1441 {strides = array<i32>} : memref<3584x2048xbf16, #tpu.memory_space<vmem>>, vector<512x128xbf16>,
      %slice3A_1445 = vector.extract_strided_slice %get3A_1316 {offsets = [8, 0], sizes = [1, 512], strides = [1, 1]} : vector<16x512xi32> to vector<1x512xi32>
      %squeeze3A_1446 = vector.shape_cast %slice3A_1445 : vector<1x512xi32> to vector<512xi32>
      %broadcast_in_dim3A_1447 = vector.shape_cast %squeeze3A_1446 : vector<512xi32> to vector<512x1xi32>
      %eq3A_1448 = vector.broadcast %broadcast_in_dim3A_1447 : vector<512x1xi32> to vector<512x256xi32>
      %eq3A_1449 = arith.cmpi eq, %eq3A_1448, %iota3A : vector<512x256xi32>
      %convert_element_type3A_1450 = arith.extui %eq3A_1449 : vector<512x256xi1> to vector<512x256xi32>
      %convert_element_type3A_1451 = arith.sitofp %convert_element_type3A_1450 : vector<512x256xi32> to vector<512x256xf32>
      %convert_element_type3A_1452 = arith.truncf %convert_element_type3A_1451 : vector<512x256xf32> to vector<512x256xbf16>
      %slice3A_1453 = vector.extract_strided_slice %get3A_21 {offsets = [8, 0, 0], sizes = [1, 256, 128], strides = [1, 1, 1]} : vector<16x256x128xf32> to vector<1x256x128xf32>
      %squeeze3A_1454 = vector.shape_cast %slice3A_1453 : vector<1x256x128xf32> to vector<256x128xf32>
      %dot_general3A_1455 = arith.constant dense<0.000000e+00> : vector<512x128xf32>
      %dot_general3A_1456 = tpu.matmul %convert_element_type3A_1452, %squeeze3A_1454, %dot_general3A_1455 {dimension_numbers = #tpu.dot_dimension_numbers<[1], [0], [0], [1], [0, 0, 1, 1], [], []>, transpose_lhs_hint = false} : vector<512x256xbf16>, vector<256x128xf32>, vector<512x128xf32> -> vector<512x128xf32>
      %convert_element_type3A_1457 = arith.truncf %dot_general3A_1456 : vector<512x128xf32> to vector<512x128xbf16>
      %swap3A_1458 = arith.constant 2560 : index
      %swap3A_1459 = arith.constant 1024 : index
      %swap3A_1460 = vector.load %arg7[%swap3A_1458, %swap3A_1459] : memref<3584x2048xbf16, #tpu.memory_space<vmem>>, vector<512x128xbf16>
      tpu.vector_store %arg7[%swap3A_1458, %swap3A_1459], %convert_element_type3A_1457 {strides = array<i32>} : memref<3584x2048xbf16, #tpu.memory_space<vmem>>, vector<512x128xbf16>,
      %slice3A_1461 = vector.extract_strided_slice %get3A_1316 {offsets = [9, 0], sizes = [1, 512], strides = [1, 1]} : vector<16x512xi32> to vector<1x512xi32>
      %squeeze3A_1462 = vector.shape_cast %slice3A_1461 : vector<1x512xi32> to vector<512xi32>
      %broadcast_in_dim3A_1463 = vector.shape_cast %squeeze3A_1462 : vector<512xi32> to vector<512x1xi32>
      %eq3A_1464 = vector.broadcast %broadcast_in_dim3A_1463 : vector<512x1xi32> to vector<512x256xi32>
      %eq3A_1465 = arith.cmpi eq, %eq3A_1464, %iota3A : vector<512x256xi32>
      %convert_element_type3A_1466 = arith.extui %eq3A_1465 : vector<512x256xi1> to vector<512x256xi32>
      %convert_element_type3A_1467 = arith.sitofp %convert_element_type3A_1466 : vector<512x256xi32> to vector<512x256xf32>
      %convert_element_type3A_1468 = arith.truncf %convert_element_type3A_1467 : vector<512x256xf32> to vector<512x256xbf16>
      %slice3A_1469 = vector.extract_strided_slice %get3A_21 {offsets = [9, 0, 0], sizes = [1, 256, 128], strides = [1, 1, 1]} : vector<16x256x128xf32> to vector<1x256x128xf32>
      %squeeze3A_1470 = vector.shape_cast %slice3A_1469 : vector<1x256x128xf32> to vector<256x128xf32>
      %dot_general3A_1471 = arith.constant dense<0.000000e+00> : vector<512x128xf32>
      %dot_general3A_1472 = tpu.matmul %convert_element_type3A_1468, %squeeze3A_1470, %dot_general3A_1471 {dimension_numbers = #tpu.dot_dimension_numbers<[1], [0], [0], [1], [0, 0, 1, 1], [], []>, transpose_lhs_hint = false} : vector<512x256xbf16>, vector<256x128xf32>, vector<512x128xf32> -> vector<512x128xf32>
      %convert_element_type3A_1473 = arith.truncf %dot_general3A_1472 : vector<512x128xf32> to vector<512x128xbf16>
      %swap3A_1474 = arith.constant 2560 : index
      %swap3A_1475 = arith.constant 1152 : index
      %swap3A_1476 = vector.load %arg7[%swap3A_1474, %swap3A_1475] : memref<3584x2048xbf16, #tpu.memory_space<vmem>>, vector<512x128xbf16>
      tpu.vector_store %arg7[%swap3A_1474, %swap3A_1475], %convert_element_type3A_1473 {strides = array<i32>} : memref<3584x2048xbf16, #tpu.memory_space<vmem>>, vector<512x128xbf16>,
      %slice3A_1477 = vector.extract_strided_slice %get3A_1316 {offsets = [10, 0], sizes = [1, 512], strides = [1, 1]} : vector<16x512xi32> to vector<1x512xi32>
      %squeeze3A_1478 = vector.shape_cast %slice3A_1477 : vector<1x512xi32> to vector<512xi32>
      %broadcast_in_dim3A_1479 = vector.shape_cast %squeeze3A_1478 : vector<512xi32> to vector<512x1xi32>
      %eq3A_1480 = vector.broadcast %broadcast_in_dim3A_1479 : vector<512x1xi32> to vector<512x256xi32>
      %eq3A_1481 = arith.cmpi eq, %eq3A_1480, %iota3A : vector<512x256xi32>
      %convert_element_type3A_1482 = arith.extui %eq3A_1481 : vector<512x256xi1> to vector<512x256xi32>
      %convert_element_type3A_1483 = arith.sitofp %convert_element_type3A_1482 : vector<512x256xi32> to vector<512x256xf32>
      %convert_element_type3A_1484 = arith.truncf %convert_element_type3A_1483 : vector<512x256xf32> to vector<512x256xbf16>
      %slice3A_1485 = vector.extract_strided_slice %get3A_21 {offsets = [10, 0, 0], sizes = [1, 256, 128], strides = [1, 1, 1]} : vector<16x256x128xf32> to vector<1x256x128xf32>
      %squeeze3A_1486 = vector.shape_cast %slice3A_1485 : vector<1x256x128xf32> to vector<256x128xf32>
      %dot_general3A_1487 = arith.constant dense<0.000000e+00> : vector<512x128xf32>
      %dot_general3A_1488 = tpu.matmul %convert_element_type3A_1484, %squeeze3A_1486, %dot_general3A_1487 {dimension_numbers = #tpu.dot_dimension_numbers<[1], [0], [0], [1], [0, 0, 1, 1], [], []>, transpose_lhs_hint = false} : vector<512x256xbf16>, vector<256x128xf32>, vector<512x128xf32> -> vector<512x128xf32>
      %convert_element_type3A_1489 = arith.truncf %dot_general3A_1488 : vector<512x128xf32> to vector<512x128xbf16>
      %swap3A_1490 = arith.constant 2560 : index
      %swap3A_1491 = arith.constant 1280 : index
      %swap3A_1492 = vector.load %arg7[%swap3A_1490, %swap3A_1491] : memref<3584x2048xbf16, #tpu.memory_space<vmem>>, vector<512x128xbf16>
      tpu.vector_store %arg7[%swap3A_1490, %swap3A_1491], %convert_element_type3A_1489 {strides = array<i32>} : memref<3584x2048xbf16, #tpu.memory_space<vmem>>, vector<512x128xbf16>,
      %slice3A_1493 = vector.extract_strided_slice %get3A_1316 {offsets = [11, 0], sizes = [1, 512], strides = [1, 1]} : vector<16x512xi32> to vector<1x512xi32>
      %squeeze3A_1494 = vector.shape_cast %slice3A_1493 : vector<1x512xi32> to vector<512xi32>
      %broadcast_in_dim3A_1495 = vector.shape_cast %squeeze3A_1494 : vector<512xi32> to vector<512x1xi32>
      %eq3A_1496 = vector.broadcast %broadcast_in_dim3A_1495 : vector<512x1xi32> to vector<512x256xi32>
      %eq3A_1497 = arith.cmpi eq, %eq3A_1496, %iota3A : vector<512x256xi32>
      %convert_element_type3A_1498 = arith.extui %eq3A_1497 : vector<512x256xi1> to vector<512x256xi32>
      %convert_element_type3A_1499 = arith.sitofp %convert_element_type3A_1498 : vector<512x256xi32> to vector<512x256xf32>
      %convert_element_type3A_1500 = arith.truncf %convert_element_type3A_1499 : vector<512x256xf32> to vector<512x256xbf16>
      %slice3A_1501 = vector.extract_strided_slice %get3A_21 {offsets = [11, 0, 0], sizes = [1, 256, 128], strides = [1, 1, 1]} : vector<16x256x128xf32> to vector<1x256x128xf32>
      %squeeze3A_1502 = vector.shape_cast %slice3A_1501 : vector<1x256x128xf32> to vector<256x128xf32>
      %dot_general3A_1503 = arith.constant dense<0.000000e+00> : vector<512x128xf32>
      %dot_general3A_1504 = tpu.matmul %convert_element_type3A_1500, %squeeze3A_1502, %dot_general3A_1503 {dimension_numbers = #tpu.dot_dimension_numbers<[1], [0], [0], [1], [0, 0, 1, 1], [], []>, transpose_lhs_hint = false} : vector<512x256xbf16>, vector<256x128xf32>, vector<512x128xf32> -> vector<512x128xf32>
      %convert_element_type3A_1505 = arith.truncf %dot_general3A_1504 : vector<512x128xf32> to vector<512x128xbf16>
      %swap3A_1506 = arith.constant 2560 : index
      %swap3A_1507 = arith.constant 1408 : index
      %swap3A_1508 = vector.load %arg7[%swap3A_1506, %swap3A_1507] : memref<3584x2048xbf16, #tpu.memory_space<vmem>>, vector<512x128xbf16>
      tpu.vector_store %arg7[%swap3A_1506, %swap3A_1507], %convert_element_type3A_1505 {strides = array<i32>} : memref<3584x2048xbf16, #tpu.memory_space<vmem>>, vector<512x128xbf16>,
      %slice3A_1509 = vector.extract_strided_slice %get3A_1316 {offsets = [12, 0], sizes = [1, 512], strides = [1, 1]} : vector<16x512xi32> to vector<1x512xi32>
      %squeeze3A_1510 = vector.shape_cast %slice3A_1509 : vector<1x512xi32> to vector<512xi32>
      %broadcast_in_dim3A_1511 = vector.shape_cast %squeeze3A_1510 : vector<512xi32> to vector<512x1xi32>
      %eq3A_1512 = vector.broadcast %broadcast_in_dim3A_1511 : vector<512x1xi32> to vector<512x256xi32>
      %eq3A_1513 = arith.cmpi eq, %eq3A_1512, %iota3A : vector<512x256xi32>
      %convert_element_type3A_1514 = arith.extui %eq3A_1513 : vector<512x256xi1> to vector<512x256xi32>
      %convert_element_type3A_1515 = arith.sitofp %convert_element_type3A_1514 : vector<512x256xi32> to vector<512x256xf32>
      %convert_element_type3A_1516 = arith.truncf %convert_element_type3A_1515 : vector<512x256xf32> to vector<512x256xbf16>
      %slice3A_1517 = vector.extract_strided_slice %get3A_21 {offsets = [12, 0, 0], sizes = [1, 256, 128], strides = [1, 1, 1]} : vector<16x256x128xf32> to vector<1x256x128xf32>
      %squeeze3A_1518 = vector.shape_cast %slice3A_1517 : vector<1x256x128xf32> to vector<256x128xf32>
      %dot_general3A_1519 = arith.constant dense<0.000000e+00> : vector<512x128xf32>
      %dot_general3A_1520 = tpu.matmul %convert_element_type3A_1516, %squeeze3A_1518, %dot_general3A_1519 {dimension_numbers = #tpu.dot_dimension_numbers<[1], [0], [0], [1], [0, 0, 1, 1], [], []>, transpose_lhs_hint = false} : vector<512x256xbf16>, vector<256x128xf32>, vector<512x128xf32> -> vector<512x128xf32>
      %convert_element_type3A_1521 = arith.truncf %dot_general3A_1520 : vector<512x128xf32> to vector<512x128xbf16>
      %swap3A_1522 = arith.constant 2560 : index
      %swap3A_1523 = arith.constant 1536 : index
      %swap3A_1524 = vector.load %arg7[%swap3A_1522, %swap3A_1523] : memref<3584x2048xbf16, #tpu.memory_space<vmem>>, vector<512x128xbf16>
      tpu.vector_store %arg7[%swap3A_1522, %swap3A_1523], %convert_element_type3A_1521 {strides = array<i32>} : memref<3584x2048xbf16, #tpu.memory_space<vmem>>, vector<512x128xbf16>,
      %slice3A_1525 = vector.extract_strided_slice %get3A_1316 {offsets = [13, 0], sizes = [1, 512], strides = [1, 1]} : vector<16x512xi32> to vector<1x512xi32>
      %squeeze3A_1526 = vector.shape_cast %slice3A_1525 : vector<1x512xi32> to vector<512xi32>
      %broadcast_in_dim3A_1527 = vector.shape_cast %squeeze3A_1526 : vector<512xi32> to vector<512x1xi32>
      %eq3A_1528 = vector.broadcast %broadcast_in_dim3A_1527 : vector<512x1xi32> to vector<512x256xi32>
      %eq3A_1529 = arith.cmpi eq, %eq3A_1528, %iota3A : vector<512x256xi32>
      %convert_element_type3A_1530 = arith.extui %eq3A_1529 : vector<512x256xi1> to vector<512x256xi32>
      %convert_element_type3A_1531 = arith.sitofp %convert_element_type3A_1530 : vector<512x256xi32> to vector<512x256xf32>
      %convert_element_type3A_1532 = arith.truncf %convert_element_type3A_1531 : vector<512x256xf32> to vector<512x256xbf16>
      %slice3A_1533 = vector.extract_strided_slice %get3A_21 {offsets = [13, 0, 0], sizes = [1, 256, 128], strides = [1, 1, 1]} : vector<16x256x128xf32> to vector<1x256x128xf32>
      %squeeze3A_1534 = vector.shape_cast %slice3A_1533 : vector<1x256x128xf32> to vector<256x128xf32>
      %dot_general3A_1535 = arith.constant dense<0.000000e+00> : vector<512x128xf32>
      %dot_general3A_1536 = tpu.matmul %convert_element_type3A_1532, %squeeze3A_1534, %dot_general3A_1535 {dimension_numbers = #tpu.dot_dimension_numbers<[1], [0], [0], [1], [0, 0, 1, 1], [], []>, transpose_lhs_hint = false} : vector<512x256xbf16>, vector<256x128xf32>, vector<512x128xf32> -> vector<512x128xf32>
      %convert_element_type3A_1537 = arith.truncf %dot_general3A_1536 : vector<512x128xf32> to vector<512x128xbf16>
      %swap3A_1538 = arith.constant 2560 : index
      %swap3A_1539 = arith.constant 1664 : index
      %swap3A_1540 = vector.load %arg7[%swap3A_1538, %swap3A_1539] : memref<3584x2048xbf16, #tpu.memory_space<vmem>>, vector<512x128xbf16>
      tpu.vector_store %arg7[%swap3A_1538, %swap3A_1539], %convert_element_type3A_1537 {strides = array<i32>} : memref<3584x2048xbf16, #tpu.memory_space<vmem>>, vector<512x128xbf16>,
      %slice3A_1541 = vector.extract_strided_slice %get3A_1316 {offsets = [14, 0], sizes = [1, 512], strides = [1, 1]} : vector<16x512xi32> to vector<1x512xi32>
      %squeeze3A_1542 = vector.shape_cast %slice3A_1541 : vector<1x512xi32> to vector<512xi32>
      %broadcast_in_dim3A_1543 = vector.shape_cast %squeeze3A_1542 : vector<512xi32> to vector<512x1xi32>
      %eq3A_1544 = vector.broadcast %broadcast_in_dim3A_1543 : vector<512x1xi32> to vector<512x256xi32>
      %eq3A_1545 = arith.cmpi eq, %eq3A_1544, %iota3A : vector<512x256xi32>
      %convert_element_type3A_1546 = arith.extui %eq3A_1545 : vector<512x256xi1> to vector<512x256xi32>
      %convert_element_type3A_1547 = arith.sitofp %convert_element_type3A_1546 : vector<512x256xi32> to vector<512x256xf32>
      %convert_element_type3A_1548 = arith.truncf %convert_element_type3A_1547 : vector<512x256xf32> to vector<512x256xbf16>
      %slice3A_1549 = vector.extract_strided_slice %get3A_21 {offsets = [14, 0, 0], sizes = [1, 256, 128], strides = [1, 1, 1]} : vector<16x256x128xf32> to vector<1x256x128xf32>
      %squeeze3A_1550 = vector.shape_cast %slice3A_1549 : vector<1x256x128xf32> to vector<256x128xf32>
      %dot_general3A_1551 = arith.constant dense<0.000000e+00> : vector<512x128xf32>
      %dot_general3A_1552 = tpu.matmul %convert_element_type3A_1548, %squeeze3A_1550, %dot_general3A_1551 {dimension_numbers = #tpu.dot_dimension_numbers<[1], [0], [0], [1], [0, 0, 1, 1], [], []>, transpose_lhs_hint = false} : vector<512x256xbf16>, vector<256x128xf32>, vector<512x128xf32> -> vector<512x128xf32>
      %convert_element_type3A_1553 = arith.truncf %dot_general3A_1552 : vector<512x128xf32> to vector<512x128xbf16>
      %swap3A_1554 = arith.constant 2560 : index
      %swap3A_1555 = arith.constant 1792 : index
      %swap3A_1556 = vector.load %arg7[%swap3A_1554, %swap3A_1555] : memref<3584x2048xbf16, #tpu.memory_space<vmem>>, vector<512x128xbf16>
      tpu.vector_store %arg7[%swap3A_1554, %swap3A_1555], %convert_element_type3A_1553 {strides = array<i32>} : memref<3584x2048xbf16, #tpu.memory_space<vmem>>, vector<512x128xbf16>,
      %slice3A_1557 = vector.extract_strided_slice %get3A_1316 {offsets = [15, 0], sizes = [1, 512], strides = [1, 1]} : vector<16x512xi32> to vector<1x512xi32>
      %squeeze3A_1558 = vector.shape_cast %slice3A_1557 : vector<1x512xi32> to vector<512xi32>
      %broadcast_in_dim3A_1559 = vector.shape_cast %squeeze3A_1558 : vector<512xi32> to vector<512x1xi32>
      %eq3A_1560 = vector.broadcast %broadcast_in_dim3A_1559 : vector<512x1xi32> to vector<512x256xi32>
      %eq3A_1561 = arith.cmpi eq, %eq3A_1560, %iota3A : vector<512x256xi32>
      %convert_element_type3A_1562 = arith.extui %eq3A_1561 : vector<512x256xi1> to vector<512x256xi32>
      %convert_element_type3A_1563 = arith.sitofp %convert_element_type3A_1562 : vector<512x256xi32> to vector<512x256xf32>
      %convert_element_type3A_1564 = arith.truncf %convert_element_type3A_1563 : vector<512x256xf32> to vector<512x256xbf16>
      %slice3A_1565 = vector.extract_strided_slice %get3A_21 {offsets = [15, 0, 0], sizes = [1, 256, 128], strides = [1, 1, 1]} : vector<16x256x128xf32> to vector<1x256x128xf32>
      %squeeze3A_1566 = vector.shape_cast %slice3A_1565 : vector<1x256x128xf32> to vector<256x128xf32>
      %dot_general3A_1567 = arith.constant dense<0.000000e+00> : vector<512x128xf32>
      %dot_general3A_1568 = tpu.matmul %convert_element_type3A_1564, %squeeze3A_1566, %dot_general3A_1567 {dimension_numbers = #tpu.dot_dimension_numbers<[1], [0], [0], [1], [0, 0, 1, 1], [], []>, transpose_lhs_hint = false} : vector<512x256xbf16>, vector<256x128xf32>, vector<512x128xf32> -> vector<512x128xf32>
      %convert_element_type3A_1569 = arith.truncf %dot_general3A_1568 : vector<512x128xf32> to vector<512x128xbf16>
      %swap3A_1570 = arith.constant 2560 : index
      %swap3A_1571 = arith.constant 1920 : index
      %swap3A_1572 = vector.load %arg7[%swap3A_1570, %swap3A_1571] : memref<3584x2048xbf16, #tpu.memory_space<vmem>>, vector<512x128xbf16>
      tpu.vector_store %arg7[%swap3A_1570, %swap3A_1571], %convert_element_type3A_1569 {strides = array<i32>} : memref<3584x2048xbf16, #tpu.memory_space<vmem>>, vector<512x128xbf16>,
      %get3A_1573 = arith.constant 0 : index
      %get3A_1574 = arith.constant 3072 : index
      %get3A_1575 = vector.load %arg1[%get3A_1573, %get3A_1574] : memref<16x3584xi32, #tpu.memory_space<vmem>>, vector<16x512xi32>
      %slice3A_1576 = vector.extract_strided_slice %get3A_1575 {offsets = [0, 0], sizes = [1, 512], strides = [1, 1]} : vector<16x512xi32> to vector<1x512xi32>
      %squeeze3A_1577 = vector.shape_cast %slice3A_1576 : vector<1x512xi32> to vector<512xi32>
      %broadcast_in_dim3A_1578 = vector.shape_cast %squeeze3A_1577 : vector<512xi32> to vector<512x1xi32>
      %eq3A_1579 = vector.broadcast %broadcast_in_dim3A_1578 : vector<512x1xi32> to vector<512x256xi32>
      %eq3A_1580 = arith.cmpi eq, %eq3A_1579, %iota3A : vector<512x256xi32>
      %convert_element_type3A_1581 = arith.extui %eq3A_1580 : vector<512x256xi1> to vector<512x256xi32>
      %convert_element_type3A_1582 = arith.sitofp %convert_element_type3A_1581 : vector<512x256xi32> to vector<512x256xf32>
      %convert_element_type3A_1583 = arith.truncf %convert_element_type3A_1582 : vector<512x256xf32> to vector<512x256xbf16>
      %slice3A_1584 = vector.extract_strided_slice %get3A_21 {offsets = [0, 0, 0], sizes = [1, 256, 128], strides = [1, 1, 1]} : vector<16x256x128xf32> to vector<1x256x128xf32>
      %squeeze3A_1585 = vector.shape_cast %slice3A_1584 : vector<1x256x128xf32> to vector<256x128xf32>
      %dot_general3A_1586 = arith.constant dense<0.000000e+00> : vector<512x128xf32>
      %dot_general3A_1587 = tpu.matmul %convert_element_type3A_1583, %squeeze3A_1585, %dot_general3A_1586 {dimension_numbers = #tpu.dot_dimension_numbers<[1], [0], [0], [1], [0, 0, 1, 1], [], []>, transpose_lhs_hint = false} : vector<512x256xbf16>, vector<256x128xf32>, vector<512x128xf32> -> vector<512x128xf32>
      %convert_element_type3A_1588 = arith.truncf %dot_general3A_1587 : vector<512x128xf32> to vector<512x128xbf16>
      %swap3A_1589 = arith.constant 3072 : index
      %swap3A_1590 = arith.constant 0 : index
      %swap3A_1591 = vector.load %arg7[%swap3A_1589, %swap3A_1590] : memref<3584x2048xbf16, #tpu.memory_space<vmem>>, vector<512x128xbf16>
      tpu.vector_store %arg7[%swap3A_1589, %swap3A_1590], %convert_element_type3A_1588 {strides = array<i32>} : memref<3584x2048xbf16, #tpu.memory_space<vmem>>, vector<512x128xbf16>,
      %slice3A_1592 = vector.extract_strided_slice %get3A_1575 {offsets = [1, 0], sizes = [1, 512], strides = [1, 1]} : vector<16x512xi32> to vector<1x512xi32>
      %squeeze3A_1593 = vector.shape_cast %slice3A_1592 : vector<1x512xi32> to vector<512xi32>
      %broadcast_in_dim3A_1594 = vector.shape_cast %squeeze3A_1593 : vector<512xi32> to vector<512x1xi32>
      %eq3A_1595 = vector.broadcast %broadcast_in_dim3A_1594 : vector<512x1xi32> to vector<512x256xi32>
      %eq3A_1596 = arith.cmpi eq, %eq3A_1595, %iota3A : vector<512x256xi32>
      %convert_element_type3A_1597 = arith.extui %eq3A_1596 : vector<512x256xi1> to vector<512x256xi32>
      %convert_element_type3A_1598 = arith.sitofp %convert_element_type3A_1597 : vector<512x256xi32> to vector<512x256xf32>
      %convert_element_type3A_1599 = arith.truncf %convert_element_type3A_1598 : vector<512x256xf32> to vector<512x256xbf16>
      %slice3A_1600 = vector.extract_strided_slice %get3A_21 {offsets = [1, 0, 0], sizes = [1, 256, 128], strides = [1, 1, 1]} : vector<16x256x128xf32> to vector<1x256x128xf32>
      %squeeze3A_1601 = vector.shape_cast %slice3A_1600 : vector<1x256x128xf32> to vector<256x128xf32>
      %dot_general3A_1602 = arith.constant dense<0.000000e+00> : vector<512x128xf32>
      %dot_general3A_1603 = tpu.matmul %convert_element_type3A_1599, %squeeze3A_1601, %dot_general3A_1602 {dimension_numbers = #tpu.dot_dimension_numbers<[1], [0], [0], [1], [0, 0, 1, 1], [], []>, transpose_lhs_hint = false} : vector<512x256xbf16>, vector<256x128xf32>, vector<512x128xf32> -> vector<512x128xf32>
      %convert_element_type3A_1604 = arith.truncf %dot_general3A_1603 : vector<512x128xf32> to vector<512x128xbf16>
      %swap3A_1605 = arith.constant 3072 : index
      %swap3A_1606 = arith.constant 128 : index
      %swap3A_1607 = vector.load %arg7[%swap3A_1605, %swap3A_1606] : memref<3584x2048xbf16, #tpu.memory_space<vmem>>, vector<512x128xbf16>
      tpu.vector_store %arg7[%swap3A_1605, %swap3A_1606], %convert_element_type3A_1604 {strides = array<i32>} : memref<3584x2048xbf16, #tpu.memory_space<vmem>>, vector<512x128xbf16>,
      %slice3A_1608 = vector.extract_strided_slice %get3A_1575 {offsets = [2, 0], sizes = [1, 512], strides = [1, 1]} : vector<16x512xi32> to vector<1x512xi32>
      %squeeze3A_1609 = vector.shape_cast %slice3A_1608 : vector<1x512xi32> to vector<512xi32>
      %broadcast_in_dim3A_1610 = vector.shape_cast %squeeze3A_1609 : vector<512xi32> to vector<512x1xi32>
      %eq3A_1611 = vector.broadcast %broadcast_in_dim3A_1610 : vector<512x1xi32> to vector<512x256xi32>
      %eq3A_1612 = arith.cmpi eq, %eq3A_1611, %iota3A : vector<512x256xi32>
      %convert_element_type3A_1613 = arith.extui %eq3A_1612 : vector<512x256xi1> to vector<512x256xi32>
      %convert_element_type3A_1614 = arith.sitofp %convert_element_type3A_1613 : vector<512x256xi32> to vector<512x256xf32>
      %convert_element_type3A_1615 = arith.truncf %convert_element_type3A_1614 : vector<512x256xf32> to vector<512x256xbf16>
      %slice3A_1616 = vector.extract_strided_slice %get3A_21 {offsets = [2, 0, 0], sizes = [1, 256, 128], strides = [1, 1, 1]} : vector<16x256x128xf32> to vector<1x256x128xf32>
      %squeeze3A_1617 = vector.shape_cast %slice3A_1616 : vector<1x256x128xf32> to vector<256x128xf32>
      %dot_general3A_1618 = arith.constant dense<0.000000e+00> : vector<512x128xf32>
      %dot_general3A_1619 = tpu.matmul %convert_element_type3A_1615, %squeeze3A_1617, %dot_general3A_1618 {dimension_numbers = #tpu.dot_dimension_numbers<[1], [0], [0], [1], [0, 0, 1, 1], [], []>, transpose_lhs_hint = false} : vector<512x256xbf16>, vector<256x128xf32>, vector<512x128xf32> -> vector<512x128xf32>
      %convert_element_type3A_1620 = arith.truncf %dot_general3A_1619 : vector<512x128xf32> to vector<512x128xbf16>
      %swap3A_1621 = arith.constant 3072 : index
      %swap3A_1622 = arith.constant 256 : index
      %swap3A_1623 = vector.load %arg7[%swap3A_1621, %swap3A_1622] : memref<3584x2048xbf16, #tpu.memory_space<vmem>>, vector<512x128xbf16>
      tpu.vector_store %arg7[%swap3A_1621, %swap3A_1622], %convert_element_type3A_1620 {strides = array<i32>} : memref<3584x2048xbf16, #tpu.memory_space<vmem>>, vector<512x128xbf16>,
      %slice3A_1624 = vector.extract_strided_slice %get3A_1575 {offsets = [3, 0], sizes = [1, 512], strides = [1, 1]} : vector<16x512xi32> to vector<1x512xi32>
      %squeeze3A_1625 = vector.shape_cast %slice3A_1624 : vector<1x512xi32> to vector<512xi32>
      %broadcast_in_dim3A_1626 = vector.shape_cast %squeeze3A_1625 : vector<512xi32> to vector<512x1xi32>
      %eq3A_1627 = vector.broadcast %broadcast_in_dim3A_1626 : vector<512x1xi32> to vector<512x256xi32>
      %eq3A_1628 = arith.cmpi eq, %eq3A_1627, %iota3A : vector<512x256xi32>
      %convert_element_type3A_1629 = arith.extui %eq3A_1628 : vector<512x256xi1> to vector<512x256xi32>
      %convert_element_type3A_1630 = arith.sitofp %convert_element_type3A_1629 : vector<512x256xi32> to vector<512x256xf32>
      %convert_element_type3A_1631 = arith.truncf %convert_element_type3A_1630 : vector<512x256xf32> to vector<512x256xbf16>
      %slice3A_1632 = vector.extract_strided_slice %get3A_21 {offsets = [3, 0, 0], sizes = [1, 256, 128], strides = [1, 1, 1]} : vector<16x256x128xf32> to vector<1x256x128xf32>
      %squeeze3A_1633 = vector.shape_cast %slice3A_1632 : vector<1x256x128xf32> to vector<256x128xf32>
      %dot_general3A_1634 = arith.constant dense<0.000000e+00> : vector<512x128xf32>
      %dot_general3A_1635 = tpu.matmul %convert_element_type3A_1631, %squeeze3A_1633, %dot_general3A_1634 {dimension_numbers = #tpu.dot_dimension_numbers<[1], [0], [0], [1], [0, 0, 1, 1], [], []>, transpose_lhs_hint = false} : vector<512x256xbf16>, vector<256x128xf32>, vector<512x128xf32> -> vector<512x128xf32>
      %convert_element_type3A_1636 = arith.truncf %dot_general3A_1635 : vector<512x128xf32> to vector<512x128xbf16>
      %swap3A_1637 = arith.constant 3072 : index
      %swap3A_1638 = arith.constant 384 : index
      %swap3A_1639 = vector.load %arg7[%swap3A_1637, %swap3A_1638] : memref<3584x2048xbf16, #tpu.memory_space<vmem>>, vector<512x128xbf16>
      tpu.vector_store %arg7[%swap3A_1637, %swap3A_1638], %convert_element_type3A_1636 {strides = array<i32>} : memref<3584x2048xbf16, #tpu.memory_space<vmem>>, vector<512x128xbf16>,
      %slice3A_1640 = vector.extract_strided_slice %get3A_1575 {offsets = [4, 0], sizes = [1, 512], strides = [1, 1]} : vector<16x512xi32> to vector<1x512xi32>
      %squeeze3A_1641 = vector.shape_cast %slice3A_1640 : vector<1x512xi32> to vector<512xi32>
      %broadcast_in_dim3A_1642 = vector.shape_cast %squeeze3A_1641 : vector<512xi32> to vector<512x1xi32>
      %eq3A_1643 = vector.broadcast %broadcast_in_dim3A_1642 : vector<512x1xi32> to vector<512x256xi32>
      %eq3A_1644 = arith.cmpi eq, %eq3A_1643, %iota3A : vector<512x256xi32>
      %convert_element_type3A_1645 = arith.extui %eq3A_1644 : vector<512x256xi1> to vector<512x256xi32>
      %convert_element_type3A_1646 = arith.sitofp %convert_element_type3A_1645 : vector<512x256xi32> to vector<512x256xf32>
      %convert_element_type3A_1647 = arith.truncf %convert_element_type3A_1646 : vector<512x256xf32> to vector<512x256xbf16>
      %slice3A_1648 = vector.extract_strided_slice %get3A_21 {offsets = [4, 0, 0], sizes = [1, 256, 128], strides = [1, 1, 1]} : vector<16x256x128xf32> to vector<1x256x128xf32>
      %squeeze3A_1649 = vector.shape_cast %slice3A_1648 : vector<1x256x128xf32> to vector<256x128xf32>
      %dot_general3A_1650 = arith.constant dense<0.000000e+00> : vector<512x128xf32>
      %dot_general3A_1651 = tpu.matmul %convert_element_type3A_1647, %squeeze3A_1649, %dot_general3A_1650 {dimension_numbers = #tpu.dot_dimension_numbers<[1], [0], [0], [1], [0, 0, 1, 1], [], []>, transpose_lhs_hint = false} : vector<512x256xbf16>, vector<256x128xf32>, vector<512x128xf32> -> vector<512x128xf32>
      %convert_element_type3A_1652 = arith.truncf %dot_general3A_1651 : vector<512x128xf32> to vector<512x128xbf16>
      %swap3A_1653 = arith.constant 3072 : index
      %swap3A_1654 = arith.constant 512 : index
      %swap3A_1655 = vector.load %arg7[%swap3A_1653, %swap3A_1654] : memref<3584x2048xbf16, #tpu.memory_space<vmem>>, vector<512x128xbf16>
      tpu.vector_store %arg7[%swap3A_1653, %swap3A_1654], %convert_element_type3A_1652 {strides = array<i32>} : memref<3584x2048xbf16, #tpu.memory_space<vmem>>, vector<512x128xbf16>,
      %slice3A_1656 = vector.extract_strided_slice %get3A_1575 {offsets = [5, 0], sizes = [1, 512], strides = [1, 1]} : vector<16x512xi32> to vector<1x512xi32>
      %squeeze3A_1657 = vector.shape_cast %slice3A_1656 : vector<1x512xi32> to vector<512xi32>
      %broadcast_in_dim3A_1658 = vector.shape_cast %squeeze3A_1657 : vector<512xi32> to vector<512x1xi32>
      %eq3A_1659 = vector.broadcast %broadcast_in_dim3A_1658 : vector<512x1xi32> to vector<512x256xi32>
      %eq3A_1660 = arith.cmpi eq, %eq3A_1659, %iota3A : vector<512x256xi32>
      %convert_element_type3A_1661 = arith.extui %eq3A_1660 : vector<512x256xi1> to vector<512x256xi32>
      %convert_element_type3A_1662 = arith.sitofp %convert_element_type3A_1661 : vector<512x256xi32> to vector<512x256xf32>
      %convert_element_type3A_1663 = arith.truncf %convert_element_type3A_1662 : vector<512x256xf32> to vector<512x256xbf16>
      %slice3A_1664 = vector.extract_strided_slice %get3A_21 {offsets = [5, 0, 0], sizes = [1, 256, 128], strides = [1, 1, 1]} : vector<16x256x128xf32> to vector<1x256x128xf32>
      %squeeze3A_1665 = vector.shape_cast %slice3A_1664 : vector<1x256x128xf32> to vector<256x128xf32>
      %dot_general3A_1666 = arith.constant dense<0.000000e+00> : vector<512x128xf32>
      %dot_general3A_1667 = tpu.matmul %convert_element_type3A_1663, %squeeze3A_1665, %dot_general3A_1666 {dimension_numbers = #tpu.dot_dimension_numbers<[1], [0], [0], [1], [0, 0, 1, 1], [], []>, transpose_lhs_hint = false} : vector<512x256xbf16>, vector<256x128xf32>, vector<512x128xf32> -> vector<512x128xf32>
      %convert_element_type3A_1668 = arith.truncf %dot_general3A_1667 : vector<512x128xf32> to vector<512x128xbf16>
      %swap3A_1669 = arith.constant 3072 : index
      %swap3A_1670 = arith.constant 640 : index
      %swap3A_1671 = vector.load %arg7[%swap3A_1669, %swap3A_1670] : memref<3584x2048xbf16, #tpu.memory_space<vmem>>, vector<512x128xbf16>
      tpu.vector_store %arg7[%swap3A_1669, %swap3A_1670], %convert_element_type3A_1668 {strides = array<i32>} : memref<3584x2048xbf16, #tpu.memory_space<vmem>>, vector<512x128xbf16>,
      %slice3A_1672 = vector.extract_strided_slice %get3A_1575 {offsets = [6, 0], sizes = [1, 512], strides = [1, 1]} : vector<16x512xi32> to vector<1x512xi32>
      %squeeze3A_1673 = vector.shape_cast %slice3A_1672 : vector<1x512xi32> to vector<512xi32>
      %broadcast_in_dim3A_1674 = vector.shape_cast %squeeze3A_1673 : vector<512xi32> to vector<512x1xi32>
      %eq3A_1675 = vector.broadcast %broadcast_in_dim3A_1674 : vector<512x1xi32> to vector<512x256xi32>
      %eq3A_1676 = arith.cmpi eq, %eq3A_1675, %iota3A : vector<512x256xi32>
      %convert_element_type3A_1677 = arith.extui %eq3A_1676 : vector<512x256xi1> to vector<512x256xi32>
      %convert_element_type3A_1678 = arith.sitofp %convert_element_type3A_1677 : vector<512x256xi32> to vector<512x256xf32>
      %convert_element_type3A_1679 = arith.truncf %convert_element_type3A_1678 : vector<512x256xf32> to vector<512x256xbf16>
      %slice3A_1680 = vector.extract_strided_slice %get3A_21 {offsets = [6, 0, 0], sizes = [1, 256, 128], strides = [1, 1, 1]} : vector<16x256x128xf32> to vector<1x256x128xf32>
      %squeeze3A_1681 = vector.shape_cast %slice3A_1680 : vector<1x256x128xf32> to vector<256x128xf32>
      %dot_general3A_1682 = arith.constant dense<0.000000e+00> : vector<512x128xf32>
      %dot_general3A_1683 = tpu.matmul %convert_element_type3A_1679, %squeeze3A_1681, %dot_general3A_1682 {dimension_numbers = #tpu.dot_dimension_numbers<[1], [0], [0], [1], [0, 0, 1, 1], [], []>, transpose_lhs_hint = false} : vector<512x256xbf16>, vector<256x128xf32>, vector<512x128xf32> -> vector<512x128xf32>
      %convert_element_type3A_1684 = arith.truncf %dot_general3A_1683 : vector<512x128xf32> to vector<512x128xbf16>
      %swap3A_1685 = arith.constant 3072 : index
      %swap3A_1686 = arith.constant 768 : index
      %swap3A_1687 = vector.load %arg7[%swap3A_1685, %swap3A_1686] : memref<3584x2048xbf16, #tpu.memory_space<vmem>>, vector<512x128xbf16>
      tpu.vector_store %arg7[%swap3A_1685, %swap3A_1686], %convert_element_type3A_1684 {strides = array<i32>} : memref<3584x2048xbf16, #tpu.memory_space<vmem>>, vector<512x128xbf16>,
      %slice3A_1688 = vector.extract_strided_slice %get3A_1575 {offsets = [7, 0], sizes = [1, 512], strides = [1, 1]} : vector<16x512xi32> to vector<1x512xi32>
      %squeeze3A_1689 = vector.shape_cast %slice3A_1688 : vector<1x512xi32> to vector<512xi32>
      %broadcast_in_dim3A_1690 = vector.shape_cast %squeeze3A_1689 : vector<512xi32> to vector<512x1xi32>
      %eq3A_1691 = vector.broadcast %broadcast_in_dim3A_1690 : vector<512x1xi32> to vector<512x256xi32>
      %eq3A_1692 = arith.cmpi eq, %eq3A_1691, %iota3A : vector<512x256xi32>
      %convert_element_type3A_1693 = arith.extui %eq3A_1692 : vector<512x256xi1> to vector<512x256xi32>
      %convert_element_type3A_1694 = arith.sitofp %convert_element_type3A_1693 : vector<512x256xi32> to vector<512x256xf32>
      %convert_element_type3A_1695 = arith.truncf %convert_element_type3A_1694 : vector<512x256xf32> to vector<512x256xbf16>
      %slice3A_1696 = vector.extract_strided_slice %get3A_21 {offsets = [7, 0, 0], sizes = [1, 256, 128], strides = [1, 1, 1]} : vector<16x256x128xf32> to vector<1x256x128xf32>
      %squeeze3A_1697 = vector.shape_cast %slice3A_1696 : vector<1x256x128xf32> to vector<256x128xf32>
      %dot_general3A_1698 = arith.constant dense<0.000000e+00> : vector<512x128xf32>
      %dot_general3A_1699 = tpu.matmul %convert_element_type3A_1695, %squeeze3A_1697, %dot_general3A_1698 {dimension_numbers = #tpu.dot_dimension_numbers<[1], [0], [0], [1], [0, 0, 1, 1], [], []>, transpose_lhs_hint = false} : vector<512x256xbf16>, vector<256x128xf32>, vector<512x128xf32> -> vector<512x128xf32>
      %convert_element_type3A_1700 = arith.truncf %dot_general3A_1699 : vector<512x128xf32> to vector<512x128xbf16>
      %swap3A_1701 = arith.constant 3072 : index
      %swap3A_1702 = arith.constant 896 : index
      %swap3A_1703 = vector.load %arg7[%swap3A_1701, %swap3A_1702] : memref<3584x2048xbf16, #tpu.memory_space<vmem>>, vector<512x128xbf16>
      tpu.vector_store %arg7[%swap3A_1701, %swap3A_1702], %convert_element_type3A_1700 {strides = array<i32>} : memref<3584x2048xbf16, #tpu.memory_space<vmem>>, vector<512x128xbf16>,
      %slice3A_1704 = vector.extract_strided_slice %get3A_1575 {offsets = [8, 0], sizes = [1, 512], strides = [1, 1]} : vector<16x512xi32> to vector<1x512xi32>
      %squeeze3A_1705 = vector.shape_cast %slice3A_1704 : vector<1x512xi32> to vector<512xi32>
      %broadcast_in_dim3A_1706 = vector.shape_cast %squeeze3A_1705 : vector<512xi32> to vector<512x1xi32>
      %eq3A_1707 = vector.broadcast %broadcast_in_dim3A_1706 : vector<512x1xi32> to vector<512x256xi32>
      %eq3A_1708 = arith.cmpi eq, %eq3A_1707, %iota3A : vector<512x256xi32>
      %convert_element_type3A_1709 = arith.extui %eq3A_1708 : vector<512x256xi1> to vector<512x256xi32>
      %convert_element_type3A_1710 = arith.sitofp %convert_element_type3A_1709 : vector<512x256xi32> to vector<512x256xf32>
      %convert_element_type3A_1711 = arith.truncf %convert_element_type3A_1710 : vector<512x256xf32> to vector<512x256xbf16>
      %slice3A_1712 = vector.extract_strided_slice %get3A_21 {offsets = [8, 0, 0], sizes = [1, 256, 128], strides = [1, 1, 1]} : vector<16x256x128xf32> to vector<1x256x128xf32>
      %squeeze3A_1713 = vector.shape_cast %slice3A_1712 : vector<1x256x128xf32> to vector<256x128xf32>
      %dot_general3A_1714 = arith.constant dense<0.000000e+00> : vector<512x128xf32>
      %dot_general3A_1715 = tpu.matmul %convert_element_type3A_1711, %squeeze3A_1713, %dot_general3A_1714 {dimension_numbers = #tpu.dot_dimension_numbers<[1], [0], [0], [1], [0, 0, 1, 1], [], []>, transpose_lhs_hint = false} : vector<512x256xbf16>, vector<256x128xf32>, vector<512x128xf32> -> vector<512x128xf32>
      %convert_element_type3A_1716 = arith.truncf %dot_general3A_1715 : vector<512x128xf32> to vector<512x128xbf16>
      %swap3A_1717 = arith.constant 3072 : index
      %swap3A_1718 = arith.constant 1024 : index
      %swap3A_1719 = vector.load %arg7[%swap3A_1717, %swap3A_1718] : memref<3584x2048xbf16, #tpu.memory_space<vmem>>, vector<512x128xbf16>
      tpu.vector_store %arg7[%swap3A_1717, %swap3A_1718], %convert_element_type3A_1716 {strides = array<i32>} : memref<3584x2048xbf16, #tpu.memory_space<vmem>>, vector<512x128xbf16>,
      %slice3A_1720 = vector.extract_strided_slice %get3A_1575 {offsets = [9, 0], sizes = [1, 512], strides = [1, 1]} : vector<16x512xi32> to vector<1x512xi32>
      %squeeze3A_1721 = vector.shape_cast %slice3A_1720 : vector<1x512xi32> to vector<512xi32>
      %broadcast_in_dim3A_1722 = vector.shape_cast %squeeze3A_1721 : vector<512xi32> to vector<512x1xi32>
      %eq3A_1723 = vector.broadcast %broadcast_in_dim3A_1722 : vector<512x1xi32> to vector<512x256xi32>
      %eq3A_1724 = arith.cmpi eq, %eq3A_1723, %iota3A : vector<512x256xi32>
      %convert_element_type3A_1725 = arith.extui %eq3A_1724 : vector<512x256xi1> to vector<512x256xi32>
      %convert_element_type3A_1726 = arith.sitofp %convert_element_type3A_1725 : vector<512x256xi32> to vector<512x256xf32>
      %convert_element_type3A_1727 = arith.truncf %convert_element_type3A_1726 : vector<512x256xf32> to vector<512x256xbf16>
      %slice3A_1728 = vector.extract_strided_slice %get3A_21 {offsets = [9, 0, 0], sizes = [1, 256, 128], strides = [1, 1, 1]} : vector<16x256x128xf32> to vector<1x256x128xf32>
      %squeeze3A_1729 = vector.shape_cast %slice3A_1728 : vector<1x256x128xf32> to vector<256x128xf32>
      %dot_general3A_1730 = arith.constant dense<0.000000e+00> : vector<512x128xf32>
      %dot_general3A_1731 = tpu.matmul %convert_element_type3A_1727, %squeeze3A_1729, %dot_general3A_1730 {dimension_numbers = #tpu.dot_dimension_numbers<[1], [0], [0], [1], [0, 0, 1, 1], [], []>, transpose_lhs_hint = false} : vector<512x256xbf16>, vector<256x128xf32>, vector<512x128xf32> -> vector<512x128xf32>
      %convert_element_type3A_1732 = arith.truncf %dot_general3A_1731 : vector<512x128xf32> to vector<512x128xbf16>
      %swap3A_1733 = arith.constant 3072 : index
      %swap3A_1734 = arith.constant 1152 : index
      %swap3A_1735 = vector.load %arg7[%swap3A_1733, %swap3A_1734] : memref<3584x2048xbf16, #tpu.memory_space<vmem>>, vector<512x128xbf16>
      tpu.vector_store %arg7[%swap3A_1733, %swap3A_1734], %convert_element_type3A_1732 {strides = array<i32>} : memref<3584x2048xbf16, #tpu.memory_space<vmem>>, vector<512x128xbf16>,
      %slice3A_1736 = vector.extract_strided_slice %get3A_1575 {offsets = [10, 0], sizes = [1, 512], strides = [1, 1]} : vector<16x512xi32> to vector<1x512xi32>
      %squeeze3A_1737 = vector.shape_cast %slice3A_1736 : vector<1x512xi32> to vector<512xi32>
      %broadcast_in_dim3A_1738 = vector.shape_cast %squeeze3A_1737 : vector<512xi32> to vector<512x1xi32>
      %eq3A_1739 = vector.broadcast %broadcast_in_dim3A_1738 : vector<512x1xi32> to vector<512x256xi32>
      %eq3A_1740 = arith.cmpi eq, %eq3A_1739, %iota3A : vector<512x256xi32>
      %convert_element_type3A_1741 = arith.extui %eq3A_1740 : vector<512x256xi1> to vector<512x256xi32>
      %convert_element_type3A_1742 = arith.sitofp %convert_element_type3A_1741 : vector<512x256xi32> to vector<512x256xf32>
      %convert_element_type3A_1743 = arith.truncf %convert_element_type3A_1742 : vector<512x256xf32> to vector<512x256xbf16>
      %slice3A_1744 = vector.extract_strided_slice %get3A_21 {offsets = [10, 0, 0], sizes = [1, 256, 128], strides = [1, 1, 1]} : vector<16x256x128xf32> to vector<1x256x128xf32>
      %squeeze3A_1745 = vector.shape_cast %slice3A_1744 : vector<1x256x128xf32> to vector<256x128xf32>
      %dot_general3A_1746 = arith.constant dense<0.000000e+00> : vector<512x128xf32>
      %dot_general3A_1747 = tpu.matmul %convert_element_type3A_1743, %squeeze3A_1745, %dot_general3A_1746 {dimension_numbers = #tpu.dot_dimension_numbers<[1], [0], [0], [1], [0, 0, 1, 1], [], []>, transpose_lhs_hint = false} : vector<512x256xbf16>, vector<256x128xf32>, vector<512x128xf32> -> vector<512x128xf32>
      %convert_element_type3A_1748 = arith.truncf %dot_general3A_1747 : vector<512x128xf32> to vector<512x128xbf16>
      %swap3A_1749 = arith.constant 3072 : index
      %swap3A_1750 = arith.constant 1280 : index
      %swap3A_1751 = vector.load %arg7[%swap3A_1749, %swap3A_1750] : memref<3584x2048xbf16, #tpu.memory_space<vmem>>, vector<512x128xbf16>
      tpu.vector_store %arg7[%swap3A_1749, %swap3A_1750], %convert_element_type3A_1748 {strides = array<i32>} : memref<3584x2048xbf16, #tpu.memory_space<vmem>>, vector<512x128xbf16>,
      %slice3A_1752 = vector.extract_strided_slice %get3A_1575 {offsets = [11, 0], sizes = [1, 512], strides = [1, 1]} : vector<16x512xi32> to vector<1x512xi32>
      %squeeze3A_1753 = vector.shape_cast %slice3A_1752 : vector<1x512xi32> to vector<512xi32>
      %broadcast_in_dim3A_1754 = vector.shape_cast %squeeze3A_1753 : vector<512xi32> to vector<512x1xi32>
      %eq3A_1755 = vector.broadcast %broadcast_in_dim3A_1754 : vector<512x1xi32> to vector<512x256xi32>
      %eq3A_1756 = arith.cmpi eq, %eq3A_1755, %iota3A : vector<512x256xi32>
      %convert_element_type3A_1757 = arith.extui %eq3A_1756 : vector<512x256xi1> to vector<512x256xi32>
      %convert_element_type3A_1758 = arith.sitofp %convert_element_type3A_1757 : vector<512x256xi32> to vector<512x256xf32>
      %convert_element_type3A_1759 = arith.truncf %convert_element_type3A_1758 : vector<512x256xf32> to vector<512x256xbf16>
      %slice3A_1760 = vector.extract_strided_slice %get3A_21 {offsets = [11, 0, 0], sizes = [1, 256, 128], strides = [1, 1, 1]} : vector<16x256x128xf32> to vector<1x256x128xf32>
      %squeeze3A_1761 = vector.shape_cast %slice3A_1760 : vector<1x256x128xf32> to vector<256x128xf32>
      %dot_general3A_1762 = arith.constant dense<0.000000e+00> : vector<512x128xf32>
      %dot_general3A_1763 = tpu.matmul %convert_element_type3A_1759, %squeeze3A_1761, %dot_general3A_1762 {dimension_numbers = #tpu.dot_dimension_numbers<[1], [0], [0], [1], [0, 0, 1, 1], [], []>, transpose_lhs_hint = false} : vector<512x256xbf16>, vector<256x128xf32>, vector<512x128xf32> -> vector<512x128xf32>
      %convert_element_type3A_1764 = arith.truncf %dot_general3A_1763 : vector<512x128xf32> to vector<512x128xbf16>
      %swap3A_1765 = arith.constant 3072 : index
      %swap3A_1766 = arith.constant 1408 : index
      %swap3A_1767 = vector.load %arg7[%swap3A_1765, %swap3A_1766] : memref<3584x2048xbf16, #tpu.memory_space<vmem>>, vector<512x128xbf16>
      tpu.vector_store %arg7[%swap3A_1765, %swap3A_1766], %convert_element_type3A_1764 {strides = array<i32>} : memref<3584x2048xbf16, #tpu.memory_space<vmem>>, vector<512x128xbf16>,
      %slice3A_1768 = vector.extract_strided_slice %get3A_1575 {offsets = [12, 0], sizes = [1, 512], strides = [1, 1]} : vector<16x512xi32> to vector<1x512xi32>
      %squeeze3A_1769 = vector.shape_cast %slice3A_1768 : vector<1x512xi32> to vector<512xi32>
      %broadcast_in_dim3A_1770 = vector.shape_cast %squeeze3A_1769 : vector<512xi32> to vector<512x1xi32>
      %eq3A_1771 = vector.broadcast %broadcast_in_dim3A_1770 : vector<512x1xi32> to vector<512x256xi32>
      %eq3A_1772 = arith.cmpi eq, %eq3A_1771, %iota3A : vector<512x256xi32>
      %convert_element_type3A_1773 = arith.extui %eq3A_1772 : vector<512x256xi1> to vector<512x256xi32>
      %convert_element_type3A_1774 = arith.sitofp %convert_element_type3A_1773 : vector<512x256xi32> to vector<512x256xf32>
      %convert_element_type3A_1775 = arith.truncf %convert_element_type3A_1774 : vector<512x256xf32> to vector<512x256xbf16>
      %slice3A_1776 = vector.extract_strided_slice %get3A_21 {offsets = [12, 0, 0], sizes = [1, 256, 128], strides = [1, 1, 1]} : vector<16x256x128xf32> to vector<1x256x128xf32>
      %squeeze3A_1777 = vector.shape_cast %slice3A_1776 : vector<1x256x128xf32> to vector<256x128xf32>
      %dot_general3A_1778 = arith.constant dense<0.000000e+00> : vector<512x128xf32>
      %dot_general3A_1779 = tpu.matmul %convert_element_type3A_1775, %squeeze3A_1777, %dot_general3A_1778 {dimension_numbers = #tpu.dot_dimension_numbers<[1], [0], [0], [1], [0, 0, 1, 1], [], []>, transpose_lhs_hint = false} : vector<512x256xbf16>, vector<256x128xf32>, vector<512x128xf32> -> vector<512x128xf32>
      %convert_element_type3A_1780 = arith.truncf %dot_general3A_1779 : vector<512x128xf32> to vector<512x128xbf16>
      %swap3A_1781 = arith.constant 3072 : index
      %swap3A_1782 = arith.constant 1536 : index
      %swap3A_1783 = vector.load %arg7[%swap3A_1781, %swap3A_1782] : memref<3584x2048xbf16, #tpu.memory_space<vmem>>, vector<512x128xbf16>
      tpu.vector_store %arg7[%swap3A_1781, %swap3A_1782], %convert_element_type3A_1780 {strides = array<i32>} : memref<3584x2048xbf16, #tpu.memory_space<vmem>>, vector<512x128xbf16>,
      %slice3A_1784 = vector.extract_strided_slice %get3A_1575 {offsets = [13, 0], sizes = [1, 512], strides = [1, 1]} : vector<16x512xi32> to vector<1x512xi32>
      %squeeze3A_1785 = vector.shape_cast %slice3A_1784 : vector<1x512xi32> to vector<512xi32>
      %broadcast_in_dim3A_1786 = vector.shape_cast %squeeze3A_1785 : vector<512xi32> to vector<512x1xi32>
      %eq3A_1787 = vector.broadcast %broadcast_in_dim3A_1786 : vector<512x1xi32> to vector<512x256xi32>
      %eq3A_1788 = arith.cmpi eq, %eq3A_1787, %iota3A : vector<512x256xi32>
      %convert_element_type3A_1789 = arith.extui %eq3A_1788 : vector<512x256xi1> to vector<512x256xi32>
      %convert_element_type3A_1790 = arith.sitofp %convert_element_type3A_1789 : vector<512x256xi32> to vector<512x256xf32>
      %convert_element_type3A_1791 = arith.truncf %convert_element_type3A_1790 : vector<512x256xf32> to vector<512x256xbf16>
      %slice3A_1792 = vector.extract_strided_slice %get3A_21 {offsets = [13, 0, 0], sizes = [1, 256, 128], strides = [1, 1, 1]} : vector<16x256x128xf32> to vector<1x256x128xf32>
      %squeeze3A_1793 = vector.shape_cast %slice3A_1792 : vector<1x256x128xf32> to vector<256x128xf32>
      %dot_general3A_1794 = arith.constant dense<0.000000e+00> : vector<512x128xf32>
      %dot_general3A_1795 = tpu.matmul %convert_element_type3A_1791, %squeeze3A_1793, %dot_general3A_1794 {dimension_numbers = #tpu.dot_dimension_numbers<[1], [0], [0], [1], [0, 0, 1, 1], [], []>, transpose_lhs_hint = false} : vector<512x256xbf16>, vector<256x128xf32>, vector<512x128xf32> -> vector<512x128xf32>
      %convert_element_type3A_1796 = arith.truncf %dot_general3A_1795 : vector<512x128xf32> to vector<512x128xbf16>
      %swap3A_1797 = arith.constant 3072 : index
      %swap3A_1798 = arith.constant 1664 : index
      %swap3A_1799 = vector.load %arg7[%swap3A_1797, %swap3A_1798] : memref<3584x2048xbf16, #tpu.memory_space<vmem>>, vector<512x128xbf16>
      tpu.vector_store %arg7[%swap3A_1797, %swap3A_1798], %convert_element_type3A_1796 {strides = array<i32>} : memref<3584x2048xbf16, #tpu.memory_space<vmem>>, vector<512x128xbf16>,
      %slice3A_1800 = vector.extract_strided_slice %get3A_1575 {offsets = [14, 0], sizes = [1, 512], strides = [1, 1]} : vector<16x512xi32> to vector<1x512xi32>
      %squeeze3A_1801 = vector.shape_cast %slice3A_1800 : vector<1x512xi32> to vector<512xi32>
      %broadcast_in_dim3A_1802 = vector.shape_cast %squeeze3A_1801 : vector<512xi32> to vector<512x1xi32>
      %eq3A_1803 = vector.broadcast %broadcast_in_dim3A_1802 : vector<512x1xi32> to vector<512x256xi32>
      %eq3A_1804 = arith.cmpi eq, %eq3A_1803, %iota3A : vector<512x256xi32>
      %convert_element_type3A_1805 = arith.extui %eq3A_1804 : vector<512x256xi1> to vector<512x256xi32>
      %convert_element_type3A_1806 = arith.sitofp %convert_element_type3A_1805 : vector<512x256xi32> to vector<512x256xf32>
      %convert_element_type3A_1807 = arith.truncf %convert_element_type3A_1806 : vector<512x256xf32> to vector<512x256xbf16>
      %slice3A_1808 = vector.extract_strided_slice %get3A_21 {offsets = [14, 0, 0], sizes = [1, 256, 128], strides = [1, 1, 1]} : vector<16x256x128xf32> to vector<1x256x128xf32>
      %squeeze3A_1809 = vector.shape_cast %slice3A_1808 : vector<1x256x128xf32> to vector<256x128xf32>
      %dot_general3A_1810 = arith.constant dense<0.000000e+00> : vector<512x128xf32>
      %dot_general3A_1811 = tpu.matmul %convert_element_type3A_1807, %squeeze3A_1809, %dot_general3A_1810 {dimension_numbers = #tpu.dot_dimension_numbers<[1], [0], [0], [1], [0, 0, 1, 1], [], []>, transpose_lhs_hint = false} : vector<512x256xbf16>, vector<256x128xf32>, vector<512x128xf32> -> vector<512x128xf32>
      %convert_element_type3A_1812 = arith.truncf %dot_general3A_1811 : vector<512x128xf32> to vector<512x128xbf16>
      %swap3A_1813 = arith.constant 3072 : index
      %swap3A_1814 = arith.constant 1792 : index
      %swap3A_1815 = vector.load %arg7[%swap3A_1813, %swap3A_1814] : memref<3584x2048xbf16, #tpu.memory_space<vmem>>, vector<512x128xbf16>
      tpu.vector_store %arg7[%swap3A_1813, %swap3A_1814], %convert_element_type3A_1812 {strides = array<i32>} : memref<3584x2048xbf16, #tpu.memory_space<vmem>>, vector<512x128xbf16>,
      %slice3A_1816 = vector.extract_strided_slice %get3A_1575 {offsets = [15, 0], sizes = [1, 512], strides = [1, 1]} : vector<16x512xi32> to vector<1x512xi32>
      %squeeze3A_1817 = vector.shape_cast %slice3A_1816 : vector<1x512xi32> to vector<512xi32>
      %broadcast_in_dim3A_1818 = vector.shape_cast %squeeze3A_1817 : vector<512xi32> to vector<512x1xi32>
      %eq3A_1819 = vector.broadcast %broadcast_in_dim3A_1818 : vector<512x1xi32> to vector<512x256xi32>
      %eq3A_1820 = arith.cmpi eq, %eq3A_1819, %iota3A : vector<512x256xi32>
      %convert_element_type3A_1821 = arith.extui %eq3A_1820 : vector<512x256xi1> to vector<512x256xi32>
      %convert_element_type3A_1822 = arith.sitofp %convert_element_type3A_1821 : vector<512x256xi32> to vector<512x256xf32>
      %convert_element_type3A_1823 = arith.truncf %convert_element_type3A_1822 : vector<512x256xf32> to vector<512x256xbf16>
      %slice3A_1824 = vector.extract_strided_slice %get3A_21 {offsets = [15, 0, 0], sizes = [1, 256, 128], strides = [1, 1, 1]} : vector<16x256x128xf32> to vector<1x256x128xf32>
      %squeeze3A_1825 = vector.shape_cast %slice3A_1824 : vector<1x256x128xf32> to vector<256x128xf32>
      %dot_general3A_1826 = arith.constant dense<0.000000e+00> : vector<512x128xf32>
      %dot_general3A_1827 = tpu.matmul %convert_element_type3A_1823, %squeeze3A_1825, %dot_general3A_1826 {dimension_numbers = #tpu.dot_dimension_numbers<[1], [0], [0], [1], [0, 0, 1, 1], [], []>, transpose_lhs_hint = false} : vector<512x256xbf16>, vector<256x128xf32>, vector<512x128xf32> -> vector<512x128xf32>
      %convert_element_type3A_1828 = arith.truncf %dot_general3A_1827 : vector<512x128xf32> to vector<512x128xbf16>
      %swap3A_1829 = arith.constant 3072 : index
      %swap3A_1830 = arith.constant 1920 : index
      %swap3A_1831 = vector.load %arg7[%swap3A_1829, %swap3A_1830] : memref<3584x2048xbf16, #tpu.memory_space<vmem>>, vector<512x128xbf16>
      tpu.vector_store %arg7[%swap3A_1829, %swap3A_1830], %convert_element_type3A_1828 {strides = array<i32>} : memref<3584x2048xbf16, #tpu.memory_space<vmem>>, vector<512x128xbf16>,
    } else {
    }
    %get3A = arith.constant 0 : index
    %get3A_2 = arith.constant 0 : index
    %get3A_3 = vector.load %arg2[%get3A, %get3A_2] : memref<256x2048xbf16, #tpu.memory_space<vmem>>, vector<256x2048xbf16>
    %get3A_4 = arith.constant 0 : index
    %get3A_5 = arith.constant 0 : index
    %get3A_6 = vector.load %arg7[%get3A_4, %get3A_5] : memref<3584x2048xbf16, #tpu.memory_space<vmem>>, vector<3584x2048xbf16>
    %dot_general3A = arith.constant dense<0.000000e+00> : vector<256x3584xf32>
    %dot_general3A_7 = tpu.matmul %get3A_3, %get3A_6, %dot_general3A {dimension_numbers = #tpu.dot_dimension_numbers<[1], [1], [0], [0], [0, 0, 1, 0], [], []>, transpose_lhs_hint = false} : vector<256x2048xbf16>, vector<3584x2048xbf16>, vector<256x3584xf32> -> vector<256x3584xf32>
    %get3A_8 = arith.constant 0 : index
    %get3A_9 = arith.constant 0 : index
    %get3A_10 = vector.load %arg4[%get3A_8, %get3A_9] : memref<1x3584xf32, #tpu.memory_space<vmem>>, vector<1x3584xf32>
    %mul3A = vector.broadcast %get3A_10 : vector<1x3584xf32> to vector<256x3584xf32>
    %mul3A_11 = arith.mulf %dot_general3A_7, %mul3A : vector<256x3584xf32>
    %get3A_12 = arith.constant 0 : index
    %get3A_13 = arith.constant 0 : index
    %get3A_14 = vector.load %arg3[%get3A_12, %get3A_13] : memref<1x3584xf32, #tpu.memory_space<vmem>>, vector<1x3584xf32>
    %add3A = vector.broadcast %get3A_14 : vector<1x3584xf32> to vector<256x3584xf32>
    %add3A_15 = arith.addf %mul3A_11, %add3A : vector<256x3584xf32>
    %swap3A = arith.constant 0 : index
    %swap3A_16 = arith.constant 0 : index
    %swap3A_17 = vector.load %arg6[%swap3A, %swap3A_16] : memref<256x3584xf32, #tpu.memory_space<vmem>>, vector<256x3584xf32>
    tpu.vector_store %arg6[%swap3A, %swap3A_16], %add3A_15 {strides = array<i32>} : memref<256x3584xf32, #tpu.memory_space<vmem>>, vector<256x3584xf32>,
    return
  }
  func.func @transform_0(%arg0: i32) -> (i32, i32) {
    %c0_i32 = arith.constant 0 : i32
    %c0_i32_0 = arith.constant 0 : i32
    %c0_i32_1 = arith.constant 0 : i32
    return %c0_i32, %c0_i32_0 : i32, i32
  }
  func.func @transform_1(%arg0: i32) -> (i32, i32) {
    %c0_i32 = arith.constant 0 : i32
    %c0_i32_0 = arith.constant 0 : i32
    return %arg0, %c0_i32 : i32, i32
  }
  func.func @transform_2(%arg0: i32) -> (i32, i32) {
    %c0_i32 = arith.constant 0 : i32
    %c0_i32_0 = arith.constant 0 : i32
    %c0_i32_1 = arith.constant 0 : i32
    return %c0_i32, %c0_i32_0 : i32, i32
  }
  func.func @transform_3(%arg0: i32) -> (i32, i32) {
    %c0_i32 = arith.constant 0 : i32
    %c0_i32_0 = arith.constant 0 : i32
    %c0_i32_1 = arith.constant 0 : i32
    return %c0_i32, %c0_i32_0 : i32, i32
  }
  func.func @transform_4(%arg0: i32) -> (i32, i32, i32) {
    %c0_i32 = arith.constant 0 : i32
    %c0_i32_0 = arith.constant 0 : i32
    %c0_i32_1 = arith.constant 0 : i32
    %c0_i32_2 = arith.constant 0 : i32
    return %c0_i32, %c0_i32_0, %c0_i32_1 : i32, i32, i32
  }
  func.func @transform_5(%arg0: i32) -> (i32, i32) {
    %c0_i32 = arith.constant 0 : i32
    %c0_i32_0 = arith.constant 0 : i32
    return %arg0, %c0_i32 : i32, i32
  }
}

</mosaic_0001>

<sc_bundles>
// kernel: kernel.5.cloned.1.call-start
scs
__scs_entry_jumppad:
0x0: {  	(pc) =	sbr.rel $0x88, $3  }
0x1: {  	(tag) =	ssettag $0x0;
	lr =	simm.s32 $0x1  }
0x2: {  	[smem:$0x3F9A] =	sst lr;
	_ =	strace $0xD0000000  }
0x3: {  	_ = 	snop  }
0x4: {  	_ = 	snop  }
0x5: {  	_ = 	snop  }
0x6: {  	_ = 	snop  }
0x7: {  	_ = 	snop  }
__scs_overlays_trampoline_lowered:
0x8: {  	[smem:$0x3FA9] =	sst s0  }
0x9: {  	[smem:$0x3FAA] =	sst s1  }
0xa: {  	[smem:$0x3FAB] =	sst s2  }
0xb: {  	[smem:$0x3FAC] =	sst s3  }
0xc: {  	[smem:$0x3FAD] =	sst s4  }
0xd: {  	[smem:$0x3FAE] =	sst s5  }
0xe: {  	[smem:$0x3FAF] =	sst s6  }
0xf: {  	[smem:$0x3FB0] =	sst s7  }
0x10: {  	[smem:$0x3FB1] =	sst s8  }
0x11: {  	[smem:$0x3FB2] =	sst s9;
	s0 =	simm.s32 @!p0 $0x0  }
0x12: {  	s1 =	sld [smem:$0x3F98];
	s0 =	simm.s32 @p0 $0x1  }
0x13: {  	[smem:$0x3FB3] =	sst s0;
	s0 =	simm.s32 @!p1 $0x0  }
0x14: {  	s2 =	sld [smem:$0x3F97];
	s0 =	simm.s32 @p1 $0x1  }
0x15: {  	[smem:$0x3FB4] =	sst s0;
	s0 =	simm.s32 @!p2 $0x0  }
0x16: {  	s3 =	sld [smem:$0x3FDB];
	s0 =	simm.s32 @p2 $0x1  }
0x17: {  	s4 =	simm.s32 $0x1BF5;
	[smem:$0x3FB6] =	sst s0  }
0x18: {  	s0 =	sld [smem:$0x3F99];
	_ =	swait.ge [sflag:s4], $0x0  }
0x19: {  	s7 =	sld [smem:$0x3F9A]  }
0x1a: {  	s8 =	sadd.s32 $0xFFFFE003, lr  }
0x1b: {  	s9 =	sadd.s32 $0xFFFFFEF7, lr;
	s5 =	simm.s32 $0xFFFFFFFF;
	p2 =	slt.u32 s8, $0xFFFFF086  }
0x1c: {  	p1 =	slt.u32 s9, $0xF7A;
	s5 =	simm.s32 @!p2 $0x0  }
0x1d: {  	s5 =	simm.s32 @p1 $0x1;
	p0 =	seq.s32 s7, s2  }
0x1e: {  	s7 =	smul.u32 @!p0 $0xF7A, s2;
	p2 =	seq.s32 @!p0 s5, $0x0  }
0x1f: {  	s9 =	smul.u32 $0xF7A, s1;
	s8 =	simm.s32 @!p0 $0x1BF5;
	p2 =	por !p2, p0  }
0x20: {  	[sflag:s8] =	ssyncset.s32 @!p0 $0xFFFFF086;
	s6 =	sadd.s32 @!p0 s3, s7;
	s7 =	simm.s32 @!p0 $0x108  }
0x21: {  	s3 =	sadd.s32 s3, s9;
	s6 =	sadd.s32 @!p0 $0x88, s6;
	s7 =	simm.s32 @p2 $0x1082  }
0x22: {  	[simem:s7], [sflag:s8] =	dma.local @!p0 [hbm:s6], $0xF7A  }
0x23: {  	s9 =	sor.u32 $0xD0000000, s2;
	s6 =	simm.s32 $0x108;
	_ =	swait.ge @!p0 [sflag:s8], $0x0  }
0x24: {  	s3 =	sadd.s32 $0x88, s3;
	s6 =	simm.s32 @!p1 $0x1082;
	[sflag:s4] =	ssyncset.s32 $0xFFFFF086  }
0x25: {  	[simem:s6], [sflag:s4] =	dma.local [hbm:s3], $0xF7A  }
0x26: {  	[smem:$0x3F9A] =	sst s1;
	(tag) =	ssettag s2;
	_ =	strace s9  }
0x27: {  	s1 =	sld [smem:$0x3FAA]  }
0x28: {  	s2 =	sld [smem:$0x3FAB]  }
0x29: {  	s4 =	sld [smem:$0x3FAD]  }
0x2a: {  	p0 =	seq.s32 s5, $0x0;
	s5 =	sld [smem:$0x3FAE]  }
0x2b: {  	s6 =	sld [smem:$0x3FAF]  }
0x2c: {  	s7 =	sld [smem:$0x3FB0]  }
0x2d: {  	s3 =	simm.s32 $0x108;
	s8 =	sld [smem:$0x3FB1]  }
0x2e: {  	s3 =	simm.s32 @!p0 $0x1082;
	s9 =	sld [smem:$0x3FB2]  }
0x2f: {  	lr =	sadd.s32 s0, s3;
	s0 =	sld [smem:$0x3FA9]  }
0x30: {  	s3 =	sld [smem:$0x3FAC]  }
0x31: {  	[smem:$0x3FB5] =	sst s10  }
0x32: {  	s10 =	sld [smem:$0x3FB3];
	_ =	sdelay $0x3  }
0x33: {  	p0 =	seq.s32 s10, $0x1;
	s10 =	sld [smem:$0x3FB5];
	_ =	sdelay $0x3  }
0x34: {  	[smem:$0x3FB5] =	sst s10  }
0x35: {  	s10 =	sld [smem:$0x3FB4];
	_ =	sdelay $0x3  }
0x36: {  	p1 =	seq.s32 s10, $0x1;
	s10 =	sld [smem:$0x3FB5];
	_ =	sdelay $0x3  }
0x37: {  	[smem:$0x3FB5] =	sst s10  }
0x38: {  	s10 =	sld [smem:$0x3FB6]  }
0x39: {  	_ = 	snop;
	(pc) =	sbr.ind lr, $3  }
0x3a: {  	_ = 	snop  }
0x3b: {  	_ = 	snop  }
0x3c: {  	p2 =	seq.s32 s10, $0x1;
	s10 =	sld [smem:$0x3FB5]  }
0x3d: {  	_ =	shalt  }
0x3e: {  	_ =	shalt  }
0x3f: {  	_ =	shalt  }
0x40: {  	_ =	shalt  }
0x41: {  	_ =	shalt  }
0x42: {  	_ =	shalt  }
0x43: {  	_ =	shalt  }
0x44: {  	_ =	shalt  }
0x45: {  	_ =	shalt  }
0x46: {  	_ =	shalt  }
0x47: {  	_ =	shalt  }
0x48: {  	_ =	shalt  }
0x49: {  	_ =	shalt  }
0x4a: {  	_ =	shalt  }
0x4b: {  	_ =	shalt  }
0x4c: {  	_ =	shalt  }
0x4d: {  	_ =	shalt  }
0x4e: {  	_ =	shalt  }
0x4f: {  	_ =	shalt  }
0x50: {  	_ =	shalt  }
0x51: {  	_ =	shalt  }
0x52: {  	_ =	shalt  }
0x53: {  	_ =	shalt  }
0x54: {  	_ =	shalt  }
0x55: {  	_ =	shalt  }
0x56: {  	_ =	shalt  }
0x57: {  	_ =	shalt  }
0x58: {  	_ =	shalt  }
0x59: {  	_ =	shalt  }
0x5a: {  	_ =	shalt  }
0x5b: {  	_ =	shalt  }
0x5c: {  	_ =	shalt  }
0x5d: {  	_ =	shalt  }
0x5e: {  	_ =	shalt  }
0x5f: {  	_ =	shalt  }
0x60: {  	_ =	shalt  }
0x61: {  	_ =	shalt  }
0x62: {  	_ =	shalt  }
0x63: {  	_ =	shalt  }
0x64: {  	_ =	shalt  }
0x65: {  	_ =	shalt  }
0x66: {  	_ =	shalt  }
0x67: {  	_ =	shalt  }
0x68: {  	_ =	shalt  }
0x69: {  	_ =	shalt  }
0x6a: {  	_ =	shalt  }
0x6b: {  	_ =	shalt  }
0x6c: {  	_ =	shalt  }
0x6d: {  	_ =	shalt  }
0x6e: {  	_ =	shalt  }
0x6f: {  	_ =	shalt  }
0x70: {  	_ =	shalt  }
0x71: {  	_ =	shalt  }
0x72: {  	_ =	shalt  }
0x73: {  	_ =	shalt  }
0x74: {  	_ =	shalt  }
0x75: {  	_ =	shalt  }
0x76: {  	_ =	shalt  }
0x77: {  	_ =	shalt  }
0x78: {  	_ =	shalt  }
0x79: {  	_ =	shalt  }
0x7a: {  	_ =	shalt  }
0x7b: {  	_ =	shalt  }
0x7c: {  	_ =	shalt  }
0x7d: {  	_ =	shalt  }
0x7e: {  	_ =	shalt  }
0x7f: {  	_ =	shalt  }
0x80: {  	_ =	shalt  }
0x81: {  	_ =	shalt  }
0x82: {  	_ =	shalt  }
0x83: {  	_ =	shalt  }
0x84: {  	_ =	shalt  }
0x85: {  	_ =	shalt  }
0x86: {  	_ =	shalt  }
0x87: {  	_ =	shalt  }
.Lfunc_end0:
.L_simem_size_0:
called_computation_lowered:
.L_overlay_start_0:
0x88: {  	s2 =	sld [smem:$0x3FD9]  }
0x89: {  	s3 =	sld [smem:$0x3FFE];
	_ =	sdelay $0x1  }
0x8a: {  	s1 =	srdreg.scid  }
0x8b: {  	s0 =	sand.u32 $0x1, s1  }
0x8c: {  	s17 =	sshll.u32 s0, $0xA;
	s2 =	sadd.s32 s3, s2  }
0x8d: {  	s2 =	sadd.s32 s2, s17  }
0x8e: {  	[smem:$0x3FC1] =	sst s2  }
0x8f: {  	_ = 	snop  }
0x90: {  	s2 =	sld [smem:$0x3FD0];
	(tm) =	ssettm $0x1  }
0x91: {  	s18 =	sld [smem:$0x3FFB];
	_ =	sdelay $0x3  }
0x92: {  	_ =	strace s18  }
0x93: {  	s3 =	sld [smem:$0x3FFC];
	_ =	sdelay $0x3  }
0x94: {  	_ =	strace s3  }
0x95: {  	s3 =	sld [smem:$0x3FFD];
	_ =	sdelay $0x3  }
0x96: {  	_ =	strace s3  }
0x97: {  	_ =	strace $0x8FFFFFFF  }
0x98: {  	s19 =	sld [smem:$0x3FDB];
	_ =	sdelay $0x1  }
0x99: {  	s4 =	simm.s32 $_scs_section_size  }
0x9a: {  	s5 =	simm.s32 $_size__tile_overlayer_lowered;
	s6 =	simm.s32 $_tile_overlayer_lowered  }
0x9b: {  	s22 =	simm.s32 $0x1BFF;
	s21 =	sshll.u32 s6, $0x1;
	s3 =	sadd.s32 s4, s19  }
0x9c: {  	s7 =	simm.s32 $0x0;
	s20 =	sshll.u32 s5, $0x1;
	s5 =	sadd.s32 s21, s3  }
0x9d: {  	[timem:s7], [sflag:s22] =	dma.local [hbm:s5], s20  }
0x9e: {  	_ =	swait.ge [sflag:s22], s20  }
0x9f: {  	s4 =	ssub.s32 $0x0, s20;
	[sflag:s22] =	ssyncset.done $0x0  }
0xa0: {  	[sflag:s22] =	ssyncadd.s32 s4;
	_ =	sdelay $0x1  }
0xa1: {  	s23 =	simm.s32 $0x1B8B  }
0xa2: {  	_ =	swait.ge [sflag:s23], $0x1  }
0xa3: {  	[sflag:s23] =	ssyncset.done $0x0  }
0xa4: {  	s25 =	simm.s32 $0x1B8E;
	s24 =	sld [smem:$0x3FFE];
	[sflag:s23] =	ssyncadd.s32 $0xFFFFFFFF  }
0xa5: {  	s26 =	simm.s32 $execute0_lowered;
	[smem:$0x3FD2] =	sst s25  }
0xa6: {  	s5 =	sshll.u32 s26, $0x1;
	_ =	strace $0x80000046;
	[dreg:$0x1] =	wrdreg $0xFFFFFFFF  }
0xa7: {  	s28 =	simm.s32 $_size_execute0_lowered;
	s3 =	sadd.s32 s3, s5;
	[dreg:$0x0] =	wrdreg $0x0  }
0xa8: {  	s5 =	sshll.u32 s28, $0x1;
	[dreg:$0x2] =	wrdreg s3  }
0xa9: {  	[dreg:$0x3] =	wrdreg s5  }
0xaa: {  	[dreg:$0x4] =	wrdreg $0xC0  }
0xab: {  	_ =	task [dreg:s7], $0x5FFFF  }
0xac: {  	[dreg:$0x1] =	wrdreg $0xFFFFFFFF  }
0xad: {  	[dreg:$0x0] =	wrdreg $0x60  }
0xae: {  	[dreg:$0x2] =	wrdreg s2  }
0xaf: {  	[dreg:$0x3] =	wrdreg s24  }
0xb0: {  	[dreg:$0x4] =	wrdreg $0x9  }
0xb1: {  	_ =	task.clear_ibuf [dreg:s7], $0x5FFFF;
	_ =	strace $0x90000046  }
0xb2: {  	s29 =	simm.s32 $0x9;
	_ =	strace $0x80000048  }
0xb3: {  	_ =	swait.ge [sflag:s29], $0x1  }
0xb4: {  	[sflag:s29] =	ssyncadd.s32 $0xFFFFFFFF  }
0xb5: {  	_ =	strace $0x90000048  }
0xb6: {  	_ =	sfence  }
0xb7: {  	s30 =	sld [smem:$0x0];
	_ =	sdelay $0x2  }
0xb8: {  	s31 =	sshll.u32 s1, $0xD;
	s1 =	sshrl.u32 s1, $0x2  }
0xb9: {  	s3 =	sand.u32 $0x4000, s31;
	s1 =	sadd.s32 s1, s30  }
0xba: {  	s0 =	sor.u32 s3, s0;
	s1 =	sshll.u32 s1, $0x11  }
0xbb: {  	s0 =	sor.u32 s1, s0  }
0xbc: {  	s0 =	sadd.s32 $0x8F2B, s0  }
0xbd: {  	[sflag:s0] =	ssyncadd.remote.s32 $0x1  }
0xbe: {  	_ =	sfence.sel $0xFFFF  }
0xbf: {  	[dreg:$0x0] =	wrdreg $0xFFFFFFFF;
	(pc) =	sbr.abs _section_cstart, $3  }
0xc0: {  	[dreg:$0x1] =	wrdreg $0xFFFFFFFF  }
0xc1: {  	_ =	task.clear_ibuf [dreg:s7], $0x2FFFF;
	_ =	strace $0x9FFFFFFF  }
0xc2: {  	(tm) =	ssettm $0x7FFFFFFF  }
0xc3: {  	_ =	shalt  }
tec
execute0_lowered:
.L_overlay_start_1:
0x0: {  	(tag) =	ssettag $0x1  }
0x1: {  	s1 =	rddreg [dreg:$0x0]  }
0x2: {  	s0 =	rddreg [dreg:$0x1];
	s2 =	simm.s32 $0x0  }
0x3: {  	s3 =	srdreg.scid;
	s5 =	stileid.u32;
	s11 =	simm.s32 $0x1  }
0x4: {  	s14 =	simm.s32 $0x12400;
	s15 =	simm.s32 $0x0;
	[smem:$0x7FF] =	sst s2  }
0x5: {  	s3 =	sand.u32 $0x1, s3;
	s4 =	sadd.s32 $0x1200, s0;
	s30 =	sadd.s32 $0xE00, s0  }
0x6: {  	s6 =	sadd.s32 $0x1000, s0;
	s8 =	sshll.u32 s5, $0x7;
	s31 =	ssub.s32 $0x2, s3  }
0x7: {  	_ =	strace $0x80000047;
	[dreg:$0x3] =	wrdreg s4;
	s7 =	sshrl.u32 s31, $0x1  }
0x8: {  	[dreg:$0x4] =	wrdreg s30;
	s3 =	sshll.u32 s3, $0x6;
	s4 =	ssub.s32 s31, s7  }
0x9: {  	s8 =	sor.u32 s3, s8;
	s7 =	sadd.s32 $0x1600, s0;
	s9 =	smax.u32 s4, $0x1  }
.LBB2_1:
0xa: {  	s0 =	rddreg [dreg:$0x3];
	s3 =	simm.s32 $0x10000  }
0xb: {  	[tilespmem:s3], [sflag:$0x1] =	stream.linear.gather [hbm4b:s0+s2], $0x2000, $0x38;
	[tilespmem:$0x14400] =	vst v63  }
0xc: {  	_ =	swait.ge [sflag:s11], $0x2000  }
0xd: {  	[sflag:s11] =	ssyncset.done $0x0  }
0xe: {  	s30 =	simm.s32 $0x12000;
	s29 =	rddreg [dreg:$0x4];
	[sflag:s11] =	ssyncadd.s32 $0xFFFFE000  }
0xf: {  	[tilespmem:s30], [sflag:$0x1] =	stream.linear.gather [hbm4b:s29+s2], $0x200, $0x38;
	[tilespmem:$0x14400] =	vst v63  }
0x10: {  	_ =	swait.ge [sflag:s11], $0x200  }
0x11: {  	[sflag:s11] =	ssyncset.done $0x0  }
0x12: {  	s31 =	simm.s32 $0x12200;
	[sflag:s11] =	ssyncadd.s32 $0xFFFFFE00  }
0x13: {  	[tilespmem:s31], [sflag:$0x1] =	stream.linear.gather [hbm4b:s6+s2], $0x200, $0x38;
	[tilespmem:$0x14400] =	vst v63  }
0x14: {  	_ =	swait.ge [sflag:s11], $0x200  }
0x15: {  	[sflag:s11] =	ssyncset.done $0x0  }
0x16: {  	s16 =	simm.s32 $0x0;
	[sflag:s11] =	ssyncadd.s32 $0xFFFFFE00  }
.LBB2_2:
0x17: {  	s0 =	sshll.u32 s16, $0x4  }
0x18: {  	s17 =	sadd.s32 s8, s0  }
0x19: {  	s0 =	sshll.u32 s17, $0x9  }
0x1a: {  	s18 =	simm.s32 $0x0;
	s0 =	sadd.s32 s1, s0  }
0x1b: {  	[tilespmem:s18], [sflag:$0x1] =	stream.linear.gather [hbm4b:s0+s18], $0x10000, $0x38;
	[tilespmem:$0x14400] =	vst v63  }
0x1c: {  	s19 =	simm.s32 $0xFFFFFFFE;
	_ =	swait.ge [sflag:s11], $0x10000  }
0x1d: {  	s20 =	simm.s32 $0x12000;
	s21 =	simm.s32 $0x12200;
	[sflag:s11] =	ssyncset.done $0x0  }
0x1e: {  	s22 =	simm.s32 $0x0;
	s23 =	simm.s32 $0x0;
	[sflag:s11] =	ssyncadd.s32 $0xFFFF0000  }
.LBB2_3:
0x1f: {  	s12 =	sand.u32 $0x60, s18;
	s10 =	sand.u32 $0xC00, s23  }
0x20: {  	s26 =	sor.u32 s12, s10  }
0x21: {  	v0 =	vld [tilespmem:s26+$0x10000]  }
0x22: {  	v1 =	vld [tilespmem:s26+$0x10080]  }
0x23: {  	v4 =	vld [tilespmem:s26+$0x10100]  }
0x24: {  	v6 =	vld [tilespmem:s26+$0x10200]  }
0x25: {  	v7 =	vld [tilespmem:s26+$0x10280]  }
0x26: {  	v58 =	vld [tilespmem:s26+$0x11000]  }
0x27: {  	v11 =	vld [tilespmem:s26+$0x11080]  }
0x28: {  	s0 =	sand.u32 $0xFFFFFC00, s23;
	v12 =	vld [tilespmem:s26+$0x11100]  }
0x29: {  	s4 =	sadd.s32 s0, s18;
	v16 =	vld [tilespmem:s26+$0x11200];
	v2 =	vand.u32 $0x7F, v0  }
0x2a: {  	s13 =	sor.u32 $0x180, s4;
	v0 =	vshll.u32 v0, $0x3;
	v3 =	vshll.u32 v1, $0x3;
	v1 =	vand.u32 $0x7F, v1  }
0x2b: {  	s31 =	sand.u32 $0x3, s22;
	v5 =	vld [tilespmem:s13+$0x10000];
	v57 =	vshll.u32 v4, $0x3;
	v4 =	vand.u32 $0x7F, v4;
	v62 =	vand.u32 $0x7F, v6  }
0x2c: {  	s24 =	sor.u32 s18, s23;
	s0 =	sshll.u32 s31, $0x5;
	s31 =	sor.u32 $0x1180, s4;
	v6 =	vshll.u32 v6, $0x3;
	v13 =	vshll.u32 v7, $0x3;
	v15 =	vand.u32 $0x7F, v7  }
0x2d: {  	s28 =	sadd.s32 s0, s23;
	s0 =	sor.u32 $0x380, s24;
	s24 =	sor.u32 $0x1380, s24;
	v14 =	vld [tilespmem:s31+$0x10000];
	v28 =	vshll.u32 v58, $0x3;
	v29 =	vshll.u32 v11, $0x3;
	v30 =	vand.u32 $0x7F, v11  }
0x2e: {  	v18 =	vld [tilespmem:s24+$0x10000];
	v32 =	vand.u32 $0x7F, v12;
	v12 =	vshll.u32 v12, $0x3;
	v35 =	vand.u32 $0x7F, v16  }
0x2f: {  	s3 =	sor.u32 $0x300, s28;
	v36 =	vshll.u32 v16, $0x3;
	v0 =	vand.u32 $0xFFFFFC00, v0;
	v9 =	vand.u32 $0xFFFFFC00, v3  }
0x30: {  	v8 =	vld [tilespmem:s3+$0x10000];
	v59 =	vshll.u32 v5, $0x3;
	v60 =	vand.u32 $0x7F, v5;
	v3 =	vor.u32 v2, v0  }
0x31: {  	s25 =	sor.u32 $0x1300, s28;
	v6 =	vand.u32 $0xFFFFFC00, v6;
	v13 =	vand.u32 $0xFFFFFC00, v13;
	v2 =	vor.u32 v1, v9  }
0x32: {  	v17 =	vld [tilespmem:s25+$0x10000];
	v33 =	vshll.u32 v14, $0x3;
	v12 =	vand.u32 $0xFFFFFC00, v12;
	v6 =	vor.u32 v62, v6  }
0x33: {  	v63 =	vld [tilespmem:s26+$0x11280];
	v14 =	vand.u32 $0x7F, v14;
	v41 =	vshll.u32 v18, $0x3;
	v5 =	vor.u32 v15, v13  }
0x34: {  	v10 =	vld [tilespmem:s0+$0x10000];
	v42 =	vand.u32 $0x7F, v18;
	v0 =	vand.u32 $0xFFFFFC00, v57;
	v12 =	vor.u32 v32, v12  }
0x35: {  	v61 =	vand.u32 $0xFFFFFC00, v59;
	v26 =	vand.u32 $0x7F, v8;
	v4 =	vor.u32 v4, v0;
	v19 =	vld.idx.msk [tilespmem:v3+s2+$0x0], $0xffff  }
0x36: {  	v8 =	vshll.u32 v8, $0x3;
	v23 =	vand.u32 $0xFFFFFC00, v33;
	v7 =	vor.u32 v60, v61;
	v20 =	vld.idx.msk [tilespmem:v2+s2+$0x0], $0xffff  }
0x37: {  	v15 =	vand.u32 $0xFFFFFC00, v36;
	v39 =	vshll.u32 v17, $0x3;
	v11 =	vor.u32 v14, v23;
	v24 =	vld.idx.msk [tilespmem:v6+s2+$0x0], $0xffff  }
0x38: {  	v40 =	vand.u32 $0x7F, v17;
	v17 =	vand.u32 $0xFFFFFC00, v41;
	v15 =	vor.u32 v35, v15;
	v34 =	vld.idx.msk [tilespmem:v5+s2+$0x0], $0xffff  }
0x39: {  	v27 =	vshll.u32 v10, $0x3;
	v8 =	vand.u32 $0xFFFFFC00, v8;
	v17 =	vor.u32 v42, v17;
	v43 =	vld.idx.msk [tilespmem:v12+s2+$0x0], $0xffff  }
0x3a: {  	v10 =	vand.u32 $0x7F, v10;
	v13 =	vand.u32 $0xFFFFFC00, v27;
	v9 =	vor.u32 v26, v8;
	v21 =	vld.idx.msk [tilespmem:v4+s2+$0x0], $0xffff  }
0x3b: {  	v37 =	vshll.u32 v63, $0x3;
	v31 =	vand.u32 $0xFFFFFC00, v29;
	v8 =	vor.u32 v10, v13;
	v22 =	vld.idx.msk [tilespmem:v7+s2+$0x0], $0xffff  }
0x3c: {  	v16 =	vand.u32 $0xFFFFFC00, v37;
	v0 =	vand.u32 $0x7F, v63;
	v13 =	vor.u32 v30, v31;
	v44 =	vld.idx.msk [tilespmem:v11+s2+$0x0], $0xffff  }
0x3d: {  	v1 =	vand.u32 $0x7F, v58;
	v10 =	vand.u32 $0xFFFFFC00, v28;
	v14 =	vor.u32 v0, v16;
	v28 =	vld.idx.msk [tilespmem:v15+s2+$0x0], $0xffff  }
0x3e: {  	v0 =	vand.u32 $0xFFFFFC00, v39;
	v10 =	vor.u32 v1, v10;
	v31 =	vld.idx.msk [tilespmem:v17+s2+$0x0], $0xffff  }
0x3f: {  	v16 =	vor.u32 v40, v0;
	v38 =	vld.idx.msk [tilespmem:v9+s2+$0x0], $0xffff  }
0x40: {  	v25 =	vld.idx.msk [tilespmem:v8+s2+$0x0], $0xffff  }
0x41: {  	v27 =	vld.idx.msk [tilespmem:v13+s2+$0x0], $0xffff  }
0x42: {  	v29 =	vld.idx.msk [tilespmem:v14+s2+$0x0], $0xffff  }
0x43: {  	v26 =	vld.idx.msk [tilespmem:v10+s2+$0x0], $0xffff  }
0x44: {  	v30 =	vld.idx.msk [tilespmem:v16+s2+$0x0], $0xffff;
	_ =	sdelay $0x1  }
0x45: {  	v19 =	vadd.f32 v20, v19;
	v1 =	vadd.f32 v34, v24  }
0x46: {  	v45 =	vadd.f32 v22, v21;
	v0 =	vadd.f32 v44, v43  }
0x47: {  	v46 =	vadd.f32 v25, v38;
	v48 =	vadd.f32 v29, v28  }
0x48: {  	v47 =	vadd.f32 v27, v26;
	v49 =	vadd.f32 v31, v30  }
0x49: {  	v19 =	vadd.f32 v45, v19;
	v1 =	vadd.f32 v46, v1  }
0x4a: {  	v50 =	vadd.f32 v0, v47;
	v18 =	vadd.f32 v49, v48  }
0x4b: {  	v0 =	vld [tilespmem:s21+$0x0]  }
0x4c: {  	v19 =	vadd.f32 v1, v19;
	v18 =	vadd.f32 v18, v50  }
0x4d: {  	v1 =	vld [tilespmem:s20+$0x0]  }
0x4e: {  	v18 =	vadd.f32 v18, v19;
	_ =	sdelay $0x1  }
0x4f: {  	v51 =	vor.u32 $0x80, v3;
	v18 =	vmul.f32 v18, v0  }
0x50: {  	v52 =	vor.u32 $0x80, v2  }
0x51: {  	v53 =	vor.u32 $0x80, v4;
	v18 =	vadd.f32 v18, v1  }
0x52: {  	v54 =	vor.u32 $0x80, v7  }
0x53: {  	v55 =	vor.u32 $0x80, v6;
	[tilespmem:s26+$0x12400] =	vst v18  }
0x54: {  	v56 =	vor.u32 $0x80, v5;
	v19 =	vld.idx.msk [tilespmem:v51+s2+$0x0], $0xffff  }
0x55: {  	v57 =	vor.u32 $0x80, v9;
	v20 =	vld.idx.msk [tilespmem:v52+s2+$0x0], $0xffff  }
0x56: {  	v58 =	vor.u32 $0x80, v8;
	v21 =	vld.idx.msk [tilespmem:v53+s2+$0x0], $0xffff  }
0x57: {  	v59 =	vor.u32 $0x80, v10;
	v22 =	vld.idx.msk [tilespmem:v54+s2+$0x0], $0xffff  }
0x58: {  	v60 =	vor.u32 $0x80, v13;
	v18 =	vld.idx.msk [tilespmem:v55+s2+$0x0], $0xffff  }
0x59: {  	v61 =	vor.u32 $0x80, v12;
	v23 =	vld.idx.msk [tilespmem:v56+s2+$0x0], $0xffff  }
0x5a: {  	v62 =	vor.u32 $0x80, v11;
	v24 =	vld.idx.msk [tilespmem:v57+s2+$0x0], $0xffff  }
0x5b: {  	v63 =	vor.u32 $0x80, v15;
	v25 =	vld.idx.msk [tilespmem:v58+s2+$0x0], $0xffff  }
0x5c: {  	v36 =	vor.u32 $0x80, v14;
	v26 =	vld.idx.msk [tilespmem:v59+s2+$0x0], $0xffff  }
0x5d: {  	v32 =	vor.u32 $0x80, v16;
	v27 =	vld.idx.msk [tilespmem:v60+s2+$0x0], $0xffff  }
0x5e: {  	v33 =	vor.u32 $0x80, v17;
	v28 =	vld.idx.msk [tilespmem:v61+s2+$0x0], $0xffff  }
0x5f: {  	v29 =	vld.idx.msk [tilespmem:v62+s2+$0x0], $0xffff  }
0x60: {  	v30 =	vld.idx.msk [tilespmem:v63+s2+$0x0], $0xffff  }
0x61: {  	v31 =	vld.idx.msk [tilespmem:v36+s2+$0x0], $0xffff  }
0x62: {  	v32 =	vld.idx.msk [tilespmem:v32+s2+$0x0], $0xffff  }
0x63: {  	v33 =	vld.idx.msk [tilespmem:v33+s2+$0x0], $0xffff;
	_ =	sdelay $0x1  }
0x64: {  	v19 =	vadd.f32 v20, v19;
	v37 =	vadd.f32 v22, v21  }
0x65: {  	v18 =	vadd.f32 v23, v18;
	v38 =	vadd.f32 v25, v24  }
0x66: {  	v39 =	vadd.f32 v27, v26;
	v40 =	vadd.f32 v29, v28  }
0x67: {  	v41 =	vadd.f32 v31, v30;
	v42 =	vadd.f32 v33, v32  }
0x68: {  	v19 =	vadd.f32 v37, v19;
	v18 =	vadd.f32 v38, v18  }
0x69: {  	v43 =	vadd.f32 v40, v39;
	v44 =	vadd.f32 v42, v41;
	_ =	sdelay $0x1  }
0x6a: {  	v18 =	vadd.f32 v18, v19;
	v45 =	vadd.f32 v44, v43;
	_ =	sdelay $0x1  }
0x6b: {  	v18 =	vadd.f32 v45, v18;
	_ =	sdelay $0x1  }
0x6c: {  	v46 =	vor.u32 $0x100, v3;
	v18 =	vmul.f32 v18, v0  }
0x6d: {  	v47 =	vor.u32 $0x100, v2  }
0x6e: {  	v48 =	vor.u32 $0x100, v4;
	v18 =	vadd.f32 v18, v1  }
0x6f: {  	v49 =	vor.u32 $0x100, v7  }
0x70: {  	v50 =	vor.u32 $0x100, v6;
	[tilespmem:s26+$0x12480] =	vst v18  }
0x71: {  	v51 =	vor.u32 $0x100, v5;
	v19 =	vld.idx.msk [tilespmem:v46+s2+$0x0], $0xffff  }
0x72: {  	v52 =	vor.u32 $0x100, v9;
	v20 =	vld.idx.msk [tilespmem:v47+s2+$0x0], $0xffff  }
0x73: {  	v53 =	vor.u32 $0x100, v8;
	v21 =	vld.idx.msk [tilespmem:v48+s2+$0x0], $0xffff  }
0x74: {  	v54 =	vor.u32 $0x100, v10;
	v22 =	vld.idx.msk [tilespmem:v49+s2+$0x0], $0xffff  }
0x75: {  	v55 =	vor.u32 $0x100, v13;
	v18 =	vld.idx.msk [tilespmem:v50+s2+$0x0], $0xffff  }
0x76: {  	v56 =	vor.u32 $0x100, v12;
	v23 =	vld.idx.msk [tilespmem:v51+s2+$0x0], $0xffff  }
0x77: {  	v57 =	vor.u32 $0x100, v11;
	v24 =	vld.idx.msk [tilespmem:v52+s2+$0x0], $0xffff  }
0x78: {  	v58 =	vor.u32 $0x100, v15;
	v25 =	vld.idx.msk [tilespmem:v53+s2+$0x0], $0xffff  }
0x79: {  	v59 =	vor.u32 $0x100, v14;
	v26 =	vld.idx.msk [tilespmem:v54+s2+$0x0], $0xffff  }
0x7a: {  	v60 =	vor.u32 $0x100, v16;
	v27 =	vld.idx.msk [tilespmem:v55+s2+$0x0], $0xffff  }
0x7b: {  	v61 =	vor.u32 $0x100, v17;
	v28 =	vld.idx.msk [tilespmem:v56+s2+$0x0], $0xffff  }
0x7c: {  	v29 =	vld.idx.msk [tilespmem:v57+s2+$0x0], $0xffff  }
0x7d: {  	v30 =	vld.idx.msk [tilespmem:v58+s2+$0x0], $0xffff  }
0x7e: {  	v31 =	vld.idx.msk [tilespmem:v59+s2+$0x0], $0xffff  }
0x7f: {  	v32 =	vld.idx.msk [tilespmem:v60+s2+$0x0], $0xffff  }
0x80: {  	v33 =	vld.idx.msk [tilespmem:v61+s2+$0x0], $0xffff;
	_ =	sdelay $0x1  }
0x81: {  	v19 =	vadd.f32 v20, v19;
	v62 =	vadd.f32 v22, v21  }
0x82: {  	v18 =	vadd.f32 v23, v18;
	v63 =	vadd.f32 v25, v24  }
0x83: {  	v34 =	vadd.f32 v27, v26;
	v35 =	vadd.f32 v29, v28  }
0x84: {  	v36 =	vadd.f32 v31, v30;
	v37 =	vadd.f32 v33, v32  }
0x85: {  	v19 =	vadd.f32 v62, v19;
	v18 =	vadd.f32 v63, v18  }
0x86: {  	v38 =	vadd.f32 v35, v34;
	v39 =	vadd.f32 v37, v36;
	_ =	sdelay $0x1  }
0x87: {  	v18 =	vadd.f32 v18, v19;
	v40 =	vadd.f32 v39, v38;
	_ =	sdelay $0x1  }
0x88: {  	v18 =	vadd.f32 v40, v18;
	_ =	sdelay $0x1  }
0x89: {  	v41 =	vor.u32 $0x180, v3;
	v18 =	vmul.f32 v18, v0  }
0x8a: {  	v42 =	vor.u32 $0x180, v2  }
0x8b: {  	v43 =	vor.u32 $0x180, v4;
	v18 =	vadd.f32 v18, v1  }
0x8c: {  	v44 =	vor.u32 $0x180, v7  }
0x8d: {  	v45 =	vor.u32 $0x180, v6;
	[tilespmem:s26+$0x12500] =	vst v18  }
0x8e: {  	v46 =	vor.u32 $0x180, v5;
	v36 =	vld.idx.msk [tilespmem:v41+s2+$0x0], $0xffff  }
0x8f: {  	v47 =	vor.u32 $0x180, v9;
	v37 =	vld.idx.msk [tilespmem:v42+s2+$0x0], $0xffff  }
0x90: {  	v48 =	vor.u32 $0x180, v8;
	v38 =	vld.idx.msk [tilespmem:v43+s2+$0x0], $0xffff  }
0x91: {  	v49 =	vor.u32 $0x180, v10;
	v40 =	vld.idx.msk [tilespmem:v44+s2+$0x0], $0xffff  }
0x92: {  	v50 =	vor.u32 $0x180, v13;
	v39 =	vld.idx.msk [tilespmem:v45+s2+$0x0], $0xffff  }
0x93: {  	v51 =	vor.u32 $0x180, v12;
	v41 =	vld.idx.msk [tilespmem:v46+s2+$0x0], $0xffff  }
0x94: {  	v52 =	vor.u32 $0x180, v11;
	v42 =	vld.idx.msk [tilespmem:v47+s2+$0x0], $0xffff  }
0x95: {  	v46 =	vld.idx.msk [tilespmem:v48+s2+$0x0], $0xffff  }
0x96: {  	v43 =	vld.idx.msk [tilespmem:v49+s2+$0x0], $0xffff  }
0x97: {  	v44 =	vld.idx.msk [tilespmem:v50+s2+$0x0], $0xffff  }
0x98: {  	s4 =	sor.u32 $0x10, s12;
	v45 =	vld.idx.msk [tilespmem:v51+s2+$0x0], $0xffff  }
0x99: {  	s30 =	sor.u32 s10, s4;
	v47 =	vld.idx.msk [tilespmem:v52+s2+$0x0], $0xffff  }
0x9a: {  	v53 =	vld [tilespmem:s30+$0x10000]  }
0x9b: {  	v54 =	vld [tilespmem:s30+$0x10080]  }
0x9c: {  	v20 =	vld [tilespmem:s30+$0x10100]  }
0x9d: {  	v55 =	vld [tilespmem:s30+$0x10180]  }
0x9e: {  	s28 =	sadd.s32 $0x10, s28;
	v56 =	vld [tilespmem:s30+$0x10200]  }
0x9f: {  	s12 =	sor.u32 $0x300, s28;
	v57 =	vld [tilespmem:s30+$0x10280]  }
0xa0: {  	s10 =	sor.u32 $0x380, s28;
	v49 =	vld [tilespmem:s12+$0x10000]  }
0xa1: {  	v51 =	vld [tilespmem:s10+$0x10000]  }
0xa2: {  	v59 =	vld [tilespmem:s30+$0x11000];
	v35 =	vand.u32 $0x7F, v53;
	v18 =	vshll.u32 v53, $0x3;
	v48 =	vshll.u32 v54, $0x3  }
0xa3: {  	v30 =	vld [tilespmem:s30+$0x11100];
	v50 =	vand.u32 $0x7F, v54;
	v58 =	vshll.u32 v20, $0x3;
	v20 =	vand.u32 $0x7F, v20  }
0xa4: {  	v52 =	vshll.u32 v55, $0x3;
	v21 =	vand.u32 $0x7F, v55;
	v61 =	vand.u32 $0x7F, v56  }
0xa5: {  	v63 =	vld [tilespmem:s30+$0x11180];
	v22 =	vshll.u32 v56, $0x3;
	v62 =	vshll.u32 v57, $0x3;
	v54 =	vand.u32 $0x7F, v57  }
0xa6: {  	v55 =	vand.u32 $0x7F, v49;
	v56 =	vshll.u32 v49, $0x3;
	v57 =	vshll.u32 v51, $0x3  }
0xa7: {  	v28 =	vand.u32 $0x7F, v51;
	v27 =	vand.u32 $0x7F, v59;
	v18 =	vand.u32 $0xFFFFFC00, v18  }
0xa8: {  	v34 =	vld [tilespmem:s30+$0x11200];
	v51 =	vand.u32 $0x7F, v30;
	v25 =	vand.u32 $0xFFFFFC00, v48;
	v19 =	vor.u32 v35, v18  }
0xa9: {  	v33 =	vld [tilespmem:s30+$0x11280];
	v30 =	vshll.u32 v30, $0x3;
	v24 =	vand.u32 $0xFFFFFC00, v58;
	v18 =	vor.u32 v50, v25  }
0xaa: {  	s29 =	sor.u32 $0x1300, s28;
	s28 =	sor.u32 $0x1380, s28;
	v53 =	vld [tilespmem:s30+$0x11080];
	v32 =	vand.u32 $0x7F, v63;
	v60 =	vand.u32 $0xFFFFFC00, v52;
	v20 =	vor.u32 v20, v24  }
0xab: {  	v22 =	vand.u32 $0xFFFFFC00, v22;
	v31 =	vand.u32 $0xFFFFFC00, v62;
	v48 =	vld [tilespmem:s28+$0x10000];
	v23 =	vor.u32 v21, v60  }
0xac: {  	v26 =	vand.u32 $0xFFFFFC00, v57;
	v58 =	vshll.u32 v59, $0x3;
	v22 =	vor.u32 v61, v22;
	v35 =	vld [tilespmem:s29+$0x10000]  }
0xad: {  	v62 =	vshll.u32 v63, $0x3;
	v21 =	vor.u32 v54, v31;
	v24 =	vor.u32 v28, v26;
	v28 =	vld.idx.msk [tilespmem:v19+s2+$0x0], $0xffff  }
0xae: {  	v30 =	vand.u32 $0xFFFFFC00, v30;
	v63 =	vand.u32 $0x7F, v34;
	v25 =	vand.u32 $0xFFFFFC00, v56;
	v49 =	vld.idx.msk [tilespmem:v18+s2+$0x0], $0xffff  }
0xaf: {  	v34 =	vshll.u32 v34, $0x3;
	v26 =	vand.u32 $0xFFFFFC00, v58;
	v25 =	vor.u32 v55, v25;
	v50 =	vld.idx.msk [tilespmem:v20+s2+$0x0], $0xffff  }
0xb0: {  	v30 =	vor.u32 v51, v30;
	v34 =	vand.u32 $0xFFFFFC00, v34;
	v26 =	vor.u32 v27, v26;
	v52 =	vld.idx.msk [tilespmem:v23+s2+$0x0], $0xffff  }
0xb1: {  	v59 =	vshll.u32 v53, $0x3;
	v60 =	vand.u32 $0x7F, v53;
	v53 =	vand.u32 $0xFFFFFC00, v62;
	v54 =	vld.idx.msk [tilespmem:v22+s2+$0x0], $0xffff  }
0xb2: {  	v55 =	vand.u32 $0x7F, v33;
	v61 =	vand.u32 $0xFFFFFC00, v59;
	v29 =	vor.u32 v32, v53;
	v27 =	vld.idx.msk [tilespmem:v21+s2+$0x0], $0xffff  }
0xb3: {  	v59 =	vshll.u32 v33, $0x3;
	v33 =	vor.u32 v63, v34;
	v31 =	vor.u32 v60, v61;
	v56 =	vld.idx.msk [tilespmem:v24+s2+$0x0], $0xffff  }
0xb4: {  	v51 =	vand.u32 $0xFFFFFC00, v59;
	v60 =	vshll.u32 v35, $0x3;
	v35 =	vand.u32 $0x7F, v35;
	v53 =	vld.idx.msk [tilespmem:v25+s2+$0x0], $0xffff  }
0xb5: {  	v61 =	vshll.u32 v48, $0x3;
	v32 =	vor.u32 v55, v51;
	v51 =	vld.idx.msk [tilespmem:v26+s2+$0x0], $0xffff;
	v34 =	vand.u32 $0xFFFFFC00, v60  }
0xb6: {  	v62 =	vand.u32 $0x7F, v48;
	v63 =	vand.u32 $0xFFFFFC00, v61;
	v55 =	vld.idx.msk [tilespmem:v30+s2+$0x0], $0xffff;
	v34 =	vor.u32 v35, v34  }
0xb7: {  	v35 =	vor.u32 v62, v63;
	v48 =	vld.idx.msk [tilespmem:v29+s2+$0x0], $0xffff  }
0xb8: {  	v58 =	vld.idx.msk [tilespmem:v33+s2+$0x0], $0xffff  }
0xb9: {  	v57 =	vld.idx.msk [tilespmem:v31+s2+$0x0], $0xffff  }
0xba: {  	v59 =	vld.idx.msk [tilespmem:v32+s2+$0x0], $0xffff  }
0xbb: {  	v60 =	vld.idx.msk [tilespmem:v34+s2+$0x0], $0xffff  }
0xbc: {  	v61 =	vld.idx.msk [tilespmem:v35+s2+$0x0], $0xffff;
	_ =	sdelay $0x1  }
0xbd: {  	v28 =	vadd.f32 v49, v28;
	v49 =	vadd.f32 v52, v50  }
0xbe: {  	v27 =	vadd.f32 v27, v54;
	v56 =	vadd.f32 v56, v53  }
0xbf: {  	v48 =	vadd.f32 v48, v55;
	v51 =	vadd.f32 v57, v51  }
0xc0: {  	v62 =	vadd.f32 v59, v58;
	v63 =	vadd.f32 v61, v60  }
0xc1: {  	s5 =	sand.u32 $0x180, s18;
	v28 =	vadd.f32 v49, v28;
	v54 =	vadd.f32 v56, v27  }
0xc2: {  	s4 =	sor.u32 s5, s4;
	v48 =	vadd.f32 v48, v51;
	v55 =	vadd.f32 v63, v62  }
0xc3: {  	v27 =	vld [tilespmem:s4+$0x12200]  }
0xc4: {  	v49 =	vadd.f32 v54, v28;
	v48 =	vadd.f32 v55, v48  }
0xc5: {  	v28 =	vld [tilespmem:s4+$0x12000]  }
0xc6: {  	v48 =	vadd.f32 v48, v49;
	_ =	sdelay $0x1  }
0xc7: {  	v56 =	vor.u32 $0x80, v19;
	v48 =	vmul.f32 v48, v27  }
0xc8: {  	v57 =	vor.u32 $0x80, v18  }
0xc9: {  	v58 =	vor.u32 $0x80, v20;
	v48 =	vadd.f32 v48, v28  }
0xca: {  	v59 =	vor.u32 $0x80, v23  }
0xcb: {  	v60 =	vor.u32 $0x80, v22;
	[tilespmem:s30+$0x12400] =	vst v48  }
0xcc: {  	v61 =	vor.u32 $0x80, v21;
	v49 =	vld.idx.msk [tilespmem:v56+s2+$0x0], $0xffff  }
0xcd: {  	v62 =	vor.u32 $0x80, v25;
	v50 =	vld.idx.msk [tilespmem:v57+s2+$0x0], $0xffff  }
0xce: {  	v63 =	vor.u32 $0x80, v24;
	v51 =	vld.idx.msk [tilespmem:v58+s2+$0x0], $0xffff  }
0xcf: {  	v52 =	vld.idx.msk [tilespmem:v59+s2+$0x0], $0xffff;
	v56 =	vor.u32 $0x80, v26  }
0xd0: {  	v48 =	vld.idx.msk [tilespmem:v60+s2+$0x0], $0xffff;
	v57 =	vor.u32 $0x80, v31  }
0xd1: {  	v53 =	vld.idx.msk [tilespmem:v61+s2+$0x0], $0xffff;
	v58 =	vor.u32 $0x80, v30  }
0xd2: {  	v54 =	vld.idx.msk [tilespmem:v62+s2+$0x0], $0xffff;
	v59 =	vor.u32 $0x80, v29  }
0xd3: {  	v55 =	vld.idx.msk [tilespmem:v63+s2+$0x0], $0xffff;
	v60 =	vor.u32 $0x80, v33  }
0xd4: {  	v61 =	vor.u32 $0x80, v32;
	v56 =	vld.idx.msk [tilespmem:v56+s2+$0x0], $0xffff  }
0xd5: {  	v62 =	vor.u32 $0x80, v34;
	v57 =	vld.idx.msk [tilespmem:v57+s2+$0x0], $0xffff  }
0xd6: {  	v63 =	vor.u32 $0x80, v35;
	v58 =	vld.idx.msk [tilespmem:v58+s2+$0x0], $0xffff  }
0xd7: {  	v59 =	vld.idx.msk [tilespmem:v59+s2+$0x0], $0xffff  }
0xd8: {  	v60 =	vld.idx.msk [tilespmem:v60+s2+$0x0], $0xffff  }
0xd9: {  	v61 =	vld.idx.msk [tilespmem:v61+s2+$0x0], $0xffff  }
0xda: {  	v62 =	vld.idx.msk [tilespmem:v62+s2+$0x0], $0xffff  }
0xdb: {  	v63 =	vld.idx.msk [tilespmem:v63+s2+$0x0], $0xffff;
	_ =	sdelay $0x1  }
0xdc: {  	v49 =	vadd.f32 v50, v49;
	v50 =	vadd.f32 v52, v51  }
0xdd: {  	v48 =	vadd.f32 v53, v48;
	v51 =	vadd.f32 v55, v54  }
0xde: {  	v57 =	vadd.f32 v57, v56;
	v59 =	vadd.f32 v59, v58  }
0xdf: {  	v61 =	vadd.f32 v61, v60;
	v62 =	vadd.f32 v63, v62  }
0xe0: {  	v49 =	vadd.f32 v50, v49;
	v48 =	vadd.f32 v51, v48  }
0xe1: {  	v63 =	vadd.f32 v59, v57;
	v54 =	vadd.f32 v62, v61;
	_ =	sdelay $0x1  }
0xe2: {  	v48 =	vadd.f32 v48, v49;
	v55 =	vadd.f32 v54, v63;
	_ =	sdelay $0x1  }
0xe3: {  	v48 =	vadd.f32 v55, v48;
	_ =	sdelay $0x1  }
0xe4: {  	v56 =	vor.u32 $0x100, v19;
	v48 =	vmul.f32 v48, v27  }
0xe5: {  	v57 =	vor.u32 $0x100, v18  }
0xe6: {  	v58 =	vor.u32 $0x100, v20;
	v48 =	vadd.f32 v48, v28  }
0xe7: {  	v59 =	vor.u32 $0x100, v23  }
0xe8: {  	v60 =	vor.u32 $0x100, v22;
	[tilespmem:s30+$0x12480] =	vst v48  }
0xe9: {  	v61 =	vor.u32 $0x100, v21;
	v49 =	vld.idx.msk [tilespmem:v56+s2+$0x0], $0xffff  }
0xea: {  	v62 =	vor.u32 $0x100, v25;
	v50 =	vld.idx.msk [tilespmem:v57+s2+$0x0], $0xffff  }
0xeb: {  	v63 =	vor.u32 $0x100, v24;
	v51 =	vld.idx.msk [tilespmem:v58+s2+$0x0], $0xffff  }
0xec: {  	v52 =	vld.idx.msk [tilespmem:v59+s2+$0x0], $0xffff;
	v56 =	vor.u32 $0x100, v26  }
0xed: {  	v48 =	vld.idx.msk [tilespmem:v60+s2+$0x0], $0xffff;
	v57 =	vor.u32 $0x100, v31  }
0xee: {  	v53 =	vld.idx.msk [tilespmem:v61+s2+$0x0], $0xffff;
	v58 =	vor.u32 $0x100, v30  }
0xef: {  	v54 =	vld.idx.msk [tilespmem:v62+s2+$0x0], $0xffff;
	v59 =	vor.u32 $0x100, v29  }
0xf0: {  	v55 =	vld.idx.msk [tilespmem:v63+s2+$0x0], $0xffff;
	v60 =	vor.u32 $0x100, v33  }
0xf1: {  	v61 =	vor.u32 $0x100, v32;
	v56 =	vld.idx.msk [tilespmem:v56+s2+$0x0], $0xffff  }
0xf2: {  	v62 =	vor.u32 $0x100, v34;
	v57 =	vld.idx.msk [tilespmem:v57+s2+$0x0], $0xffff  }
0xf3: {  	v63 =	vor.u32 $0x100, v35;
	v58 =	vld.idx.msk [tilespmem:v58+s2+$0x0], $0xffff  }
0xf4: {  	v59 =	vld.idx.msk [tilespmem:v59+s2+$0x0], $0xffff  }
0xf5: {  	v60 =	vld.idx.msk [tilespmem:v60+s2+$0x0], $0xffff  }
0xf6: {  	v61 =	vld.idx.msk [tilespmem:v61+s2+$0x0], $0xffff  }
0xf7: {  	v62 =	vld.idx.msk [tilespmem:v62+s2+$0x0], $0xffff  }
0xf8: {  	v63 =	vld.idx.msk [tilespmem:v63+s2+$0x0], $0xffff;
	_ =	sdelay $0x1  }
0xf9: {  	v49 =	vadd.f32 v50, v49;
	v50 =	vadd.f32 v52, v51  }
0xfa: {  	v48 =	vadd.f32 v53, v48;
	v51 =	vadd.f32 v55, v54  }
0xfb: {  	v57 =	vadd.f32 v57, v56;
	v59 =	vadd.f32 v59, v58  }
0xfc: {  	v61 =	vadd.f32 v61, v60;
	v63 =	vadd.f32 v63, v62  }
0xfd: {  	v49 =	vadd.f32 v50, v49;
	v48 =	vadd.f32 v51, v48  }
0xfe: {  	v57 =	vadd.f32 v59, v57;
	v58 =	vadd.f32 v63, v61;
	_ =	sdelay $0x1  }
0xff: {  	v48 =	vadd.f32 v48, v49;
	v62 =	vor.u32 $0x180, v16;
	v60 =	vadd.f32 v58, v57  }
0x100: {  	v61 =	vor.u32 $0x180, v14  }
0x101: {  	v59 =	vor.u32 $0x180, v15;
	v48 =	vadd.f32 v60, v48  }
0x102: {  	v63 =	vor.u32 $0x180, v17  }
0x103: {  	v53 =	vor.u32 $0x180, v19;
	v48 =	vmul.f32 v48, v27  }
0x104: {  	v51 =	vld.idx.msk [tilespmem:v62+s2+$0x0], $0xffff;
	v60 =	vor.u32 $0x180, v18  }
0x105: {  	v50 =	vld.idx.msk [tilespmem:v61+s2+$0x0], $0xffff;
	v61 =	vor.u32 $0x180, v20;
	v48 =	vadd.f32 v48, v28  }
0x106: {  	v62 =	vor.u32 $0x180, v23;
	v52 =	vld.idx.msk [tilespmem:v59+s2+$0x0], $0xffff  }
0x107: {  	v49 =	vld.idx.msk [tilespmem:v63+s2+$0x0], $0xffff;
	v63 =	vor.u32 $0x180, v22;
	[tilespmem:s30+$0x12500] =	vst v48  }
0x108: {  	v36 =	vadd.f32 v37, v36;
	v57 =	vor.u32 $0x180, v21;
	v53 =	vld.idx.msk [tilespmem:v53+s2+$0x0], $0xffff  }
0x109: {  	v37 =	vadd.f32 v40, v38;
	v39 =	vadd.f32 v41, v39;
	v58 =	vor.u32 $0x180, v25;
	v38 =	vld.idx.msk [tilespmem:v60+s2+$0x0], $0xffff  }
0x10a: {  	v43 =	vadd.f32 v44, v43;
	v54 =	vor.u32 $0x180, v30;
	v59 =	vadd.f32 v46, v42;
	v42 =	vld.idx.msk [tilespmem:v61+s2+$0x0], $0xffff  }
0x10b: {  	v56 =	vor.u32 $0x180, v29;
	v50 =	vadd.f32 v50, v52;
	v61 =	vadd.f32 v47, v45;
	v45 =	vld.idx.msk [tilespmem:v62+s2+$0x0], $0xffff  }
0x10c: {  	v49 =	vadd.f32 v49, v51;
	v52 =	vadd.f32 v59, v39;
	v59 =	vor.u32 $0x180, v32;
	v48 =	vld.idx.msk [tilespmem:v63+s2+$0x0], $0xffff  }
0x10d: {  	v36 =	vadd.f32 v37, v36;
	v60 =	vor.u32 $0x180, v24;
	v39 =	vld.idx.msk [tilespmem:v57+s2+$0x0], $0xffff  }
0x10e: {  	v62 =	vor.u32 $0x180, v26;
	v40 =	vld.idx.msk [tilespmem:v58+s2+$0x0], $0xffff;
	v55 =	vadd.f32 v49, v50;
	v43 =	vadd.f32 v61, v43  }
0x10f: {  	v63 =	vor.u32 $0x180, v31;
	v37 =	vld.idx.msk [tilespmem:v54+s2+$0x0], $0xffff  }
0x110: {  	v57 =	vor.u32 $0x180, v33;
	v36 =	vadd.f32 v52, v36;
	v49 =	vld.idx.msk [tilespmem:v56+s2+$0x0], $0xffff;
	v58 =	vadd.f32 v55, v43  }
0x111: {  	v61 =	vor.u32 $0x180, v35;
	v44 =	vld.idx.msk [tilespmem:v59+s2+$0x0], $0xffff  }
0x112: {  	v46 =	vld.idx.msk [tilespmem:v60+s2+$0x0], $0xffff;
	v60 =	vor.u32 $0x180, v34;
	v36 =	vadd.f32 v58, v36  }
0x113: {  	v43 =	vld.idx.msk [tilespmem:v62+s2+$0x0], $0xffff  }
0x114: {  	v47 =	vld.idx.msk [tilespmem:v63+s2+$0x0], $0xffff;
	v62 =	vor.u32 $0x200, v3;
	v36 =	vmul.f32 v36, v0  }
0x115: {  	v50 =	vld.idx.msk [tilespmem:v57+s2+$0x0], $0xffff;
	v63 =	vor.u32 $0x200, v2  }
0x116: {  	v55 =	vor.u32 $0x200, v4;
	v41 =	vld.idx.msk [tilespmem:v61+s2+$0x0], $0xffff;
	v36 =	vadd.f32 v36, v1  }
0x117: {  	v61 =	vor.u32 $0x200, v6;
	v51 =	vld.idx.msk [tilespmem:v60+s2+$0x0], $0xffff  }
0x118: {  	v54 =	vor.u32 $0x200, v8;
	[tilespmem:s13+$0x12400] =	vst v36  }
0x119: {  	v56 =	vor.u32 $0x200, v13;
	v38 =	vadd.f32 v38, v53;
	v42 =	vadd.f32 v45, v42;
	v52 =	vld.idx.msk [tilespmem:v62+s2+$0x0], $0xffff  }
0x11a: {  	v39 =	vadd.f32 v39, v48;
	v37 =	vadd.f32 v49, v37;
	v60 =	vor.u32 $0x200, v7;
	v45 =	vld.idx.msk [tilespmem:v63+s2+$0x0], $0xffff  }
0x11b: {  	v59 =	vor.u32 $0x200, v11;
	v40 =	vadd.f32 v46, v40;
	v43 =	vadd.f32 v47, v43;
	v46 =	vld.idx.msk [tilespmem:v55+s2+$0x0], $0xffff  }
0x11c: {  	v44 =	vadd.f32 v44, v50;
	v62 =	vor.u32 $0x200, v5;
	v36 =	vld.idx.msk [tilespmem:v61+s2+$0x0], $0xffff;
	v41 =	vadd.f32 v41, v51  }
0x11d: {  	v38 =	vadd.f32 v42, v38;
	v39 =	vadd.f32 v40, v39;
	v63 =	vor.u32 $0x200, v9;
	v48 =	vld.idx.msk [tilespmem:v54+s2+$0x0], $0xffff  }
0x11e: {  	v37 =	vadd.f32 v37, v43;
	v55 =	vor.u32 $0x200, v10;
	v49 =	vld.idx.msk [tilespmem:v56+s2+$0x0], $0xffff;
	v41 =	vadd.f32 v41, v44  }
0x11f: {  	v61 =	vor.u32 $0x200, v14;
	v47 =	vld.idx.msk [tilespmem:v60+s2+$0x0], $0xffff  }
0x120: {  	v38 =	vadd.f32 v39, v38;
	v60 =	vor.u32 $0x200, v15;
	v44 =	vld.idx.msk [tilespmem:v59+s2+$0x0], $0xffff;
	v37 =	vadd.f32 v41, v37  }
0x121: {  	v58 =	vor.u32 $0x200, v12;
	v40 =	vld.idx.msk [tilespmem:v62+s2+$0x0], $0xffff  }
0x122: {  	v43 =	vld.idx.msk [tilespmem:v63+s2+$0x0], $0xffff;
	v62 =	vor.u32 $0x200, v16;
	v37 =	vadd.f32 v37, v38  }
0x123: {  	v39 =	vld.idx.msk [tilespmem:v55+s2+$0x0], $0xffff;
	v63 =	vor.u32 $0x200, v17  }
0x124: {  	v53 =	vor.u32 $0x200, v19;
	v41 =	vld.idx.msk [tilespmem:v61+s2+$0x0], $0xffff;
	v37 =	vmul.f32 v37, v27  }
0x125: {  	v51 =	vld.idx.msk [tilespmem:v60+s2+$0x0], $0xffff;
	v60 =	vor.u32 $0x200, v18  }
0x126: {  	v61 =	vor.u32 $0x200, v20;
	v38 =	vld.idx.msk [tilespmem:v58+s2+$0x0], $0xffff;
	v37 =	vadd.f32 v37, v28  }
0x127: {  	v50 =	vld.idx.msk [tilespmem:v62+s2+$0x0], $0xffff;
	v62 =	vor.u32 $0x200, v23  }
0x128: {  	v45 =	vadd.f32 v45, v52;
	v46 =	vadd.f32 v47, v46;
	v42 =	vld.idx.msk [tilespmem:v63+s2+$0x0], $0xffff;
	v63 =	vor.u32 $0x200, v22;
	[tilespmem:s30+$0x12580] =	vst v37  }
0x129: {  	v57 =	vor.u32 $0x200, v21;
	v53 =	vld.idx.msk [tilespmem:v53+s2+$0x0], $0xffff  }
0x12a: {  	v45 =	vadd.f32 v46, v45;
	v46 =	vor.u32 $0x200, v35;
	v47 =	vld.idx.msk [tilespmem:v60+s2+$0x0], $0xffff  }
0x12b: {  	v59 =	vor.u32 $0x200, v25;
	v36 =	vadd.f32 v40, v36;
	v60 =	vadd.f32 v48, v43;
	v43 =	vld.idx.msk [tilespmem:v61+s2+$0x0], $0xffff  }
0x12c: {  	v56 =	vor.u32 $0x200, v29;
	v39 =	vadd.f32 v49, v39;
	v38 =	vadd.f32 v44, v38;
	v44 =	vld.idx.msk [tilespmem:v62+s2+$0x0], $0xffff  }
0x12d: {  	v58 =	vor.u32 $0x200, v32;
	v41 =	vadd.f32 v41, v51;
	v42 =	vadd.f32 v42, v50;
	v37 =	vld.idx.msk [tilespmem:v63+s2+$0x0], $0xffff  }
0x12e: {  	v61 =	vor.u32 $0x200, v24;
	v40 =	vld.idx.msk [tilespmem:v57+s2+$0x0], $0xffff;
	v38 =	vadd.f32 v38, v39  }
0x12f: {  	v62 =	vor.u32 $0x200, v26;
	v46 =	vld.idx.msk [tilespmem:v46+s2+$0x0], $0xffff;
	v36 =	vadd.f32 v60, v36;
	v55 =	vadd.f32 v42, v41  }
0x130: {  	v63 =	vor.u32 $0x200, v31;
	v41 =	vld.idx.msk [tilespmem:v59+s2+$0x0], $0xffff  }
0x131: {  	v57 =	vor.u32 $0x200, v33;
	v42 =	vld.idx.msk [tilespmem:v56+s2+$0x0], $0xffff;
	v36 =	vadd.f32 v36, v45;
	v38 =	vadd.f32 v55, v38  }
0x132: {  	v54 =	vor.u32 $0x200, v30;
	v45 =	vld.idx.msk [tilespmem:v58+s2+$0x0], $0xffff  }
0x133: {  	v59 =	vor.u32 $0x200, v34;
	v48 =	vld.idx.msk [tilespmem:v61+s2+$0x0], $0xffff;
	v36 =	vadd.f32 v38, v36  }
0x134: {  	v39 =	vld.idx.msk [tilespmem:v62+s2+$0x0], $0xffff  }
0x135: {  	v60 =	vor.u32 $0x280, v3;
	v49 =	vld.idx.msk [tilespmem:v63+s2+$0x0], $0xffff;
	v36 =	vmul.f32 v36, v0  }
0x136: {  	v51 =	vld.idx.msk [tilespmem:v57+s2+$0x0], $0xffff;
	v61 =	vor.u32 $0x280, v2  }
0x137: {  	v62 =	vor.u32 $0x280, v4;
	v38 =	vld.idx.msk [tilespmem:v54+s2+$0x0], $0xffff;
	v36 =	vadd.f32 v36, v1  }
0x138: {  	v63 =	vor.u32 $0x280, v7;
	v50 =	vld.idx.msk [tilespmem:v59+s2+$0x0], $0xffff  }
0x139: {  	v57 =	vor.u32 $0x280, v5;
	[tilespmem:s26+$0x12600] =	vst v36  }
0x13a: {  	v47 =	vadd.f32 v47, v53;
	v43 =	vadd.f32 v44, v43;
	v54 =	vor.u32 $0x280, v13;
	v52 =	vld.idx.msk [tilespmem:v60+s2+$0x0], $0xffff  }
0x13b: {  	v58 =	vor.u32 $0x280, v15;
	v37 =	vadd.f32 v40, v37;
	v39 =	vadd.f32 v49, v39;
	v44 =	vld.idx.msk [tilespmem:v61+s2+$0x0], $0xffff  }
0x13c: {  	v38 =	vadd.f32 v42, v38;
	v36 =	vor.u32 $0x280, v6;
	v61 =	vadd.f32 v48, v41;
	v41 =	vld.idx.msk [tilespmem:v62+s2+$0x0], $0xffff  }
0x13d: {  	v59 =	vor.u32 $0x280, v14;
	v45 =	vadd.f32 v45, v51;
	v46 =	vadd.f32 v46, v50;
	v42 =	vld.idx.msk [tilespmem:v63+s2+$0x0], $0xffff  }
0x13e: {  	v43 =	vadd.f32 v43, v47;
	v60 =	vor.u32 $0x280, v9;
	v40 =	vld.idx.msk [tilespmem:v57+s2+$0x0], $0xffff;
	v38 =	vadd.f32 v38, v39  }
0x13f: {  	v62 =	vor.u32 $0x280, v8;
	v49 =	vld.idx.msk [tilespmem:v54+s2+$0x0], $0xffff;
	v56 =	vadd.f32 v46, v45;
	v37 =	vadd.f32 v61, v37  }
0x140: {  	v63 =	vor.u32 $0x280, v10;
	v51 =	vld.idx.msk [tilespmem:v58+s2+$0x0], $0xffff  }
0x141: {  	v57 =	vor.u32 $0x280, v11;
	v38 =	vadd.f32 v56, v38;
	v36 =	vld.idx.msk [tilespmem:v36+s2+$0x0], $0xffff;
	v37 =	vadd.f32 v37, v43  }
0x142: {  	v55 =	vor.u32 $0x280, v12;
	v43 =	vld.idx.msk [tilespmem:v59+s2+$0x0], $0xffff  }
0x143: {  	v61 =	vor.u32 $0x280, v17;
	v45 =	vld.idx.msk [tilespmem:v60+s2+$0x0], $0xffff;
	v37 =	vadd.f32 v38, v37  }
0x144: {  	v48 =	vld.idx.msk [tilespmem:v62+s2+$0x0], $0xffff;
	v60 =	vor.u32 $0x280, v16  }
0x145: {  	v39 =	vld.idx.msk [tilespmem:v63+s2+$0x0], $0xffff;
	v62 =	vor.u32 $0x280, v19;
	v37 =	vmul.f32 v37, v27  }
0x146: {  	v46 =	vld.idx.msk [tilespmem:v57+s2+$0x0], $0xffff;
	v63 =	vor.u32 $0x280, v18  }
0x147: {  	v38 =	vld.idx.msk [tilespmem:v55+s2+$0x0], $0xffff;
	v55 =	vor.u32 $0x280, v20;
	v37 =	vadd.f32 v37, v28  }
0x148: {  	v56 =	vor.u32 $0x280, v23;
	v47 =	vld.idx.msk [tilespmem:v61+s2+$0x0], $0xffff  }
0x149: {  	v61 =	vor.u32 $0x280, v21;
	v50 =	vld.idx.msk [tilespmem:v60+s2+$0x0], $0xffff;
	[tilespmem:s30+$0x12600] =	vst v37  }
0x14a: {  	v54 =	vor.u32 $0x280, v24;
	v53 =	vld.idx.msk [tilespmem:v62+s2+$0x0], $0xffff  }
0x14b: {  	v44 =	vadd.f32 v44, v52;
	v41 =	vadd.f32 v42, v41;
	v60 =	vor.u32 $0x280, v22;
	v42 =	vld.idx.msk [tilespmem:v63+s2+$0x0], $0xffff  }
0x14c: {  	v59 =	vor.u32 $0x280, v29;
	v36 =	vadd.f32 v40, v36;
	v63 =	vadd.f32 v48, v45;
	v45 =	vld.idx.msk [tilespmem:v55+s2+$0x0], $0xffff  }
0x14d: {  	v39 =	vadd.f32 v49, v39;
	v38 =	vadd.f32 v46, v38;
	v62 =	vor.u32 $0x280, v25;
	v46 =	vld.idx.msk [tilespmem:v56+s2+$0x0], $0xffff  }
0x14e: {  	v43 =	vadd.f32 v43, v51;
	v55 =	vor.u32 $0x280, v26;
	v40 =	vld.idx.msk [tilespmem:v61+s2+$0x0], $0xffff;
	v47 =	vadd.f32 v47, v50  }
0x14f: {  	v41 =	vadd.f32 v41, v44;
	v56 =	vor.u32 $0x280, v31;
	v38 =	vadd.f32 v38, v39;
	v48 =	vld.idx.msk [tilespmem:v54+s2+$0x0], $0xffff  }
0x150: {  	v61 =	vor.u32 $0x280, v32;
	v37 =	vld.idx.msk [tilespmem:v60+s2+$0x0], $0xffff;
	v36 =	vadd.f32 v63, v36;
	v58 =	vadd.f32 v47, v43  }
0x151: {  	v60 =	vor.u32 $0x280, v33;
	v47 =	vld.idx.msk [tilespmem:v59+s2+$0x0], $0xffff  }
0x152: {  	v63 =	vor.u32 $0x280, v35;
	v36 =	vadd.f32 v36, v41;
	v43 =	vld.idx.msk [tilespmem:v62+s2+$0x0], $0xffff;
	v38 =	vadd.f32 v58, v38  }
0x153: {  	v57 =	vor.u32 $0x280, v30;
	v39 =	vld.idx.msk [tilespmem:v55+s2+$0x0], $0xffff  }
0x154: {  	v49 =	vld.idx.msk [tilespmem:v56+s2+$0x0], $0xffff;
	v62 =	vor.u32 $0x280, v34;
	v36 =	vadd.f32 v38, v36  }
0x155: {  	v41 =	vld.idx.msk [tilespmem:v61+s2+$0x0], $0xffff  }
0x156: {  	v52 =	vor.u32 $0x300, v3;
	v51 =	vld.idx.msk [tilespmem:v60+s2+$0x0], $0xffff;
	v36 =	vmul.f32 v36, v0  }
0x157: {  	v60 =	vor.u32 $0x300, v2;
	v44 =	vld.idx.msk [tilespmem:v63+s2+$0x0], $0xffff  }
0x158: {  	v61 =	vor.u32 $0x300, v4;
	v38 =	vld.idx.msk [tilespmem:v57+s2+$0x0], $0xffff;
	v36 =	vadd.f32 v36, v1  }
0x159: {  	v50 =	vld.idx.msk [tilespmem:v62+s2+$0x0], $0xffff;
	v62 =	vor.u32 $0x300, v7  }
0x15a: {  	v42 =	vadd.f32 v42, v53;
	v45 =	vadd.f32 v46, v45;
	v63 =	vor.u32 $0x300, v6;
	[tilespmem:s26+$0x12680] =	vst v36  }
0x15b: {  	v37 =	vadd.f32 v40, v37;
	v57 =	vor.u32 $0x300, v5;
	v52 =	vld.idx.msk [tilespmem:v52+s2+$0x0], $0xffff  }
0x15c: {  	v42 =	vadd.f32 v45, v42;
	v45 =	vor.u32 $0x300, v17;
	v39 =	vadd.f32 v49, v39;
	v46 =	vld.idx.msk [tilespmem:v60+s2+$0x0], $0xffff  }
0x15d: {  	v59 =	vor.u32 $0x300, v9;
	v38 =	vadd.f32 v47, v38;
	v60 =	vadd.f32 v48, v43;
	v43 =	vld.idx.msk [tilespmem:v61+s2+$0x0], $0xffff  }
0x15e: {  	v56 =	vor.u32 $0x300, v11;
	v41 =	vadd.f32 v41, v51;
	v47 =	vld.idx.msk [tilespmem:v62+s2+$0x0], $0xffff;
	v44 =	vadd.f32 v44, v50  }
0x15f: {  	v58 =	vor.u32 $0x300, v14;
	v36 =	vld.idx.msk [tilespmem:v63+s2+$0x0], $0xffff;
	v38 =	vadd.f32 v38, v39  }
0x160: {  	v61 =	vor.u32 $0x300, v8;
	v40 =	vld.idx.msk [tilespmem:v57+s2+$0x0], $0xffff;
	v37 =	vadd.f32 v60, v37;
	v55 =	vadd.f32 v44, v41  }
0x161: {  	v62 =	vor.u32 $0x300, v10;
	v45 =	vld.idx.msk [tilespmem:v45+s2+$0x0], $0xffff  }
0x162: {  	v63 =	vor.u32 $0x300, v13;
	v41 =	vld.idx.msk [tilespmem:v59+s2+$0x0], $0xffff;
	v37 =	vadd.f32 v37, v42;
	v38 =	vadd.f32 v55, v38  }
0x163: {  	v57 =	vor.u32 $0x300, v15;
	v44 =	vld.idx.msk [tilespmem:v56+s2+$0x0], $0xffff  }
0x164: {  	v54 =	vor.u32 $0x300, v12;
	v42 =	vld.idx.msk [tilespmem:v58+s2+$0x0], $0xffff;
	v37 =	vadd.f32 v38, v37  }
0x165: {  	v59 =	vor.u32 $0x300, v16;
	v48 =	vld.idx.msk [tilespmem:v61+s2+$0x0], $0xffff  }
0x166: {  	v60 =	vor.u32 $0x300, v19;
	v39 =	vld.idx.msk [tilespmem:v62+s2+$0x0], $0xffff;
	v37 =	vmul.f32 v37, v27  }
0x167: {  	v49 =	vld.idx.msk [tilespmem:v63+s2+$0x0], $0xffff;
	v61 =	vor.u32 $0x300, v18  }
0x168: {  	v51 =	vld.idx.msk [tilespmem:v57+s2+$0x0], $0xffff;
	v62 =	vor.u32 $0x300, v20;
	v37 =	vadd.f32 v37, v28  }
0x169: {  	v63 =	vor.u32 $0x300, v23;
	v38 =	vld.idx.msk [tilespmem:v54+s2+$0x0], $0xffff  }
0x16a: {  	v57 =	vor.u32 $0x300, v21;
	v50 =	vld.idx.msk [tilespmem:v59+s2+$0x0], $0xffff;
	[tilespmem:s30+$0x12680] =	vst v37  }
0x16b: {  	v54 =	vor.u32 $0x300, v31;
	v53 =	vld.idx.msk [tilespmem:v60+s2+$0x0], $0xffff  }
0x16c: {  	v58 =	vor.u32 $0x300, v33;
	v46 =	vadd.f32 v46, v52;
	v43 =	vadd.f32 v47, v43;
	v47 =	vld.idx.msk [tilespmem:v61+s2+$0x0], $0xffff  }
0x16d: {  	v36 =	vadd.f32 v40, v36;
	v37 =	vor.u32 $0x300, v22;
	v61 =	vadd.f32 v48, v41;
	v41 =	vld.idx.msk [tilespmem:v62+s2+$0x0], $0xffff  }
0x16e: {  	v59 =	vor.u32 $0x300, v32;
	v39 =	vadd.f32 v49, v39;
	v38 =	vadd.f32 v44, v38;
	v44 =	vld.idx.msk [tilespmem:v63+s2+$0x0], $0xffff  }
0x16f: {  	v42 =	vadd.f32 v42, v51;
	v45 =	vadd.f32 v45, v50;
	v60 =	vor.u32 $0x300, v25;
	v40 =	vld.idx.msk [tilespmem:v57+s2+$0x0], $0xffff  }
0x170: {  	v43 =	vadd.f32 v43, v46;
	v62 =	vor.u32 $0x300, v24;
	v38 =	vadd.f32 v38, v39;
	v49 =	vld.idx.msk [tilespmem:v54+s2+$0x0], $0xffff  }
0x171: {  	v63 =	vor.u32 $0x300, v26;
	v51 =	vld.idx.msk [tilespmem:v58+s2+$0x0], $0xffff;
	v56 =	vadd.f32 v45, v42;
	v36 =	vadd.f32 v61, v36  }
0x172: {  	v57 =	vor.u32 $0x300, v29;
	v37 =	vld.idx.msk [tilespmem:v37+s2+$0x0], $0xffff  }
0x173: {  	v55 =	vor.u32 $0x300, v30;
	v38 =	vadd.f32 v56, v38;
	v36 =	vadd.f32 v36, v43;
	v43 =	vld.idx.msk [tilespmem:v59+s2+$0x0], $0xffff  }
0x174: {  	v61 =	vor.u32 $0x300, v35;
	v42 =	vld.idx.msk [tilespmem:v60+s2+$0x0], $0xffff  }
0x175: {  	v48 =	vld.idx.msk [tilespmem:v62+s2+$0x0], $0xffff;
	v60 =	vor.u32 $0x300, v34;
	v36 =	vadd.f32 v38, v36  }
0x176: {  	v39 =	vld.idx.msk [tilespmem:v63+s2+$0x0], $0xffff  }
0x177: {  	v45 =	vld.idx.msk [tilespmem:v57+s2+$0x0], $0xffff;
	v62 =	vor.u32 $0x380, v3;
	v36 =	vmul.f32 v36, v0  }
0x178: {  	v63 =	vor.u32 $0x380, v2;
	v38 =	vld.idx.msk [tilespmem:v55+s2+$0x0], $0xffff  }
0x179: {  	v55 =	vor.u32 $0x380, v4;
	v46 =	vld.idx.msk [tilespmem:v61+s2+$0x0], $0xffff;
	v36 =	vadd.f32 v36, v1  }
0x17a: {  	v56 =	vor.u32 $0x380, v7;
	v50 =	vld.idx.msk [tilespmem:v60+s2+$0x0], $0xffff  }
0x17b: {  	v61 =	vor.u32 $0x380, v5;
	[tilespmem:s3+$0x12400] =	vst v36  }
0x17c: {  	v54 =	vor.u32 $0x380, v8;
	v47 =	vadd.f32 v47, v53;
	v41 =	vadd.f32 v44, v41;
	v52 =	vld.idx.msk [tilespmem:v62+s2+$0x0], $0xffff  }
0x17d: {  	v37 =	vadd.f32 v40, v37;
	v60 =	vor.u32 $0x380, v6;
	v39 =	vadd.f32 v49, v39;
	v44 =	vld.idx.msk [tilespmem:v63+s2+$0x0], $0xffff  }
0x17e: {  	v59 =	vor.u32 $0x380, v11;
	v38 =	vadd.f32 v45, v38;
	v63 =	vadd.f32 v48, v42;
	v42 =	vld.idx.msk [tilespmem:v55+s2+$0x0], $0xffff  }
0x17f: {  	v43 =	vadd.f32 v43, v51;
	v62 =	vor.u32 $0x380, v9;
	v45 =	vld.idx.msk [tilespmem:v56+s2+$0x0], $0xffff;
	v46 =	vadd.f32 v46, v50  }
0x180: {  	v41 =	vadd.f32 v41, v47;
	v55 =	vor.u32 $0x380, v10;
	v40 =	vld.idx.msk [tilespmem:v61+s2+$0x0], $0xffff;
	v38 =	vadd.f32 v38, v39  }
0x181: {  	v56 =	vor.u32 $0x380, v13;
	v48 =	vld.idx.msk [tilespmem:v54+s2+$0x0], $0xffff;
	v37 =	vadd.f32 v63, v37;
	v58 =	vadd.f32 v46, v43  }
0x182: {  	v61 =	vor.u32 $0x380, v14;
	v36 =	vld.idx.msk [tilespmem:v60+s2+$0x0], $0xffff  }
0x183: {  	v60 =	vor.u32 $0x380, v15;
	v37 =	vadd.f32 v37, v41;
	v46 =	vld.idx.msk [tilespmem:v59+s2+$0x0], $0xffff;
	v38 =	vadd.f32 v58, v38  }
0x184: {  	v57 =	vor.u32 $0x380, v12;
	v43 =	vld.idx.msk [tilespmem:v62+s2+$0x0], $0xffff  }
0x185: {  	v39 =	vld.idx.msk [tilespmem:v55+s2+$0x0], $0xffff;
	v62 =	vor.u32 $0x380, v16;
	v37 =	vadd.f32 v38, v37  }
0x186: {  	v63 =	vor.u32 $0x380, v17;
	v49 =	vld.idx.msk [tilespmem:v56+s2+$0x0], $0xffff  }
0x187: {  	v53 =	vor.u32 $0x380, v19;
	v41 =	vld.idx.msk [tilespmem:v61+s2+$0x0], $0xffff;
	v37 =	vmul.f32 v37, v27  }
0x188: {  	v51 =	vld.idx.msk [tilespmem:v60+s2+$0x0], $0xffff;
	v60 =	vor.u32 $0x380, v18  }
0x189: {  	v61 =	vor.u32 $0x380, v20;
	v38 =	vld.idx.msk [tilespmem:v57+s2+$0x0], $0xffff;
	v37 =	vadd.f32 v37, v28  }
0x18a: {  	v50 =	vld.idx.msk [tilespmem:v62+s2+$0x0], $0xffff;
	v62 =	vor.u32 $0x380, v23  }
0x18b: {  	v44 =	vadd.f32 v44, v52;
	v42 =	vadd.f32 v45, v42;
	v47 =	vld.idx.msk [tilespmem:v63+s2+$0x0], $0xffff;
	v63 =	vor.u32 $0x380, v22;
	[tilespmem:s12+$0x12400] =	vst v37  }
0x18c: {  	v57 =	vor.u32 $0x380, v21;
	v53 =	vld.idx.msk [tilespmem:v53+s2+$0x0], $0xffff  }
0x18d: {  	v42 =	vadd.f32 v42, v44;
	v44 =	vor.u32 $0x380, v35;
	v45 =	vld.idx.msk [tilespmem:v60+s2+$0x0], $0xffff  }
0x18e: {  	v59 =	vor.u32 $0x380, v25;
	v36 =	vadd.f32 v40, v36;
	v60 =	vadd.f32 v48, v43;
	v43 =	vld.idx.msk [tilespmem:v61+s2+$0x0], $0xffff  }
0x18f: {  	v56 =	vor.u32 $0x380, v29;
	v39 =	vadd.f32 v49, v39;
	v38 =	vadd.f32 v46, v38;
	v46 =	vld.idx.msk [tilespmem:v62+s2+$0x0], $0xffff  }
0x190: {  	v58 =	vor.u32 $0x380, v32;
	v41 =	vadd.f32 v41, v51;
	v47 =	vadd.f32 v47, v50;
	v37 =	vld.idx.msk [tilespmem:v63+s2+$0x0], $0xffff  }
0x191: {  	v61 =	vor.u32 $0x380, v24;
	v40 =	vld.idx.msk [tilespmem:v57+s2+$0x0], $0xffff;
	v38 =	vadd.f32 v38, v39  }
0x192: {  	v62 =	vor.u32 $0x380, v26;
	v44 =	vld.idx.msk [tilespmem:v44+s2+$0x0], $0xffff;
	v36 =	vadd.f32 v60, v36;
	v55 =	vadd.f32 v47, v41  }
0x193: {  	v63 =	vor.u32 $0x380, v31;
	v41 =	vld.idx.msk [tilespmem:v59+s2+$0x0], $0xffff  }
0x194: {  	v57 =	vor.u32 $0x380, v33;
	v47 =	vld.idx.msk [tilespmem:v56+s2+$0x0], $0xffff;
	v36 =	vadd.f32 v36, v42;
	v38 =	vadd.f32 v55, v38  }
0x195: {  	v54 =	vor.u32 $0x380, v30;
	v42 =	vld.idx.msk [tilespmem:v58+s2+$0x0], $0xffff  }
0x196: {  	v59 =	vor.u32 $0x380, v34;
	v48 =	vld.idx.msk [tilespmem:v61+s2+$0x0], $0xffff;
	v36 =	vadd.f32 v38, v36  }
0x197: {  	v39 =	vld.idx.msk [tilespmem:v62+s2+$0x0], $0xffff  }
0x198: {  	v60 =	vadd.s32 $0x8000, v3;
	v49 =	vld.idx.msk [tilespmem:v63+s2+$0x0], $0xffff;
	v36 =	vmul.f32 v36, v0  }
0x199: {  	v51 =	vld.idx.msk [tilespmem:v57+s2+$0x0], $0xffff;
	v61 =	vadd.s32 $0x8000, v2  }
0x19a: {  	v62 =	vadd.s32 $0x8000, v4;
	v38 =	vld.idx.msk [tilespmem:v54+s2+$0x0], $0xffff;
	v36 =	vadd.f32 v36, v1  }
0x19b: {  	v63 =	vadd.s32 $0x8000, v7;
	v50 =	vld.idx.msk [tilespmem:v59+s2+$0x0], $0xffff  }
0x19c: {  	v57 =	vadd.s32 $0x8000, v5;
	[tilespmem:s0+$0x12400] =	vst v36  }
0x19d: {  	v45 =	vadd.f32 v45, v53;
	v43 =	vadd.f32 v46, v43;
	v54 =	vadd.s32 $0x8000, v13;
	v52 =	vld.idx.msk [tilespmem:v60+s2+$0x0], $0xffff  }
0x19e: {  	v58 =	vadd.s32 $0x8000, v15;
	v37 =	vadd.f32 v40, v37;
	v39 =	vadd.f32 v49, v39;
	v46 =	vld.idx.msk [tilespmem:v61+s2+$0x0], $0xffff  }
0x19f: {  	v38 =	vadd.f32 v47, v38;
	v36 =	vadd.s32 $0x8000, v6;
	v61 =	vadd.f32 v48, v41;
	v41 =	vld.idx.msk [tilespmem:v62+s2+$0x0], $0xffff  }
0x1a0: {  	v59 =	vadd.s32 $0x8000, v14;
	v42 =	vadd.f32 v42, v51;
	v44 =	vadd.f32 v44, v50;
	v47 =	vld.idx.msk [tilespmem:v63+s2+$0x0], $0xffff  }
0x1a1: {  	v43 =	vadd.f32 v43, v45;
	v60 =	vadd.s32 $0x8000, v9;
	v40 =	vld.idx.msk [tilespmem:v57+s2+$0x0], $0xffff;
	v38 =	vadd.f32 v38, v39  }
0x1a2: {  	v62 =	vadd.s32 $0x8000, v8;
	v49 =	vld.idx.msk [tilespmem:v54+s2+$0x0], $0xffff;
	v56 =	vadd.f32 v44, v42;
	v37 =	vadd.f32 v61, v37  }
0x1a3: {  	v63 =	vadd.s32 $0x8000, v10;
	v51 =	vld.idx.msk [tilespmem:v58+s2+$0x0], $0xffff  }
0x1a4: {  	v57 =	vadd.s32 $0x8000, v11;
	v38 =	vadd.f32 v56, v38;
	v36 =	vld.idx.msk [tilespmem:v36+s2+$0x0], $0xffff;
	v37 =	vadd.f32 v37, v43  }
0x1a5: {  	v55 =	vadd.s32 $0x8000, v12;
	v43 =	vld.idx.msk [tilespmem:v59+s2+$0x0], $0xffff  }
0x1a6: {  	v61 =	vadd.s32 $0x8000, v17;
	v42 =	vld.idx.msk [tilespmem:v60+s2+$0x0], $0xffff;
	v37 =	vadd.f32 v38, v37  }
0x1a7: {  	v48 =	vld.idx.msk [tilespmem:v62+s2+$0x0], $0xffff;
	v60 =	vadd.s32 $0x8000, v16  }
0x1a8: {  	v39 =	vld.idx.msk [tilespmem:v63+s2+$0x0], $0xffff;
	v62 =	vadd.s32 $0x8000, v19;
	v37 =	vmul.f32 v37, v27  }
0x1a9: {  	v44 =	vld.idx.msk [tilespmem:v57+s2+$0x0], $0xffff;
	v63 =	vadd.s32 $0x8000, v18  }
0x1aa: {  	v38 =	vld.idx.msk [tilespmem:v55+s2+$0x0], $0xffff;
	v55 =	vadd.s32 $0x8000, v20;
	v37 =	vadd.f32 v37, v28  }
0x1ab: {  	v56 =	vadd.s32 $0x8000, v23;
	v45 =	vld.idx.msk [tilespmem:v61+s2+$0x0], $0xffff  }
0x1ac: {  	v61 =	vadd.s32 $0x8000, v21;
	v50 =	vld.idx.msk [tilespmem:v60+s2+$0x0], $0xffff;
	[tilespmem:s10+$0x12400] =	vst v37  }
0x1ad: {  	v54 =	vadd.s32 $0x8000, v24;
	v53 =	vld.idx.msk [tilespmem:v62+s2+$0x0], $0xffff  }
0x1ae: {  	v46 =	vadd.f32 v46, v52;
	v41 =	vadd.f32 v47, v41;
	v60 =	vadd.s32 $0x8000, v22;
	v47 =	vld.idx.msk [tilespmem:v63+s2+$0x0], $0xffff  }
0x1af: {  	v59 =	vadd.s32 $0x8000, v29;
	v36 =	vadd.f32 v40, v36;
	v63 =	vadd.f32 v48, v42;
	v42 =	vld.idx.msk [tilespmem:v55+s2+$0x0], $0xffff  }
0x1b0: {  	v39 =	vadd.f32 v49, v39;
	v38 =	vadd.f32 v44, v38;
	v62 =	vadd.s32 $0x8000, v25;
	v44 =	vld.idx.msk [tilespmem:v56+s2+$0x0], $0xffff  }
0x1b1: {  	v43 =	vadd.f32 v43, v51;
	v55 =	vadd.s32 $0x8000, v26;
	v40 =	vld.idx.msk [tilespmem:v61+s2+$0x0], $0xffff;
	v45 =	vadd.f32 v45, v50  }
0x1b2: {  	v41 =	vadd.f32 v41, v46;
	v56 =	vadd.s32 $0x8000, v31;
	v38 =	vadd.f32 v38, v39;
	v48 =	vld.idx.msk [tilespmem:v54+s2+$0x0], $0xffff  }
0x1b3: {  	v61 =	vadd.s32 $0x8000, v32;
	v37 =	vld.idx.msk [tilespmem:v60+s2+$0x0], $0xffff;
	v36 =	vadd.f32 v63, v36;
	v58 =	vadd.f32 v45, v43  }
0x1b4: {  	v60 =	vadd.s32 $0x8000, v33;
	v45 =	vld.idx.msk [tilespmem:v59+s2+$0x0], $0xffff  }
0x1b5: {  	v63 =	vadd.s32 $0x8000, v35;
	v36 =	vadd.f32 v36, v41;
	v43 =	vld.idx.msk [tilespmem:v62+s2+$0x0], $0xffff;
	v38 =	vadd.f32 v58, v38  }
0x1b6: {  	v57 =	vadd.s32 $0x8000, v30;
	v39 =	vld.idx.msk [tilespmem:v55+s2+$0x0], $0xffff  }
0x1b7: {  	v49 =	vld.idx.msk [tilespmem:v56+s2+$0x0], $0xffff;
	v62 =	vadd.s32 $0x8000, v34;
	v36 =	vadd.f32 v38, v36  }
0x1b8: {  	v41 =	vld.idx.msk [tilespmem:v61+s2+$0x0], $0xffff  }
0x1b9: {  	v52 =	vadd.s32 $0x8080, v3;
	v51 =	vld.idx.msk [tilespmem:v60+s2+$0x0], $0xffff;
	v36 =	vmul.f32 v36, v0  }
0x1ba: {  	v60 =	vadd.s32 $0x8080, v2;
	v46 =	vld.idx.msk [tilespmem:v63+s2+$0x0], $0xffff  }
0x1bb: {  	v61 =	vadd.s32 $0x8080, v4;
	v38 =	vld.idx.msk [tilespmem:v57+s2+$0x0], $0xffff;
	v36 =	vadd.f32 v36, v1  }
0x1bc: {  	v50 =	vld.idx.msk [tilespmem:v62+s2+$0x0], $0xffff;
	v62 =	vadd.s32 $0x8080, v7  }
0x1bd: {  	v47 =	vadd.f32 v47, v53;
	v42 =	vadd.f32 v44, v42;
	v63 =	vadd.s32 $0x8080, v6;
	[tilespmem:s26+$0x13400] =	vst v36  }
0x1be: {  	v37 =	vadd.f32 v40, v37;
	v57 =	vadd.s32 $0x8080, v5;
	v52 =	vld.idx.msk [tilespmem:v52+s2+$0x0], $0xffff  }
0x1bf: {  	v42 =	vadd.f32 v42, v47;
	v47 =	vadd.s32 $0x8080, v17;
	v39 =	vadd.f32 v49, v39;
	v44 =	vld.idx.msk [tilespmem:v60+s2+$0x0], $0xffff  }
0x1c0: {  	v59 =	vadd.s32 $0x8080, v9;
	v38 =	vadd.f32 v45, v38;
	v60 =	vadd.f32 v48, v43;
	v43 =	vld.idx.msk [tilespmem:v61+s2+$0x0], $0xffff  }
0x1c1: {  	v56 =	vadd.s32 $0x8080, v11;
	v41 =	vadd.f32 v41, v51;
	v45 =	vld.idx.msk [tilespmem:v62+s2+$0x0], $0xffff;
	v46 =	vadd.f32 v46, v50  }
0x1c2: {  	v58 =	vadd.s32 $0x8080, v14;
	v36 =	vld.idx.msk [tilespmem:v63+s2+$0x0], $0xffff;
	v38 =	vadd.f32 v38, v39  }
0x1c3: {  	v61 =	vadd.s32 $0x8080, v8;
	v40 =	vld.idx.msk [tilespmem:v57+s2+$0x0], $0xffff;
	v37 =	vadd.f32 v60, v37;
	v55 =	vadd.f32 v46, v41  }
0x1c4: {  	v62 =	vadd.s32 $0x8080, v10;
	v47 =	vld.idx.msk [tilespmem:v47+s2+$0x0], $0xffff  }
0x1c5: {  	v63 =	vadd.s32 $0x8080, v13;
	v41 =	vld.idx.msk [tilespmem:v59+s2+$0x0], $0xffff;
	v37 =	vadd.f32 v37, v42;
	v38 =	vadd.f32 v55, v38  }
0x1c6: {  	v57 =	vadd.s32 $0x8080, v15;
	v46 =	vld.idx.msk [tilespmem:v56+s2+$0x0], $0xffff  }
0x1c7: {  	v54 =	vadd.s32 $0x8080, v12;
	v42 =	vld.idx.msk [tilespmem:v58+s2+$0x0], $0xffff;
	v37 =	vadd.f32 v38, v37  }
0x1c8: {  	v59 =	vadd.s32 $0x8080, v16;
	v48 =	vld.idx.msk [tilespmem:v61+s2+$0x0], $0xffff  }
0x1c9: {  	v60 =	vadd.s32 $0x8080, v19;
	v39 =	vld.idx.msk [tilespmem:v62+s2+$0x0], $0xffff;
	v37 =	vmul.f32 v37, v27  }
0x1ca: {  	v49 =	vld.idx.msk [tilespmem:v63+s2+$0x0], $0xffff;
	v61 =	vadd.s32 $0x8080, v18  }
0x1cb: {  	v51 =	vld.idx.msk [tilespmem:v57+s2+$0x0], $0xffff;
	v62 =	vadd.s32 $0x8080, v20;
	v37 =	vadd.f32 v37, v28  }
0x1cc: {  	v63 =	vadd.s32 $0x8080, v23;
	v38 =	vld.idx.msk [tilespmem:v54+s2+$0x0], $0xffff  }
0x1cd: {  	v57 =	vadd.s32 $0x8080, v21;
	v50 =	vld.idx.msk [tilespmem:v59+s2+$0x0], $0xffff;
	[tilespmem:s30+$0x13400] =	vst v37  }
0x1ce: {  	v54 =	vadd.s32 $0x8080, v31;
	v53 =	vld.idx.msk [tilespmem:v60+s2+$0x0], $0xffff  }
0x1cf: {  	v58 =	vadd.s32 $0x8080, v33;
	v44 =	vadd.f32 v44, v52;
	v43 =	vadd.f32 v45, v43;
	v45 =	vld.idx.msk [tilespmem:v61+s2+$0x0], $0xffff  }
0x1d0: {  	v36 =	vadd.f32 v40, v36;
	v37 =	vadd.s32 $0x8080, v22;
	v61 =	vadd.f32 v48, v41;
	v41 =	vld.idx.msk [tilespmem:v62+s2+$0x0], $0xffff  }
0x1d1: {  	v59 =	vadd.s32 $0x8080, v32;
	v39 =	vadd.f32 v49, v39;
	v38 =	vadd.f32 v46, v38;
	v46 =	vld.idx.msk [tilespmem:v63+s2+$0x0], $0xffff  }
0x1d2: {  	v42 =	vadd.f32 v42, v51;
	v47 =	vadd.f32 v47, v50;
	v60 =	vadd.s32 $0x8080, v25;
	v40 =	vld.idx.msk [tilespmem:v57+s2+$0x0], $0xffff  }
0x1d3: {  	v43 =	vadd.f32 v43, v44;
	v62 =	vadd.s32 $0x8080, v24;
	v38 =	vadd.f32 v38, v39;
	v49 =	vld.idx.msk [tilespmem:v54+s2+$0x0], $0xffff  }
0x1d4: {  	v63 =	vadd.s32 $0x8080, v26;
	v51 =	vld.idx.msk [tilespmem:v58+s2+$0x0], $0xffff;
	v56 =	vadd.f32 v47, v42;
	v36 =	vadd.f32 v61, v36  }
0x1d5: {  	v57 =	vadd.s32 $0x8080, v29;
	v37 =	vld.idx.msk [tilespmem:v37+s2+$0x0], $0xffff  }
0x1d6: {  	v55 =	vadd.s32 $0x8080, v30;
	v38 =	vadd.f32 v56, v38;
	v36 =	vadd.f32 v36, v43;
	v43 =	vld.idx.msk [tilespmem:v59+s2+$0x0], $0xffff  }
0x1d7: {  	v61 =	vadd.s32 $0x8080, v35;
	v42 =	vld.idx.msk [tilespmem:v60+s2+$0x0], $0xffff  }
0x1d8: {  	v48 =	vld.idx.msk [tilespmem:v62+s2+$0x0], $0xffff;
	v60 =	vadd.s32 $0x8080, v34;
	v36 =	vadd.f32 v38, v36  }
0x1d9: {  	v39 =	vld.idx.msk [tilespmem:v63+s2+$0x0], $0xffff  }
0x1da: {  	v47 =	vld.idx.msk [tilespmem:v57+s2+$0x0], $0xffff;
	v62 =	vadd.s32 $0x8100, v3;
	v36 =	vmul.f32 v36, v0  }
0x1db: {  	v63 =	vadd.s32 $0x8100, v2;
	v38 =	vld.idx.msk [tilespmem:v55+s2+$0x0], $0xffff  }
0x1dc: {  	v55 =	vadd.s32 $0x8100, v4;
	v44 =	vld.idx.msk [tilespmem:v61+s2+$0x0], $0xffff;
	v36 =	vadd.f32 v36, v1  }
0x1dd: {  	v56 =	vadd.s32 $0x8100, v7;
	v50 =	vld.idx.msk [tilespmem:v60+s2+$0x0], $0xffff  }
0x1de: {  	v61 =	vadd.s32 $0x8100, v5;
	[tilespmem:s26+$0x13480] =	vst v36  }
0x1df: {  	v54 =	vadd.s32 $0x8100, v8;
	v45 =	vadd.f32 v45, v53;
	v41 =	vadd.f32 v46, v41;
	v52 =	vld.idx.msk [tilespmem:v62+s2+$0x0], $0xffff  }
0x1e0: {  	v37 =	vadd.f32 v40, v37;
	v60 =	vadd.s32 $0x8100, v6;
	v39 =	vadd.f32 v49, v39;
	v46 =	vld.idx.msk [tilespmem:v63+s2+$0x0], $0xffff  }
0x1e1: {  	v59 =	vadd.s32 $0x8100, v11;
	v38 =	vadd.f32 v47, v38;
	v63 =	vadd.f32 v48, v42;
	v42 =	vld.idx.msk [tilespmem:v55+s2+$0x0], $0xffff  }
0x1e2: {  	v43 =	vadd.f32 v43, v51;
	v62 =	vadd.s32 $0x8100, v9;
	v47 =	vld.idx.msk [tilespmem:v56+s2+$0x0], $0xffff;
	v44 =	vadd.f32 v44, v50  }
0x1e3: {  	v41 =	vadd.f32 v41, v45;
	v55 =	vadd.s32 $0x8100, v10;
	v40 =	vld.idx.msk [tilespmem:v61+s2+$0x0], $0xffff;
	v38 =	vadd.f32 v38, v39  }
0x1e4: {  	v56 =	vadd.s32 $0x8100, v13;
	v48 =	vld.idx.msk [tilespmem:v54+s2+$0x0], $0xffff;
	v37 =	vadd.f32 v63, v37;
	v58 =	vadd.f32 v44, v43  }
0x1e5: {  	v61 =	vadd.s32 $0x8100, v14;
	v36 =	vld.idx.msk [tilespmem:v60+s2+$0x0], $0xffff  }
0x1e6: {  	v60 =	vadd.s32 $0x8100, v15;
	v37 =	vadd.f32 v37, v41;
	v44 =	vld.idx.msk [tilespmem:v59+s2+$0x0], $0xffff;
	v38 =	vadd.f32 v58, v38  }
0x1e7: {  	v57 =	vadd.s32 $0x8100, v12;
	v43 =	vld.idx.msk [tilespmem:v62+s2+$0x0], $0xffff  }
0x1e8: {  	v39 =	vld.idx.msk [tilespmem:v55+s2+$0x0], $0xffff;
	v62 =	vadd.s32 $0x8100, v16;
	v37 =	vadd.f32 v38, v37  }
0x1e9: {  	v63 =	vadd.s32 $0x8100, v17;
	v49 =	vld.idx.msk [tilespmem:v56+s2+$0x0], $0xffff  }
0x1ea: {  	v53 =	vadd.s32 $0x8100, v19;
	v41 =	vld.idx.msk [tilespmem:v61+s2+$0x0], $0xffff;
	v37 =	vmul.f32 v37, v27  }
0x1eb: {  	v51 =	vld.idx.msk [tilespmem:v60+s2+$0x0], $0xffff;
	v60 =	vadd.s32 $0x8100, v18  }
0x1ec: {  	v61 =	vadd.s32 $0x8100, v20;
	v38 =	vld.idx.msk [tilespmem:v57+s2+$0x0], $0xffff;
	v37 =	vadd.f32 v37, v28  }
0x1ed: {  	v50 =	vld.idx.msk [tilespmem:v62+s2+$0x0], $0xffff;
	v62 =	vadd.s32 $0x8100, v23  }
0x1ee: {  	v46 =	vadd.f32 v46, v52;
	v42 =	vadd.f32 v47, v42;
	v45 =	vld.idx.msk [tilespmem:v63+s2+$0x0], $0xffff;
	v63 =	vadd.s32 $0x8100, v22;
	[tilespmem:s30+$0x13480] =	vst v37  }
0x1ef: {  	v57 =	vadd.s32 $0x8100, v21;
	v53 =	vld.idx.msk [tilespmem:v53+s2+$0x0], $0xffff  }
0x1f0: {  	v42 =	vadd.f32 v42, v46;
	v46 =	vadd.s32 $0x8100, v35;
	v47 =	vld.idx.msk [tilespmem:v60+s2+$0x0], $0xffff  }
0x1f1: {  	v59 =	vadd.s32 $0x8100, v25;
	v36 =	vadd.f32 v40, v36;
	v60 =	vadd.f32 v48, v43;
	v43 =	vld.idx.msk [tilespmem:v61+s2+$0x0], $0xffff  }
0x1f2: {  	v56 =	vadd.s32 $0x8100, v29;
	v39 =	vadd.f32 v49, v39;
	v38 =	vadd.f32 v44, v38;
	v44 =	vld.idx.msk [tilespmem:v62+s2+$0x0], $0xffff  }
0x1f3: {  	v58 =	vadd.s32 $0x8100, v32;
	v41 =	vadd.f32 v41, v51;
	v45 =	vadd.f32 v45, v50;
	v37 =	vld.idx.msk [tilespmem:v63+s2+$0x0], $0xffff  }
0x1f4: {  	v61 =	vadd.s32 $0x8100, v24;
	v40 =	vld.idx.msk [tilespmem:v57+s2+$0x0], $0xffff;
	v38 =	vadd.f32 v38, v39  }
0x1f5: {  	v62 =	vadd.s32 $0x8100, v26;
	v46 =	vld.idx.msk [tilespmem:v46+s2+$0x0], $0xffff;
	v36 =	vadd.f32 v60, v36;
	v55 =	vadd.f32 v45, v41  }
0x1f6: {  	v63 =	vadd.s32 $0x8100, v31;
	v41 =	vld.idx.msk [tilespmem:v59+s2+$0x0], $0xffff  }
0x1f7: {  	v57 =	vadd.s32 $0x8100, v33;
	v45 =	vld.idx.msk [tilespmem:v56+s2+$0x0], $0xffff;
	v36 =	vadd.f32 v36, v42;
	v38 =	vadd.f32 v55, v38  }
0x1f8: {  	v54 =	vadd.s32 $0x8100, v30;
	v42 =	vld.idx.msk [tilespmem:v58+s2+$0x0], $0xffff  }
0x1f9: {  	v59 =	vadd.s32 $0x8100, v34;
	v48 =	vld.idx.msk [tilespmem:v61+s2+$0x0], $0xffff;
	v36 =	vadd.f32 v38, v36  }
0x1fa: {  	v39 =	vld.idx.msk [tilespmem:v62+s2+$0x0], $0xffff  }
0x1fb: {  	v60 =	vadd.s32 $0x8180, v3;
	v49 =	vld.idx.msk [tilespmem:v63+s2+$0x0], $0xffff;
	v36 =	vmul.f32 v36, v0  }
0x1fc: {  	v51 =	vld.idx.msk [tilespmem:v57+s2+$0x0], $0xffff;
	v61 =	vadd.s32 $0x8180, v2  }
0x1fd: {  	v62 =	vadd.s32 $0x8180, v4;
	v38 =	vld.idx.msk [tilespmem:v54+s2+$0x0], $0xffff;
	v36 =	vadd.f32 v36, v1  }
0x1fe: {  	v63 =	vadd.s32 $0x8180, v7;
	v50 =	vld.idx.msk [tilespmem:v59+s2+$0x0], $0xffff  }
0x1ff: {  	v57 =	vadd.s32 $0x8180, v5;
	[tilespmem:s26+$0x13500] =	vst v36  }
0x200: {  	v47 =	vadd.f32 v47, v53;
	v43 =	vadd.f32 v44, v43;
	v54 =	vadd.s32 $0x8180, v13;
	v52 =	vld.idx.msk [tilespmem:v60+s2+$0x0], $0xffff  }
0x201: {  	v58 =	vadd.s32 $0x8180, v15;
	v37 =	vadd.f32 v40, v37;
	v39 =	vadd.f32 v49, v39;
	v44 =	vld.idx.msk [tilespmem:v61+s2+$0x0], $0xffff  }
0x202: {  	v38 =	vadd.f32 v45, v38;
	v36 =	vadd.s32 $0x8180, v6;
	v61 =	vadd.f32 v48, v41;
	v41 =	vld.idx.msk [tilespmem:v62+s2+$0x0], $0xffff  }
0x203: {  	v59 =	vadd.s32 $0x8180, v14;
	v42 =	vadd.f32 v42, v51;
	v46 =	vadd.f32 v46, v50;
	v45 =	vld.idx.msk [tilespmem:v63+s2+$0x0], $0xffff  }
0x204: {  	v43 =	vadd.f32 v43, v47;
	v60 =	vadd.s32 $0x8180, v9;
	v40 =	vld.idx.msk [tilespmem:v57+s2+$0x0], $0xffff;
	v38 =	vadd.f32 v38, v39  }
0x205: {  	v62 =	vadd.s32 $0x8180, v8;
	v49 =	vld.idx.msk [tilespmem:v54+s2+$0x0], $0xffff;
	v56 =	vadd.f32 v46, v42;
	v37 =	vadd.f32 v61, v37  }
0x206: {  	v63 =	vadd.s32 $0x8180, v10;
	v51 =	vld.idx.msk [tilespmem:v58+s2+$0x0], $0xffff  }
0x207: {  	v57 =	vadd.s32 $0x8180, v11;
	v38 =	vadd.f32 v56, v38;
	v36 =	vld.idx.msk [tilespmem:v36+s2+$0x0], $0xffff;
	v37 =	vadd.f32 v37, v43  }
0x208: {  	v55 =	vadd.s32 $0x8180, v12;
	v43 =	vld.idx.msk [tilespmem:v59+s2+$0x0], $0xffff  }
0x209: {  	v61 =	vadd.s32 $0x8180, v17;
	v42 =	vld.idx.msk [tilespmem:v60+s2+$0x0], $0xffff;
	v37 =	vadd.f32 v38, v37  }
0x20a: {  	v48 =	vld.idx.msk [tilespmem:v62+s2+$0x0], $0xffff;
	v60 =	vadd.s32 $0x8180, v16  }
0x20b: {  	v39 =	vld.idx.msk [tilespmem:v63+s2+$0x0], $0xffff;
	v62 =	vadd.s32 $0x8180, v19;
	v37 =	vmul.f32 v37, v27  }
0x20c: {  	v46 =	vld.idx.msk [tilespmem:v57+s2+$0x0], $0xffff;
	v63 =	vadd.s32 $0x8180, v18  }
0x20d: {  	v38 =	vld.idx.msk [tilespmem:v55+s2+$0x0], $0xffff;
	v55 =	vadd.s32 $0x8180, v20;
	v37 =	vadd.f32 v37, v28  }
0x20e: {  	v56 =	vadd.s32 $0x8180, v23;
	v47 =	vld.idx.msk [tilespmem:v61+s2+$0x0], $0xffff  }
0x20f: {  	v61 =	vadd.s32 $0x8180, v21;
	v50 =	vld.idx.msk [tilespmem:v60+s2+$0x0], $0xffff;
	[tilespmem:s30+$0x13500] =	vst v37  }
0x210: {  	v54 =	vadd.s32 $0x8180, v24;
	v53 =	vld.idx.msk [tilespmem:v62+s2+$0x0], $0xffff  }
0x211: {  	v44 =	vadd.f32 v44, v52;
	v41 =	vadd.f32 v45, v41;
	v60 =	vadd.s32 $0x8180, v22;
	v45 =	vld.idx.msk [tilespmem:v63+s2+$0x0], $0xffff  }
0x212: {  	v59 =	vadd.s32 $0x8180, v29;
	v36 =	vadd.f32 v40, v36;
	v63 =	vadd.f32 v48, v42;
	v42 =	vld.idx.msk [tilespmem:v55+s2+$0x0], $0xffff  }
0x213: {  	v39 =	vadd.f32 v49, v39;
	v38 =	vadd.f32 v46, v38;
	v62 =	vadd.s32 $0x8180, v25;
	v46 =	vld.idx.msk [tilespmem:v56+s2+$0x0], $0xffff  }
0x214: {  	v43 =	vadd.f32 v43, v51;
	v55 =	vadd.s32 $0x8180, v26;
	v40 =	vld.idx.msk [tilespmem:v61+s2+$0x0], $0xffff;
	v47 =	vadd.f32 v47, v50  }
0x215: {  	v41 =	vadd.f32 v41, v44;
	v56 =	vadd.s32 $0x8180, v31;
	v38 =	vadd.f32 v38, v39;
	v48 =	vld.idx.msk [tilespmem:v54+s2+$0x0], $0xffff  }
0x216: {  	v61 =	vadd.s32 $0x8180, v32;
	v37 =	vld.idx.msk [tilespmem:v60+s2+$0x0], $0xffff;
	v36 =	vadd.f32 v63, v36;
	v58 =	vadd.f32 v47, v43  }
0x217: {  	v60 =	vadd.s32 $0x8180, v33;
	v47 =	vld.idx.msk [tilespmem:v59+s2+$0x0], $0xffff  }
0x218: {  	v63 =	vadd.s32 $0x8180, v35;
	v36 =	vadd.f32 v36, v41;
	v43 =	vld.idx.msk [tilespmem:v62+s2+$0x0], $0xffff;
	v38 =	vadd.f32 v58, v38  }
0x219: {  	v57 =	vadd.s32 $0x8180, v30;
	v39 =	vld.idx.msk [tilespmem:v55+s2+$0x0], $0xffff  }
0x21a: {  	v49 =	vld.idx.msk [tilespmem:v56+s2+$0x0], $0xffff;
	v62 =	vadd.s32 $0x8180, v34;
	v36 =	vadd.f32 v38, v36  }
0x21b: {  	v41 =	vld.idx.msk [tilespmem:v61+s2+$0x0], $0xffff  }
0x21c: {  	v52 =	vadd.s32 $0x8200, v3;
	v51 =	vld.idx.msk [tilespmem:v60+s2+$0x0], $0xffff;
	v36 =	vmul.f32 v36, v0  }
0x21d: {  	v60 =	vadd.s32 $0x8200, v2;
	v44 =	vld.idx.msk [tilespmem:v63+s2+$0x0], $0xffff  }
0x21e: {  	v61 =	vadd.s32 $0x8200, v4;
	v38 =	vld.idx.msk [tilespmem:v57+s2+$0x0], $0xffff;
	v36 =	vadd.f32 v36, v1  }
0x21f: {  	v50 =	vld.idx.msk [tilespmem:v62+s2+$0x0], $0xffff;
	v62 =	vadd.s32 $0x8200, v7  }
0x220: {  	v45 =	vadd.f32 v45, v53;
	v42 =	vadd.f32 v46, v42;
	v63 =	vadd.s32 $0x8200, v6;
	[tilespmem:s31+$0x12400] =	vst v36  }
0x221: {  	v37 =	vadd.f32 v40, v37;
	v57 =	vadd.s32 $0x8200, v5;
	v52 =	vld.idx.msk [tilespmem:v52+s2+$0x0], $0xffff  }
0x222: {  	v42 =	vadd.f32 v42, v45;
	v45 =	vadd.s32 $0x8200, v17;
	v39 =	vadd.f32 v49, v39;
	v46 =	vld.idx.msk [tilespmem:v60+s2+$0x0], $0xffff  }
0x223: {  	v59 =	vadd.s32 $0x8200, v9;
	v38 =	vadd.f32 v47, v38;
	v60 =	vadd.f32 v48, v43;
	v43 =	vld.idx.msk [tilespmem:v61+s2+$0x0], $0xffff  }
0x224: {  	v56 =	vadd.s32 $0x8200, v11;
	v41 =	vadd.f32 v41, v51;
	v47 =	vld.idx.msk [tilespmem:v62+s2+$0x0], $0xffff;
	v44 =	vadd.f32 v44, v50  }
0x225: {  	v58 =	vadd.s32 $0x8200, v14;
	v36 =	vld.idx.msk [tilespmem:v63+s2+$0x0], $0xffff;
	v38 =	vadd.f32 v38, v39  }
0x226: {  	v61 =	vadd.s32 $0x8200, v8;
	v40 =	vld.idx.msk [tilespmem:v57+s2+$0x0], $0xffff;
	v37 =	vadd.f32 v60, v37;
	v55 =	vadd.f32 v44, v41  }
0x227: {  	v62 =	vadd.s32 $0x8200, v10;
	v45 =	vld.idx.msk [tilespmem:v45+s2+$0x0], $0xffff  }
0x228: {  	v63 =	vadd.s32 $0x8200, v13;
	v41 =	vld.idx.msk [tilespmem:v59+s2+$0x0], $0xffff;
	v37 =	vadd.f32 v37, v42;
	v38 =	vadd.f32 v55, v38  }
0x229: {  	v57 =	vadd.s32 $0x8200, v15;
	v44 =	vld.idx.msk [tilespmem:v56+s2+$0x0], $0xffff  }
0x22a: {  	v54 =	vadd.s32 $0x8200, v12;
	v42 =	vld.idx.msk [tilespmem:v58+s2+$0x0], $0xffff;
	v37 =	vadd.f32 v38, v37  }
0x22b: {  	v59 =	vadd.s32 $0x8200, v16;
	v48 =	vld.idx.msk [tilespmem:v61+s2+$0x0], $0xffff  }
0x22c: {  	v60 =	vadd.s32 $0x8200, v19;
	v39 =	vld.idx.msk [tilespmem:v62+s2+$0x0], $0xffff;
	v37 =	vmul.f32 v37, v27  }
0x22d: {  	v49 =	vld.idx.msk [tilespmem:v63+s2+$0x0], $0xffff;
	v61 =	vadd.s32 $0x8200, v18  }
0x22e: {  	v51 =	vld.idx.msk [tilespmem:v57+s2+$0x0], $0xffff;
	v62 =	vadd.s32 $0x8200, v20;
	v37 =	vadd.f32 v37, v28  }
0x22f: {  	v63 =	vadd.s32 $0x8200, v23;
	v38 =	vld.idx.msk [tilespmem:v54+s2+$0x0], $0xffff  }
0x230: {  	v57 =	vadd.s32 $0x8200, v21;
	v50 =	vld.idx.msk [tilespmem:v59+s2+$0x0], $0xffff;
	[tilespmem:s30+$0x13580] =	vst v37  }
0x231: {  	v54 =	vadd.s32 $0x8200, v31;
	v53 =	vld.idx.msk [tilespmem:v60+s2+$0x0], $0xffff  }
0x232: {  	v58 =	vadd.s32 $0x8200, v33;
	v46 =	vadd.f32 v46, v52;
	v43 =	vadd.f32 v47, v43;
	v47 =	vld.idx.msk [tilespmem:v61+s2+$0x0], $0xffff  }
0x233: {  	v36 =	vadd.f32 v40, v36;
	v37 =	vadd.s32 $0x8200, v22;
	v61 =	vadd.f32 v48, v41;
	v41 =	vld.idx.msk [tilespmem:v62+s2+$0x0], $0xffff  }
0x234: {  	v59 =	vadd.s32 $0x8200, v32;
	v39 =	vadd.f32 v49, v39;
	v38 =	vadd.f32 v44, v38;
	v44 =	vld.idx.msk [tilespmem:v63+s2+$0x0], $0xffff  }
0x235: {  	v42 =	vadd.f32 v42, v51;
	v45 =	vadd.f32 v45, v50;
	v60 =	vadd.s32 $0x8200, v25;
	v40 =	vld.idx.msk [tilespmem:v57+s2+$0x0], $0xffff  }
0x236: {  	v43 =	vadd.f32 v43, v46;
	v62 =	vadd.s32 $0x8200, v24;
	v38 =	vadd.f32 v38, v39;
	v49 =	vld.idx.msk [tilespmem:v54+s2+$0x0], $0xffff  }
0x237: {  	v63 =	vadd.s32 $0x8200, v26;
	v51 =	vld.idx.msk [tilespmem:v58+s2+$0x0], $0xffff;
	v56 =	vadd.f32 v45, v42;
	v36 =	vadd.f32 v61, v36  }
0x238: {  	v57 =	vadd.s32 $0x8200, v29;
	v37 =	vld.idx.msk [tilespmem:v37+s2+$0x0], $0xffff  }
0x239: {  	v55 =	vadd.s32 $0x8200, v30;
	v38 =	vadd.f32 v56, v38;
	v36 =	vadd.f32 v36, v43;
	v43 =	vld.idx.msk [tilespmem:v59+s2+$0x0], $0xffff  }
0x23a: {  	v61 =	vadd.s32 $0x8200, v35;
	v42 =	vld.idx.msk [tilespmem:v60+s2+$0x0], $0xffff  }
0x23b: {  	v48 =	vld.idx.msk [tilespmem:v62+s2+$0x0], $0xffff;
	v60 =	vadd.s32 $0x8200, v34;
	v36 =	vadd.f32 v38, v36  }
0x23c: {  	v39 =	vld.idx.msk [tilespmem:v63+s2+$0x0], $0xffff  }
0x23d: {  	v45 =	vld.idx.msk [tilespmem:v57+s2+$0x0], $0xffff;
	v62 =	vadd.s32 $0x8280, v3;
	v36 =	vmul.f32 v36, v0  }
0x23e: {  	v63 =	vadd.s32 $0x8280, v2;
	v38 =	vld.idx.msk [tilespmem:v55+s2+$0x0], $0xffff  }
0x23f: {  	v55 =	vadd.s32 $0x8280, v4;
	v46 =	vld.idx.msk [tilespmem:v61+s2+$0x0], $0xffff;
	v36 =	vadd.f32 v36, v1  }
0x240: {  	v56 =	vadd.s32 $0x8280, v7;
	v50 =	vld.idx.msk [tilespmem:v60+s2+$0x0], $0xffff  }
0x241: {  	v61 =	vadd.s32 $0x8280, v5;
	[tilespmem:s26+$0x13600] =	vst v36  }
0x242: {  	v54 =	vadd.s32 $0x8280, v8;
	v47 =	vadd.f32 v47, v53;
	v41 =	vadd.f32 v44, v41;
	v52 =	vld.idx.msk [tilespmem:v62+s2+$0x0], $0xffff  }
0x243: {  	v37 =	vadd.f32 v40, v37;
	v60 =	vadd.s32 $0x8280, v6;
	v39 =	vadd.f32 v49, v39;
	v44 =	vld.idx.msk [tilespmem:v63+s2+$0x0], $0xffff  }
0x244: {  	v59 =	vadd.s32 $0x8280, v11;
	v38 =	vadd.f32 v45, v38;
	v63 =	vadd.f32 v48, v42;
	v42 =	vld.idx.msk [tilespmem:v55+s2+$0x0], $0xffff  }
0x245: {  	v43 =	vadd.f32 v43, v51;
	v62 =	vadd.s32 $0x8280, v9;
	v45 =	vld.idx.msk [tilespmem:v56+s2+$0x0], $0xffff;
	v46 =	vadd.f32 v46, v50  }
0x246: {  	v41 =	vadd.f32 v41, v47;
	v55 =	vadd.s32 $0x8280, v10;
	v40 =	vld.idx.msk [tilespmem:v61+s2+$0x0], $0xffff;
	v38 =	vadd.f32 v38, v39  }
0x247: {  	v56 =	vadd.s32 $0x8280, v13;
	v48 =	vld.idx.msk [tilespmem:v54+s2+$0x0], $0xffff;
	v37 =	vadd.f32 v63, v37;
	v58 =	vadd.f32 v46, v43  }
0x248: {  	v61 =	vadd.s32 $0x8280, v14;
	v36 =	vld.idx.msk [tilespmem:v60+s2+$0x0], $0xffff  }
0x249: {  	v60 =	vadd.s32 $0x8280, v15;
	v37 =	vadd.f32 v37, v41;
	v46 =	vld.idx.msk [tilespmem:v59+s2+$0x0], $0xffff;
	v38 =	vadd.f32 v58, v38  }
0x24a: {  	v57 =	vadd.s32 $0x8280, v12;
	v43 =	vld.idx.msk [tilespmem:v62+s2+$0x0], $0xffff  }
0x24b: {  	v39 =	vld.idx.msk [tilespmem:v55+s2+$0x0], $0xffff;
	v62 =	vadd.s32 $0x8280, v16;
	v37 =	vadd.f32 v38, v37  }
0x24c: {  	v63 =	vadd.s32 $0x8280, v17;
	v49 =	vld.idx.msk [tilespmem:v56+s2+$0x0], $0xffff  }
0x24d: {  	v53 =	vadd.s32 $0x8280, v19;
	v41 =	vld.idx.msk [tilespmem:v61+s2+$0x0], $0xffff;
	v37 =	vmul.f32 v37, v27  }
0x24e: {  	v51 =	vld.idx.msk [tilespmem:v60+s2+$0x0], $0xffff;
	v60 =	vadd.s32 $0x8280, v18  }
0x24f: {  	v61 =	vadd.s32 $0x8280, v20;
	v38 =	vld.idx.msk [tilespmem:v57+s2+$0x0], $0xffff;
	v37 =	vadd.f32 v37, v28  }
0x250: {  	v50 =	vld.idx.msk [tilespmem:v62+s2+$0x0], $0xffff;
	v62 =	vadd.s32 $0x8280, v23  }
0x251: {  	v44 =	vadd.f32 v44, v52;
	v42 =	vadd.f32 v45, v42;
	v47 =	vld.idx.msk [tilespmem:v63+s2+$0x0], $0xffff;
	v63 =	vadd.s32 $0x8280, v22;
	[tilespmem:s30+$0x13600] =	vst v37  }
0x252: {  	v57 =	vadd.s32 $0x8280, v21;
	v53 =	vld.idx.msk [tilespmem:v53+s2+$0x0], $0xffff  }
0x253: {  	v42 =	vadd.f32 v42, v44;
	v44 =	vadd.s32 $0x8280, v35;
	v45 =	vld.idx.msk [tilespmem:v60+s2+$0x0], $0xffff  }
0x254: {  	v59 =	vadd.s32 $0x8280, v25;
	v36 =	vadd.f32 v40, v36;
	v60 =	vadd.f32 v48, v43;
	v43 =	vld.idx.msk [tilespmem:v61+s2+$0x0], $0xffff  }
0x255: {  	v56 =	vadd.s32 $0x8280, v29;
	v39 =	vadd.f32 v49, v39;
	v38 =	vadd.f32 v46, v38;
	v46 =	vld.idx.msk [tilespmem:v62+s2+$0x0], $0xffff  }
0x256: {  	v58 =	vadd.s32 $0x8280, v32;
	v41 =	vadd.f32 v41, v51;
	v47 =	vadd.f32 v47, v50;
	v37 =	vld.idx.msk [tilespmem:v63+s2+$0x0], $0xffff  }
0x257: {  	v61 =	vadd.s32 $0x8280, v24;
	v40 =	vld.idx.msk [tilespmem:v57+s2+$0x0], $0xffff;
	v38 =	vadd.f32 v38, v39  }
0x258: {  	v62 =	vadd.s32 $0x8280, v26;
	v44 =	vld.idx.msk [tilespmem:v44+s2+$0x0], $0xffff;
	v36 =	vadd.f32 v60, v36;
	v55 =	vadd.f32 v47, v41  }
0x259: {  	v63 =	vadd.s32 $0x8280, v31;
	v41 =	vld.idx.msk [tilespmem:v59+s2+$0x0], $0xffff  }
0x25a: {  	v57 =	vadd.s32 $0x8280, v33;
	v47 =	vld.idx.msk [tilespmem:v56+s2+$0x0], $0xffff;
	v36 =	vadd.f32 v36, v42;
	v38 =	vadd.f32 v55, v38  }
0x25b: {  	v54 =	vadd.s32 $0x8280, v30;
	v42 =	vld.idx.msk [tilespmem:v58+s2+$0x0], $0xffff  }
0x25c: {  	v59 =	vadd.s32 $0x8280, v34;
	v48 =	vld.idx.msk [tilespmem:v61+s2+$0x0], $0xffff;
	v36 =	vadd.f32 v38, v36  }
0x25d: {  	v39 =	vld.idx.msk [tilespmem:v62+s2+$0x0], $0xffff  }
0x25e: {  	v60 =	vadd.s32 $0x8300, v3;
	v49 =	vld.idx.msk [tilespmem:v63+s2+$0x0], $0xffff;
	v36 =	vmul.f32 v36, v0  }
0x25f: {  	v51 =	vld.idx.msk [tilespmem:v57+s2+$0x0], $0xffff;
	v61 =	vadd.s32 $0x8300, v2  }
0x260: {  	v62 =	vadd.s32 $0x8300, v4;
	v38 =	vld.idx.msk [tilespmem:v54+s2+$0x0], $0xffff;
	v36 =	vadd.f32 v36, v1  }
0x261: {  	v63 =	vadd.s32 $0x8300, v7;
	v50 =	vld.idx.msk [tilespmem:v59+s2+$0x0], $0xffff  }
0x262: {  	v57 =	vadd.s32 $0x8300, v5;
	[tilespmem:s26+$0x13680] =	vst v36  }
0x263: {  	v45 =	vadd.f32 v45, v53;
	v43 =	vadd.f32 v46, v43;
	v54 =	vadd.s32 $0x8300, v13;
	v52 =	vld.idx.msk [tilespmem:v60+s2+$0x0], $0xffff  }
0x264: {  	v58 =	vadd.s32 $0x8300, v15;
	v37 =	vadd.f32 v40, v37;
	v39 =	vadd.f32 v49, v39;
	v46 =	vld.idx.msk [tilespmem:v61+s2+$0x0], $0xffff  }
0x265: {  	v38 =	vadd.f32 v47, v38;
	v36 =	vadd.s32 $0x8300, v6;
	v61 =	vadd.f32 v48, v41;
	v41 =	vld.idx.msk [tilespmem:v62+s2+$0x0], $0xffff  }
0x266: {  	v59 =	vadd.s32 $0x8300, v14;
	v42 =	vadd.f32 v42, v51;
	v44 =	vadd.f32 v44, v50;
	v47 =	vld.idx.msk [tilespmem:v63+s2+$0x0], $0xffff  }
0x267: {  	v43 =	vadd.f32 v43, v45;
	v60 =	vadd.s32 $0x8300, v9;
	v40 =	vld.idx.msk [tilespmem:v57+s2+$0x0], $0xffff;
	v38 =	vadd.f32 v38, v39  }
0x268: {  	v62 =	vadd.s32 $0x8300, v8;
	v49 =	vld.idx.msk [tilespmem:v54+s2+$0x0], $0xffff;
	v56 =	vadd.f32 v44, v42;
	v37 =	vadd.f32 v61, v37  }
0x269: {  	v63 =	vadd.s32 $0x8300, v10;
	v51 =	vld.idx.msk [tilespmem:v58+s2+$0x0], $0xffff  }
0x26a: {  	v57 =	vadd.s32 $0x8300, v11;
	v38 =	vadd.f32 v56, v38;
	v36 =	vld.idx.msk [tilespmem:v36+s2+$0x0], $0xffff;
	v37 =	vadd.f32 v37, v43  }
0x26b: {  	v55 =	vadd.s32 $0x8300, v12;
	v43 =	vld.idx.msk [tilespmem:v59+s2+$0x0], $0xffff  }
0x26c: {  	v61 =	vadd.s32 $0x8300, v17;
	v42 =	vld.idx.msk [tilespmem:v60+s2+$0x0], $0xffff;
	v37 =	vadd.f32 v38, v37  }
0x26d: {  	v48 =	vld.idx.msk [tilespmem:v62+s2+$0x0], $0xffff;
	v60 =	vadd.s32 $0x8300, v16  }
0x26e: {  	v39 =	vld.idx.msk [tilespmem:v63+s2+$0x0], $0xffff;
	v62 =	vadd.s32 $0x8300, v19;
	v37 =	vmul.f32 v37, v27  }
0x26f: {  	v44 =	vld.idx.msk [tilespmem:v57+s2+$0x0], $0xffff;
	v63 =	vadd.s32 $0x8300, v18  }
0x270: {  	v38 =	vld.idx.msk [tilespmem:v55+s2+$0x0], $0xffff;
	v55 =	vadd.s32 $0x8300, v20;
	v37 =	vadd.f32 v37, v28  }
0x271: {  	v56 =	vadd.s32 $0x8300, v23;
	v45 =	vld.idx.msk [tilespmem:v61+s2+$0x0], $0xffff  }
0x272: {  	v61 =	vadd.s32 $0x8300, v21;
	v50 =	vld.idx.msk [tilespmem:v60+s2+$0x0], $0xffff;
	[tilespmem:s30+$0x13680] =	vst v37  }
0x273: {  	v54 =	vadd.s32 $0x8300, v24;
	v53 =	vld.idx.msk [tilespmem:v62+s2+$0x0], $0xffff  }
0x274: {  	v58 =	vadd.s32 $0x8300, v30;
	v46 =	vadd.f32 v46, v52;
	v41 =	vadd.f32 v47, v41;
	v47 =	vld.idx.msk [tilespmem:v63+s2+$0x0], $0xffff  }
0x275: {  	v36 =	vadd.f32 v40, v36;
	v60 =	vadd.s32 $0x8300, v22;
	v63 =	vadd.f32 v48, v42;
	v42 =	vld.idx.msk [tilespmem:v55+s2+$0x0], $0xffff  }
0x276: {  	v39 =	vadd.f32 v49, v39;
	v38 =	vadd.f32 v44, v38;
	v62 =	vadd.s32 $0x8300, v25;
	v44 =	vld.idx.msk [tilespmem:v56+s2+$0x0], $0xffff  }
0x277: {  	v43 =	vadd.f32 v43, v51;
	v55 =	vadd.s32 $0x8300, v26;
	v40 =	vld.idx.msk [tilespmem:v61+s2+$0x0], $0xffff;
	v45 =	vadd.f32 v45, v50  }
0x278: {  	v41 =	vadd.f32 v41, v46;
	v56 =	vadd.s32 $0x8300, v31;
	v38 =	vadd.f32 v38, v39;
	v48 =	vld.idx.msk [tilespmem:v54+s2+$0x0], $0xffff  }
0x279: {  	v61 =	vadd.s32 $0x8300, v29;
	v57 =	vld.idx.msk [tilespmem:v58+s2+$0x0], $0xffff;
	v36 =	vadd.f32 v63, v36;
	v59 =	vadd.f32 v45, v43  }
0x27a: {  	v54 =	vadd.s32 $0x8300, v32;
	v37 =	vld.idx.msk [tilespmem:v60+s2+$0x0], $0xffff  }
0x27b: {  	v58 =	vadd.s32 $0x8300, v35;
	v36 =	vadd.f32 v36, v41;
	v60 =	vld.idx.msk [tilespmem:v62+s2+$0x0], $0xffff;
	v38 =	vadd.f32 v59, v38  }
0x27c: {  	v62 =	vadd.s32 $0x8300, v33;
	v63 =	vld.idx.msk [tilespmem:v55+s2+$0x0], $0xffff  }
0x27d: {  	v55 =	vld.idx.msk [tilespmem:v56+s2+$0x0], $0xffff;
	v56 =	vadd.s32 $0x8300, v34;
	v36 =	vadd.f32 v38, v36  }
0x27e: {  	v45 =	vld.idx.msk [tilespmem:v61+s2+$0x0], $0xffff  }
0x27f: {  	v3 =	vadd.s32 $0x8380, v3;
	v41 =	vld.idx.msk [tilespmem:v54+s2+$0x0], $0xffff;
	v36 =	vmul.f32 v36, v0  }
0x280: {  	v2 =	vadd.s32 $0x8380, v2;
	v46 =	vld.idx.msk [tilespmem:v58+s2+$0x0], $0xffff  }
0x281: {  	v4 =	vadd.s32 $0x8380, v4;
	v51 =	vld.idx.msk [tilespmem:v62+s2+$0x0], $0xffff;
	v36 =	vadd.f32 v36, v1  }
0x282: {  	v7 =	vadd.s32 $0x8380, v7;
	v50 =	vld.idx.msk [tilespmem:v56+s2+$0x0], $0xffff  }
0x283: {  	v6 =	vadd.s32 $0x8380, v6;
	[tilespmem:s25+$0x12400] =	vst v36  }
0x284: {  	v5 =	vadd.s32 $0x8380, v5;
	v42 =	vadd.f32 v44, v42;
	v59 =	vadd.f32 v47, v53;
	v3 =	vld.idx.msk [tilespmem:v3+s2+$0x0], $0xffff  }
0x285: {  	v9 =	vadd.s32 $0x8380, v9;
	v37 =	vadd.f32 v40, v37;
	v60 =	vadd.f32 v48, v60;
	v2 =	vld.idx.msk [tilespmem:v2+s2+$0x0], $0xffff  }
0x286: {  	v8 =	vadd.s32 $0x8380, v8;
	v39 =	vadd.f32 v55, v63;
	v38 =	vadd.f32 v45, v57;
	v4 =	vld.idx.msk [tilespmem:v4+s2+$0x0], $0xffff  }
0x287: {  	v10 =	vadd.s32 $0x8380, v10;
	v41 =	vadd.f32 v41, v51;
	v61 =	vadd.f32 v46, v50;
	v7 =	vld.idx.msk [tilespmem:v7+s2+$0x0], $0xffff  }
0x288: {  	v13 =	vadd.s32 $0x8380, v13;
	v37 =	vadd.f32 v60, v37;
	v38 =	vadd.f32 v38, v39;
	v6 =	vld.idx.msk [tilespmem:v6+s2+$0x0], $0xffff  }
0x289: {  	v12 =	vadd.s32 $0x8380, v12;
	v36 =	vadd.f32 v42, v59;
	v5 =	vld.idx.msk [tilespmem:v5+s2+$0x0], $0xffff;
	v62 =	vadd.f32 v61, v41  }
0x28a: {  	v11 =	vadd.s32 $0x8380, v11;
	v9 =	vld.idx.msk [tilespmem:v9+s2+$0x0], $0xffff  }
0x28b: {  	v15 =	vadd.s32 $0x8380, v15;
	v8 =	vld.idx.msk [tilespmem:v8+s2+$0x0], $0xffff;
	v36 =	vadd.f32 v37, v36;
	v63 =	vadd.f32 v62, v38  }
0x28c: {  	v14 =	vadd.s32 $0x8380, v14;
	v10 =	vld.idx.msk [tilespmem:v10+s2+$0x0], $0xffff  }
0x28d: {  	v16 =	vadd.s32 $0x8380, v16;
	v13 =	vld.idx.msk [tilespmem:v13+s2+$0x0], $0xffff;
	v36 =	vadd.f32 v63, v36  }
0x28e: {  	v17 =	vadd.s32 $0x8380, v17;
	v12 =	vld.idx.msk [tilespmem:v12+s2+$0x0], $0xffff  }
0x28f: {  	v19 =	vadd.s32 $0x8380, v19;
	v11 =	vld.idx.msk [tilespmem:v11+s2+$0x0], $0xffff;
	v36 =	vmul.f32 v36, v27  }
0x290: {  	v18 =	vadd.s32 $0x8380, v18;
	v15 =	vld.idx.msk [tilespmem:v15+s2+$0x0], $0xffff  }
0x291: {  	v20 =	vadd.s32 $0x8380, v20;
	v14 =	vld.idx.msk [tilespmem:v14+s2+$0x0], $0xffff;
	v36 =	vadd.f32 v36, v28  }
0x292: {  	v23 =	vadd.s32 $0x8380, v23;
	v16 =	vld.idx.msk [tilespmem:v16+s2+$0x0], $0xffff  }
0x293: {  	v22 =	vadd.s32 $0x8380, v22;
	v17 =	vld.idx.msk [tilespmem:v17+s2+$0x0], $0xffff;
	[tilespmem:s29+$0x12400] =	vst v36  }
0x294: {  	v21 =	vadd.s32 $0x8380, v21;
	v19 =	vld.idx.msk [tilespmem:v19+s2+$0x0], $0xffff  }
0x295: {  	v25 =	vadd.s32 $0x8380, v25;
	v18 =	vld.idx.msk [tilespmem:v18+s2+$0x0], $0xffff  }
0x296: {  	v24 =	vadd.s32 $0x8380, v24;
	v20 =	vld.idx.msk [tilespmem:v20+s2+$0x0], $0xffff  }
0x297: {  	v26 =	vadd.s32 $0x8380, v26;
	v23 =	vld.idx.msk [tilespmem:v23+s2+$0x0], $0xffff  }
0x298: {  	v31 =	vadd.s32 $0x8380, v31;
	v22 =	vld.idx.msk [tilespmem:v22+s2+$0x0], $0xffff  }
0x299: {  	v30 =	vadd.s32 $0x8380, v30;
	v21 =	vld.idx.msk [tilespmem:v21+s2+$0x0], $0xffff  }
0x29a: {  	v29 =	vadd.s32 $0x8380, v29;
	v25 =	vld.idx.msk [tilespmem:v25+s2+$0x0], $0xffff  }
0x29b: {  	v33 =	vadd.s32 $0x8380, v33;
	v24 =	vld.idx.msk [tilespmem:v24+s2+$0x0], $0xffff  }
0x29c: {  	v32 =	vadd.s32 $0x8380, v32;
	v26 =	vld.idx.msk [tilespmem:v26+s2+$0x0], $0xffff  }
0x29d: {  	v34 =	vadd.s32 $0x8380, v34;
	v31 =	vld.idx.msk [tilespmem:v31+s2+$0x0], $0xffff  }
0x29e: {  	v35 =	vadd.s32 $0x8380, v35;
	v30 =	vld.idx.msk [tilespmem:v30+s2+$0x0], $0xffff  }
0x29f: {  	v2 =	vadd.f32 v2, v3;
	v39 =	vadd.f32 v7, v4;
	v40 =	vld.idx.msk [tilespmem:v29+s2+$0x0], $0xffff  }
0x2a0: {  	v5 =	vadd.f32 v5, v6;
	v41 =	vadd.f32 v8, v9;
	v42 =	vld.idx.msk [tilespmem:v33+s2+$0x0], $0xffff  }
0x2a1: {  	v43 =	vadd.f32 v13, v10;
	v44 =	vadd.f32 v11, v12;
	v45 =	vld.idx.msk [tilespmem:v32+s2+$0x0], $0xffff  }
0x2a2: {  	v46 =	vadd.f32 v14, v15;
	v47 =	vadd.f32 v17, v16;
	v48 =	vld.idx.msk [tilespmem:v34+s2+$0x0], $0xffff  }
0x2a3: {  	v2 =	vadd.f32 v39, v2;
	v49 =	vadd.f32 v41, v5;
	v50 =	vld.idx.msk [tilespmem:v35+s2+$0x0], $0xffff  }
0x2a4: {  	v51 =	vadd.f32 v44, v43;
	v52 =	vadd.f32 v47, v46  }
0x2a5: {  	v53 =	vadd.f32 v18, v19;
	v54 =	vadd.f32 v23, v20  }
0x2a6: {  	v55 =	vadd.f32 v21, v22;
	v56 =	vadd.f32 v24, v25  }
0x2a7: {  	v57 =	vadd.f32 v31, v26;
	v4 =	vadd.f32 v40, v30  }
0x2a8: {  	v7 =	vadd.f32 v45, v42;
	v5 =	vadd.f32 v50, v48  }
0x2a9: {  	v9 =	vadd.f32 v54, v53;
	v58 =	vadd.f32 v56, v55  }
0x2aa: {  	v4 =	vadd.f32 v4, v57;
	v5 =	vadd.f32 v5, v7  }
0x2ab: {  	v2 =	vadd.f32 v49, v2;
	v59 =	vadd.f32 v52, v51  }
0x2ac: {  	v60 =	vadd.f32 v58, v9;
	v4 =	vadd.f32 v5, v4  }
0x2ad: {  	v2 =	vadd.f32 v59, v2  }
0x2ae: {  	s19 =	sadd.s32 $0x2, s19;
	v61 =	vadd.f32 v4, v60  }
0x2af: {  	p0 =	slt.u32 s19, $0x1E;
	v0 =	vmul.f32 v2, v0  }
.Ltmp0:
0x2b0: {  	v62 =	vmul.f32 v61, v27;
	(pc) =	sbr.rel @p0 .LBB2_3-.Ltmp0, $4  }
0x2b1: {  	v0 =	vadd.f32 v0, v1  }
0x2b2: {  	v63 =	vadd.f32 v62, v28  }
0x2b3: {  	s22 =	sadd.s32 $0x1, s22;
	s18 =	sadd.s32 $0x20, s18;
	[tilespmem:s24+$0x12400] =	vst v0  }
0x2b4: {  	s23 =	sadd.s32 $0x100, s23;
	s21 =	sadd.s32 $0x20, s21;
	s20 =	sadd.s32 $0x20, s20;
	[tilespmem:s28+$0x12400] =	vst v63  }
0x2b5: {  	s16 =	sadd.s32 $0x1, s16  }
0x2b6: {  	s0 =	sshll.u32 s17, $0x6;
	p0 =	sne.s32 s16, $0x4  }
.Ltmp1:
0x2b7: {  	s0 =	sadd.s32 s7, s0;
	(pc) =	sbr.rel @p0 .LBB2_2-.Ltmp1, $4  }
0x2b8: {  	[hbm4b:s0+s2] =	stream.linear.scatter [tilespmem:s14], [sflag:$0x1], $0x2000, $0x38;
	[tilespmem:$0x14400] =	vst v63  }
0x2b9: {  	_ =	swait.ge [sflag:s11], $0x2000  }
0x2ba: {  	[sflag:s11] =	ssyncset.done $0x0  }
0x2bb: {  	[sflag:s11] =	ssyncadd.s32 $0xFFFFE000  }
0x2bc: {  	s15 =	sadd.s32 $0x1, s15  }
0x2bd: {  	p0 =	sne.s32 s15, s9  }
.Ltmp2:
0x2be: {  	_ = 	snop;
	(pc) =	sbr.rel @p0 .LBB2_1-.Ltmp2, $1  }
0x2bf: {  	_ =	sdelay $0x3  }
0x2c0: {  	_ =	sfence.sel $0x180000  }
0x2c1: {  	[bflag:$0x0] =	sbarrier.arrive $0xFFFF  }
0x2c2: {  	_ =	strace $0x90000047  }
0x2c3: {  	s0 =	stileid.u32;
	[bflag:$0x2] =	sbarrier.arrive $0xFFFF  }
0x2c4: {  	p0 =	sne.s32 s0, $0x0;
	s0 =	rddreg [dreg:$0x2]  }
0x2c5: {  	s0 =	sadd.s32 @!p0 $0x100000, s0  }
0x2c6: {  	[sflag:s0] =	ssyncadd.tile.s32 @!p0 $0x1;
	_ =	shalt  }
.Lfunc_end2:
_tile_overlayer_lowered:
.L_overlay_start_2:
0x2c7: {  	(tag) =	ssettag $0x2  }
0x2c8: {  	s0 =	rddreg [dreg:$0x0];
	s2 =	stileid.u32  }
0x2c9: {  	s1 =	rddreg [dreg:$0x1];
	p0 =	sne.s32 s2, $0x0  }
0x2ca: {  	s3 =	rddreg [dreg:$0x2];
	[bflag:$0x3] =	sbarrier.arrive $0xFFFF;
	s2 =	simm.s32 @!p0 $0x1C01  }
0x2cb: {  	[timem:s3], [sflag:s2] =	dma.local @!p0 [hbm:s0], s1  }
0x2cc: {  	s0 =	simm.s32 @!p0 $0x1  }
0x2cd: {  	_ =	swait.ge @!p0 [sflag:s0], s1  }
0x2ce: {  	s1 =	ssub.s32 @!p0 $0x0, s1;
	[sflag:s0] =	ssyncset.done @!p0 $0x0  }
0x2cf: {  	[sflag:s0] =	ssyncadd.s32 @!p0 s1  }
0x2d0: {  	[bflag:$0x3] =	sbarrier.arrive $0xFFFF  }
0x2d1: {  	_ =	shalt  }

</sc_bundles>
